<compile_context>
chip_gen: v7x
topology: tpu7x:2x2x1
jax: 0.10.2.dev20260603
libtpu: 0.0.44.dev20260713+nightly
codegen_flags: <defaults>
</compile_context>

<pallas_src>
import jax
import jax.numpy as jnp
from jax import lax
from jax.experimental import pallas as pl
from jax.experimental.pallas import tpu as pltpu
from jax.experimental.pallas import tpu_sc as plsc

E = 16
TOPK = 2
D = 1024
F = 1408
T = 4096
R = T * TOPK
TM = 256
NB = R // TM
NT = NB + E - 1

_MM = jnp.bfloat16

CH = 128
NCH = T // CH

WIN = 32
NWIN = T // WIN


def _route_kernel(x_ref, rw_ref, pos1_ref, pos2_ref, w1_ref, w2_ref, meta_ref,
                  lt_ref, oh1_ref, oh2_ref, r1_ref, r2_ref):
    xb = x_ref[...].astype(_MM)
    rwb = rw_ref[...].astype(_MM)
    logits = jnp.dot(xb, rwb, preferred_element_type=jnp.float32)
    lt_ref[...] = logits.T

    sub = lax.broadcasted_iota(jnp.int32, (E, CH), 0)
    triu = (lax.broadcasted_iota(jnp.int32, (CH, CH), 0)
            < lax.broadcasted_iota(jnp.int32, (CH, CH), 1)).astype(jnp.float32)

    def body_a(c, carry):
        lc = lt_ref[:, pl.ds(c * CH, CH)]
        m1 = jnp.max(lc, axis=0, keepdims=True)
        i1 = jnp.min(jnp.where(lc == m1, sub, E), axis=0, keepdims=True)
        lm = jnp.where(sub == i1, -jnp.inf, lc)
        m2 = jnp.max(lm, axis=0, keepdims=True)
        i2 = jnp.min(jnp.where(lm == m2, sub, E), axis=0, keepdims=True)
        oh1 = (sub == i1).astype(jnp.float32)
        oh2 = (sub == i2).astype(jnp.float32)
        ohc = oh1 + oh2
        cex = jnp.dot(ohc, triu, preferred_element_type=jnp.float32) + carry
        r1_ref[0, pl.ds(c * CH, CH)] = jnp.sum(oh1 * cex, axis=0)
        r2_ref[0, pl.ds(c * CH, CH)] = jnp.sum(oh2 * cex, axis=0)
        oh1_ref[:, pl.ds(c * CH, CH)] = oh1
        oh2_ref[:, pl.ds(c * CH, CH)] = oh2
        w1c = 1.0 / (1.0 + jnp.exp(m2 - m1))
        w1col = jnp.transpose(w1c)
        w1_ref[pl.ds(c * CH, CH), :] = jnp.broadcast_to(w1col, (CH, 128))
        w2_ref[pl.ds(c * CH, CH), :] = jnp.broadcast_to(1.0 - w1col, (CH, 128))
        return carry + jnp.sum(ohc, axis=1, keepdims=True)

    counts = lax.fori_loop(0, NCH, body_a, jnp.zeros((E, 1), jnp.float32))

    tril16 = (lax.broadcasted_iota(jnp.int32, (E, E), 1)
              < lax.broadcasted_iota(jnp.int32, (E, E), 0)).astype(jnp.float32)
    off = jnp.dot(tril16, counts, preferred_element_type=jnp.float32,
                  precision=lax.Precision.HIGHEST)

    tril16i = (lax.broadcasted_iota(jnp.int32, (E, E), 1)
               <= lax.broadcasted_iota(jnp.int32, (E, E), 0)).astype(jnp.float32)
    fb = jnp.floor(off * (1.0 / TM))
    lb = jnp.where(counts > 0,
                   jnp.floor((off + counts - 1.0) * (1.0 / TM)), fb - 1.0)
    nt = lb - fb + 1.0
    ts_incl = jnp.dot(tril16i, nt, preferred_element_type=jnp.float32,
                      precision=lax.Precision.HIGHEST)
    ts_ex = ts_incl - nt
    total = ts_incl[E - 1:E, :]
    cols = jnp.concatenate([fb, ts_ex, ts_incl, off, off + counts, nt],
                           axis=1)
    rows6 = jnp.transpose(cols)
    fb_r, tsx_r, tsi_r, offl_r, offh_r, nt_r = (rows6[k:k + 1, :]
                                                for k in range(6))
    tau = lax.broadcasted_iota(jnp.int32, (128, 1), 0).astype(jnp.float32)
    e_of = jnp.sum((jnp.broadcast_to(tsi_r, (128, E)) <= tau).astype(jnp.float32),
                   axis=1, keepdims=True)
    e_of = jnp.minimum(e_of, float(E - 1))
    ohe = (lax.broadcasted_iota(jnp.int32, (128, E), 1).astype(jnp.float32)
           == e_of).astype(jnp.float32)

    def sel(row):
        return jnp.sum(ohe * row, axis=1, keepdims=True)

    blk = sel(fb_r) + (tau - sel(tsx_r))
    lo = jnp.maximum(sel(offl_r), blk * TM)
    hi = jnp.minimum(sel(offh_r), (blk + 1.0) * TM)
    lanes16 = lax.broadcasted_iota(jnp.int32, (1, E), 1).astype(jnp.float32)
    e_last = jnp.max(jnp.where(nt_r > 0, lanes16, -1.0))
    is_pad = tau >= total
    blk = jnp.where(is_pad, float(NB - 1), blk)
    eid = jnp.where(is_pad, e_last, e_of)
    lo = jnp.where(is_pad, 0.0, lo)
    hi = jnp.where(is_pad, 0.0, hi)
    zc = jnp.zeros((128, 1), jnp.float32)
    meta_cols = jnp.concatenate([blk, eid, lo, hi, zc, zc, zc, zc], axis=1)
    meta_ref[...] = jnp.transpose(meta_cols).astype(jnp.int32)

    def body_b(c, _):
        oh1 = oh1_ref[:, pl.ds(c * CH, CH)]
        oh2 = oh2_ref[:, pl.ds(c * CH, CH)]
        p1 = jnp.sum(oh1 * off, axis=0) + r1_ref[0, pl.ds(c * CH, CH)]
        p2 = jnp.sum(oh2 * off, axis=0) + r2_ref[0, pl.ds(c * CH, CH)]
        pos1_ref[pl.ds(c, 1), :] = p1.astype(jnp.int32)[None, :]
        pos2_ref[pl.ds(c, 1), :] = p2.astype(jnp.int32)[None, :]
        return 0

    lax.fori_loop(0, NCH, body_b, 0)


_route = pl.pallas_call(
    _route_kernel,
    out_shape=(
        jax.ShapeDtypeStruct((NCH, CH), jnp.int32),
        jax.ShapeDtypeStruct((NCH, CH), jnp.int32),
        jax.ShapeDtypeStruct((T, 128), jnp.float32),
        jax.ShapeDtypeStruct((T, 128), jnp.float32),
        jax.ShapeDtypeStruct((8, 128), jnp.int32),
    ),
    scratch_shapes=[
        pltpu.VMEM((E, T), jnp.float32),
        pltpu.VMEM((E, T), jnp.float32),
        pltpu.VMEM((E, T), jnp.float32),
        pltpu.VMEM((1, T), jnp.float32),
        pltpu.VMEM((1, T), jnp.float32),
    ],
)


NW = 32
TPW = T // NW
SUB = 32
NSUB = TPW // SUB


SUBU = 16
NSUBU = TPW // SUBU


def _repack_idx(raw, dst):
    for c in range(NSUB):
        for v in range(SUB // 16):
            dst[c, pl.ds(v * 16, 16)] = raw[0, pl.ds(c * SUB + v * 16, 16)]


def _repack_idx2(raw, dst):
    for c in range(NSUBU):
        for v in range(SUBU // 16):
            dst[c, pl.ds(v * 16, 16)] = raw[0, pl.ds(c * SUBU + v * 16, 16)]


def _permute(x, pos1, pos2, w1, w2):
    mesh = plsc.VectorSubcoreMesh(core_axis_name="core", subcore_axis_name="subcore")

    @pl.kernel(
        out_type=(
            jax.ShapeDtypeStruct((R, D), jnp.float32),
            jax.ShapeDtypeStruct((R, 128), jnp.float32),
        ),
        mesh=mesh,
        scratch_types=[
            pltpu.VMEM((1, TPW), jnp.int32),
            pltpu.VMEM((1, TPW), jnp.int32),
            pltpu.VMEM((NSUB, SUB), jnp.int32),
            pltpu.VMEM((NSUB, SUB), jnp.int32),
            pltpu.VMEM((TPW, 128), jnp.float32),
            pltpu.VMEM((TPW, 128), jnp.float32),
            pltpu.VMEM((SUB, D), jnp.float32),
        ],
    )
    def k(x_hbm, i1_hbm, i2_hbm, w1_hbm, w2_hbm, perm_hbm, wperm_hbm,
          i1raw, i2raw, i1v, i2v, w1b, w2b, xbuf):
        wid = lax.axis_index("subcore") * 2 + lax.axis_index("core")
        base = wid * TPW
        pltpu.sync_copy(i1_hbm.at[pl.ds(wid, 1)], i1raw)
        pltpu.sync_copy(i2_hbm.at[pl.ds(wid, 1)], i2raw)
        pltpu.sync_copy(w1_hbm.at[pl.ds(base, TPW)], w1b)
        pltpu.sync_copy(w2_hbm.at[pl.ds(base, TPW)], w2b)
        _repack_idx(i1raw, i1v)
        _repack_idx(i2raw, i2v)

        for c in range(NSUB):
            pltpu.sync_copy(x_hbm.at[pl.ds(base + c * SUB, SUB)], xbuf)
            pltpu.sync_copy(xbuf, perm_hbm.at[i1v.at[c]])
            pltpu.sync_copy(xbuf, perm_hbm.at[i2v.at[c]])
            pltpu.sync_copy(w1b.at[pl.ds(c * SUB, SUB)], wperm_hbm.at[i1v.at[c]])
            pltpu.sync_copy(w2b.at[pl.ds(c * SUB, SUB)], wperm_hbm.at[i2v.at[c]])

    return k(x, pos1, pos2, w1, w2)


def _gemm_kernel(meta_r, xp_ref, wg_ref, wu_ref, wd_ref, wp_ref, out_ref,
                 wgb, wub, wdb):
    i = pl.program_id(0)
    eprev = meta_r[1, jnp.maximum(i - 1, 0)]
    echange = (i == 0) | (meta_r[1, i] != eprev)

    @pl.when(echange)
    def _():
        wgb[...] = wg_ref[0].astype(_MM)
        wub[...] = wu_ref[0].astype(_MM)
        wdb[...] = wd_ref[0].astype(_MM)

    x = xp_ref[...].astype(_MM)
    g = jnp.dot(x, wgb[...], preferred_element_type=jnp.float32)
    u = jnp.dot(x, wub[...], preferred_element_type=jnp.float32)
    h = ((g * lax.logistic(g)) * u).astype(_MM)
    y = jnp.dot(h, wdb[...], preferred_element_type=jnp.float32)
    y = y * wp_ref[:, 0:1]
    rows = meta_r[0, i] * TM + lax.broadcasted_iota(jnp.int32, (TM, 1), 0)
    mask = (rows >= meta_r[2, i]) & (rows < meta_r[3, i])
    y = jnp.where(mask, y, 0.0)
    prev = meta_r[0, jnp.maximum(i - 1, 0)]
    first = (i == 0) | (meta_r[0, i] != prev)

    @pl.when(first)
    def _():
        out_ref[...] = y

    @pl.when(jnp.logical_not(first))
    def _():
        out_ref[...] = out_ref[...] + y


def _grouped_gemm(meta, permuted, w_gate, w_up, w_down, w_perm):
    call = pl.pallas_call(
        _gemm_kernel,
        grid_spec=pltpu.PrefetchScalarGridSpec(
            num_scalar_prefetch=1,
            grid=(NT,),
            in_specs=[
                pl.BlockSpec((TM, D), lambda i, m: (m[0, i], 0)),
                pl.BlockSpec((1, D, F), lambda i, m: (m[1, i], 0, 0)),
                pl.BlockSpec((1, D, F), lambda i, m: (m[1, i], 0, 0)),
                pl.BlockSpec((1, F, D), lambda i, m: (m[1, i], 0, 0)),
                pl.BlockSpec((TM, 128), lambda i, m: (m[0, i], 0)),
            ],
            out_specs=pl.BlockSpec((TM, D), lambda i, m: (m[0, i], 0)),
            scratch_shapes=[
                pltpu.VMEM((D, F), _MM),
                pltpu.VMEM((D, F), _MM),
                pltpu.VMEM((F, D), _MM),
            ],
        ),
        out_shape=jax.ShapeDtypeStruct((R, D), jnp.float32),
    )
    return call(meta, permuted, w_gate, w_up, w_down, w_perm)


def _unpermute(sout, pos1, pos2):
    mesh = plsc.VectorSubcoreMesh(core_axis_name="core", subcore_axis_name="subcore")

    @pl.kernel(
        out_type=jax.ShapeDtypeStruct((T, D), jnp.float32),
        mesh=mesh,
        scratch_types=[
            pltpu.VMEM((1, TPW), jnp.int32),
            pltpu.VMEM((1, TPW), jnp.int32),
            pltpu.VMEM((NSUBU, SUBU), jnp.int32),
            pltpu.VMEM((NSUBU, SUBU), jnp.int32),
            pltpu.VMEM((2, SUBU, D), jnp.float32),
            pltpu.VMEM((2, SUBU, D), jnp.float32),
            pltpu.SemaphoreType.DMA((2,)),
            pltpu.SemaphoreType.DMA((2,)),
            pltpu.SemaphoreType.DMA((2,)),
        ],
    )
    def k(s_hbm, i1_hbm, i2_hbm, o_hbm, i1raw, i2raw, i1v, i2v, g1, g2,
          s1, s2, sw):
        wid = lax.axis_index("subcore") * 2 + lax.axis_index("core")
        base = wid * TPW
        pltpu.sync_copy(i1_hbm.at[pl.ds(wid, 1)], i1raw)
        pltpu.sync_copy(i2_hbm.at[pl.ds(wid, 1)], i2raw)
        _repack_idx2(i1raw, i1v)
        _repack_idx2(i2raw, i2v)

        def start(c):
            b = c % 2
            pltpu.async_copy(s_hbm.at[i1v.at[c]], g1.at[b], s1.at[b])
            pltpu.async_copy(s_hbm.at[i2v.at[c]], g2.at[b], s2.at[b])

        start(0)
        writes = [None, None]
        for c in range(NSUBU):
            b = c % 2
            if c + 1 < NSUBU:
                start(c + 1)
            pltpu.make_async_copy(s_hbm.at[i1v.at[c]], g1.at[b], s1.at[b]).wait()
            pltpu.make_async_copy(s_hbm.at[i2v.at[c]], g2.at[b], s2.at[b]).wait()

            @pl.loop(0, SUBU)
            def _(r):
                @pl.loop(0, D, step=64)
                def _(j):
                    for u in range(4):
                        sl = pl.ds(j + u * 16, 16)
                        g1[b, r, sl] = g1[b, r, sl] + g2[b, r, sl]

            if writes[b] is not None:
                writes[b].wait()
            writes[b] = pltpu.async_copy(
                g1.at[b], o_hbm.at[pl.ds(base + c * SUBU, SUBU)], sw.at[b])
        for w in writes:
            if w is not None:
                w.wait()

    return k(sout, pos1, pos2)


def _tile_maps(off):
    counts = off[1:] - off[:-1]
    fb = off[:-1] // TM
    lb = jnp.where(counts > 0, (off[1:] - 1) // TM, fb - 1)
    nt = lb - fb + 1
    ts = jnp.concatenate([jnp.zeros((1,), jnp.int32), jnp.cumsum(nt)]).astype(jnp.int32)
    total = ts[E]
    tau = jnp.arange(NT, dtype=jnp.int32)
    e_of = jnp.sum((ts[1:E + 1][None, :] <= tau[:, None]).astype(jnp.int32), axis=1)
    e_of = jnp.clip(e_of, 0, E - 1)
    blk = fb[e_of] + (tau - ts[e_of])
    lo = jnp.maximum(off[e_of], blk * TM)
    hi = jnp.minimum(off[e_of + 1], (blk + 1) * TM)
    is_pad = tau >= total
    e_last = jnp.max(jnp.where(nt > 0, jnp.arange(E, dtype=jnp.int32), -1))
    blk = jnp.where(is_pad, NB - 1, blk)
    eid = jnp.where(is_pad, e_last, e_of)
    lo = jnp.where(is_pad, 0, lo)
    hi = jnp.where(is_pad, 0, hi)
    return blk.astype(jnp.int32), eid.astype(jnp.int32), lo.astype(jnp.int32), hi.astype(jnp.int32)


def kernel(x, router_w, w_gate, w_up, w_down):
    pos1, pos2, w1, w2, meta = _route(x, router_w)
    permuted, w_perm = _permute(x, pos1, pos2, w1, w2)
    sout = permuted * w_perm[:, :1] + meta[0, 0]
    return _unpermute(sout, pos1, pos2)

# --- scband reference (transcript-rebuilt; emitter-appended) ---
"""Pipeline reference for scband-qwen2-mo-emlplayer-3530463117600 (READ-ONLY COPY).

The authoritative reference and input builder live on the scoring server;
editing this copy changes nothing except your own understanding.
"""

import jax, jax.numpy as jnp
import numpy as np

NUM_EXPERTS = 16
TOP_K = 2
D_MODEL = 1024
D_FF = 1408
N_TOKENS = 4096


def setup_inputs(seed: int = 0) -> dict:
    key = jax.random.key(seed)
    ks = jax.random.split(key, 5)
    x = jax.random.normal(ks[0], (N_TOKENS, D_MODEL), dtype=jnp.float32)
    router_w = jax.random.normal(ks[1], (D_MODEL, NUM_EXPERTS), dtype=jnp.float32) * 0.02
    w_gate = jax.random.normal(ks[2], (NUM_EXPERTS, D_MODEL, D_FF), dtype=jnp.float32) * 0.02
    w_up = jax.random.normal(ks[3], (NUM_EXPERTS, D_MODEL, D_FF), dtype=jnp.float32) * 0.02
    w_down = jax.random.normal(ks[4], (NUM_EXPERTS, D_FF, D_MODEL), dtype=jnp.float32) * 0.02
    return {"x": x, "router_w": router_w, "w_gate": w_gate, "w_up": w_up, "w_down": w_down}


def reference(x, router_w, w_gate, w_up, w_down):
    # Router: softmax over experts, top-k selection, renormalized routing weights
    logits = x @ router_w                      # [T, E]
    probs = jax.nn.softmax(logits, axis=-1)
    top_w, top_idx = jax.lax.top_k(probs, TOP_K)   # [T, K]
    top_w = top_w / jnp.sum(top_w, axis=-1, keepdims=True)

    # Permute (haojun_permute_topk): expand tokens by top-k, stable sort by expert id
    flat_idx = top_idx.reshape(-1)                 # [T*K]
    sort_order = jnp.argsort(flat_idx)             # stable argsort
    expanded = jnp.repeat(x, TOP_K, axis=0)        # [T*K, D]
    permuted = expanded[sort_order]

    # Expert id of each contiguous permuted row (fixed-shape grouped GEMM equivalent)
    sorted_idx = flat_idx[sort_order]              # [T*K]

    expert_out = jnp.zeros_like(permuted)          # [T*K, D]
    for e in range(NUM_EXPERTS):
        h = jax.nn.silu(permuted @ w_gate[e]) * (permuted @ w_up[e])   # SwiGLU expert MLP
        ye = h @ w_down[e]
        expert_out = jnp.where((sorted_idx == e)[:, None], ye, expert_out)

    # Unpermute (haojun_unpermute_topk): invert sort, weight by routing weights, sum over top-k
    inv = jnp.argsort(sort_order)
    unperm = expert_out[inv].reshape(N_TOKENS, TOP_K, D_MODEL)
    out = jnp.sum(unperm * top_w[..., None].astype(expert_out.dtype), axis=1)
    return out

if __name__ == "__main__":
    import jax
    _d = setup_inputs()
    print(jax.jit(kernel)(*tuple(_d.values())))

</pallas_src>

<mosaic_0001>
#map = affine_map<(d0, d1) -> (0, 0)>
module attributes {stable_mosaic.version = 14 : i64} {
  func.func @k(%arg0: i32, %arg1: i32, %arg2: memref<8192x1024xf32, #tpu.memory_space<hbm>>, %arg3: memref<32x128xi32, #tpu.memory_space<hbm>>, %arg4: memref<32x128xi32, #tpu.memory_space<hbm>>, %arg5: memref<4096x1024xf32, #tpu.memory_space<hbm>>, %arg6: memref<1x128xi32, #tpu.memory_space<vmem>>, %arg7: memref<1x128xi32, #tpu.memory_space<vmem>>, %arg8: memref<8x16xi32, #tpu.memory_space<vmem>>, %arg9: memref<8x16xi32, #tpu.memory_space<vmem>>, %arg10: memref<2x16x1024xf32, #tpu.memory_space<vmem>>, %arg11: memref<2x16x1024xf32, #tpu.memory_space<vmem>>, %arg12: memref<2x!tpu.dma_semaphore, #tpu.memory_space<semaphore_mem>>, %arg13: memref<2x!tpu.dma_semaphore, #tpu.memory_space<semaphore_mem>>, %arg14: memref<2x!tpu.dma_semaphore, #tpu.memory_space<semaphore_mem>>) attributes {dimension_semantics = [#tpu.dimension_semantics<core_parallel>, #tpu.dimension_semantics<subcore_parallel>], iteration_bounds = array<i64: 2, 16>, scalar_prefetch = 0 : i64, scratch_operands = 9 : i64, tpu.core_type = #tpu.core_type<sc_vector_subcore>, window_params = [{transform_indices = #map}, {transform_indices = #map}, {transform_indices = #map}, {transform_indices = #map}]} {
    %mul3A = arith.constant 2 : i32
    %mul3A_0 = arith.muli %arg1, %mul3A : i32
    %add3A = arith.addi %mul3A_0, %arg0 : i32
    %mul3A_1 = arith.constant 128 : i32
    %mul3A_2 = arith.muli %add3A, %mul3A_1 : i32
    "tpu.region"() ({
      %run_scoped3A = tpu.sem_alloc : memref<!tpu.dma_semaphore, #tpu.memory_space<semaphore_mem>>
      %dma_start3A_966 = arith.constant 0 : i32
      %dma_start3A_967 = tpu.memref_slice %arg3[%add3A, %dma_start3A_966] : memref<32x128xi32, #tpu.memory_space<hbm>> -> memref<1x128xi32, #tpu.memory_space<hbm>>
      %dma_start3A_968 = arith.constant 0 : i32
      %dma_start3A_969 = tpu.memref_slice %arg3[%add3A, %dma_start3A_968] : memref<32x128xi32, #tpu.memory_space<hbm>> -> memref<1x128xi32, #tpu.memory_space<hbm>>
      tpu.enqueue_dma source(%dma_start3A_969 : memref<1x128xi32, #tpu.memory_space<hbm>>) target(%arg6 : memref<1x128xi32, #tpu.memory_space<vmem>>) target_semaphore(%run_scoped3A : memref<!tpu.dma_semaphore, #tpu.memory_space<semaphore_mem>>)
      %dma_wait3A_970 = arith.constant 0 : i32
      %dma_wait3A_971 = tpu.memref_slice %arg3[%add3A, %dma_wait3A_970] : memref<32x128xi32, #tpu.memory_space<hbm>> -> memref<1x128xi32, #tpu.memory_space<hbm>>
      %dma_wait3A_972 = arith.constant 0 : i32
      %dma_wait3A_973 = tpu.memref_slice %arg3[%add3A, %dma_wait3A_972] : memref<32x128xi32, #tpu.memory_space<hbm>> -> memref<1x128xi32, #tpu.memory_space<hbm>>
      tpu.wait_dma2 semaphore(%run_scoped3A : memref<!tpu.dma_semaphore, #tpu.memory_space<semaphore_mem>>) src(%dma_wait3A_973 : memref<1x128xi32, #tpu.memory_space<hbm>>) dst(%arg6 : memref<1x128xi32, #tpu.memory_space<vmem>>)
      tpu.yield
    }) : () -> ()
    "tpu.region"() ({
      %run_scoped3A = tpu.sem_alloc : memref<!tpu.dma_semaphore, #tpu.memory_space<semaphore_mem>>
      %dma_start3A_966 = arith.constant 0 : i32
      %dma_start3A_967 = tpu.memref_slice %arg4[%add3A, %dma_start3A_966] : memref<32x128xi32, #tpu.memory_space<hbm>> -> memref<1x128xi32, #tpu.memory_space<hbm>>
      %dma_start3A_968 = arith.constant 0 : i32
      %dma_start3A_969 = tpu.memref_slice %arg4[%add3A, %dma_start3A_968] : memref<32x128xi32, #tpu.memory_space<hbm>> -> memref<1x128xi32, #tpu.memory_space<hbm>>
      tpu.enqueue_dma source(%dma_start3A_969 : memref<1x128xi32, #tpu.memory_space<hbm>>) target(%arg7 : memref<1x128xi32, #tpu.memory_space<vmem>>) target_semaphore(%run_scoped3A : memref<!tpu.dma_semaphore, #tpu.memory_space<semaphore_mem>>)
      %dma_wait3A_970 = arith.constant 0 : i32
      %dma_wait3A_971 = tpu.memref_slice %arg4[%add3A, %dma_wait3A_970] : memref<32x128xi32, #tpu.memory_space<hbm>> -> memref<1x128xi32, #tpu.memory_space<hbm>>
      %dma_wait3A_972 = arith.constant 0 : i32
      %dma_wait3A_973 = tpu.memref_slice %arg4[%add3A, %dma_wait3A_972] : memref<32x128xi32, #tpu.memory_space<hbm>> -> memref<1x128xi32, #tpu.memory_space<hbm>>
      tpu.wait_dma2 semaphore(%run_scoped3A : memref<!tpu.dma_semaphore, #tpu.memory_space<semaphore_mem>>) src(%dma_wait3A_973 : memref<1x128xi32, #tpu.memory_space<hbm>>) dst(%arg7 : memref<1x128xi32, #tpu.memory_space<vmem>>)
      tpu.yield
    }) : () -> ()
    %get3A = arith.constant 0 : i32
    %get3A_3 = arith.index_cast %get3A : i32 to index
    %get3A_4 = arith.constant 0 : index
    %get3A_5 = tpu.vector_load %arg6[%get3A_3, %get3A_4] {strides = array<i32>} : memref<1x128xi32, #tpu.memory_space<vmem>>, vector<1x16xi32>,
    %get3A_6 = vector.shape_cast %get3A_5 : vector<1x16xi32> to vector<16xi32>
    %swap3A = arith.constant 0 : i32
    %swap3A_7 = arith.index_cast %swap3A : i32 to index
    %swap3A_8 = arith.constant 0 : index
    %swap3A_9 = tpu.vector_load %arg8[%swap3A_7, %swap3A_8] {strides = array<i32>} : memref<8x16xi32, #tpu.memory_space<vmem>>, vector<1x16xi32>,
    %swap3A_10 = vector.shape_cast %swap3A_9 : vector<1x16xi32> to vector<16xi32>
    %swap3A_11 = vector.shape_cast %get3A_6 : vector<16xi32> to vector<1x16xi32>
    tpu.vector_store %arg8[%swap3A_7, %swap3A_8], %swap3A_11 {strides = array<i32>} : memref<8x16xi32, #tpu.memory_space<vmem>>, vector<1x16xi32>,
    %get3A_12 = arith.constant 0 : i32
    %get3A_13 = arith.index_cast %get3A_12 : i32 to index
    %get3A_14 = arith.constant 16 : index
    %get3A_15 = tpu.vector_load %arg6[%get3A_13, %get3A_14] {strides = array<i32>} : memref<1x128xi32, #tpu.memory_space<vmem>>, vector<1x16xi32>,
    %get3A_16 = vector.shape_cast %get3A_15 : vector<1x16xi32> to vector<16xi32>
    %swap3A_17 = arith.constant 1 : i32
    %swap3A_18 = arith.index_cast %swap3A_17 : i32 to index
    %swap3A_19 = arith.constant 0 : index
    %swap3A_20 = tpu.vector_load %arg8[%swap3A_18, %swap3A_19] {strides = array<i32>} : memref<8x16xi32, #tpu.memory_space<vmem>>, vector<1x16xi32>,
    %swap3A_21 = vector.shape_cast %swap3A_20 : vector<1x16xi32> to vector<16xi32>
    %swap3A_22 = vector.shape_cast %get3A_16 : vector<16xi32> to vector<1x16xi32>
    tpu.vector_store %arg8[%swap3A_18, %swap3A_19], %swap3A_22 {strides = array<i32>} : memref<8x16xi32, #tpu.memory_space<vmem>>, vector<1x16xi32>,
    %get3A_23 = arith.constant 0 : i32
    %get3A_24 = arith.index_cast %get3A_23 : i32 to index
    %get3A_25 = arith.constant 32 : index
    %get3A_26 = tpu.vector_load %arg6[%get3A_24, %get3A_25] {strides = array<i32>} : memref<1x128xi32, #tpu.memory_space<vmem>>, vector<1x16xi32>,
    %get3A_27 = vector.shape_cast %get3A_26 : vector<1x16xi32> to vector<16xi32>
    %swap3A_28 = arith.constant 2 : i32
    %swap3A_29 = arith.index_cast %swap3A_28 : i32 to index
    %swap3A_30 = arith.constant 0 : index
    %swap3A_31 = tpu.vector_load %arg8[%swap3A_29, %swap3A_30] {strides = array<i32>} : memref<8x16xi32, #tpu.memory_space<vmem>>, vector<1x16xi32>,
    %swap3A_32 = vector.shape_cast %swap3A_31 : vector<1x16xi32> to vector<16xi32>
    %swap3A_33 = vector.shape_cast %get3A_27 : vector<16xi32> to vector<1x16xi32>
    tpu.vector_store %arg8[%swap3A_29, %swap3A_30], %swap3A_33 {strides = array<i32>} : memref<8x16xi32, #tpu.memory_space<vmem>>, vector<1x16xi32>,
    %get3A_34 = arith.constant 0 : i32
    %get3A_35 = arith.index_cast %get3A_34 : i32 to index
    %get3A_36 = arith.constant 48 : index
    %get3A_37 = tpu.vector_load %arg6[%get3A_35, %get3A_36] {strides = array<i32>} : memref<1x128xi32, #tpu.memory_space<vmem>>, vector<1x16xi32>,
    %get3A_38 = vector.shape_cast %get3A_37 : vector<1x16xi32> to vector<16xi32>
    %swap3A_39 = arith.constant 3 : i32
    %swap3A_40 = arith.index_cast %swap3A_39 : i32 to index
    %swap3A_41 = arith.constant 0 : index
    %swap3A_42 = tpu.vector_load %arg8[%swap3A_40, %swap3A_41] {strides = array<i32>} : memref<8x16xi32, #tpu.memory_space<vmem>>, vector<1x16xi32>,
    %swap3A_43 = vector.shape_cast %swap3A_42 : vector<1x16xi32> to vector<16xi32>
    %swap3A_44 = vector.shape_cast %get3A_38 : vector<16xi32> to vector<1x16xi32>
    tpu.vector_store %arg8[%swap3A_40, %swap3A_41], %swap3A_44 {strides = array<i32>} : memref<8x16xi32, #tpu.memory_space<vmem>>, vector<1x16xi32>,
    %get3A_45 = arith.constant 0 : i32
    %get3A_46 = arith.index_cast %get3A_45 : i32 to index
    %get3A_47 = arith.constant 64 : index
    %get3A_48 = tpu.vector_load %arg6[%get3A_46, %get3A_47] {strides = array<i32>} : memref<1x128xi32, #tpu.memory_space<vmem>>, vector<1x16xi32>,
    %get3A_49 = vector.shape_cast %get3A_48 : vector<1x16xi32> to vector<16xi32>
    %swap3A_50 = arith.constant 4 : i32
    %swap3A_51 = arith.index_cast %swap3A_50 : i32 to index
    %swap3A_52 = arith.constant 0 : index
    %swap3A_53 = tpu.vector_load %arg8[%swap3A_51, %swap3A_52] {strides = array<i32>} : memref<8x16xi32, #tpu.memory_space<vmem>>, vector<1x16xi32>,
    %swap3A_54 = vector.shape_cast %swap3A_53 : vector<1x16xi32> to vector<16xi32>
    %swap3A_55 = vector.shape_cast %get3A_49 : vector<16xi32> to vector<1x16xi32>
    tpu.vector_store %arg8[%swap3A_51, %swap3A_52], %swap3A_55 {strides = array<i32>} : memref<8x16xi32, #tpu.memory_space<vmem>>, vector<1x16xi32>,
    %get3A_56 = arith.constant 0 : i32
    %get3A_57 = arith.index_cast %get3A_56 : i32 to index
    %get3A_58 = arith.constant 80 : index
    %get3A_59 = tpu.vector_load %arg6[%get3A_57, %get3A_58] {strides = array<i32>} : memref<1x128xi32, #tpu.memory_space<vmem>>, vector<1x16xi32>,
    %get3A_60 = vector.shape_cast %get3A_59 : vector<1x16xi32> to vector<16xi32>
    %swap3A_61 = arith.constant 5 : i32
    %swap3A_62 = arith.index_cast %swap3A_61 : i32 to index
    %swap3A_63 = arith.constant 0 : index
    %swap3A_64 = tpu.vector_load %arg8[%swap3A_62, %swap3A_63] {strides = array<i32>} : memref<8x16xi32, #tpu.memory_space<vmem>>, vector<1x16xi32>,
    %swap3A_65 = vector.shape_cast %swap3A_64 : vector<1x16xi32> to vector<16xi32>
    %swap3A_66 = vector.shape_cast %get3A_60 : vector<16xi32> to vector<1x16xi32>
    tpu.vector_store %arg8[%swap3A_62, %swap3A_63], %swap3A_66 {strides = array<i32>} : memref<8x16xi32, #tpu.memory_space<vmem>>, vector<1x16xi32>,
    %get3A_67 = arith.constant 0 : i32
    %get3A_68 = arith.index_cast %get3A_67 : i32 to index
    %get3A_69 = arith.constant 96 : index
    %get3A_70 = tpu.vector_load %arg6[%get3A_68, %get3A_69] {strides = array<i32>} : memref<1x128xi32, #tpu.memory_space<vmem>>, vector<1x16xi32>,
    %get3A_71 = vector.shape_cast %get3A_70 : vector<1x16xi32> to vector<16xi32>
    %swap3A_72 = arith.constant 6 : i32
    %swap3A_73 = arith.index_cast %swap3A_72 : i32 to index
    %swap3A_74 = arith.constant 0 : index
    %swap3A_75 = tpu.vector_load %arg8[%swap3A_73, %swap3A_74] {strides = array<i32>} : memref<8x16xi32, #tpu.memory_space<vmem>>, vector<1x16xi32>,
    %swap3A_76 = vector.shape_cast %swap3A_75 : vector<1x16xi32> to vector<16xi32>
    %swap3A_77 = vector.shape_cast %get3A_71 : vector<16xi32> to vector<1x16xi32>
    tpu.vector_store %arg8[%swap3A_73, %swap3A_74], %swap3A_77 {strides = array<i32>} : memref<8x16xi32, #tpu.memory_space<vmem>>, vector<1x16xi32>,
    %get3A_78 = arith.constant 0 : i32
    %get3A_79 = arith.index_cast %get3A_78 : i32 to index
    %get3A_80 = arith.constant 112 : index
    %get3A_81 = tpu.vector_load %arg6[%get3A_79, %get3A_80] {strides = array<i32>} : memref<1x128xi32, #tpu.memory_space<vmem>>, vector<1x16xi32>,
    %get3A_82 = vector.shape_cast %get3A_81 : vector<1x16xi32> to vector<16xi32>
    %swap3A_83 = arith.constant 7 : i32
    %swap3A_84 = arith.index_cast %swap3A_83 : i32 to index
    %swap3A_85 = arith.constant 0 : index
    %swap3A_86 = tpu.vector_load %arg8[%swap3A_84, %swap3A_85] {strides = array<i32>} : memref<8x16xi32, #tpu.memory_space<vmem>>, vector<1x16xi32>,
    %swap3A_87 = vector.shape_cast %swap3A_86 : vector<1x16xi32> to vector<16xi32>
    %swap3A_88 = vector.shape_cast %get3A_82 : vector<16xi32> to vector<1x16xi32>
    tpu.vector_store %arg8[%swap3A_84, %swap3A_85], %swap3A_88 {strides = array<i32>} : memref<8x16xi32, #tpu.memory_space<vmem>>, vector<1x16xi32>,
    %get3A_89 = arith.constant 0 : i32
    %get3A_90 = arith.index_cast %get3A_89 : i32 to index
    %get3A_91 = arith.constant 0 : index
    %get3A_92 = tpu.vector_load %arg7[%get3A_90, %get3A_91] {strides = array<i32>} : memref<1x128xi32, #tpu.memory_space<vmem>>, vector<1x16xi32>,
    %get3A_93 = vector.shape_cast %get3A_92 : vector<1x16xi32> to vector<16xi32>
    %swap3A_94 = arith.constant 0 : i32
    %swap3A_95 = arith.index_cast %swap3A_94 : i32 to index
    %swap3A_96 = arith.constant 0 : index
    %swap3A_97 = tpu.vector_load %arg9[%swap3A_95, %swap3A_96] {strides = array<i32>} : memref<8x16xi32, #tpu.memory_space<vmem>>, vector<1x16xi32>,
    %swap3A_98 = vector.shape_cast %swap3A_97 : vector<1x16xi32> to vector<16xi32>
    %swap3A_99 = vector.shape_cast %get3A_93 : vector<16xi32> to vector<1x16xi32>
    tpu.vector_store %arg9[%swap3A_95, %swap3A_96], %swap3A_99 {strides = array<i32>} : memref<8x16xi32, #tpu.memory_space<vmem>>, vector<1x16xi32>,
    %get3A_100 = arith.constant 0 : i32
    %get3A_101 = arith.index_cast %get3A_100 : i32 to index
    %get3A_102 = arith.constant 16 : index
    %get3A_103 = tpu.vector_load %arg7[%get3A_101, %get3A_102] {strides = array<i32>} : memref<1x128xi32, #tpu.memory_space<vmem>>, vector<1x16xi32>,
    %get3A_104 = vector.shape_cast %get3A_103 : vector<1x16xi32> to vector<16xi32>
    %swap3A_105 = arith.constant 1 : i32
    %swap3A_106 = arith.index_cast %swap3A_105 : i32 to index
    %swap3A_107 = arith.constant 0 : index
    %swap3A_108 = tpu.vector_load %arg9[%swap3A_106, %swap3A_107] {strides = array<i32>} : memref<8x16xi32, #tpu.memory_space<vmem>>, vector<1x16xi32>,
    %swap3A_109 = vector.shape_cast %swap3A_108 : vector<1x16xi32> to vector<16xi32>
    %swap3A_110 = vector.shape_cast %get3A_104 : vector<16xi32> to vector<1x16xi32>
    tpu.vector_store %arg9[%swap3A_106, %swap3A_107], %swap3A_110 {strides = array<i32>} : memref<8x16xi32, #tpu.memory_space<vmem>>, vector<1x16xi32>,
    %get3A_111 = arith.constant 0 : i32
    %get3A_112 = arith.index_cast %get3A_111 : i32 to index
    %get3A_113 = arith.constant 32 : index
    %get3A_114 = tpu.vector_load %arg7[%get3A_112, %get3A_113] {strides = array<i32>} : memref<1x128xi32, #tpu.memory_space<vmem>>, vector<1x16xi32>,
    %get3A_115 = vector.shape_cast %get3A_114 : vector<1x16xi32> to vector<16xi32>
    %swap3A_116 = arith.constant 2 : i32
    %swap3A_117 = arith.index_cast %swap3A_116 : i32 to index
    %swap3A_118 = arith.constant 0 : index
    %swap3A_119 = tpu.vector_load %arg9[%swap3A_117, %swap3A_118] {strides = array<i32>} : memref<8x16xi32, #tpu.memory_space<vmem>>, vector<1x16xi32>,
    %swap3A_120 = vector.shape_cast %swap3A_119 : vector<1x16xi32> to vector<16xi32>
    %swap3A_121 = vector.shape_cast %get3A_115 : vector<16xi32> to vector<1x16xi32>
    tpu.vector_store %arg9[%swap3A_117, %swap3A_118], %swap3A_121 {strides = array<i32>} : memref<8x16xi32, #tpu.memory_space<vmem>>, vector<1x16xi32>,
    %get3A_122 = arith.constant 0 : i32
    %get3A_123 = arith.index_cast %get3A_122 : i32 to index
    %get3A_124 = arith.constant 48 : index
    %get3A_125 = tpu.vector_load %arg7[%get3A_123, %get3A_124] {strides = array<i32>} : memref<1x128xi32, #tpu.memory_space<vmem>>, vector<1x16xi32>,
    %get3A_126 = vector.shape_cast %get3A_125 : vector<1x16xi32> to vector<16xi32>
    %swap3A_127 = arith.constant 3 : i32
    %swap3A_128 = arith.index_cast %swap3A_127 : i32 to index
    %swap3A_129 = arith.constant 0 : index
    %swap3A_130 = tpu.vector_load %arg9[%swap3A_128, %swap3A_129] {strides = array<i32>} : memref<8x16xi32, #tpu.memory_space<vmem>>, vector<1x16xi32>,
    %swap3A_131 = vector.shape_cast %swap3A_130 : vector<1x16xi32> to vector<16xi32>
    %swap3A_132 = vector.shape_cast %get3A_126 : vector<16xi32> to vector<1x16xi32>
    tpu.vector_store %arg9[%swap3A_128, %swap3A_129], %swap3A_132 {strides = array<i32>} : memref<8x16xi32, #tpu.memory_space<vmem>>, vector<1x16xi32>,
    %get3A_133 = arith.constant 0 : i32
    %get3A_134 = arith.index_cast %get3A_133 : i32 to index
    %get3A_135 = arith.constant 64 : index
    %get3A_136 = tpu.vector_load %arg7[%get3A_134, %get3A_135] {strides = array<i32>} : memref<1x128xi32, #tpu.memory_space<vmem>>, vector<1x16xi32>,
    %get3A_137 = vector.shape_cast %get3A_136 : vector<1x16xi32> to vector<16xi32>
    %swap3A_138 = arith.constant 4 : i32
    %swap3A_139 = arith.index_cast %swap3A_138 : i32 to index
    %swap3A_140 = arith.constant 0 : index
    %swap3A_141 = tpu.vector_load %arg9[%swap3A_139, %swap3A_140] {strides = array<i32>} : memref<8x16xi32, #tpu.memory_space<vmem>>, vector<1x16xi32>,
    %swap3A_142 = vector.shape_cast %swap3A_141 : vector<1x16xi32> to vector<16xi32>
    %swap3A_143 = vector.shape_cast %get3A_137 : vector<16xi32> to vector<1x16xi32>
    tpu.vector_store %arg9[%swap3A_139, %swap3A_140], %swap3A_143 {strides = array<i32>} : memref<8x16xi32, #tpu.memory_space<vmem>>, vector<1x16xi32>,
    %get3A_144 = arith.constant 0 : i32
    %get3A_145 = arith.index_cast %get3A_144 : i32 to index
    %get3A_146 = arith.constant 80 : index
    %get3A_147 = tpu.vector_load %arg7[%get3A_145, %get3A_146] {strides = array<i32>} : memref<1x128xi32, #tpu.memory_space<vmem>>, vector<1x16xi32>,
    %get3A_148 = vector.shape_cast %get3A_147 : vector<1x16xi32> to vector<16xi32>
    %swap3A_149 = arith.constant 5 : i32
    %swap3A_150 = arith.index_cast %swap3A_149 : i32 to index
    %swap3A_151 = arith.constant 0 : index
    %swap3A_152 = tpu.vector_load %arg9[%swap3A_150, %swap3A_151] {strides = array<i32>} : memref<8x16xi32, #tpu.memory_space<vmem>>, vector<1x16xi32>,
    %swap3A_153 = vector.shape_cast %swap3A_152 : vector<1x16xi32> to vector<16xi32>
    %swap3A_154 = vector.shape_cast %get3A_148 : vector<16xi32> to vector<1x16xi32>
    tpu.vector_store %arg9[%swap3A_150, %swap3A_151], %swap3A_154 {strides = array<i32>} : memref<8x16xi32, #tpu.memory_space<vmem>>, vector<1x16xi32>,
    %get3A_155 = arith.constant 0 : i32
    %get3A_156 = arith.index_cast %get3A_155 : i32 to index
    %get3A_157 = arith.constant 96 : index
    %get3A_158 = tpu.vector_load %arg7[%get3A_156, %get3A_157] {strides = array<i32>} : memref<1x128xi32, #tpu.memory_space<vmem>>, vector<1x16xi32>,
    %get3A_159 = vector.shape_cast %get3A_158 : vector<1x16xi32> to vector<16xi32>
    %swap3A_160 = arith.constant 6 : i32
    %swap3A_161 = arith.index_cast %swap3A_160 : i32 to index
    %swap3A_162 = arith.constant 0 : index
    %swap3A_163 = tpu.vector_load %arg9[%swap3A_161, %swap3A_162] {strides = array<i32>} : memref<8x16xi32, #tpu.memory_space<vmem>>, vector<1x16xi32>,
    %swap3A_164 = vector.shape_cast %swap3A_163 : vector<1x16xi32> to vector<16xi32>
    %swap3A_165 = vector.shape_cast %get3A_159 : vector<16xi32> to vector<1x16xi32>
    tpu.vector_store %arg9[%swap3A_161, %swap3A_162], %swap3A_165 {strides = array<i32>} : memref<8x16xi32, #tpu.memory_space<vmem>>, vector<1x16xi32>,
    %get3A_166 = arith.constant 0 : i32
    %get3A_167 = arith.index_cast %get3A_166 : i32 to index
    %get3A_168 = arith.constant 112 : index
    %get3A_169 = tpu.vector_load %arg7[%get3A_167, %get3A_168] {strides = array<i32>} : memref<1x128xi32, #tpu.memory_space<vmem>>, vector<1x16xi32>,
    %get3A_170 = vector.shape_cast %get3A_169 : vector<1x16xi32> to vector<16xi32>
    %swap3A_171 = arith.constant 7 : i32
    %swap3A_172 = arith.index_cast %swap3A_171 : i32 to index
    %swap3A_173 = arith.constant 0 : index
    %swap3A_174 = tpu.vector_load %arg9[%swap3A_172, %swap3A_173] {strides = array<i32>} : memref<8x16xi32, #tpu.memory_space<vmem>>, vector<1x16xi32>,
    %swap3A_175 = vector.shape_cast %swap3A_174 : vector<1x16xi32> to vector<16xi32>
    %swap3A_176 = vector.shape_cast %get3A_170 : vector<16xi32> to vector<1x16xi32>
    tpu.vector_store %arg9[%swap3A_172, %swap3A_173], %swap3A_176 {strides = array<i32>} : memref<8x16xi32, #tpu.memory_space<vmem>>, vector<1x16xi32>,
    %dma_start3A = arith.constant 0 : i32
    %dma_start3A_177 = arith.constant 0 : i32
    %dma_start3A_178 = arith.constant 0 : i32
    %dma_start3A_179 = arith.constant 0 : i32
    %dma_start3A_180 = arith.constant 0 : i32
    %dma_start3A_181 = tpu.memref_slice %arg10[%dma_start3A_177, %dma_start3A_179, %dma_start3A_180] : memref<2x16x1024xf32, #tpu.memory_space<vmem>> -> memref<1x16x1024xf32, #tpu.memory_space<vmem>>
    %dma_start3A_182 = tpu.memref_squeeze %dma_start3A_181 : memref<1x16x1024xf32, #tpu.memory_space<vmem>> -> memref<16x1024xf32, #tpu.memory_space<vmem>>
    %dma_start3A_183 = arith.constant 0 : i32
    %dma_start3A_184 = tpu.memref_slice %arg8[%dma_start3A, %dma_start3A_183] : memref<8x16xi32, #tpu.memory_space<vmem>> -> memref<1x16xi32, #tpu.memory_space<vmem>>
    %dma_start3A_185 = tpu.memref_squeeze %dma_start3A_184 : memref<1x16xi32, #tpu.memory_space<vmem>> -> memref<16xi32, #tpu.memory_space<vmem>>
    %dma_start3A_186 = arith.constant 0 : i32
    %dma_start3A_187 = arith.constant 0 : i32
    %dma_start3A_188 = tpu.memref_slice %arg2[%dma_start3A_186, %dma_start3A_187] : memref<8192x1024xf32, #tpu.memory_space<hbm>> -> memref<8192x1024xf32, #tpu.memory_space<hbm>>
    %dma_start3A_189 = tpu.memref_slice %arg12[%dma_start3A_178] : memref<2x!tpu.dma_semaphore, #tpu.memory_space<semaphore_mem>> -> memref<1x!tpu.dma_semaphore, #tpu.memory_space<semaphore_mem>>
    %dma_start3A_190 = tpu.memref_squeeze %dma_start3A_189 : memref<1x!tpu.dma_semaphore, #tpu.memory_space<semaphore_mem>> -> memref<!tpu.dma_semaphore, #tpu.memory_space<semaphore_mem>>
    tpu.enqueue_indirect_dma source(%dma_start3A_188 : memref<8192x1024xf32, #tpu.memory_space<hbm>>) target(%dma_start3A_182 : memref<16x1024xf32, #tpu.memory_space<vmem>>) offsets(%dma_start3A_185 : memref<16xi32, #tpu.memory_space<vmem>>) semaphore(%dma_start3A_190 : memref<!tpu.dma_semaphore, #tpu.memory_space<semaphore_mem>>)
    %dma_start3A_191 = arith.constant 0 : i32
    %dma_start3A_192 = arith.constant 0 : i32
    %dma_start3A_193 = arith.constant 0 : i32
    %dma_start3A_194 = arith.constant 0 : i32
    %dma_start3A_195 = arith.constant 0 : i32
    %dma_start3A_196 = tpu.memref_slice %arg11[%dma_start3A_192, %dma_start3A_194, %dma_start3A_195] : memref<2x16x1024xf32, #tpu.memory_space<vmem>> -> memref<1x16x1024xf32, #tpu.memory_space<vmem>>
    %dma_start3A_197 = tpu.memref_squeeze %dma_start3A_196 : memref<1x16x1024xf32, #tpu.memory_space<vmem>> -> memref<16x1024xf32, #tpu.memory_space<vmem>>
    %dma_start3A_198 = arith.constant 0 : i32
    %dma_start3A_199 = tpu.memref_slice %arg9[%dma_start3A_191, %dma_start3A_198] : memref<8x16xi32, #tpu.memory_space<vmem>> -> memref<1x16xi32, #tpu.memory_space<vmem>>
    %dma_start3A_200 = tpu.memref_squeeze %dma_start3A_199 : memref<1x16xi32, #tpu.memory_space<vmem>> -> memref<16xi32, #tpu.memory_space<vmem>>
    %dma_start3A_201 = arith.constant 0 : i32
    %dma_start3A_202 = arith.constant 0 : i32
    %dma_start3A_203 = tpu.memref_slice %arg2[%dma_start3A_201, %dma_start3A_202] : memref<8192x1024xf32, #tpu.memory_space<hbm>> -> memref<8192x1024xf32, #tpu.memory_space<hbm>>
    %dma_start3A_204 = tpu.memref_slice %arg13[%dma_start3A_193] : memref<2x!tpu.dma_semaphore, #tpu.memory_space<semaphore_mem>> -> memref<1x!tpu.dma_semaphore, #tpu.memory_space<semaphore_mem>>
    %dma_start3A_205 = tpu.memref_squeeze %dma_start3A_204 : memref<1x!tpu.dma_semaphore, #tpu.memory_space<semaphore_mem>> -> memref<!tpu.dma_semaphore, #tpu.memory_space<semaphore_mem>>
    tpu.enqueue_indirect_dma source(%dma_start3A_203 : memref<8192x1024xf32, #tpu.memory_space<hbm>>) target(%dma_start3A_197 : memref<16x1024xf32, #tpu.memory_space<vmem>>) offsets(%dma_start3A_200 : memref<16xi32, #tpu.memory_space<vmem>>) semaphore(%dma_start3A_205 : memref<!tpu.dma_semaphore, #tpu.memory_space<semaphore_mem>>)
    %dma_start3A_206 = arith.constant 1 : i32
    %dma_start3A_207 = arith.constant 1 : i32
    %dma_start3A_208 = arith.constant 1 : i32
    %dma_start3A_209 = arith.constant 0 : i32
    %dma_start3A_210 = arith.constant 0 : i32
    %dma_start3A_211 = tpu.memref_slice %arg10[%dma_start3A_207, %dma_start3A_209, %dma_start3A_210] : memref<2x16x1024xf32, #tpu.memory_space<vmem>> -> memref<1x16x1024xf32, #tpu.memory_space<vmem>>
    %dma_start3A_212 = tpu.memref_squeeze %dma_start3A_211 : memref<1x16x1024xf32, #tpu.memory_space<vmem>> -> memref<16x1024xf32, #tpu.memory_space<vmem>>
    %dma_start3A_213 = arith.constant 0 : i32
    %dma_start3A_214 = tpu.memref_slice %arg8[%dma_start3A_206, %dma_start3A_213] : memref<8x16xi32, #tpu.memory_space<vmem>> -> memref<1x16xi32, #tpu.memory_space<vmem>>
    %dma_start3A_215 = tpu.memref_squeeze %dma_start3A_214 : memref<1x16xi32, #tpu.memory_space<vmem>> -> memref<16xi32, #tpu.memory_space<vmem>>
    %dma_start3A_216 = arith.constant 0 : i32
    %dma_start3A_217 = arith.constant 0 : i32
    %dma_start3A_218 = tpu.memref_slice %arg2[%dma_start3A_216, %dma_start3A_217] : memref<8192x1024xf32, #tpu.memory_space<hbm>> -> memref<8192x1024xf32, #tpu.memory_space<hbm>>
    %dma_start3A_219 = tpu.memref_slice %arg12[%dma_start3A_208] : memref<2x!tpu.dma_semaphore, #tpu.memory_space<semaphore_mem>> -> memref<1x!tpu.dma_semaphore, #tpu.memory_space<semaphore_mem>>
    %dma_start3A_220 = tpu.memref_squeeze %dma_start3A_219 : memref<1x!tpu.dma_semaphore, #tpu.memory_space<semaphore_mem>> -> memref<!tpu.dma_semaphore, #tpu.memory_space<semaphore_mem>>
    tpu.enqueue_indirect_dma source(%dma_start3A_218 : memref<8192x1024xf32, #tpu.memory_space<hbm>>) target(%dma_start3A_212 : memref<16x1024xf32, #tpu.memory_space<vmem>>) offsets(%dma_start3A_215 : memref<16xi32, #tpu.memory_space<vmem>>) semaphore(%dma_start3A_220 : memref<!tpu.dma_semaphore, #tpu.memory_space<semaphore_mem>>)
    %dma_start3A_221 = arith.constant 1 : i32
    %dma_start3A_222 = arith.constant 1 : i32
    %dma_start3A_223 = arith.constant 1 : i32
    %dma_start3A_224 = arith.constant 0 : i32
    %dma_start3A_225 = arith.constant 0 : i32
    %dma_start3A_226 = tpu.memref_slice %arg11[%dma_start3A_222, %dma_start3A_224, %dma_start3A_225] : memref<2x16x1024xf32, #tpu.memory_space<vmem>> -> memref<1x16x1024xf32, #tpu.memory_space<vmem>>
    %dma_start3A_227 = tpu.memref_squeeze %dma_start3A_226 : memref<1x16x1024xf32, #tpu.memory_space<vmem>> -> memref<16x1024xf32, #tpu.memory_space<vmem>>
    %dma_start3A_228 = arith.constant 0 : i32
    %dma_start3A_229 = tpu.memref_slice %arg9[%dma_start3A_221, %dma_start3A_228] : memref<8x16xi32, #tpu.memory_space<vmem>> -> memref<1x16xi32, #tpu.memory_space<vmem>>
    %dma_start3A_230 = tpu.memref_squeeze %dma_start3A_229 : memref<1x16xi32, #tpu.memory_space<vmem>> -> memref<16xi32, #tpu.memory_space<vmem>>
    %dma_start3A_231 = arith.constant 0 : i32
    %dma_start3A_232 = arith.constant 0 : i32
    %dma_start3A_233 = tpu.memref_slice %arg2[%dma_start3A_231, %dma_start3A_232] : memref<8192x1024xf32, #tpu.memory_space<hbm>> -> memref<8192x1024xf32, #tpu.memory_space<hbm>>
    %dma_start3A_234 = tpu.memref_slice %arg13[%dma_start3A_223] : memref<2x!tpu.dma_semaphore, #tpu.memory_space<semaphore_mem>> -> memref<1x!tpu.dma_semaphore, #tpu.memory_space<semaphore_mem>>
    %dma_start3A_235 = tpu.memref_squeeze %dma_start3A_234 : memref<1x!tpu.dma_semaphore, #tpu.memory_space<semaphore_mem>> -> memref<!tpu.dma_semaphore, #tpu.memory_space<semaphore_mem>>
    tpu.enqueue_indirect_dma source(%dma_start3A_233 : memref<8192x1024xf32, #tpu.memory_space<hbm>>) target(%dma_start3A_227 : memref<16x1024xf32, #tpu.memory_space<vmem>>) offsets(%dma_start3A_230 : memref<16xi32, #tpu.memory_space<vmem>>) semaphore(%dma_start3A_235 : memref<!tpu.dma_semaphore, #tpu.memory_space<semaphore_mem>>)
    %dma_wait3A = arith.constant 0 : i32
    %dma_wait3A_236 = arith.constant 0 : i32
    %dma_wait3A_237 = arith.constant 0 : i32
    %dma_wait3A_238 = arith.constant 0 : i32
    %dma_wait3A_239 = arith.constant 0 : i32
    %dma_wait3A_240 = tpu.memref_slice %arg10[%dma_wait3A_236, %dma_wait3A_238, %dma_wait3A_239] : memref<2x16x1024xf32, #tpu.memory_space<vmem>> -> memref<1x16x1024xf32, #tpu.memory_space<vmem>>
    %dma_wait3A_241 = tpu.memref_squeeze %dma_wait3A_240 : memref<1x16x1024xf32, #tpu.memory_space<vmem>> -> memref<16x1024xf32, #tpu.memory_space<vmem>>
    %dma_wait3A_242 = arith.constant 0 : i32
    %dma_wait3A_243 = tpu.memref_slice %arg8[%dma_wait3A, %dma_wait3A_242] : memref<8x16xi32, #tpu.memory_space<vmem>> -> memref<1x16xi32, #tpu.memory_space<vmem>>
    %dma_wait3A_244 = tpu.memref_squeeze %dma_wait3A_243 : memref<1x16xi32, #tpu.memory_space<vmem>> -> memref<16xi32, #tpu.memory_space<vmem>>
    %dma_wait3A_245 = arith.constant 0 : i32
    %dma_wait3A_246 = arith.constant 0 : i32
    %dma_wait3A_247 = tpu.memref_slice %arg2[%dma_wait3A_245, %dma_wait3A_246] : memref<8192x1024xf32, #tpu.memory_space<hbm>> -> memref<8192x1024xf32, #tpu.memory_space<hbm>>
    %dma_wait3A_248 = tpu.memref_slice %arg12[%dma_wait3A_237] : memref<2x!tpu.dma_semaphore, #tpu.memory_space<semaphore_mem>> -> memref<1x!tpu.dma_semaphore, #tpu.memory_space<semaphore_mem>>
    %dma_wait3A_249 = tpu.memref_squeeze %dma_wait3A_248 : memref<1x!tpu.dma_semaphore, #tpu.memory_space<semaphore_mem>> -> memref<!tpu.dma_semaphore, #tpu.memory_space<semaphore_mem>>
    tpu.wait_indirect_dma semaphore(%dma_wait3A_249 : memref<!tpu.dma_semaphore, #tpu.memory_space<semaphore_mem>>) src(%dma_wait3A_247 : memref<8192x1024xf32, #tpu.memory_space<hbm>>) dst(%dma_wait3A_241 : memref<16x1024xf32, #tpu.memory_space<vmem>>)
    %dma_wait3A_250 = arith.constant 0 : i32
    %dma_wait3A_251 = arith.constant 0 : i32
    %dma_wait3A_252 = arith.constant 0 : i32
    %dma_wait3A_253 = arith.constant 0 : i32
    %dma_wait3A_254 = arith.constant 0 : i32
    %dma_wait3A_255 = tpu.memref_slice %arg11[%dma_wait3A_251, %dma_wait3A_253, %dma_wait3A_254] : memref<2x16x1024xf32, #tpu.memory_space<vmem>> -> memref<1x16x1024xf32, #tpu.memory_space<vmem>>
    %dma_wait3A_256 = tpu.memref_squeeze %dma_wait3A_255 : memref<1x16x1024xf32, #tpu.memory_space<vmem>> -> memref<16x1024xf32, #tpu.memory_space<vmem>>
    %dma_wait3A_257 = arith.constant 0 : i32
    %dma_wait3A_258 = tpu.memref_slice %arg9[%dma_wait3A_250, %dma_wait3A_257] : memref<8x16xi32, #tpu.memory_space<vmem>> -> memref<1x16xi32, #tpu.memory_space<vmem>>
    %dma_wait3A_259 = tpu.memref_squeeze %dma_wait3A_258 : memref<1x16xi32, #tpu.memory_space<vmem>> -> memref<16xi32, #tpu.memory_space<vmem>>
    %dma_wait3A_260 = arith.constant 0 : i32
    %dma_wait3A_261 = arith.constant 0 : i32
    %dma_wait3A_262 = tpu.memref_slice %arg2[%dma_wait3A_260, %dma_wait3A_261] : memref<8192x1024xf32, #tpu.memory_space<hbm>> -> memref<8192x1024xf32, #tpu.memory_space<hbm>>
    %dma_wait3A_263 = tpu.memref_slice %arg13[%dma_wait3A_252] : memref<2x!tpu.dma_semaphore, #tpu.memory_space<semaphore_mem>> -> memref<1x!tpu.dma_semaphore, #tpu.memory_space<semaphore_mem>>
    %dma_wait3A_264 = tpu.memref_squeeze %dma_wait3A_263 : memref<1x!tpu.dma_semaphore, #tpu.memory_space<semaphore_mem>> -> memref<!tpu.dma_semaphore, #tpu.memory_space<semaphore_mem>>
    tpu.wait_indirect_dma semaphore(%dma_wait3A_264 : memref<!tpu.dma_semaphore, #tpu.memory_space<semaphore_mem>>) src(%dma_wait3A_262 : memref<8192x1024xf32, #tpu.memory_space<hbm>>) dst(%dma_wait3A_256 : memref<16x1024xf32, #tpu.memory_space<vmem>>)
    %scan3A = arith.constant 0 : i32
    %scan3A_265 = arith.constant 16 : i32
    %scan3A_266 = arith.addi %scan3A, %scan3A_265 : i32
    %scan3A_267 = arith.constant 1 : i32
    scf.for %scan3A_966 = %scan3A to %scan3A_266 step %scan3A_267  : i32 {
      %mul3A_967 = arith.constant 1 : i32
      %mul3A_968 = arith.muli %scan3A_966, %mul3A_967 : i32
      %add3A_969 = arith.constant 0 : i32
      %add3A_970 = arith.addi %add3A_969, %mul3A_968 : i32
      %scan3A_971 = arith.constant 0 : i32
      %scan3A_972 = arith.constant 16 : i32
      %scan3A_973 = arith.addi %scan3A_971, %scan3A_972 : i32
      %scan3A_974 = arith.constant 1 : i32
      scf.for %scan3A_976 = %scan3A_971 to %scan3A_973 step %scan3A_974  : i32 {
        %mul3A_977 = arith.constant 64 : i32
        %mul3A_978 = arith.muli %scan3A_976, %mul3A_977 : i32
        %add3A_979 = arith.constant 0 : i32
        %add3A_980 = arith.addi %add3A_979, %mul3A_978 : i32
        %add3A_981 = arith.constant 0 : i32
        %add3A_982 = arith.addi %add3A_980, %add3A_981 : i32
        %get3A_983 = arith.constant 0 : i32
        %get3A_984 = arith.index_cast %get3A_983 : i32 to index
        %get3A_985 = arith.index_cast %add3A_970 : i32 to index
        %get3A_986 = arith.index_cast %add3A_982 : i32 to index
        %get3A_987 = tpu.vector_load %arg10[%get3A_984, %get3A_985, %get3A_986] {strides = array<i32>} : memref<2x16x1024xf32, #tpu.memory_space<vmem>>, vector<1x1x16xf32>,
        %get3A_988 = vector.shape_cast %get3A_987 : vector<1x1x16xf32> to vector<16xf32>
        %get3A_989 = arith.constant 0 : i32
        %get3A_990 = arith.index_cast %get3A_989 : i32 to index
        %get3A_991 = arith.index_cast %add3A_970 : i32 to index
        %get3A_992 = arith.index_cast %add3A_982 : i32 to index
        %get3A_993 = tpu.vector_load %arg11[%get3A_990, %get3A_991, %get3A_992] {strides = array<i32>} : memref<2x16x1024xf32, #tpu.memory_space<vmem>>, vector<1x1x16xf32>,
        %get3A_994 = vector.shape_cast %get3A_993 : vector<1x1x16xf32> to vector<16xf32>
        %add3A_995 = arith.addf %get3A_988, %get3A_994 : vector<16xf32>
        %swap3A_996 = arith.constant 0 : i32
        %swap3A_997 = arith.index_cast %swap3A_996 : i32 to index
        %swap3A_998 = arith.index_cast %add3A_970 : i32 to index
        %swap3A_999 = arith.index_cast %add3A_982 : i32 to index
        %swap3A_1000 = tpu.vector_load %arg10[%swap3A_997, %swap3A_998, %swap3A_999] {strides = array<i32>} : memref<2x16x1024xf32, #tpu.memory_space<vmem>>, vector<1x1x16xf32>,
        %swap3A_1001 = vector.shape_cast %swap3A_1000 : vector<1x1x16xf32> to vector<16xf32>
        %swap3A_1002 = vector.shape_cast %add3A_995 : vector<16xf32> to vector<1x1x16xf32>
        tpu.vector_store %arg10[%swap3A_997, %swap3A_998, %swap3A_999], %swap3A_1002 {strides = array<i32>} : memref<2x16x1024xf32, #tpu.memory_space<vmem>>, vector<1x1x16xf32>,
        %add3A_1003 = arith.constant 16 : i32
        %add3A_1004 = arith.addi %add3A_980, %add3A_1003 : i32
        %get3A_1005 = arith.constant 0 : i32
        %get3A_1006 = arith.index_cast %get3A_1005 : i32 to index
        %get3A_1007 = arith.index_cast %add3A_970 : i32 to index
        %get3A_1008 = arith.index_cast %add3A_1004 : i32 to index
        %get3A_1009 = tpu.vector_load %arg10[%get3A_1006, %get3A_1007, %get3A_1008] {strides = array<i32>} : memref<2x16x1024xf32, #tpu.memory_space<vmem>>, vector<1x1x16xf32>,
        %get3A_1010 = vector.shape_cast %get3A_1009 : vector<1x1x16xf32> to vector<16xf32>
        %get3A_1011 = arith.constant 0 : i32
        %get3A_1012 = arith.index_cast %get3A_1011 : i32 to index
        %get3A_1013 = arith.index_cast %add3A_970 : i32 to index
        %get3A_1014 = arith.index_cast %add3A_1004 : i32 to index
        %get3A_1015 = tpu.vector_load %arg11[%get3A_1012, %get3A_1013, %get3A_1014] {strides = array<i32>} : memref<2x16x1024xf32, #tpu.memory_space<vmem>>, vector<1x1x16xf32>,
        %get3A_1016 = vector.shape_cast %get3A_1015 : vector<1x1x16xf32> to vector<16xf32>
        %add3A_1017 = arith.addf %get3A_1010, %get3A_1016 : vector<16xf32>
        %swap3A_1018 = arith.constant 0 : i32
        %swap3A_1019 = arith.index_cast %swap3A_1018 : i32 to index
        %swap3A_1020 = arith.index_cast %add3A_970 : i32 to index
        %swap3A_1021 = arith.index_cast %add3A_1004 : i32 to index
        %swap3A_1022 = tpu.vector_load %arg10[%swap3A_1019, %swap3A_1020, %swap3A_1021] {strides = array<i32>} : memref<2x16x1024xf32, #tpu.memory_space<vmem>>, vector<1x1x16xf32>,
        %swap3A_1023 = vector.shape_cast %swap3A_1022 : vector<1x1x16xf32> to vector<16xf32>
        %swap3A_1024 = vector.shape_cast %add3A_1017 : vector<16xf32> to vector<1x1x16xf32>
        tpu.vector_store %arg10[%swap3A_1019, %swap3A_1020, %swap3A_1021], %swap3A_1024 {strides = array<i32>} : memref<2x16x1024xf32, #tpu.memory_space<vmem>>, vector<1x1x16xf32>,
        %add3A_1025 = arith.constant 32 : i32
        %add3A_1026 = arith.addi %add3A_980, %add3A_1025 : i32
        %get3A_1027 = arith.constant 0 : i32
        %get3A_1028 = arith.index_cast %get3A_1027 : i32 to index
        %get3A_1029 = arith.index_cast %add3A_970 : i32 to index
        %get3A_1030 = arith.index_cast %add3A_1026 : i32 to index
        %get3A_1031 = tpu.vector_load %arg10[%get3A_1028, %get3A_1029, %get3A_1030] {strides = array<i32>} : memref<2x16x1024xf32, #tpu.memory_space<vmem>>, vector<1x1x16xf32>,
        %get3A_1032 = vector.shape_cast %get3A_1031 : vector<1x1x16xf32> to vector<16xf32>
        %get3A_1033 = arith.constant 0 : i32
        %get3A_1034 = arith.index_cast %get3A_1033 : i32 to index
        %get3A_1035 = arith.index_cast %add3A_970 : i32 to index
        %get3A_1036 = arith.index_cast %add3A_1026 : i32 to index
        %get3A_1037 = tpu.vector_load %arg11[%get3A_1034, %get3A_1035, %get3A_1036] {strides = array<i32>} : memref<2x16x1024xf32, #tpu.memory_space<vmem>>, vector<1x1x16xf32>,
        %get3A_1038 = vector.shape_cast %get3A_1037 : vector<1x1x16xf32> to vector<16xf32>
        %add3A_1039 = arith.addf %get3A_1032, %get3A_1038 : vector<16xf32>
        %swap3A_1040 = arith.constant 0 : i32
        %swap3A_1041 = arith.index_cast %swap3A_1040 : i32 to index
        %swap3A_1042 = arith.index_cast %add3A_970 : i32 to index
        %swap3A_1043 = arith.index_cast %add3A_1026 : i32 to index
        %swap3A_1044 = tpu.vector_load %arg10[%swap3A_1041, %swap3A_1042, %swap3A_1043] {strides = array<i32>} : memref<2x16x1024xf32, #tpu.memory_space<vmem>>, vector<1x1x16xf32>,
        %swap3A_1045 = vector.shape_cast %swap3A_1044 : vector<1x1x16xf32> to vector<16xf32>
        %swap3A_1046 = vector.shape_cast %add3A_1039 : vector<16xf32> to vector<1x1x16xf32>
        tpu.vector_store %arg10[%swap3A_1041, %swap3A_1042, %swap3A_1043], %swap3A_1046 {strides = array<i32>} : memref<2x16x1024xf32, #tpu.memory_space<vmem>>, vector<1x1x16xf32>,
        %add3A_1047 = arith.constant 48 : i32
        %add3A_1048 = arith.addi %add3A_980, %add3A_1047 : i32
        %get3A_1049 = arith.constant 0 : i32
        %get3A_1050 = arith.index_cast %get3A_1049 : i32 to index
        %get3A_1051 = arith.index_cast %add3A_970 : i32 to index
        %get3A_1052 = arith.index_cast %add3A_1048 : i32 to index
        %get3A_1053 = tpu.vector_load %arg10[%get3A_1050, %get3A_1051, %get3A_1052] {strides = array<i32>} : memref<2x16x1024xf32, #tpu.memory_space<vmem>>, vector<1x1x16xf32>,
        %get3A_1054 = vector.shape_cast %get3A_1053 : vector<1x1x16xf32> to vector<16xf32>
        %get3A_1055 = arith.constant 0 : i32
        %get3A_1056 = arith.index_cast %get3A_1055 : i32 to index
        %get3A_1057 = arith.index_cast %add3A_970 : i32 to index
        %get3A_1058 = arith.index_cast %add3A_1048 : i32 to index
        %get3A_1059 = tpu.vector_load %arg11[%get3A_1056, %get3A_1057, %get3A_1058] {strides = array<i32>} : memref<2x16x1024xf32, #tpu.memory_space<vmem>>, vector<1x1x16xf32>,
        %get3A_1060 = vector.shape_cast %get3A_1059 : vector<1x1x16xf32> to vector<16xf32>
        %add3A_1061 = arith.addf %get3A_1054, %get3A_1060 : vector<16xf32>
        %swap3A_1062 = arith.constant 0 : i32
        %swap3A_1063 = arith.index_cast %swap3A_1062 : i32 to index
        %swap3A_1064 = arith.index_cast %add3A_970 : i32 to index
        %swap3A_1065 = arith.index_cast %add3A_1048 : i32 to index
        %swap3A_1066 = tpu.vector_load %arg10[%swap3A_1063, %swap3A_1064, %swap3A_1065] {strides = array<i32>} : memref<2x16x1024xf32, #tpu.memory_space<vmem>>, vector<1x1x16xf32>,
        %swap3A_1067 = vector.shape_cast %swap3A_1066 : vector<1x1x16xf32> to vector<16xf32>
        %swap3A_1068 = vector.shape_cast %add3A_1061 : vector<16xf32> to vector<1x1x16xf32>
        tpu.vector_store %arg10[%swap3A_1063, %swap3A_1064, %swap3A_1065], %swap3A_1068 {strides = array<i32>} : memref<2x16x1024xf32, #tpu.memory_space<vmem>>, vector<1x1x16xf32>,
      }
      %scan3A_975 = arith.constant 16 : i32
    }
    %scan3A_268 = arith.constant 16 : i32
    %add3A_269 = arith.constant 0 : i32
    %add3A_270 = arith.addi %mul3A_2, %add3A_269 : i32
    %dma_start3A_271 = arith.constant 0 : i32
    %dma_start3A_272 = arith.constant 0 : i32
    %dma_start3A_273 = arith.constant 0 : i32
    %dma_start3A_274 = arith.constant 0 : i32
    %dma_start3A_275 = tpu.memref_slice %arg10[%dma_start3A_271, %dma_start3A_273, %dma_start3A_274] : memref<2x16x1024xf32, #tpu.memory_space<vmem>> -> memref<1x16x1024xf32, #tpu.memory_space<vmem>>
    %dma_start3A_276 = tpu.memref_squeeze %dma_start3A_275 : memref<1x16x1024xf32, #tpu.memory_space<vmem>> -> memref<16x1024xf32, #tpu.memory_space<vmem>>
    %dma_start3A_277 = arith.constant 0 : i32
    %dma_start3A_278 = tpu.memref_slice %arg5[%add3A_270, %dma_start3A_277] : memref<4096x1024xf32, #tpu.memory_space<hbm>> -> memref<16x1024xf32, #tpu.memory_space<hbm>>
    %dma_start3A_279 = tpu.memref_slice %arg14[%dma_start3A_272] : memref<2x!tpu.dma_semaphore, #tpu.memory_space<semaphore_mem>> -> memref<1x!tpu.dma_semaphore, #tpu.memory_space<semaphore_mem>>
    %dma_start3A_280 = tpu.memref_squeeze %dma_start3A_279 : memref<1x!tpu.dma_semaphore, #tpu.memory_space<semaphore_mem>> -> memref<!tpu.dma_semaphore, #tpu.memory_space<semaphore_mem>>
    %dma_start3A_281 = arith.constant 0 : i32
    %dma_start3A_282 = tpu.memref_slice %arg5[%add3A_270, %dma_start3A_281] : memref<4096x1024xf32, #tpu.memory_space<hbm>> -> memref<16x1024xf32, #tpu.memory_space<hbm>>
    %dma_start3A_283 = arith.constant 0 : i32
    %dma_start3A_284 = arith.constant 0 : i32
    %dma_start3A_285 = tpu.memref_slice %arg10[%dma_start3A_271, %dma_start3A_283, %dma_start3A_284] : memref<2x16x1024xf32, #tpu.memory_space<vmem>> -> memref<1x16x1024xf32, #tpu.memory_space<vmem>>
    %dma_start3A_286 = tpu.memref_squeeze %dma_start3A_285 : memref<1x16x1024xf32, #tpu.memory_space<vmem>> -> memref<16x1024xf32, #tpu.memory_space<vmem>>
    tpu.enqueue_dma source(%dma_start3A_286 : memref<16x1024xf32, #tpu.memory_space<vmem>>) target(%dma_start3A_282 : memref<16x1024xf32, #tpu.memory_space<hbm>>) target_semaphore(%dma_start3A_280 : memref<!tpu.dma_semaphore, #tpu.memory_space<semaphore_mem>>)
    %dma_start3A_287 = arith.constant 2 : i32
    %dma_start3A_288 = arith.constant 0 : i32
    %dma_start3A_289 = arith.constant 0 : i32
    %dma_start3A_290 = arith.constant 0 : i32
    %dma_start3A_291 = arith.constant 0 : i32
    %dma_start3A_292 = tpu.memref_slice %arg10[%dma_start3A_288, %dma_start3A_290, %dma_start3A_291] : memref<2x16x1024xf32, #tpu.memory_space<vmem>> -> memref<1x16x1024xf32, #tpu.memory_space<vmem>>
    %dma_start3A_293 = tpu.memref_squeeze %dma_start3A_292 : memref<1x16x1024xf32, #tpu.memory_space<vmem>> -> memref<16x1024xf32, #tpu.memory_space<vmem>>
    %dma_start3A_294 = arith.constant 0 : i32
    %dma_start3A_295 = tpu.memref_slice %arg8[%dma_start3A_287, %dma_start3A_294] : memref<8x16xi32, #tpu.memory_space<vmem>> -> memref<1x16xi32, #tpu.memory_space<vmem>>
    %dma_start3A_296 = tpu.memref_squeeze %dma_start3A_295 : memref<1x16xi32, #tpu.memory_space<vmem>> -> memref<16xi32, #tpu.memory_space<vmem>>
    %dma_start3A_297 = arith.constant 0 : i32
    %dma_start3A_298 = arith.constant 0 : i32
    %dma_start3A_299 = tpu.memref_slice %arg2[%dma_start3A_297, %dma_start3A_298] : memref<8192x1024xf32, #tpu.memory_space<hbm>> -> memref<8192x1024xf32, #tpu.memory_space<hbm>>
    %dma_start3A_300 = tpu.memref_slice %arg12[%dma_start3A_289] : memref<2x!tpu.dma_semaphore, #tpu.memory_space<semaphore_mem>> -> memref<1x!tpu.dma_semaphore, #tpu.memory_space<semaphore_mem>>
    %dma_start3A_301 = tpu.memref_squeeze %dma_start3A_300 : memref<1x!tpu.dma_semaphore, #tpu.memory_space<semaphore_mem>> -> memref<!tpu.dma_semaphore, #tpu.memory_space<semaphore_mem>>
    tpu.enqueue_indirect_dma source(%dma_start3A_299 : memref<8192x1024xf32, #tpu.memory_space<hbm>>) target(%dma_start3A_293 : memref<16x1024xf32, #tpu.memory_space<vmem>>) offsets(%dma_start3A_296 : memref<16xi32, #tpu.memory_space<vmem>>) semaphore(%dma_start3A_301 : memref<!tpu.dma_semaphore, #tpu.memory_space<semaphore_mem>>)
    %dma_start3A_302 = arith.constant 2 : i32
    %dma_start3A_303 = arith.constant 0 : i32
    %dma_start3A_304 = arith.constant 0 : i32
    %dma_start3A_305 = arith.constant 0 : i32
    %dma_start3A_306 = arith.constant 0 : i32
    %dma_start3A_307 = tpu.memref_slice %arg11[%dma_start3A_303, %dma_start3A_305, %dma_start3A_306] : memref<2x16x1024xf32, #tpu.memory_space<vmem>> -> memref<1x16x1024xf32, #tpu.memory_space<vmem>>
    %dma_start3A_308 = tpu.memref_squeeze %dma_start3A_307 : memref<1x16x1024xf32, #tpu.memory_space<vmem>> -> memref<16x1024xf32, #tpu.memory_space<vmem>>
    %dma_start3A_309 = arith.constant 0 : i32
    %dma_start3A_310 = tpu.memref_slice %arg9[%dma_start3A_302, %dma_start3A_309] : memref<8x16xi32, #tpu.memory_space<vmem>> -> memref<1x16xi32, #tpu.memory_space<vmem>>
    %dma_start3A_311 = tpu.memref_squeeze %dma_start3A_310 : memref<1x16xi32, #tpu.memory_space<vmem>> -> memref<16xi32, #tpu.memory_space<vmem>>
    %dma_start3A_312 = arith.constant 0 : i32
    %dma_start3A_313 = arith.constant 0 : i32
    %dma_start3A_314 = tpu.memref_slice %arg2[%dma_start3A_312, %dma_start3A_313] : memref<8192x1024xf32, #tpu.memory_space<hbm>> -> memref<8192x1024xf32, #tpu.memory_space<hbm>>
    %dma_start3A_315 = tpu.memref_slice %arg13[%dma_start3A_304] : memref<2x!tpu.dma_semaphore, #tpu.memory_space<semaphore_mem>> -> memref<1x!tpu.dma_semaphore, #tpu.memory_space<semaphore_mem>>
    %dma_start3A_316 = tpu.memref_squeeze %dma_start3A_315 : memref<1x!tpu.dma_semaphore, #tpu.memory_space<semaphore_mem>> -> memref<!tpu.dma_semaphore, #tpu.memory_space<semaphore_mem>>
    tpu.enqueue_indirect_dma source(%dma_start3A_314 : memref<8192x1024xf32, #tpu.memory_space<hbm>>) target(%dma_start3A_308 : memref<16x1024xf32, #tpu.memory_space<vmem>>) offsets(%dma_start3A_311 : memref<16xi32, #tpu.memory_space<vmem>>) semaphore(%dma_start3A_316 : memref<!tpu.dma_semaphore, #tpu.memory_space<semaphore_mem>>)
    %dma_wait3A_317 = arith.constant 1 : i32
    %dma_wait3A_318 = arith.constant 1 : i32
    %dma_wait3A_319 = arith.constant 1 : i32
    %dma_wait3A_320 = arith.constant 0 : i32
    %dma_wait3A_321 = arith.constant 0 : i32
    %dma_wait3A_322 = tpu.memref_slice %arg10[%dma_wait3A_318, %dma_wait3A_320, %dma_wait3A_321] : memref<2x16x1024xf32, #tpu.memory_space<vmem>> -> memref<1x16x1024xf32, #tpu.memory_space<vmem>>
    %dma_wait3A_323 = tpu.memref_squeeze %dma_wait3A_322 : memref<1x16x1024xf32, #tpu.memory_space<vmem>> -> memref<16x1024xf32, #tpu.memory_space<vmem>>
    %dma_wait3A_324 = arith.constant 0 : i32
    %dma_wait3A_325 = tpu.memref_slice %arg8[%dma_wait3A_317, %dma_wait3A_324] : memref<8x16xi32, #tpu.memory_space<vmem>> -> memref<1x16xi32, #tpu.memory_space<vmem>>
    %dma_wait3A_326 = tpu.memref_squeeze %dma_wait3A_325 : memref<1x16xi32, #tpu.memory_space<vmem>> -> memref<16xi32, #tpu.memory_space<vmem>>
    %dma_wait3A_327 = arith.constant 0 : i32
    %dma_wait3A_328 = arith.constant 0 : i32
    %dma_wait3A_329 = tpu.memref_slice %arg2[%dma_wait3A_327, %dma_wait3A_328] : memref<8192x1024xf32, #tpu.memory_space<hbm>> -> memref<8192x1024xf32, #tpu.memory_space<hbm>>
    %dma_wait3A_330 = tpu.memref_slice %arg12[%dma_wait3A_319] : memref<2x!tpu.dma_semaphore, #tpu.memory_space<semaphore_mem>> -> memref<1x!tpu.dma_semaphore, #tpu.memory_space<semaphore_mem>>
    %dma_wait3A_331 = tpu.memref_squeeze %dma_wait3A_330 : memref<1x!tpu.dma_semaphore, #tpu.memory_space<semaphore_mem>> -> memref<!tpu.dma_semaphore, #tpu.memory_space<semaphore_mem>>
    tpu.wait_indirect_dma semaphore(%dma_wait3A_331 : memref<!tpu.dma_semaphore, #tpu.memory_space<semaphore_mem>>) src(%dma_wait3A_329 : memref<8192x1024xf32, #tpu.memory_space<hbm>>) dst(%dma_wait3A_323 : memref<16x1024xf32, #tpu.memory_space<vmem>>)
    %dma_wait3A_332 = arith.constant 1 : i32
    %dma_wait3A_333 = arith.constant 1 : i32
    %dma_wait3A_334 = arith.constant 1 : i32
    %dma_wait3A_335 = arith.constant 0 : i32
    %dma_wait3A_336 = arith.constant 0 : i32
    %dma_wait3A_337 = tpu.memref_slice %arg11[%dma_wait3A_333, %dma_wait3A_335, %dma_wait3A_336] : memref<2x16x1024xf32, #tpu.memory_space<vmem>> -> memref<1x16x1024xf32, #tpu.memory_space<vmem>>
    %dma_wait3A_338 = tpu.memref_squeeze %dma_wait3A_337 : memref<1x16x1024xf32, #tpu.memory_space<vmem>> -> memref<16x1024xf32, #tpu.memory_space<vmem>>
    %dma_wait3A_339 = arith.constant 0 : i32
    %dma_wait3A_340 = tpu.memref_slice %arg9[%dma_wait3A_332, %dma_wait3A_339] : memref<8x16xi32, #tpu.memory_space<vmem>> -> memref<1x16xi32, #tpu.memory_space<vmem>>
    %dma_wait3A_341 = tpu.memref_squeeze %dma_wait3A_340 : memref<1x16xi32, #tpu.memory_space<vmem>> -> memref<16xi32, #tpu.memory_space<vmem>>
    %dma_wait3A_342 = arith.constant 0 : i32
    %dma_wait3A_343 = arith.constant 0 : i32
    %dma_wait3A_344 = tpu.memref_slice %arg2[%dma_wait3A_342, %dma_wait3A_343] : memref<8192x1024xf32, #tpu.memory_space<hbm>> -> memref<8192x1024xf32, #tpu.memory_space<hbm>>
    %dma_wait3A_345 = tpu.memref_slice %arg13[%dma_wait3A_334] : memref<2x!tpu.dma_semaphore, #tpu.memory_space<semaphore_mem>> -> memref<1x!tpu.dma_semaphore, #tpu.memory_space<semaphore_mem>>
    %dma_wait3A_346 = tpu.memref_squeeze %dma_wait3A_345 : memref<1x!tpu.dma_semaphore, #tpu.memory_space<semaphore_mem>> -> memref<!tpu.dma_semaphore, #tpu.memory_space<semaphore_mem>>
    tpu.wait_indirect_dma semaphore(%dma_wait3A_346 : memref<!tpu.dma_semaphore, #tpu.memory_space<semaphore_mem>>) src(%dma_wait3A_344 : memref<8192x1024xf32, #tpu.memory_space<hbm>>) dst(%dma_wait3A_338 : memref<16x1024xf32, #tpu.memory_space<vmem>>)
    %scan3A_347 = arith.constant 0 : i32
    %scan3A_348 = arith.constant 16 : i32
    %scan3A_349 = arith.addi %scan3A_347, %scan3A_348 : i32
    %scan3A_350 = arith.constant 1 : i32
    scf.for %scan3A_966 = %scan3A_347 to %scan3A_349 step %scan3A_350  : i32 {
      %mul3A_967 = arith.constant 1 : i32
      %mul3A_968 = arith.muli %scan3A_966, %mul3A_967 : i32
      %add3A_969 = arith.constant 0 : i32
      %add3A_970 = arith.addi %add3A_969, %mul3A_968 : i32
      %scan3A_971 = arith.constant 0 : i32
      %scan3A_972 = arith.constant 16 : i32
      %scan3A_973 = arith.addi %scan3A_971, %scan3A_972 : i32
      %scan3A_974 = arith.constant 1 : i32
      scf.for %scan3A_976 = %scan3A_971 to %scan3A_973 step %scan3A_974  : i32 {
        %mul3A_977 = arith.constant 64 : i32
        %mul3A_978 = arith.muli %scan3A_976, %mul3A_977 : i32
        %add3A_979 = arith.constant 0 : i32
        %add3A_980 = arith.addi %add3A_979, %mul3A_978 : i32
        %add3A_981 = arith.constant 0 : i32
        %add3A_982 = arith.addi %add3A_980, %add3A_981 : i32
        %get3A_983 = arith.constant 1 : i32
        %get3A_984 = arith.index_cast %get3A_983 : i32 to index
        %get3A_985 = arith.index_cast %add3A_970 : i32 to index
        %get3A_986 = arith.index_cast %add3A_982 : i32 to index
        %get3A_987 = tpu.vector_load %arg10[%get3A_984, %get3A_985, %get3A_986] {strides = array<i32>} : memref<2x16x1024xf32, #tpu.memory_space<vmem>>, vector<1x1x16xf32>,
        %get3A_988 = vector.shape_cast %get3A_987 : vector<1x1x16xf32> to vector<16xf32>
        %get3A_989 = arith.constant 1 : i32
        %get3A_990 = arith.index_cast %get3A_989 : i32 to index
        %get3A_991 = arith.index_cast %add3A_970 : i32 to index
        %get3A_992 = arith.index_cast %add3A_982 : i32 to index
        %get3A_993 = tpu.vector_load %arg11[%get3A_990, %get3A_991, %get3A_992] {strides = array<i32>} : memref<2x16x1024xf32, #tpu.memory_space<vmem>>, vector<1x1x16xf32>,
        %get3A_994 = vector.shape_cast %get3A_993 : vector<1x1x16xf32> to vector<16xf32>
        %add3A_995 = arith.addf %get3A_988, %get3A_994 : vector<16xf32>
        %swap3A_996 = arith.constant 1 : i32
        %swap3A_997 = arith.index_cast %swap3A_996 : i32 to index
        %swap3A_998 = arith.index_cast %add3A_970 : i32 to index
        %swap3A_999 = arith.index_cast %add3A_982 : i32 to index
        %swap3A_1000 = tpu.vector_load %arg10[%swap3A_997, %swap3A_998, %swap3A_999] {strides = array<i32>} : memref<2x16x1024xf32, #tpu.memory_space<vmem>>, vector<1x1x16xf32>,
        %swap3A_1001 = vector.shape_cast %swap3A_1000 : vector<1x1x16xf32> to vector<16xf32>
        %swap3A_1002 = vector.shape_cast %add3A_995 : vector<16xf32> to vector<1x1x16xf32>
        tpu.vector_store %arg10[%swap3A_997, %swap3A_998, %swap3A_999], %swap3A_1002 {strides = array<i32>} : memref<2x16x1024xf32, #tpu.memory_space<vmem>>, vector<1x1x16xf32>,
        %add3A_1003 = arith.constant 16 : i32
        %add3A_1004 = arith.addi %add3A_980, %add3A_1003 : i32
        %get3A_1005 = arith.constant 1 : i32
        %get3A_1006 = arith.index_cast %get3A_1005 : i32 to index
        %get3A_1007 = arith.index_cast %add3A_970 : i32 to index
        %get3A_1008 = arith.index_cast %add3A_1004 : i32 to index
        %get3A_1009 = tpu.vector_load %arg10[%get3A_1006, %get3A_1007, %get3A_1008] {strides = array<i32>} : memref<2x16x1024xf32, #tpu.memory_space<vmem>>, vector<1x1x16xf32>,
        %get3A_1010 = vector.shape_cast %get3A_1009 : vector<1x1x16xf32> to vector<16xf32>
        %get3A_1011 = arith.constant 1 : i32
        %get3A_1012 = arith.index_cast %get3A_1011 : i32 to index
        %get3A_1013 = arith.index_cast %add3A_970 : i32 to index
        %get3A_1014 = arith.index_cast %add3A_1004 : i32 to index
        %get3A_1015 = tpu.vector_load %arg11[%get3A_1012, %get3A_1013, %get3A_1014] {strides = array<i32>} : memref<2x16x1024xf32, #tpu.memory_space<vmem>>, vector<1x1x16xf32>,
        %get3A_1016 = vector.shape_cast %get3A_1015 : vector<1x1x16xf32> to vector<16xf32>
        %add3A_1017 = arith.addf %get3A_1010, %get3A_1016 : vector<16xf32>
        %swap3A_1018 = arith.constant 1 : i32
        %swap3A_1019 = arith.index_cast %swap3A_1018 : i32 to index
        %swap3A_1020 = arith.index_cast %add3A_970 : i32 to index
        %swap3A_1021 = arith.index_cast %add3A_1004 : i32 to index
        %swap3A_1022 = tpu.vector_load %arg10[%swap3A_1019, %swap3A_1020, %swap3A_1021] {strides = array<i32>} : memref<2x16x1024xf32, #tpu.memory_space<vmem>>, vector<1x1x16xf32>,
        %swap3A_1023 = vector.shape_cast %swap3A_1022 : vector<1x1x16xf32> to vector<16xf32>
        %swap3A_1024 = vector.shape_cast %add3A_1017 : vector<16xf32> to vector<1x1x16xf32>
        tpu.vector_store %arg10[%swap3A_1019, %swap3A_1020, %swap3A_1021], %swap3A_1024 {strides = array<i32>} : memref<2x16x1024xf32, #tpu.memory_space<vmem>>, vector<1x1x16xf32>,
        %add3A_1025 = arith.constant 32 : i32
        %add3A_1026 = arith.addi %add3A_980, %add3A_1025 : i32
        %get3A_1027 = arith.constant 1 : i32
        %get3A_1028 = arith.index_cast %get3A_1027 : i32 to index
        %get3A_1029 = arith.index_cast %add3A_970 : i32 to index
        %get3A_1030 = arith.index_cast %add3A_1026 : i32 to index
        %get3A_1031 = tpu.vector_load %arg10[%get3A_1028, %get3A_1029, %get3A_1030] {strides = array<i32>} : memref<2x16x1024xf32, #tpu.memory_space<vmem>>, vector<1x1x16xf32>,
        %get3A_1032 = vector.shape_cast %get3A_1031 : vector<1x1x16xf32> to vector<16xf32>
        %get3A_1033 = arith.constant 1 : i32
        %get3A_1034 = arith.index_cast %get3A_1033 : i32 to index
        %get3A_1035 = arith.index_cast %add3A_970 : i32 to index
        %get3A_1036 = arith.index_cast %add3A_1026 : i32 to index
        %get3A_1037 = tpu.vector_load %arg11[%get3A_1034, %get3A_1035, %get3A_1036] {strides = array<i32>} : memref<2x16x1024xf32, #tpu.memory_space<vmem>>, vector<1x1x16xf32>,
        %get3A_1038 = vector.shape_cast %get3A_1037 : vector<1x1x16xf32> to vector<16xf32>
        %add3A_1039 = arith.addf %get3A_1032, %get3A_1038 : vector<16xf32>
        %swap3A_1040 = arith.constant 1 : i32
        %swap3A_1041 = arith.index_cast %swap3A_1040 : i32 to index
        %swap3A_1042 = arith.index_cast %add3A_970 : i32 to index
        %swap3A_1043 = arith.index_cast %add3A_1026 : i32 to index
        %swap3A_1044 = tpu.vector_load %arg10[%swap3A_1041, %swap3A_1042, %swap3A_1043] {strides = array<i32>} : memref<2x16x1024xf32, #tpu.memory_space<vmem>>, vector<1x1x16xf32>,
        %swap3A_1045 = vector.shape_cast %swap3A_1044 : vector<1x1x16xf32> to vector<16xf32>
        %swap3A_1046 = vector.shape_cast %add3A_1039 : vector<16xf32> to vector<1x1x16xf32>
        tpu.vector_store %arg10[%swap3A_1041, %swap3A_1042, %swap3A_1043], %swap3A_1046 {strides = array<i32>} : memref<2x16x1024xf32, #tpu.memory_space<vmem>>, vector<1x1x16xf32>,
        %add3A_1047 = arith.constant 48 : i32
        %add3A_1048 = arith.addi %add3A_980, %add3A_1047 : i32
        %get3A_1049 = arith.constant 1 : i32
        %get3A_1050 = arith.index_cast %get3A_1049 : i32 to index
        %get3A_1051 = arith.index_cast %add3A_970 : i32 to index
        %get3A_1052 = arith.index_cast %add3A_1048 : i32 to index
        %get3A_1053 = tpu.vector_load %arg10[%get3A_1050, %get3A_1051, %get3A_1052] {strides = array<i32>} : memref<2x16x1024xf32, #tpu.memory_space<vmem>>, vector<1x1x16xf32>,
        %get3A_1054 = vector.shape_cast %get3A_1053 : vector<1x1x16xf32> to vector<16xf32>
        %get3A_1055 = arith.constant 1 : i32
        %get3A_1056 = arith.index_cast %get3A_1055 : i32 to index
        %get3A_1057 = arith.index_cast %add3A_970 : i32 to index
        %get3A_1058 = arith.index_cast %add3A_1048 : i32 to index
        %get3A_1059 = tpu.vector_load %arg11[%get3A_1056, %get3A_1057, %get3A_1058] {strides = array<i32>} : memref<2x16x1024xf32, #tpu.memory_space<vmem>>, vector<1x1x16xf32>,
        %get3A_1060 = vector.shape_cast %get3A_1059 : vector<1x1x16xf32> to vector<16xf32>
        %add3A_1061 = arith.addf %get3A_1054, %get3A_1060 : vector<16xf32>
        %swap3A_1062 = arith.constant 1 : i32
        %swap3A_1063 = arith.index_cast %swap3A_1062 : i32 to index
        %swap3A_1064 = arith.index_cast %add3A_970 : i32 to index
        %swap3A_1065 = arith.index_cast %add3A_1048 : i32 to index
        %swap3A_1066 = tpu.vector_load %arg10[%swap3A_1063, %swap3A_1064, %swap3A_1065] {strides = array<i32>} : memref<2x16x1024xf32, #tpu.memory_space<vmem>>, vector<1x1x16xf32>,
        %swap3A_1067 = vector.shape_cast %swap3A_1066 : vector<1x1x16xf32> to vector<16xf32>
        %swap3A_1068 = vector.shape_cast %add3A_1061 : vector<16xf32> to vector<1x1x16xf32>
        tpu.vector_store %arg10[%swap3A_1063, %swap3A_1064, %swap3A_1065], %swap3A_1068 {strides = array<i32>} : memref<2x16x1024xf32, #tpu.memory_space<vmem>>, vector<1x1x16xf32>,
      }
      %scan3A_975 = arith.constant 16 : i32
    }
    %scan3A_351 = arith.constant 16 : i32
    %add3A_352 = arith.constant 16 : i32
    %add3A_353 = arith.addi %mul3A_2, %add3A_352 : i32
    %dma_start3A_354 = arith.constant 1 : i32
    %dma_start3A_355 = arith.constant 1 : i32
    %dma_start3A_356 = arith.constant 0 : i32
    %dma_start3A_357 = arith.constant 0 : i32
    %dma_start3A_358 = tpu.memref_slice %arg10[%dma_start3A_354, %dma_start3A_356, %dma_start3A_357] : memref<2x16x1024xf32, #tpu.memory_space<vmem>> -> memref<1x16x1024xf32, #tpu.memory_space<vmem>>
    %dma_start3A_359 = tpu.memref_squeeze %dma_start3A_358 : memref<1x16x1024xf32, #tpu.memory_space<vmem>> -> memref<16x1024xf32, #tpu.memory_space<vmem>>
    %dma_start3A_360 = arith.constant 0 : i32
    %dma_start3A_361 = tpu.memref_slice %arg5[%add3A_353, %dma_start3A_360] : memref<4096x1024xf32, #tpu.memory_space<hbm>> -> memref<16x1024xf32, #tpu.memory_space<hbm>>
    %dma_start3A_362 = tpu.memref_slice %arg14[%dma_start3A_355] : memref<2x!tpu.dma_semaphore, #tpu.memory_space<semaphore_mem>> -> memref<1x!tpu.dma_semaphore, #tpu.memory_space<semaphore_mem>>
    %dma_start3A_363 = tpu.memref_squeeze %dma_start3A_362 : memref<1x!tpu.dma_semaphore, #tpu.memory_space<semaphore_mem>> -> memref<!tpu.dma_semaphore, #tpu.memory_space<semaphore_mem>>
    %dma_start3A_364 = arith.constant 0 : i32
    %dma_start3A_365 = tpu.memref_slice %arg5[%add3A_353, %dma_start3A_364] : memref<4096x1024xf32, #tpu.memory_space<hbm>> -> memref<16x1024xf32, #tpu.memory_space<hbm>>
    %dma_start3A_366 = arith.constant 0 : i32
    %dma_start3A_367 = arith.constant 0 : i32
    %dma_start3A_368 = tpu.memref_slice %arg10[%dma_start3A_354, %dma_start3A_366, %dma_start3A_367] : memref<2x16x1024xf32, #tpu.memory_space<vmem>> -> memref<1x16x1024xf32, #tpu.memory_space<vmem>>
    %dma_start3A_369 = tpu.memref_squeeze %dma_start3A_368 : memref<1x16x1024xf32, #tpu.memory_space<vmem>> -> memref<16x1024xf32, #tpu.memory_space<vmem>>
    tpu.enqueue_dma source(%dma_start3A_369 : memref<16x1024xf32, #tpu.memory_space<vmem>>) target(%dma_start3A_365 : memref<16x1024xf32, #tpu.memory_space<hbm>>) target_semaphore(%dma_start3A_363 : memref<!tpu.dma_semaphore, #tpu.memory_space<semaphore_mem>>)
    %dma_start3A_370 = arith.constant 3 : i32
    %dma_start3A_371 = arith.constant 1 : i32
    %dma_start3A_372 = arith.constant 1 : i32
    %dma_start3A_373 = arith.constant 0 : i32
    %dma_start3A_374 = arith.constant 0 : i32
    %dma_start3A_375 = tpu.memref_slice %arg10[%dma_start3A_371, %dma_start3A_373, %dma_start3A_374] : memref<2x16x1024xf32, #tpu.memory_space<vmem>> -> memref<1x16x1024xf32, #tpu.memory_space<vmem>>
    %dma_start3A_376 = tpu.memref_squeeze %dma_start3A_375 : memref<1x16x1024xf32, #tpu.memory_space<vmem>> -> memref<16x1024xf32, #tpu.memory_space<vmem>>
    %dma_start3A_377 = arith.constant 0 : i32
    %dma_start3A_378 = tpu.memref_slice %arg8[%dma_start3A_370, %dma_start3A_377] : memref<8x16xi32, #tpu.memory_space<vmem>> -> memref<1x16xi32, #tpu.memory_space<vmem>>
    %dma_start3A_379 = tpu.memref_squeeze %dma_start3A_378 : memref<1x16xi32, #tpu.memory_space<vmem>> -> memref<16xi32, #tpu.memory_space<vmem>>
    %dma_start3A_380 = arith.constant 0 : i32
    %dma_start3A_381 = arith.constant 0 : i32
    %dma_start3A_382 = tpu.memref_slice %arg2[%dma_start3A_380, %dma_start3A_381] : memref<8192x1024xf32, #tpu.memory_space<hbm>> -> memref<8192x1024xf32, #tpu.memory_space<hbm>>
    %dma_start3A_383 = tpu.memref_slice %arg12[%dma_start3A_372] : memref<2x!tpu.dma_semaphore, #tpu.memory_space<semaphore_mem>> -> memref<1x!tpu.dma_semaphore, #tpu.memory_space<semaphore_mem>>
    %dma_start3A_384 = tpu.memref_squeeze %dma_start3A_383 : memref<1x!tpu.dma_semaphore, #tpu.memory_space<semaphore_mem>> -> memref<!tpu.dma_semaphore, #tpu.memory_space<semaphore_mem>>
    tpu.enqueue_indirect_dma source(%dma_start3A_382 : memref<8192x1024xf32, #tpu.memory_space<hbm>>) target(%dma_start3A_376 : memref<16x1024xf32, #tpu.memory_space<vmem>>) offsets(%dma_start3A_379 : memref<16xi32, #tpu.memory_space<vmem>>) semaphore(%dma_start3A_384 : memref<!tpu.dma_semaphore, #tpu.memory_space<semaphore_mem>>)
    %dma_start3A_385 = arith.constant 3 : i32
    %dma_start3A_386 = arith.constant 1 : i32
    %dma_start3A_387 = arith.constant 1 : i32
    %dma_start3A_388 = arith.constant 0 : i32
    %dma_start3A_389 = arith.constant 0 : i32
    %dma_start3A_390 = tpu.memref_slice %arg11[%dma_start3A_386, %dma_start3A_388, %dma_start3A_389] : memref<2x16x1024xf32, #tpu.memory_space<vmem>> -> memref<1x16x1024xf32, #tpu.memory_space<vmem>>
    %dma_start3A_391 = tpu.memref_squeeze %dma_start3A_390 : memref<1x16x1024xf32, #tpu.memory_space<vmem>> -> memref<16x1024xf32, #tpu.memory_space<vmem>>
    %dma_start3A_392 = arith.constant 0 : i32
    %dma_start3A_393 = tpu.memref_slice %arg9[%dma_start3A_385, %dma_start3A_392] : memref<8x16xi32, #tpu.memory_space<vmem>> -> memref<1x16xi32, #tpu.memory_space<vmem>>
    %dma_start3A_394 = tpu.memref_squeeze %dma_start3A_393 : memref<1x16xi32, #tpu.memory_space<vmem>> -> memref<16xi32, #tpu.memory_space<vmem>>
    %dma_start3A_395 = arith.constant 0 : i32
    %dma_start3A_396 = arith.constant 0 : i32
    %dma_start3A_397 = tpu.memref_slice %arg2[%dma_start3A_395, %dma_start3A_396] : memref<8192x1024xf32, #tpu.memory_space<hbm>> -> memref<8192x1024xf32, #tpu.memory_space<hbm>>
    %dma_start3A_398 = tpu.memref_slice %arg13[%dma_start3A_387] : memref<2x!tpu.dma_semaphore, #tpu.memory_space<semaphore_mem>> -> memref<1x!tpu.dma_semaphore, #tpu.memory_space<semaphore_mem>>
    %dma_start3A_399 = tpu.memref_squeeze %dma_start3A_398 : memref<1x!tpu.dma_semaphore, #tpu.memory_space<semaphore_mem>> -> memref<!tpu.dma_semaphore, #tpu.memory_space<semaphore_mem>>
    tpu.enqueue_indirect_dma source(%dma_start3A_397 : memref<8192x1024xf32, #tpu.memory_space<hbm>>) target(%dma_start3A_391 : memref<16x1024xf32, #tpu.memory_space<vmem>>) offsets(%dma_start3A_394 : memref<16xi32, #tpu.memory_space<vmem>>) semaphore(%dma_start3A_399 : memref<!tpu.dma_semaphore, #tpu.memory_space<semaphore_mem>>)
    %dma_wait3A_400 = arith.constant 2 : i32
    %dma_wait3A_401 = arith.constant 0 : i32
    %dma_wait3A_402 = arith.constant 0 : i32
    %dma_wait3A_403 = arith.constant 0 : i32
    %dma_wait3A_404 = arith.constant 0 : i32
    %dma_wait3A_405 = tpu.memref_slice %arg10[%dma_wait3A_401, %dma_wait3A_403, %dma_wait3A_404] : memref<2x16x1024xf32, #tpu.memory_space<vmem>> -> memref<1x16x1024xf32, #tpu.memory_space<vmem>>
    %dma_wait3A_406 = tpu.memref_squeeze %dma_wait3A_405 : memref<1x16x1024xf32, #tpu.memory_space<vmem>> -> memref<16x1024xf32, #tpu.memory_space<vmem>>
    %dma_wait3A_407 = arith.constant 0 : i32
    %dma_wait3A_408 = tpu.memref_slice %arg8[%dma_wait3A_400, %dma_wait3A_407] : memref<8x16xi32, #tpu.memory_space<vmem>> -> memref<1x16xi32, #tpu.memory_space<vmem>>
    %dma_wait3A_409 = tpu.memref_squeeze %dma_wait3A_408 : memref<1x16xi32, #tpu.memory_space<vmem>> -> memref<16xi32, #tpu.memory_space<vmem>>
    %dma_wait3A_410 = arith.constant 0 : i32
    %dma_wait3A_411 = arith.constant 0 : i32
    %dma_wait3A_412 = tpu.memref_slice %arg2[%dma_wait3A_410, %dma_wait3A_411] : memref<8192x1024xf32, #tpu.memory_space<hbm>> -> memref<8192x1024xf32, #tpu.memory_space<hbm>>
    %dma_wait3A_413 = tpu.memref_slice %arg12[%dma_wait3A_402] : memref<2x!tpu.dma_semaphore, #tpu.memory_space<semaphore_mem>> -> memref<1x!tpu.dma_semaphore, #tpu.memory_space<semaphore_mem>>
    %dma_wait3A_414 = tpu.memref_squeeze %dma_wait3A_413 : memref<1x!tpu.dma_semaphore, #tpu.memory_space<semaphore_mem>> -> memref<!tpu.dma_semaphore, #tpu.memory_space<semaphore_mem>>
    tpu.wait_indirect_dma semaphore(%dma_wait3A_414 : memref<!tpu.dma_semaphore, #tpu.memory_space<semaphore_mem>>) src(%dma_wait3A_412 : memref<8192x1024xf32, #tpu.memory_space<hbm>>) dst(%dma_wait3A_406 : memref<16x1024xf32, #tpu.memory_space<vmem>>)
    %dma_wait3A_415 = arith.constant 2 : i32
    %dma_wait3A_416 = arith.constant 0 : i32
    %dma_wait3A_417 = arith.constant 0 : i32
    %dma_wait3A_418 = arith.constant 0 : i32
    %dma_wait3A_419 = arith.constant 0 : i32
    %dma_wait3A_420 = tpu.memref_slice %arg11[%dma_wait3A_416, %dma_wait3A_418, %dma_wait3A_419] : memref<2x16x1024xf32, #tpu.memory_space<vmem>> -> memref<1x16x1024xf32, #tpu.memory_space<vmem>>
    %dma_wait3A_421 = tpu.memref_squeeze %dma_wait3A_420 : memref<1x16x1024xf32, #tpu.memory_space<vmem>> -> memref<16x1024xf32, #tpu.memory_space<vmem>>
    %dma_wait3A_422 = arith.constant 0 : i32
    %dma_wait3A_423 = tpu.memref_slice %arg9[%dma_wait3A_415, %dma_wait3A_422] : memref<8x16xi32, #tpu.memory_space<vmem>> -> memref<1x16xi32, #tpu.memory_space<vmem>>
    %dma_wait3A_424 = tpu.memref_squeeze %dma_wait3A_423 : memref<1x16xi32, #tpu.memory_space<vmem>> -> memref<16xi32, #tpu.memory_space<vmem>>
    %dma_wait3A_425 = arith.constant 0 : i32
    %dma_wait3A_426 = arith.constant 0 : i32
    %dma_wait3A_427 = tpu.memref_slice %arg2[%dma_wait3A_425, %dma_wait3A_426] : memref<8192x1024xf32, #tpu.memory_space<hbm>> -> memref<8192x1024xf32, #tpu.memory_space<hbm>>
    %dma_wait3A_428 = tpu.memref_slice %arg13[%dma_wait3A_417] : memref<2x!tpu.dma_semaphore, #tpu.memory_space<semaphore_mem>> -> memref<1x!tpu.dma_semaphore, #tpu.memory_space<semaphore_mem>>
    %dma_wait3A_429 = tpu.memref_squeeze %dma_wait3A_428 : memref<1x!tpu.dma_semaphore, #tpu.memory_space<semaphore_mem>> -> memref<!tpu.dma_semaphore, #tpu.memory_space<semaphore_mem>>
    tpu.wait_indirect_dma semaphore(%dma_wait3A_429 : memref<!tpu.dma_semaphore, #tpu.memory_space<semaphore_mem>>) src(%dma_wait3A_427 : memref<8192x1024xf32, #tpu.memory_space<hbm>>) dst(%dma_wait3A_421 : memref<16x1024xf32, #tpu.memory_space<vmem>>)
    %scan3A_430 = arith.constant 0 : i32
    %scan3A_431 = arith.constant 16 : i32
    %scan3A_432 = arith.addi %scan3A_430, %scan3A_431 : i32
    %scan3A_433 = arith.constant 1 : i32
    scf.for %scan3A_966 = %scan3A_430 to %scan3A_432 step %scan3A_433  : i32 {
      %mul3A_967 = arith.constant 1 : i32
      %mul3A_968 = arith.muli %scan3A_966, %mul3A_967 : i32
      %add3A_969 = arith.constant 0 : i32
      %add3A_970 = arith.addi %add3A_969, %mul3A_968 : i32
      %scan3A_971 = arith.constant 0 : i32
      %scan3A_972 = arith.constant 16 : i32
      %scan3A_973 = arith.addi %scan3A_971, %scan3A_972 : i32
      %scan3A_974 = arith.constant 1 : i32
      scf.for %scan3A_976 = %scan3A_971 to %scan3A_973 step %scan3A_974  : i32 {
        %mul3A_977 = arith.constant 64 : i32
        %mul3A_978 = arith.muli %scan3A_976, %mul3A_977 : i32
        %add3A_979 = arith.constant 0 : i32
        %add3A_980 = arith.addi %add3A_979, %mul3A_978 : i32
        %add3A_981 = arith.constant 0 : i32
        %add3A_982 = arith.addi %add3A_980, %add3A_981 : i32
        %get3A_983 = arith.constant 0 : i32
        %get3A_984 = arith.index_cast %get3A_983 : i32 to index
        %get3A_985 = arith.index_cast %add3A_970 : i32 to index
        %get3A_986 = arith.index_cast %add3A_982 : i32 to index
        %get3A_987 = tpu.vector_load %arg10[%get3A_984, %get3A_985, %get3A_986] {strides = array<i32>} : memref<2x16x1024xf32, #tpu.memory_space<vmem>>, vector<1x1x16xf32>,
        %get3A_988 = vector.shape_cast %get3A_987 : vector<1x1x16xf32> to vector<16xf32>
        %get3A_989 = arith.constant 0 : i32
        %get3A_990 = arith.index_cast %get3A_989 : i32 to index
        %get3A_991 = arith.index_cast %add3A_970 : i32 to index
        %get3A_992 = arith.index_cast %add3A_982 : i32 to index
        %get3A_993 = tpu.vector_load %arg11[%get3A_990, %get3A_991, %get3A_992] {strides = array<i32>} : memref<2x16x1024xf32, #tpu.memory_space<vmem>>, vector<1x1x16xf32>,
        %get3A_994 = vector.shape_cast %get3A_993 : vector<1x1x16xf32> to vector<16xf32>
        %add3A_995 = arith.addf %get3A_988, %get3A_994 : vector<16xf32>
        %swap3A_996 = arith.constant 0 : i32
        %swap3A_997 = arith.index_cast %swap3A_996 : i32 to index
        %swap3A_998 = arith.index_cast %add3A_970 : i32 to index
        %swap3A_999 = arith.index_cast %add3A_982 : i32 to index
        %swap3A_1000 = tpu.vector_load %arg10[%swap3A_997, %swap3A_998, %swap3A_999] {strides = array<i32>} : memref<2x16x1024xf32, #tpu.memory_space<vmem>>, vector<1x1x16xf32>,
        %swap3A_1001 = vector.shape_cast %swap3A_1000 : vector<1x1x16xf32> to vector<16xf32>
        %swap3A_1002 = vector.shape_cast %add3A_995 : vector<16xf32> to vector<1x1x16xf32>
        tpu.vector_store %arg10[%swap3A_997, %swap3A_998, %swap3A_999], %swap3A_1002 {strides = array<i32>} : memref<2x16x1024xf32, #tpu.memory_space<vmem>>, vector<1x1x16xf32>,
        %add3A_1003 = arith.constant 16 : i32
        %add3A_1004 = arith.addi %add3A_980, %add3A_1003 : i32
        %get3A_1005 = arith.constant 0 : i32
        %get3A_1006 = arith.index_cast %get3A_1005 : i32 to index
        %get3A_1007 = arith.index_cast %add3A_970 : i32 to index
        %get3A_1008 = arith.index_cast %add3A_1004 : i32 to index
        %get3A_1009 = tpu.vector_load %arg10[%get3A_1006, %get3A_1007, %get3A_1008] {strides = array<i32>} : memref<2x16x1024xf32, #tpu.memory_space<vmem>>, vector<1x1x16xf32>,
        %get3A_1010 = vector.shape_cast %get3A_1009 : vector<1x1x16xf32> to vector<16xf32>
        %get3A_1011 = arith.constant 0 : i32
        %get3A_1012 = arith.index_cast %get3A_1011 : i32 to index
        %get3A_1013 = arith.index_cast %add3A_970 : i32 to index
        %get3A_1014 = arith.index_cast %add3A_1004 : i32 to index
        %get3A_1015 = tpu.vector_load %arg11[%get3A_1012, %get3A_1013, %get3A_1014] {strides = array<i32>} : memref<2x16x1024xf32, #tpu.memory_space<vmem>>, vector<1x1x16xf32>,
        %get3A_1016 = vector.shape_cast %get3A_1015 : vector<1x1x16xf32> to vector<16xf32>
        %add3A_1017 = arith.addf %get3A_1010, %get3A_1016 : vector<16xf32>
        %swap3A_1018 = arith.constant 0 : i32
        %swap3A_1019 = arith.index_cast %swap3A_1018 : i32 to index
        %swap3A_1020 = arith.index_cast %add3A_970 : i32 to index
        %swap3A_1021 = arith.index_cast %add3A_1004 : i32 to index
        %swap3A_1022 = tpu.vector_load %arg10[%swap3A_1019, %swap3A_1020, %swap3A_1021] {strides = array<i32>} : memref<2x16x1024xf32, #tpu.memory_space<vmem>>, vector<1x1x16xf32>,
        %swap3A_1023 = vector.shape_cast %swap3A_1022 : vector<1x1x16xf32> to vector<16xf32>
        %swap3A_1024 = vector.shape_cast %add3A_1017 : vector<16xf32> to vector<1x1x16xf32>
        tpu.vector_store %arg10[%swap3A_1019, %swap3A_1020, %swap3A_1021], %swap3A_1024 {strides = array<i32>} : memref<2x16x1024xf32, #tpu.memory_space<vmem>>, vector<1x1x16xf32>,
        %add3A_1025 = arith.constant 32 : i32
        %add3A_1026 = arith.addi %add3A_980, %add3A_1025 : i32
        %get3A_1027 = arith.constant 0 : i32
        %get3A_1028 = arith.index_cast %get3A_1027 : i32 to index
        %get3A_1029 = arith.index_cast %add3A_970 : i32 to index
        %get3A_1030 = arith.index_cast %add3A_1026 : i32 to index
        %get3A_1031 = tpu.vector_load %arg10[%get3A_1028, %get3A_1029, %get3A_1030] {strides = array<i32>} : memref<2x16x1024xf32, #tpu.memory_space<vmem>>, vector<1x1x16xf32>,
        %get3A_1032 = vector.shape_cast %get3A_1031 : vector<1x1x16xf32> to vector<16xf32>
        %get3A_1033 = arith.constant 0 : i32
        %get3A_1034 = arith.index_cast %get3A_1033 : i32 to index
        %get3A_1035 = arith.index_cast %add3A_970 : i32 to index
        %get3A_1036 = arith.index_cast %add3A_1026 : i32 to index
        %get3A_1037 = tpu.vector_load %arg11[%get3A_1034, %get3A_1035, %get3A_1036] {strides = array<i32>} : memref<2x16x1024xf32, #tpu.memory_space<vmem>>, vector<1x1x16xf32>,
        %get3A_1038 = vector.shape_cast %get3A_1037 : vector<1x1x16xf32> to vector<16xf32>
        %add3A_1039 = arith.addf %get3A_1032, %get3A_1038 : vector<16xf32>
        %swap3A_1040 = arith.constant 0 : i32
        %swap3A_1041 = arith.index_cast %swap3A_1040 : i32 to index
        %swap3A_1042 = arith.index_cast %add3A_970 : i32 to index
        %swap3A_1043 = arith.index_cast %add3A_1026 : i32 to index
        %swap3A_1044 = tpu.vector_load %arg10[%swap3A_1041, %swap3A_1042, %swap3A_1043] {strides = array<i32>} : memref<2x16x1024xf32, #tpu.memory_space<vmem>>, vector<1x1x16xf32>,
        %swap3A_1045 = vector.shape_cast %swap3A_1044 : vector<1x1x16xf32> to vector<16xf32>
        %swap3A_1046 = vector.shape_cast %add3A_1039 : vector<16xf32> to vector<1x1x16xf32>
        tpu.vector_store %arg10[%swap3A_1041, %swap3A_1042, %swap3A_1043], %swap3A_1046 {strides = array<i32>} : memref<2x16x1024xf32, #tpu.memory_space<vmem>>, vector<1x1x16xf32>,
        %add3A_1047 = arith.constant 48 : i32
        %add3A_1048 = arith.addi %add3A_980, %add3A_1047 : i32
        %get3A_1049 = arith.constant 0 : i32
        %get3A_1050 = arith.index_cast %get3A_1049 : i32 to index
        %get3A_1051 = arith.index_cast %add3A_970 : i32 to index
        %get3A_1052 = arith.index_cast %add3A_1048 : i32 to index
        %get3A_1053 = tpu.vector_load %arg10[%get3A_1050, %get3A_1051, %get3A_1052] {strides = array<i32>} : memref<2x16x1024xf32, #tpu.memory_space<vmem>>, vector<1x1x16xf32>,
        %get3A_1054 = vector.shape_cast %get3A_1053 : vector<1x1x16xf32> to vector<16xf32>
        %get3A_1055 = arith.constant 0 : i32
        %get3A_1056 = arith.index_cast %get3A_1055 : i32 to index
        %get3A_1057 = arith.index_cast %add3A_970 : i32 to index
        %get3A_1058 = arith.index_cast %add3A_1048 : i32 to index
        %get3A_1059 = tpu.vector_load %arg11[%get3A_1056, %get3A_1057, %get3A_1058] {strides = array<i32>} : memref<2x16x1024xf32, #tpu.memory_space<vmem>>, vector<1x1x16xf32>,
        %get3A_1060 = vector.shape_cast %get3A_1059 : vector<1x1x16xf32> to vector<16xf32>
        %add3A_1061 = arith.addf %get3A_1054, %get3A_1060 : vector<16xf32>
        %swap3A_1062 = arith.constant 0 : i32
        %swap3A_1063 = arith.index_cast %swap3A_1062 : i32 to index
        %swap3A_1064 = arith.index_cast %add3A_970 : i32 to index
        %swap3A_1065 = arith.index_cast %add3A_1048 : i32 to index
        %swap3A_1066 = tpu.vector_load %arg10[%swap3A_1063, %swap3A_1064, %swap3A_1065] {strides = array<i32>} : memref<2x16x1024xf32, #tpu.memory_space<vmem>>, vector<1x1x16xf32>,
        %swap3A_1067 = vector.shape_cast %swap3A_1066 : vector<1x1x16xf32> to vector<16xf32>
        %swap3A_1068 = vector.shape_cast %add3A_1061 : vector<16xf32> to vector<1x1x16xf32>
        tpu.vector_store %arg10[%swap3A_1063, %swap3A_1064, %swap3A_1065], %swap3A_1068 {strides = array<i32>} : memref<2x16x1024xf32, #tpu.memory_space<vmem>>, vector<1x1x16xf32>,
      }
      %scan3A_975 = arith.constant 16 : i32
    }
    %scan3A_434 = arith.constant 16 : i32
    %dma_wait3A_435 = arith.constant 0 : i32
    %dma_wait3A_436 = arith.constant 0 : i32
    %dma_wait3A_437 = arith.constant 0 : i32
    %dma_wait3A_438 = arith.constant 0 : i32
    %dma_wait3A_439 = tpu.memref_slice %arg10[%dma_wait3A_435, %dma_wait3A_437, %dma_wait3A_438] : memref<2x16x1024xf32, #tpu.memory_space<vmem>> -> memref<1x16x1024xf32, #tpu.memory_space<vmem>>
    %dma_wait3A_440 = tpu.memref_squeeze %dma_wait3A_439 : memref<1x16x1024xf32, #tpu.memory_space<vmem>> -> memref<16x1024xf32, #tpu.memory_space<vmem>>
    %dma_wait3A_441 = arith.constant 0 : i32
    %dma_wait3A_442 = tpu.memref_slice %arg5[%add3A_270, %dma_wait3A_441] : memref<4096x1024xf32, #tpu.memory_space<hbm>> -> memref<16x1024xf32, #tpu.memory_space<hbm>>
    %dma_wait3A_443 = tpu.memref_slice %arg14[%dma_wait3A_436] : memref<2x!tpu.dma_semaphore, #tpu.memory_space<semaphore_mem>> -> memref<1x!tpu.dma_semaphore, #tpu.memory_space<semaphore_mem>>
    %dma_wait3A_444 = tpu.memref_squeeze %dma_wait3A_443 : memref<1x!tpu.dma_semaphore, #tpu.memory_space<semaphore_mem>> -> memref<!tpu.dma_semaphore, #tpu.memory_space<semaphore_mem>>
    %dma_wait3A_445 = arith.constant 0 : i32
    %dma_wait3A_446 = tpu.memref_slice %arg5[%add3A_270, %dma_wait3A_445] : memref<4096x1024xf32, #tpu.memory_space<hbm>> -> memref<16x1024xf32, #tpu.memory_space<hbm>>
    %dma_wait3A_447 = arith.constant 0 : i32
    %dma_wait3A_448 = arith.constant 0 : i32
    %dma_wait3A_449 = tpu.memref_slice %arg10[%dma_wait3A_435, %dma_wait3A_447, %dma_wait3A_448] : memref<2x16x1024xf32, #tpu.memory_space<vmem>> -> memref<1x16x1024xf32, #tpu.memory_space<vmem>>
    %dma_wait3A_450 = tpu.memref_squeeze %dma_wait3A_449 : memref<1x16x1024xf32, #tpu.memory_space<vmem>> -> memref<16x1024xf32, #tpu.memory_space<vmem>>
    tpu.wait_dma2 semaphore(%dma_wait3A_444 : memref<!tpu.dma_semaphore, #tpu.memory_space<semaphore_mem>>) src(%dma_wait3A_450 : memref<16x1024xf32, #tpu.memory_space<vmem>>) dst(%dma_wait3A_446 : memref<16x1024xf32, #tpu.memory_space<hbm>>)
    %add3A_451 = arith.constant 32 : i32
    %add3A_452 = arith.addi %mul3A_2, %add3A_451 : i32
    %dma_start3A_453 = arith.constant 0 : i32
    %dma_start3A_454 = arith.constant 0 : i32
    %dma_start3A_455 = arith.constant 0 : i32
    %dma_start3A_456 = arith.constant 0 : i32
    %dma_start3A_457 = tpu.memref_slice %arg10[%dma_start3A_453, %dma_start3A_455, %dma_start3A_456] : memref<2x16x1024xf32, #tpu.memory_space<vmem>> -> memref<1x16x1024xf32, #tpu.memory_space<vmem>>
    %dma_start3A_458 = tpu.memref_squeeze %dma_start3A_457 : memref<1x16x1024xf32, #tpu.memory_space<vmem>> -> memref<16x1024xf32, #tpu.memory_space<vmem>>
    %dma_start3A_459 = arith.constant 0 : i32
    %dma_start3A_460 = tpu.memref_slice %arg5[%add3A_452, %dma_start3A_459] : memref<4096x1024xf32, #tpu.memory_space<hbm>> -> memref<16x1024xf32, #tpu.memory_space<hbm>>
    %dma_start3A_461 = tpu.memref_slice %arg14[%dma_start3A_454] : memref<2x!tpu.dma_semaphore, #tpu.memory_space<semaphore_mem>> -> memref<1x!tpu.dma_semaphore, #tpu.memory_space<semaphore_mem>>
    %dma_start3A_462 = tpu.memref_squeeze %dma_start3A_461 : memref<1x!tpu.dma_semaphore, #tpu.memory_space<semaphore_mem>> -> memref<!tpu.dma_semaphore, #tpu.memory_space<semaphore_mem>>
    %dma_start3A_463 = arith.constant 0 : i32
    %dma_start3A_464 = tpu.memref_slice %arg5[%add3A_452, %dma_start3A_463] : memref<4096x1024xf32, #tpu.memory_space<hbm>> -> memref<16x1024xf32, #tpu.memory_space<hbm>>
    %dma_start3A_465 = arith.constant 0 : i32
    %dma_start3A_466 = arith.constant 0 : i32
    %dma_start3A_467 = tpu.memref_slice %arg10[%dma_start3A_453, %dma_start3A_465, %dma_start3A_466] : memref<2x16x1024xf32, #tpu.memory_space<vmem>> -> memref<1x16x1024xf32, #tpu.memory_space<vmem>>
    %dma_start3A_468 = tpu.memref_squeeze %dma_start3A_467 : memref<1x16x1024xf32, #tpu.memory_space<vmem>> -> memref<16x1024xf32, #tpu.memory_space<vmem>>
    tpu.enqueue_dma source(%dma_start3A_468 : memref<16x1024xf32, #tpu.memory_space<vmem>>) target(%dma_start3A_464 : memref<16x1024xf32, #tpu.memory_space<hbm>>) target_semaphore(%dma_start3A_462 : memref<!tpu.dma_semaphore, #tpu.memory_space<semaphore_mem>>)
    %dma_start3A_469 = arith.constant 4 : i32
    %dma_start3A_470 = arith.constant 0 : i32
    %dma_start3A_471 = arith.constant 0 : i32
    %dma_start3A_472 = arith.constant 0 : i32
    %dma_start3A_473 = arith.constant 0 : i32
    %dma_start3A_474 = tpu.memref_slice %arg10[%dma_start3A_470, %dma_start3A_472, %dma_start3A_473] : memref<2x16x1024xf32, #tpu.memory_space<vmem>> -> memref<1x16x1024xf32, #tpu.memory_space<vmem>>
    %dma_start3A_475 = tpu.memref_squeeze %dma_start3A_474 : memref<1x16x1024xf32, #tpu.memory_space<vmem>> -> memref<16x1024xf32, #tpu.memory_space<vmem>>
    %dma_start3A_476 = arith.constant 0 : i32
    %dma_start3A_477 = tpu.memref_slice %arg8[%dma_start3A_469, %dma_start3A_476] : memref<8x16xi32, #tpu.memory_space<vmem>> -> memref<1x16xi32, #tpu.memory_space<vmem>>
    %dma_start3A_478 = tpu.memref_squeeze %dma_start3A_477 : memref<1x16xi32, #tpu.memory_space<vmem>> -> memref<16xi32, #tpu.memory_space<vmem>>
    %dma_start3A_479 = arith.constant 0 : i32
    %dma_start3A_480 = arith.constant 0 : i32
    %dma_start3A_481 = tpu.memref_slice %arg2[%dma_start3A_479, %dma_start3A_480] : memref<8192x1024xf32, #tpu.memory_space<hbm>> -> memref<8192x1024xf32, #tpu.memory_space<hbm>>
    %dma_start3A_482 = tpu.memref_slice %arg12[%dma_start3A_471] : memref<2x!tpu.dma_semaphore, #tpu.memory_space<semaphore_mem>> -> memref<1x!tpu.dma_semaphore, #tpu.memory_space<semaphore_mem>>
    %dma_start3A_483 = tpu.memref_squeeze %dma_start3A_482 : memref<1x!tpu.dma_semaphore, #tpu.memory_space<semaphore_mem>> -> memref<!tpu.dma_semaphore, #tpu.memory_space<semaphore_mem>>
    tpu.enqueue_indirect_dma source(%dma_start3A_481 : memref<8192x1024xf32, #tpu.memory_space<hbm>>) target(%dma_start3A_475 : memref<16x1024xf32, #tpu.memory_space<vmem>>) offsets(%dma_start3A_478 : memref<16xi32, #tpu.memory_space<vmem>>) semaphore(%dma_start3A_483 : memref<!tpu.dma_semaphore, #tpu.memory_space<semaphore_mem>>)
    %dma_start3A_484 = arith.constant 4 : i32
    %dma_start3A_485 = arith.constant 0 : i32
    %dma_start3A_486 = arith.constant 0 : i32
    %dma_start3A_487 = arith.constant 0 : i32
    %dma_start3A_488 = arith.constant 0 : i32
    %dma_start3A_489 = tpu.memref_slice %arg11[%dma_start3A_485, %dma_start3A_487, %dma_start3A_488] : memref<2x16x1024xf32, #tpu.memory_space<vmem>> -> memref<1x16x1024xf32, #tpu.memory_space<vmem>>
    %dma_start3A_490 = tpu.memref_squeeze %dma_start3A_489 : memref<1x16x1024xf32, #tpu.memory_space<vmem>> -> memref<16x1024xf32, #tpu.memory_space<vmem>>
    %dma_start3A_491 = arith.constant 0 : i32
    %dma_start3A_492 = tpu.memref_slice %arg9[%dma_start3A_484, %dma_start3A_491] : memref<8x16xi32, #tpu.memory_space<vmem>> -> memref<1x16xi32, #tpu.memory_space<vmem>>
    %dma_start3A_493 = tpu.memref_squeeze %dma_start3A_492 : memref<1x16xi32, #tpu.memory_space<vmem>> -> memref<16xi32, #tpu.memory_space<vmem>>
    %dma_start3A_494 = arith.constant 0 : i32
    %dma_start3A_495 = arith.constant 0 : i32
    %dma_start3A_496 = tpu.memref_slice %arg2[%dma_start3A_494, %dma_start3A_495] : memref<8192x1024xf32, #tpu.memory_space<hbm>> -> memref<8192x1024xf32, #tpu.memory_space<hbm>>
    %dma_start3A_497 = tpu.memref_slice %arg13[%dma_start3A_486] : memref<2x!tpu.dma_semaphore, #tpu.memory_space<semaphore_mem>> -> memref<1x!tpu.dma_semaphore, #tpu.memory_space<semaphore_mem>>
    %dma_start3A_498 = tpu.memref_squeeze %dma_start3A_497 : memref<1x!tpu.dma_semaphore, #tpu.memory_space<semaphore_mem>> -> memref<!tpu.dma_semaphore, #tpu.memory_space<semaphore_mem>>
    tpu.enqueue_indirect_dma source(%dma_start3A_496 : memref<8192x1024xf32, #tpu.memory_space<hbm>>) target(%dma_start3A_490 : memref<16x1024xf32, #tpu.memory_space<vmem>>) offsets(%dma_start3A_493 : memref<16xi32, #tpu.memory_space<vmem>>) semaphore(%dma_start3A_498 : memref<!tpu.dma_semaphore, #tpu.memory_space<semaphore_mem>>)
    %dma_wait3A_499 = arith.constant 3 : i32
    %dma_wait3A_500 = arith.constant 1 : i32
    %dma_wait3A_501 = arith.constant 1 : i32
    %dma_wait3A_502 = arith.constant 0 : i32
    %dma_wait3A_503 = arith.constant 0 : i32
    %dma_wait3A_504 = tpu.memref_slice %arg10[%dma_wait3A_500, %dma_wait3A_502, %dma_wait3A_503] : memref<2x16x1024xf32, #tpu.memory_space<vmem>> -> memref<1x16x1024xf32, #tpu.memory_space<vmem>>
    %dma_wait3A_505 = tpu.memref_squeeze %dma_wait3A_504 : memref<1x16x1024xf32, #tpu.memory_space<vmem>> -> memref<16x1024xf32, #tpu.memory_space<vmem>>
    %dma_wait3A_506 = arith.constant 0 : i32
    %dma_wait3A_507 = tpu.memref_slice %arg8[%dma_wait3A_499, %dma_wait3A_506] : memref<8x16xi32, #tpu.memory_space<vmem>> -> memref<1x16xi32, #tpu.memory_space<vmem>>
    %dma_wait3A_508 = tpu.memref_squeeze %dma_wait3A_507 : memref<1x16xi32, #tpu.memory_space<vmem>> -> memref<16xi32, #tpu.memory_space<vmem>>
    %dma_wait3A_509 = arith.constant 0 : i32
    %dma_wait3A_510 = arith.constant 0 : i32
    %dma_wait3A_511 = tpu.memref_slice %arg2[%dma_wait3A_509, %dma_wait3A_510] : memref<8192x1024xf32, #tpu.memory_space<hbm>> -> memref<8192x1024xf32, #tpu.memory_space<hbm>>
    %dma_wait3A_512 = tpu.memref_slice %arg12[%dma_wait3A_501] : memref<2x!tpu.dma_semaphore, #tpu.memory_space<semaphore_mem>> -> memref<1x!tpu.dma_semaphore, #tpu.memory_space<semaphore_mem>>
    %dma_wait3A_513 = tpu.memref_squeeze %dma_wait3A_512 : memref<1x!tpu.dma_semaphore, #tpu.memory_space<semaphore_mem>> -> memref<!tpu.dma_semaphore, #tpu.memory_space<semaphore_mem>>
    tpu.wait_indirect_dma semaphore(%dma_wait3A_513 : memref<!tpu.dma_semaphore, #tpu.memory_space<semaphore_mem>>) src(%dma_wait3A_511 : memref<8192x1024xf32, #tpu.memory_space<hbm>>) dst(%dma_wait3A_505 : memref<16x1024xf32, #tpu.memory_space<vmem>>)
    %dma_wait3A_514 = arith.constant 3 : i32
    %dma_wait3A_515 = arith.constant 1 : i32
    %dma_wait3A_516 = arith.constant 1 : i32
    %dma_wait3A_517 = arith.constant 0 : i32
    %dma_wait3A_518 = arith.constant 0 : i32
    %dma_wait3A_519 = tpu.memref_slice %arg11[%dma_wait3A_515, %dma_wait3A_517, %dma_wait3A_518] : memref<2x16x1024xf32, #tpu.memory_space<vmem>> -> memref<1x16x1024xf32, #tpu.memory_space<vmem>>
    %dma_wait3A_520 = tpu.memref_squeeze %dma_wait3A_519 : memref<1x16x1024xf32, #tpu.memory_space<vmem>> -> memref<16x1024xf32, #tpu.memory_space<vmem>>
    %dma_wait3A_521 = arith.constant 0 : i32
    %dma_wait3A_522 = tpu.memref_slice %arg9[%dma_wait3A_514, %dma_wait3A_521] : memref<8x16xi32, #tpu.memory_space<vmem>> -> memref<1x16xi32, #tpu.memory_space<vmem>>
    %dma_wait3A_523 = tpu.memref_squeeze %dma_wait3A_522 : memref<1x16xi32, #tpu.memory_space<vmem>> -> memref<16xi32, #tpu.memory_space<vmem>>
    %dma_wait3A_524 = arith.constant 0 : i32
    %dma_wait3A_525 = arith.constant 0 : i32
    %dma_wait3A_526 = tpu.memref_slice %arg2[%dma_wait3A_524, %dma_wait3A_525] : memref<8192x1024xf32, #tpu.memory_space<hbm>> -> memref<8192x1024xf32, #tpu.memory_space<hbm>>
    %dma_wait3A_527 = tpu.memref_slice %arg13[%dma_wait3A_516] : memref<2x!tpu.dma_semaphore, #tpu.memory_space<semaphore_mem>> -> memref<1x!tpu.dma_semaphore, #tpu.memory_space<semaphore_mem>>
    %dma_wait3A_528 = tpu.memref_squeeze %dma_wait3A_527 : memref<1x!tpu.dma_semaphore, #tpu.memory_space<semaphore_mem>> -> memref<!tpu.dma_semaphore, #tpu.memory_space<semaphore_mem>>
    tpu.wait_indirect_dma semaphore(%dma_wait3A_528 : memref<!tpu.dma_semaphore, #tpu.memory_space<semaphore_mem>>) src(%dma_wait3A_526 : memref<8192x1024xf32, #tpu.memory_space<hbm>>) dst(%dma_wait3A_520 : memref<16x1024xf32, #tpu.memory_space<vmem>>)
    %scan3A_529 = arith.constant 0 : i32
    %scan3A_530 = arith.constant 16 : i32
    %scan3A_531 = arith.addi %scan3A_529, %scan3A_530 : i32
    %scan3A_532 = arith.constant 1 : i32
    scf.for %scan3A_966 = %scan3A_529 to %scan3A_531 step %scan3A_532  : i32 {
      %mul3A_967 = arith.constant 1 : i32
      %mul3A_968 = arith.muli %scan3A_966, %mul3A_967 : i32
      %add3A_969 = arith.constant 0 : i32
      %add3A_970 = arith.addi %add3A_969, %mul3A_968 : i32
      %scan3A_971 = arith.constant 0 : i32
      %scan3A_972 = arith.constant 16 : i32
      %scan3A_973 = arith.addi %scan3A_971, %scan3A_972 : i32
      %scan3A_974 = arith.constant 1 : i32
      scf.for %scan3A_976 = %scan3A_971 to %scan3A_973 step %scan3A_974  : i32 {
        %mul3A_977 = arith.constant 64 : i32
        %mul3A_978 = arith.muli %scan3A_976, %mul3A_977 : i32
        %add3A_979 = arith.constant 0 : i32
        %add3A_980 = arith.addi %add3A_979, %mul3A_978 : i32
        %add3A_981 = arith.constant 0 : i32
        %add3A_982 = arith.addi %add3A_980, %add3A_981 : i32
        %get3A_983 = arith.constant 1 : i32
        %get3A_984 = arith.index_cast %get3A_983 : i32 to index
        %get3A_985 = arith.index_cast %add3A_970 : i32 to index
        %get3A_986 = arith.index_cast %add3A_982 : i32 to index
        %get3A_987 = tpu.vector_load %arg10[%get3A_984, %get3A_985, %get3A_986] {strides = array<i32>} : memref<2x16x1024xf32, #tpu.memory_space<vmem>>, vector<1x1x16xf32>,
        %get3A_988 = vector.shape_cast %get3A_987 : vector<1x1x16xf32> to vector<16xf32>
        %get3A_989 = arith.constant 1 : i32
        %get3A_990 = arith.index_cast %get3A_989 : i32 to index
        %get3A_991 = arith.index_cast %add3A_970 : i32 to index
        %get3A_992 = arith.index_cast %add3A_982 : i32 to index
        %get3A_993 = tpu.vector_load %arg11[%get3A_990, %get3A_991, %get3A_992] {strides = array<i32>} : memref<2x16x1024xf32, #tpu.memory_space<vmem>>, vector<1x1x16xf32>,
        %get3A_994 = vector.shape_cast %get3A_993 : vector<1x1x16xf32> to vector<16xf32>
        %add3A_995 = arith.addf %get3A_988, %get3A_994 : vector<16xf32>
        %swap3A_996 = arith.constant 1 : i32
        %swap3A_997 = arith.index_cast %swap3A_996 : i32 to index
        %swap3A_998 = arith.index_cast %add3A_970 : i32 to index
        %swap3A_999 = arith.index_cast %add3A_982 : i32 to index
        %swap3A_1000 = tpu.vector_load %arg10[%swap3A_997, %swap3A_998, %swap3A_999] {strides = array<i32>} : memref<2x16x1024xf32, #tpu.memory_space<vmem>>, vector<1x1x16xf32>,
        %swap3A_1001 = vector.shape_cast %swap3A_1000 : vector<1x1x16xf32> to vector<16xf32>
        %swap3A_1002 = vector.shape_cast %add3A_995 : vector<16xf32> to vector<1x1x16xf32>
        tpu.vector_store %arg10[%swap3A_997, %swap3A_998, %swap3A_999], %swap3A_1002 {strides = array<i32>} : memref<2x16x1024xf32, #tpu.memory_space<vmem>>, vector<1x1x16xf32>,
        %add3A_1003 = arith.constant 16 : i32
        %add3A_1004 = arith.addi %add3A_980, %add3A_1003 : i32
        %get3A_1005 = arith.constant 1 : i32
        %get3A_1006 = arith.index_cast %get3A_1005 : i32 to index
        %get3A_1007 = arith.index_cast %add3A_970 : i32 to index
        %get3A_1008 = arith.index_cast %add3A_1004 : i32 to index
        %get3A_1009 = tpu.vector_load %arg10[%get3A_1006, %get3A_1007, %get3A_1008] {strides = array<i32>} : memref<2x16x1024xf32, #tpu.memory_space<vmem>>, vector<1x1x16xf32>,
        %get3A_1010 = vector.shape_cast %get3A_1009 : vector<1x1x16xf32> to vector<16xf32>
        %get3A_1011 = arith.constant 1 : i32
        %get3A_1012 = arith.index_cast %get3A_1011 : i32 to index
        %get3A_1013 = arith.index_cast %add3A_970 : i32 to index
        %get3A_1014 = arith.index_cast %add3A_1004 : i32 to index
        %get3A_1015 = tpu.vector_load %arg11[%get3A_1012, %get3A_1013, %get3A_1014] {strides = array<i32>} : memref<2x16x1024xf32, #tpu.memory_space<vmem>>, vector<1x1x16xf32>,
        %get3A_1016 = vector.shape_cast %get3A_1015 : vector<1x1x16xf32> to vector<16xf32>
        %add3A_1017 = arith.addf %get3A_1010, %get3A_1016 : vector<16xf32>
        %swap3A_1018 = arith.constant 1 : i32
        %swap3A_1019 = arith.index_cast %swap3A_1018 : i32 to index
        %swap3A_1020 = arith.index_cast %add3A_970 : i32 to index
        %swap3A_1021 = arith.index_cast %add3A_1004 : i32 to index
        %swap3A_1022 = tpu.vector_load %arg10[%swap3A_1019, %swap3A_1020, %swap3A_1021] {strides = array<i32>} : memref<2x16x1024xf32, #tpu.memory_space<vmem>>, vector<1x1x16xf32>,
        %swap3A_1023 = vector.shape_cast %swap3A_1022 : vector<1x1x16xf32> to vector<16xf32>
        %swap3A_1024 = vector.shape_cast %add3A_1017 : vector<16xf32> to vector<1x1x16xf32>
        tpu.vector_store %arg10[%swap3A_1019, %swap3A_1020, %swap3A_1021], %swap3A_1024 {strides = array<i32>} : memref<2x16x1024xf32, #tpu.memory_space<vmem>>, vector<1x1x16xf32>,
        %add3A_1025 = arith.constant 32 : i32
        %add3A_1026 = arith.addi %add3A_980, %add3A_1025 : i32
        %get3A_1027 = arith.constant 1 : i32
        %get3A_1028 = arith.index_cast %get3A_1027 : i32 to index
        %get3A_1029 = arith.index_cast %add3A_970 : i32 to index
        %get3A_1030 = arith.index_cast %add3A_1026 : i32 to index
        %get3A_1031 = tpu.vector_load %arg10[%get3A_1028, %get3A_1029, %get3A_1030] {strides = array<i32>} : memref<2x16x1024xf32, #tpu.memory_space<vmem>>, vector<1x1x16xf32>,
        %get3A_1032 = vector.shape_cast %get3A_1031 : vector<1x1x16xf32> to vector<16xf32>
        %get3A_1033 = arith.constant 1 : i32
        %get3A_1034 = arith.index_cast %get3A_1033 : i32 to index
        %get3A_1035 = arith.index_cast %add3A_970 : i32 to index
        %get3A_1036 = arith.index_cast %add3A_1026 : i32 to index
        %get3A_1037 = tpu.vector_load %arg11[%get3A_1034, %get3A_1035, %get3A_1036] {strides = array<i32>} : memref<2x16x1024xf32, #tpu.memory_space<vmem>>, vector<1x1x16xf32>,
        %get3A_1038 = vector.shape_cast %get3A_1037 : vector<1x1x16xf32> to vector<16xf32>
        %add3A_1039 = arith.addf %get3A_1032, %get3A_1038 : vector<16xf32>
        %swap3A_1040 = arith.constant 1 : i32
        %swap3A_1041 = arith.index_cast %swap3A_1040 : i32 to index
        %swap3A_1042 = arith.index_cast %add3A_970 : i32 to index
        %swap3A_1043 = arith.index_cast %add3A_1026 : i32 to index
        %swap3A_1044 = tpu.vector_load %arg10[%swap3A_1041, %swap3A_1042, %swap3A_1043] {strides = array<i32>} : memref<2x16x1024xf32, #tpu.memory_space<vmem>>, vector<1x1x16xf32>,
        %swap3A_1045 = vector.shape_cast %swap3A_1044 : vector<1x1x16xf32> to vector<16xf32>
        %swap3A_1046 = vector.shape_cast %add3A_1039 : vector<16xf32> to vector<1x1x16xf32>
        tpu.vector_store %arg10[%swap3A_1041, %swap3A_1042, %swap3A_1043], %swap3A_1046 {strides = array<i32>} : memref<2x16x1024xf32, #tpu.memory_space<vmem>>, vector<1x1x16xf32>,
        %add3A_1047 = arith.constant 48 : i32
        %add3A_1048 = arith.addi %add3A_980, %add3A_1047 : i32
        %get3A_1049 = arith.constant 1 : i32
        %get3A_1050 = arith.index_cast %get3A_1049 : i32 to index
        %get3A_1051 = arith.index_cast %add3A_970 : i32 to index
        %get3A_1052 = arith.index_cast %add3A_1048 : i32 to index
        %get3A_1053 = tpu.vector_load %arg10[%get3A_1050, %get3A_1051, %get3A_1052] {strides = array<i32>} : memref<2x16x1024xf32, #tpu.memory_space<vmem>>, vector<1x1x16xf32>,
        %get3A_1054 = vector.shape_cast %get3A_1053 : vector<1x1x16xf32> to vector<16xf32>
        %get3A_1055 = arith.constant 1 : i32
        %get3A_1056 = arith.index_cast %get3A_1055 : i32 to index
        %get3A_1057 = arith.index_cast %add3A_970 : i32 to index
        %get3A_1058 = arith.index_cast %add3A_1048 : i32 to index
        %get3A_1059 = tpu.vector_load %arg11[%get3A_1056, %get3A_1057, %get3A_1058] {strides = array<i32>} : memref<2x16x1024xf32, #tpu.memory_space<vmem>>, vector<1x1x16xf32>,
        %get3A_1060 = vector.shape_cast %get3A_1059 : vector<1x1x16xf32> to vector<16xf32>
        %add3A_1061 = arith.addf %get3A_1054, %get3A_1060 : vector<16xf32>
        %swap3A_1062 = arith.constant 1 : i32
        %swap3A_1063 = arith.index_cast %swap3A_1062 : i32 to index
        %swap3A_1064 = arith.index_cast %add3A_970 : i32 to index
        %swap3A_1065 = arith.index_cast %add3A_1048 : i32 to index
        %swap3A_1066 = tpu.vector_load %arg10[%swap3A_1063, %swap3A_1064, %swap3A_1065] {strides = array<i32>} : memref<2x16x1024xf32, #tpu.memory_space<vmem>>, vector<1x1x16xf32>,
        %swap3A_1067 = vector.shape_cast %swap3A_1066 : vector<1x1x16xf32> to vector<16xf32>
        %swap3A_1068 = vector.shape_cast %add3A_1061 : vector<16xf32> to vector<1x1x16xf32>
        tpu.vector_store %arg10[%swap3A_1063, %swap3A_1064, %swap3A_1065], %swap3A_1068 {strides = array<i32>} : memref<2x16x1024xf32, #tpu.memory_space<vmem>>, vector<1x1x16xf32>,
      }
      %scan3A_975 = arith.constant 16 : i32
    }
    %scan3A_533 = arith.constant 16 : i32
    %dma_wait3A_534 = arith.constant 1 : i32
    %dma_wait3A_535 = arith.constant 1 : i32
    %dma_wait3A_536 = arith.constant 0 : i32
    %dma_wait3A_537 = arith.constant 0 : i32
    %dma_wait3A_538 = tpu.memref_slice %arg10[%dma_wait3A_534, %dma_wait3A_536, %dma_wait3A_537] : memref<2x16x1024xf32, #tpu.memory_space<vmem>> -> memref<1x16x1024xf32, #tpu.memory_space<vmem>>
    %dma_wait3A_539 = tpu.memref_squeeze %dma_wait3A_538 : memref<1x16x1024xf32, #tpu.memory_space<vmem>> -> memref<16x1024xf32, #tpu.memory_space<vmem>>
    %dma_wait3A_540 = arith.constant 0 : i32
    %dma_wait3A_541 = tpu.memref_slice %arg5[%add3A_353, %dma_wait3A_540] : memref<4096x1024xf32, #tpu.memory_space<hbm>> -> memref<16x1024xf32, #tpu.memory_space<hbm>>
    %dma_wait3A_542 = tpu.memref_slice %arg14[%dma_wait3A_535] : memref<2x!tpu.dma_semaphore, #tpu.memory_space<semaphore_mem>> -> memref<1x!tpu.dma_semaphore, #tpu.memory_space<semaphore_mem>>
    %dma_wait3A_543 = tpu.memref_squeeze %dma_wait3A_542 : memref<1x!tpu.dma_semaphore, #tpu.memory_space<semaphore_mem>> -> memref<!tpu.dma_semaphore, #tpu.memory_space<semaphore_mem>>
    %dma_wait3A_544 = arith.constant 0 : i32
    %dma_wait3A_545 = tpu.memref_slice %arg5[%add3A_353, %dma_wait3A_544] : memref<4096x1024xf32, #tpu.memory_space<hbm>> -> memref<16x1024xf32, #tpu.memory_space<hbm>>
    %dma_wait3A_546 = arith.constant 0 : i32
    %dma_wait3A_547 = arith.constant 0 : i32
    %dma_wait3A_548 = tpu.memref_slice %arg10[%dma_wait3A_534, %dma_wait3A_546, %dma_wait3A_547] : memref<2x16x1024xf32, #tpu.memory_space<vmem>> -> memref<1x16x1024xf32, #tpu.memory_space<vmem>>
    %dma_wait3A_549 = tpu.memref_squeeze %dma_wait3A_548 : memref<1x16x1024xf32, #tpu.memory_space<vmem>> -> memref<16x1024xf32, #tpu.memory_space<vmem>>
    tpu.wait_dma2 semaphore(%dma_wait3A_543 : memref<!tpu.dma_semaphore, #tpu.memory_space<semaphore_mem>>) src(%dma_wait3A_549 : memref<16x1024xf32, #tpu.memory_space<vmem>>) dst(%dma_wait3A_545 : memref<16x1024xf32, #tpu.memory_space<hbm>>)
    %add3A_550 = arith.constant 48 : i32
    %add3A_551 = arith.addi %mul3A_2, %add3A_550 : i32
    %dma_start3A_552 = arith.constant 1 : i32
    %dma_start3A_553 = arith.constant 1 : i32
    %dma_start3A_554 = arith.constant 0 : i32
    %dma_start3A_555 = arith.constant 0 : i32
    %dma_start3A_556 = tpu.memref_slice %arg10[%dma_start3A_552, %dma_start3A_554, %dma_start3A_555] : memref<2x16x1024xf32, #tpu.memory_space<vmem>> -> memref<1x16x1024xf32, #tpu.memory_space<vmem>>
    %dma_start3A_557 = tpu.memref_squeeze %dma_start3A_556 : memref<1x16x1024xf32, #tpu.memory_space<vmem>> -> memref<16x1024xf32, #tpu.memory_space<vmem>>
    %dma_start3A_558 = arith.constant 0 : i32
    %dma_start3A_559 = tpu.memref_slice %arg5[%add3A_551, %dma_start3A_558] : memref<4096x1024xf32, #tpu.memory_space<hbm>> -> memref<16x1024xf32, #tpu.memory_space<hbm>>
    %dma_start3A_560 = tpu.memref_slice %arg14[%dma_start3A_553] : memref<2x!tpu.dma_semaphore, #tpu.memory_space<semaphore_mem>> -> memref<1x!tpu.dma_semaphore, #tpu.memory_space<semaphore_mem>>
    %dma_start3A_561 = tpu.memref_squeeze %dma_start3A_560 : memref<1x!tpu.dma_semaphore, #tpu.memory_space<semaphore_mem>> -> memref<!tpu.dma_semaphore, #tpu.memory_space<semaphore_mem>>
    %dma_start3A_562 = arith.constant 0 : i32
    %dma_start3A_563 = tpu.memref_slice %arg5[%add3A_551, %dma_start3A_562] : memref<4096x1024xf32, #tpu.memory_space<hbm>> -> memref<16x1024xf32, #tpu.memory_space<hbm>>
    %dma_start3A_564 = arith.constant 0 : i32
    %dma_start3A_565 = arith.constant 0 : i32
    %dma_start3A_566 = tpu.memref_slice %arg10[%dma_start3A_552, %dma_start3A_564, %dma_start3A_565] : memref<2x16x1024xf32, #tpu.memory_space<vmem>> -> memref<1x16x1024xf32, #tpu.memory_space<vmem>>
    %dma_start3A_567 = tpu.memref_squeeze %dma_start3A_566 : memref<1x16x1024xf32, #tpu.memory_space<vmem>> -> memref<16x1024xf32, #tpu.memory_space<vmem>>
    tpu.enqueue_dma source(%dma_start3A_567 : memref<16x1024xf32, #tpu.memory_space<vmem>>) target(%dma_start3A_563 : memref<16x1024xf32, #tpu.memory_space<hbm>>) target_semaphore(%dma_start3A_561 : memref<!tpu.dma_semaphore, #tpu.memory_space<semaphore_mem>>)
    %dma_start3A_568 = arith.constant 5 : i32
    %dma_start3A_569 = arith.constant 1 : i32
    %dma_start3A_570 = arith.constant 1 : i32
    %dma_start3A_571 = arith.constant 0 : i32
    %dma_start3A_572 = arith.constant 0 : i32
    %dma_start3A_573 = tpu.memref_slice %arg10[%dma_start3A_569, %dma_start3A_571, %dma_start3A_572] : memref<2x16x1024xf32, #tpu.memory_space<vmem>> -> memref<1x16x1024xf32, #tpu.memory_space<vmem>>
    %dma_start3A_574 = tpu.memref_squeeze %dma_start3A_573 : memref<1x16x1024xf32, #tpu.memory_space<vmem>> -> memref<16x1024xf32, #tpu.memory_space<vmem>>
    %dma_start3A_575 = arith.constant 0 : i32
    %dma_start3A_576 = tpu.memref_slice %arg8[%dma_start3A_568, %dma_start3A_575] : memref<8x16xi32, #tpu.memory_space<vmem>> -> memref<1x16xi32, #tpu.memory_space<vmem>>
    %dma_start3A_577 = tpu.memref_squeeze %dma_start3A_576 : memref<1x16xi32, #tpu.memory_space<vmem>> -> memref<16xi32, #tpu.memory_space<vmem>>
    %dma_start3A_578 = arith.constant 0 : i32
    %dma_start3A_579 = arith.constant 0 : i32
    %dma_start3A_580 = tpu.memref_slice %arg2[%dma_start3A_578, %dma_start3A_579] : memref<8192x1024xf32, #tpu.memory_space<hbm>> -> memref<8192x1024xf32, #tpu.memory_space<hbm>>
    %dma_start3A_581 = tpu.memref_slice %arg12[%dma_start3A_570] : memref<2x!tpu.dma_semaphore, #tpu.memory_space<semaphore_mem>> -> memref<1x!tpu.dma_semaphore, #tpu.memory_space<semaphore_mem>>
    %dma_start3A_582 = tpu.memref_squeeze %dma_start3A_581 : memref<1x!tpu.dma_semaphore, #tpu.memory_space<semaphore_mem>> -> memref<!tpu.dma_semaphore, #tpu.memory_space<semaphore_mem>>
    tpu.enqueue_indirect_dma source(%dma_start3A_580 : memref<8192x1024xf32, #tpu.memory_space<hbm>>) target(%dma_start3A_574 : memref<16x1024xf32, #tpu.memory_space<vmem>>) offsets(%dma_start3A_577 : memref<16xi32, #tpu.memory_space<vmem>>) semaphore(%dma_start3A_582 : memref<!tpu.dma_semaphore, #tpu.memory_space<semaphore_mem>>)
    %dma_start3A_583 = arith.constant 5 : i32
    %dma_start3A_584 = arith.constant 1 : i32
    %dma_start3A_585 = arith.constant 1 : i32
    %dma_start3A_586 = arith.constant 0 : i32
    %dma_start3A_587 = arith.constant 0 : i32
    %dma_start3A_588 = tpu.memref_slice %arg11[%dma_start3A_584, %dma_start3A_586, %dma_start3A_587] : memref<2x16x1024xf32, #tpu.memory_space<vmem>> -> memref<1x16x1024xf32, #tpu.memory_space<vmem>>
    %dma_start3A_589 = tpu.memref_squeeze %dma_start3A_588 : memref<1x16x1024xf32, #tpu.memory_space<vmem>> -> memref<16x1024xf32, #tpu.memory_space<vmem>>
    %dma_start3A_590 = arith.constant 0 : i32
    %dma_start3A_591 = tpu.memref_slice %arg9[%dma_start3A_583, %dma_start3A_590] : memref<8x16xi32, #tpu.memory_space<vmem>> -> memref<1x16xi32, #tpu.memory_space<vmem>>
    %dma_start3A_592 = tpu.memref_squeeze %dma_start3A_591 : memref<1x16xi32, #tpu.memory_space<vmem>> -> memref<16xi32, #tpu.memory_space<vmem>>
    %dma_start3A_593 = arith.constant 0 : i32
    %dma_start3A_594 = arith.constant 0 : i32
    %dma_start3A_595 = tpu.memref_slice %arg2[%dma_start3A_593, %dma_start3A_594] : memref<8192x1024xf32, #tpu.memory_space<hbm>> -> memref<8192x1024xf32, #tpu.memory_space<hbm>>
    %dma_start3A_596 = tpu.memref_slice %arg13[%dma_start3A_585] : memref<2x!tpu.dma_semaphore, #tpu.memory_space<semaphore_mem>> -> memref<1x!tpu.dma_semaphore, #tpu.memory_space<semaphore_mem>>
    %dma_start3A_597 = tpu.memref_squeeze %dma_start3A_596 : memref<1x!tpu.dma_semaphore, #tpu.memory_space<semaphore_mem>> -> memref<!tpu.dma_semaphore, #tpu.memory_space<semaphore_mem>>
    tpu.enqueue_indirect_dma source(%dma_start3A_595 : memref<8192x1024xf32, #tpu.memory_space<hbm>>) target(%dma_start3A_589 : memref<16x1024xf32, #tpu.memory_space<vmem>>) offsets(%dma_start3A_592 : memref<16xi32, #tpu.memory_space<vmem>>) semaphore(%dma_start3A_597 : memref<!tpu.dma_semaphore, #tpu.memory_space<semaphore_mem>>)
    %dma_wait3A_598 = arith.constant 4 : i32
    %dma_wait3A_599 = arith.constant 0 : i32
    %dma_wait3A_600 = arith.constant 0 : i32
    %dma_wait3A_601 = arith.constant 0 : i32
    %dma_wait3A_602 = arith.constant 0 : i32
    %dma_wait3A_603 = tpu.memref_slice %arg10[%dma_wait3A_599, %dma_wait3A_601, %dma_wait3A_602] : memref<2x16x1024xf32, #tpu.memory_space<vmem>> -> memref<1x16x1024xf32, #tpu.memory_space<vmem>>
    %dma_wait3A_604 = tpu.memref_squeeze %dma_wait3A_603 : memref<1x16x1024xf32, #tpu.memory_space<vmem>> -> memref<16x1024xf32, #tpu.memory_space<vmem>>
    %dma_wait3A_605 = arith.constant 0 : i32
    %dma_wait3A_606 = tpu.memref_slice %arg8[%dma_wait3A_598, %dma_wait3A_605] : memref<8x16xi32, #tpu.memory_space<vmem>> -> memref<1x16xi32, #tpu.memory_space<vmem>>
    %dma_wait3A_607 = tpu.memref_squeeze %dma_wait3A_606 : memref<1x16xi32, #tpu.memory_space<vmem>> -> memref<16xi32, #tpu.memory_space<vmem>>
    %dma_wait3A_608 = arith.constant 0 : i32
    %dma_wait3A_609 = arith.constant 0 : i32
    %dma_wait3A_610 = tpu.memref_slice %arg2[%dma_wait3A_608, %dma_wait3A_609] : memref<8192x1024xf32, #tpu.memory_space<hbm>> -> memref<8192x1024xf32, #tpu.memory_space<hbm>>
    %dma_wait3A_611 = tpu.memref_slice %arg12[%dma_wait3A_600] : memref<2x!tpu.dma_semaphore, #tpu.memory_space<semaphore_mem>> -> memref<1x!tpu.dma_semaphore, #tpu.memory_space<semaphore_mem>>
    %dma_wait3A_612 = tpu.memref_squeeze %dma_wait3A_611 : memref<1x!tpu.dma_semaphore, #tpu.memory_space<semaphore_mem>> -> memref<!tpu.dma_semaphore, #tpu.memory_space<semaphore_mem>>
    tpu.wait_indirect_dma semaphore(%dma_wait3A_612 : memref<!tpu.dma_semaphore, #tpu.memory_space<semaphore_mem>>) src(%dma_wait3A_610 : memref<8192x1024xf32, #tpu.memory_space<hbm>>) dst(%dma_wait3A_604 : memref<16x1024xf32, #tpu.memory_space<vmem>>)
    %dma_wait3A_613 = arith.constant 4 : i32
    %dma_wait3A_614 = arith.constant 0 : i32
    %dma_wait3A_615 = arith.constant 0 : i32
    %dma_wait3A_616 = arith.constant 0 : i32
    %dma_wait3A_617 = arith.constant 0 : i32
    %dma_wait3A_618 = tpu.memref_slice %arg11[%dma_wait3A_614, %dma_wait3A_616, %dma_wait3A_617] : memref<2x16x1024xf32, #tpu.memory_space<vmem>> -> memref<1x16x1024xf32, #tpu.memory_space<vmem>>
    %dma_wait3A_619 = tpu.memref_squeeze %dma_wait3A_618 : memref<1x16x1024xf32, #tpu.memory_space<vmem>> -> memref<16x1024xf32, #tpu.memory_space<vmem>>
    %dma_wait3A_620 = arith.constant 0 : i32
    %dma_wait3A_621 = tpu.memref_slice %arg9[%dma_wait3A_613, %dma_wait3A_620] : memref<8x16xi32, #tpu.memory_space<vmem>> -> memref<1x16xi32, #tpu.memory_space<vmem>>
    %dma_wait3A_622 = tpu.memref_squeeze %dma_wait3A_621 : memref<1x16xi32, #tpu.memory_space<vmem>> -> memref<16xi32, #tpu.memory_space<vmem>>
    %dma_wait3A_623 = arith.constant 0 : i32
    %dma_wait3A_624 = arith.constant 0 : i32
    %dma_wait3A_625 = tpu.memref_slice %arg2[%dma_wait3A_623, %dma_wait3A_624] : memref<8192x1024xf32, #tpu.memory_space<hbm>> -> memref<8192x1024xf32, #tpu.memory_space<hbm>>
    %dma_wait3A_626 = tpu.memref_slice %arg13[%dma_wait3A_615] : memref<2x!tpu.dma_semaphore, #tpu.memory_space<semaphore_mem>> -> memref<1x!tpu.dma_semaphore, #tpu.memory_space<semaphore_mem>>
    %dma_wait3A_627 = tpu.memref_squeeze %dma_wait3A_626 : memref<1x!tpu.dma_semaphore, #tpu.memory_space<semaphore_mem>> -> memref<!tpu.dma_semaphore, #tpu.memory_space<semaphore_mem>>
    tpu.wait_indirect_dma semaphore(%dma_wait3A_627 : memref<!tpu.dma_semaphore, #tpu.memory_space<semaphore_mem>>) src(%dma_wait3A_625 : memref<8192x1024xf32, #tpu.memory_space<hbm>>) dst(%dma_wait3A_619 : memref<16x1024xf32, #tpu.memory_space<vmem>>)
    %scan3A_628 = arith.constant 0 : i32
    %scan3A_629 = arith.constant 16 : i32
    %scan3A_630 = arith.addi %scan3A_628, %scan3A_629 : i32
    %scan3A_631 = arith.constant 1 : i32
    scf.for %scan3A_966 = %scan3A_628 to %scan3A_630 step %scan3A_631  : i32 {
      %mul3A_967 = arith.constant 1 : i32
      %mul3A_968 = arith.muli %scan3A_966, %mul3A_967 : i32
      %add3A_969 = arith.constant 0 : i32
      %add3A_970 = arith.addi %add3A_969, %mul3A_968 : i32
      %scan3A_971 = arith.constant 0 : i32
      %scan3A_972 = arith.constant 16 : i32
      %scan3A_973 = arith.addi %scan3A_971, %scan3A_972 : i32
      %scan3A_974 = arith.constant 1 : i32
      scf.for %scan3A_976 = %scan3A_971 to %scan3A_973 step %scan3A_974  : i32 {
        %mul3A_977 = arith.constant 64 : i32
        %mul3A_978 = arith.muli %scan3A_976, %mul3A_977 : i32
        %add3A_979 = arith.constant 0 : i32
        %add3A_980 = arith.addi %add3A_979, %mul3A_978 : i32
        %add3A_981 = arith.constant 0 : i32
        %add3A_982 = arith.addi %add3A_980, %add3A_981 : i32
        %get3A_983 = arith.constant 0 : i32
        %get3A_984 = arith.index_cast %get3A_983 : i32 to index
        %get3A_985 = arith.index_cast %add3A_970 : i32 to index
        %get3A_986 = arith.index_cast %add3A_982 : i32 to index
        %get3A_987 = tpu.vector_load %arg10[%get3A_984, %get3A_985, %get3A_986] {strides = array<i32>} : memref<2x16x1024xf32, #tpu.memory_space<vmem>>, vector<1x1x16xf32>,
        %get3A_988 = vector.shape_cast %get3A_987 : vector<1x1x16xf32> to vector<16xf32>
        %get3A_989 = arith.constant 0 : i32
        %get3A_990 = arith.index_cast %get3A_989 : i32 to index
        %get3A_991 = arith.index_cast %add3A_970 : i32 to index
        %get3A_992 = arith.index_cast %add3A_982 : i32 to index
        %get3A_993 = tpu.vector_load %arg11[%get3A_990, %get3A_991, %get3A_992] {strides = array<i32>} : memref<2x16x1024xf32, #tpu.memory_space<vmem>>, vector<1x1x16xf32>,
        %get3A_994 = vector.shape_cast %get3A_993 : vector<1x1x16xf32> to vector<16xf32>
        %add3A_995 = arith.addf %get3A_988, %get3A_994 : vector<16xf32>
        %swap3A_996 = arith.constant 0 : i32
        %swap3A_997 = arith.index_cast %swap3A_996 : i32 to index
        %swap3A_998 = arith.index_cast %add3A_970 : i32 to index
        %swap3A_999 = arith.index_cast %add3A_982 : i32 to index
        %swap3A_1000 = tpu.vector_load %arg10[%swap3A_997, %swap3A_998, %swap3A_999] {strides = array<i32>} : memref<2x16x1024xf32, #tpu.memory_space<vmem>>, vector<1x1x16xf32>,
        %swap3A_1001 = vector.shape_cast %swap3A_1000 : vector<1x1x16xf32> to vector<16xf32>
        %swap3A_1002 = vector.shape_cast %add3A_995 : vector<16xf32> to vector<1x1x16xf32>
        tpu.vector_store %arg10[%swap3A_997, %swap3A_998, %swap3A_999], %swap3A_1002 {strides = array<i32>} : memref<2x16x1024xf32, #tpu.memory_space<vmem>>, vector<1x1x16xf32>,
        %add3A_1003 = arith.constant 16 : i32
        %add3A_1004 = arith.addi %add3A_980, %add3A_1003 : i32
        %get3A_1005 = arith.constant 0 : i32
        %get3A_1006 = arith.index_cast %get3A_1005 : i32 to index
        %get3A_1007 = arith.index_cast %add3A_970 : i32 to index
        %get3A_1008 = arith.index_cast %add3A_1004 : i32 to index
        %get3A_1009 = tpu.vector_load %arg10[%get3A_1006, %get3A_1007, %get3A_1008] {strides = array<i32>} : memref<2x16x1024xf32, #tpu.memory_space<vmem>>, vector<1x1x16xf32>,
        %get3A_1010 = vector.shape_cast %get3A_1009 : vector<1x1x16xf32> to vector<16xf32>
        %get3A_1011 = arith.constant 0 : i32
        %get3A_1012 = arith.index_cast %get3A_1011 : i32 to index
        %get3A_1013 = arith.index_cast %add3A_970 : i32 to index
        %get3A_1014 = arith.index_cast %add3A_1004 : i32 to index
        %get3A_1015 = tpu.vector_load %arg11[%get3A_1012, %get3A_1013, %get3A_1014] {strides = array<i32>} : memref<2x16x1024xf32, #tpu.memory_space<vmem>>, vector<1x1x16xf32>,
        %get3A_1016 = vector.shape_cast %get3A_1015 : vector<1x1x16xf32> to vector<16xf32>
        %add3A_1017 = arith.addf %get3A_1010, %get3A_1016 : vector<16xf32>
        %swap3A_1018 = arith.constant 0 : i32
        %swap3A_1019 = arith.index_cast %swap3A_1018 : i32 to index
        %swap3A_1020 = arith.index_cast %add3A_970 : i32 to index
        %swap3A_1021 = arith.index_cast %add3A_1004 : i32 to index
        %swap3A_1022 = tpu.vector_load %arg10[%swap3A_1019, %swap3A_1020, %swap3A_1021] {strides = array<i32>} : memref<2x16x1024xf32, #tpu.memory_space<vmem>>, vector<1x1x16xf32>,
        %swap3A_1023 = vector.shape_cast %swap3A_1022 : vector<1x1x16xf32> to vector<16xf32>
        %swap3A_1024 = vector.shape_cast %add3A_1017 : vector<16xf32> to vector<1x1x16xf32>
        tpu.vector_store %arg10[%swap3A_1019, %swap3A_1020, %swap3A_1021], %swap3A_1024 {strides = array<i32>} : memref<2x16x1024xf32, #tpu.memory_space<vmem>>, vector<1x1x16xf32>,
        %add3A_1025 = arith.constant 32 : i32
        %add3A_1026 = arith.addi %add3A_980, %add3A_1025 : i32
        %get3A_1027 = arith.constant 0 : i32
        %get3A_1028 = arith.index_cast %get3A_1027 : i32 to index
        %get3A_1029 = arith.index_cast %add3A_970 : i32 to index
        %get3A_1030 = arith.index_cast %add3A_1026 : i32 to index
        %get3A_1031 = tpu.vector_load %arg10[%get3A_1028, %get3A_1029, %get3A_1030] {strides = array<i32>} : memref<2x16x1024xf32, #tpu.memory_space<vmem>>, vector<1x1x16xf32>,
        %get3A_1032 = vector.shape_cast %get3A_1031 : vector<1x1x16xf32> to vector<16xf32>
        %get3A_1033 = arith.constant 0 : i32
        %get3A_1034 = arith.index_cast %get3A_1033 : i32 to index
        %get3A_1035 = arith.index_cast %add3A_970 : i32 to index
        %get3A_1036 = arith.index_cast %add3A_1026 : i32 to index
        %get3A_1037 = tpu.vector_load %arg11[%get3A_1034, %get3A_1035, %get3A_1036] {strides = array<i32>} : memref<2x16x1024xf32, #tpu.memory_space<vmem>>, vector<1x1x16xf32>,
        %get3A_1038 = vector.shape_cast %get3A_1037 : vector<1x1x16xf32> to vector<16xf32>
        %add3A_1039 = arith.addf %get3A_1032, %get3A_1038 : vector<16xf32>
        %swap3A_1040 = arith.constant 0 : i32
        %swap3A_1041 = arith.index_cast %swap3A_1040 : i32 to index
        %swap3A_1042 = arith.index_cast %add3A_970 : i32 to index
        %swap3A_1043 = arith.index_cast %add3A_1026 : i32 to index
        %swap3A_1044 = tpu.vector_load %arg10[%swap3A_1041, %swap3A_1042, %swap3A_1043] {strides = array<i32>} : memref<2x16x1024xf32, #tpu.memory_space<vmem>>, vector<1x1x16xf32>,
        %swap3A_1045 = vector.shape_cast %swap3A_1044 : vector<1x1x16xf32> to vector<16xf32>
        %swap3A_1046 = vector.shape_cast %add3A_1039 : vector<16xf32> to vector<1x1x16xf32>
        tpu.vector_store %arg10[%swap3A_1041, %swap3A_1042, %swap3A_1043], %swap3A_1046 {strides = array<i32>} : memref<2x16x1024xf32, #tpu.memory_space<vmem>>, vector<1x1x16xf32>,
        %add3A_1047 = arith.constant 48 : i32
        %add3A_1048 = arith.addi %add3A_980, %add3A_1047 : i32
        %get3A_1049 = arith.constant 0 : i32
        %get3A_1050 = arith.index_cast %get3A_1049 : i32 to index
        %get3A_1051 = arith.index_cast %add3A_970 : i32 to index
        %get3A_1052 = arith.index_cast %add3A_1048 : i32 to index
        %get3A_1053 = tpu.vector_load %arg10[%get3A_1050, %get3A_1051, %get3A_1052] {strides = array<i32>} : memref<2x16x1024xf32, #tpu.memory_space<vmem>>, vector<1x1x16xf32>,
        %get3A_1054 = vector.shape_cast %get3A_1053 : vector<1x1x16xf32> to vector<16xf32>
        %get3A_1055 = arith.constant 0 : i32
        %get3A_1056 = arith.index_cast %get3A_1055 : i32 to index
        %get3A_1057 = arith.index_cast %add3A_970 : i32 to index
        %get3A_1058 = arith.index_cast %add3A_1048 : i32 to index
        %get3A_1059 = tpu.vector_load %arg11[%get3A_1056, %get3A_1057, %get3A_1058] {strides = array<i32>} : memref<2x16x1024xf32, #tpu.memory_space<vmem>>, vector<1x1x16xf32>,
        %get3A_1060 = vector.shape_cast %get3A_1059 : vector<1x1x16xf32> to vector<16xf32>
        %add3A_1061 = arith.addf %get3A_1054, %get3A_1060 : vector<16xf32>
        %swap3A_1062 = arith.constant 0 : i32
        %swap3A_1063 = arith.index_cast %swap3A_1062 : i32 to index
        %swap3A_1064 = arith.index_cast %add3A_970 : i32 to index
        %swap3A_1065 = arith.index_cast %add3A_1048 : i32 to index
        %swap3A_1066 = tpu.vector_load %arg10[%swap3A_1063, %swap3A_1064, %swap3A_1065] {strides = array<i32>} : memref<2x16x1024xf32, #tpu.memory_space<vmem>>, vector<1x1x16xf32>,
        %swap3A_1067 = vector.shape_cast %swap3A_1066 : vector<1x1x16xf32> to vector<16xf32>
        %swap3A_1068 = vector.shape_cast %add3A_1061 : vector<16xf32> to vector<1x1x16xf32>
        tpu.vector_store %arg10[%swap3A_1063, %swap3A_1064, %swap3A_1065], %swap3A_1068 {strides = array<i32>} : memref<2x16x1024xf32, #tpu.memory_space<vmem>>, vector<1x1x16xf32>,
      }
      %scan3A_975 = arith.constant 16 : i32
    }
    %scan3A_632 = arith.constant 16 : i32
    %dma_wait3A_633 = arith.constant 0 : i32
    %dma_wait3A_634 = arith.constant 0 : i32
    %dma_wait3A_635 = arith.constant 0 : i32
    %dma_wait3A_636 = arith.constant 0 : i32
    %dma_wait3A_637 = tpu.memref_slice %arg10[%dma_wait3A_633, %dma_wait3A_635, %dma_wait3A_636] : memref<2x16x1024xf32, #tpu.memory_space<vmem>> -> memref<1x16x1024xf32, #tpu.memory_space<vmem>>
    %dma_wait3A_638 = tpu.memref_squeeze %dma_wait3A_637 : memref<1x16x1024xf32, #tpu.memory_space<vmem>> -> memref<16x1024xf32, #tpu.memory_space<vmem>>
    %dma_wait3A_639 = arith.constant 0 : i32
    %dma_wait3A_640 = tpu.memref_slice %arg5[%add3A_452, %dma_wait3A_639] : memref<4096x1024xf32, #tpu.memory_space<hbm>> -> memref<16x1024xf32, #tpu.memory_space<hbm>>
    %dma_wait3A_641 = tpu.memref_slice %arg14[%dma_wait3A_634] : memref<2x!tpu.dma_semaphore, #tpu.memory_space<semaphore_mem>> -> memref<1x!tpu.dma_semaphore, #tpu.memory_space<semaphore_mem>>
    %dma_wait3A_642 = tpu.memref_squeeze %dma_wait3A_641 : memref<1x!tpu.dma_semaphore, #tpu.memory_space<semaphore_mem>> -> memref<!tpu.dma_semaphore, #tpu.memory_space<semaphore_mem>>
    %dma_wait3A_643 = arith.constant 0 : i32
    %dma_wait3A_644 = tpu.memref_slice %arg5[%add3A_452, %dma_wait3A_643] : memref<4096x1024xf32, #tpu.memory_space<hbm>> -> memref<16x1024xf32, #tpu.memory_space<hbm>>
    %dma_wait3A_645 = arith.constant 0 : i32
    %dma_wait3A_646 = arith.constant 0 : i32
    %dma_wait3A_647 = tpu.memref_slice %arg10[%dma_wait3A_633, %dma_wait3A_645, %dma_wait3A_646] : memref<2x16x1024xf32, #tpu.memory_space<vmem>> -> memref<1x16x1024xf32, #tpu.memory_space<vmem>>
    %dma_wait3A_648 = tpu.memref_squeeze %dma_wait3A_647 : memref<1x16x1024xf32, #tpu.memory_space<vmem>> -> memref<16x1024xf32, #tpu.memory_space<vmem>>
    tpu.wait_dma2 semaphore(%dma_wait3A_642 : memref<!tpu.dma_semaphore, #tpu.memory_space<semaphore_mem>>) src(%dma_wait3A_648 : memref<16x1024xf32, #tpu.memory_space<vmem>>) dst(%dma_wait3A_644 : memref<16x1024xf32, #tpu.memory_space<hbm>>)
    %add3A_649 = arith.constant 64 : i32
    %add3A_650 = arith.addi %mul3A_2, %add3A_649 : i32
    %dma_start3A_651 = arith.constant 0 : i32
    %dma_start3A_652 = arith.constant 0 : i32
    %dma_start3A_653 = arith.constant 0 : i32
    %dma_start3A_654 = arith.constant 0 : i32
    %dma_start3A_655 = tpu.memref_slice %arg10[%dma_start3A_651, %dma_start3A_653, %dma_start3A_654] : memref<2x16x1024xf32, #tpu.memory_space<vmem>> -> memref<1x16x1024xf32, #tpu.memory_space<vmem>>
    %dma_start3A_656 = tpu.memref_squeeze %dma_start3A_655 : memref<1x16x1024xf32, #tpu.memory_space<vmem>> -> memref<16x1024xf32, #tpu.memory_space<vmem>>
    %dma_start3A_657 = arith.constant 0 : i32
    %dma_start3A_658 = tpu.memref_slice %arg5[%add3A_650, %dma_start3A_657] : memref<4096x1024xf32, #tpu.memory_space<hbm>> -> memref<16x1024xf32, #tpu.memory_space<hbm>>
    %dma_start3A_659 = tpu.memref_slice %arg14[%dma_start3A_652] : memref<2x!tpu.dma_semaphore, #tpu.memory_space<semaphore_mem>> -> memref<1x!tpu.dma_semaphore, #tpu.memory_space<semaphore_mem>>
    %dma_start3A_660 = tpu.memref_squeeze %dma_start3A_659 : memref<1x!tpu.dma_semaphore, #tpu.memory_space<semaphore_mem>> -> memref<!tpu.dma_semaphore, #tpu.memory_space<semaphore_mem>>
    %dma_start3A_661 = arith.constant 0 : i32
    %dma_start3A_662 = tpu.memref_slice %arg5[%add3A_650, %dma_start3A_661] : memref<4096x1024xf32, #tpu.memory_space<hbm>> -> memref<16x1024xf32, #tpu.memory_space<hbm>>
    %dma_start3A_663 = arith.constant 0 : i32
    %dma_start3A_664 = arith.constant 0 : i32
    %dma_start3A_665 = tpu.memref_slice %arg10[%dma_start3A_651, %dma_start3A_663, %dma_start3A_664] : memref<2x16x1024xf32, #tpu.memory_space<vmem>> -> memref<1x16x1024xf32, #tpu.memory_space<vmem>>
    %dma_start3A_666 = tpu.memref_squeeze %dma_start3A_665 : memref<1x16x1024xf32, #tpu.memory_space<vmem>> -> memref<16x1024xf32, #tpu.memory_space<vmem>>
    tpu.enqueue_dma source(%dma_start3A_666 : memref<16x1024xf32, #tpu.memory_space<vmem>>) target(%dma_start3A_662 : memref<16x1024xf32, #tpu.memory_space<hbm>>) target_semaphore(%dma_start3A_660 : memref<!tpu.dma_semaphore, #tpu.memory_space<semaphore_mem>>)
    %dma_start3A_667 = arith.constant 6 : i32
    %dma_start3A_668 = arith.constant 0 : i32
    %dma_start3A_669 = arith.constant 0 : i32
    %dma_start3A_670 = arith.constant 0 : i32
    %dma_start3A_671 = arith.constant 0 : i32
    %dma_start3A_672 = tpu.memref_slice %arg10[%dma_start3A_668, %dma_start3A_670, %dma_start3A_671] : memref<2x16x1024xf32, #tpu.memory_space<vmem>> -> memref<1x16x1024xf32, #tpu.memory_space<vmem>>
    %dma_start3A_673 = tpu.memref_squeeze %dma_start3A_672 : memref<1x16x1024xf32, #tpu.memory_space<vmem>> -> memref<16x1024xf32, #tpu.memory_space<vmem>>
    %dma_start3A_674 = arith.constant 0 : i32
    %dma_start3A_675 = tpu.memref_slice %arg8[%dma_start3A_667, %dma_start3A_674] : memref<8x16xi32, #tpu.memory_space<vmem>> -> memref<1x16xi32, #tpu.memory_space<vmem>>
    %dma_start3A_676 = tpu.memref_squeeze %dma_start3A_675 : memref<1x16xi32, #tpu.memory_space<vmem>> -> memref<16xi32, #tpu.memory_space<vmem>>
    %dma_start3A_677 = arith.constant 0 : i32
    %dma_start3A_678 = arith.constant 0 : i32
    %dma_start3A_679 = tpu.memref_slice %arg2[%dma_start3A_677, %dma_start3A_678] : memref<8192x1024xf32, #tpu.memory_space<hbm>> -> memref<8192x1024xf32, #tpu.memory_space<hbm>>
    %dma_start3A_680 = tpu.memref_slice %arg12[%dma_start3A_669] : memref<2x!tpu.dma_semaphore, #tpu.memory_space<semaphore_mem>> -> memref<1x!tpu.dma_semaphore, #tpu.memory_space<semaphore_mem>>
    %dma_start3A_681 = tpu.memref_squeeze %dma_start3A_680 : memref<1x!tpu.dma_semaphore, #tpu.memory_space<semaphore_mem>> -> memref<!tpu.dma_semaphore, #tpu.memory_space<semaphore_mem>>
    tpu.enqueue_indirect_dma source(%dma_start3A_679 : memref<8192x1024xf32, #tpu.memory_space<hbm>>) target(%dma_start3A_673 : memref<16x1024xf32, #tpu.memory_space<vmem>>) offsets(%dma_start3A_676 : memref<16xi32, #tpu.memory_space<vmem>>) semaphore(%dma_start3A_681 : memref<!tpu.dma_semaphore, #tpu.memory_space<semaphore_mem>>)
    %dma_start3A_682 = arith.constant 6 : i32
    %dma_start3A_683 = arith.constant 0 : i32
    %dma_start3A_684 = arith.constant 0 : i32
    %dma_start3A_685 = arith.constant 0 : i32
    %dma_start3A_686 = arith.constant 0 : i32
    %dma_start3A_687 = tpu.memref_slice %arg11[%dma_start3A_683, %dma_start3A_685, %dma_start3A_686] : memref<2x16x1024xf32, #tpu.memory_space<vmem>> -> memref<1x16x1024xf32, #tpu.memory_space<vmem>>
    %dma_start3A_688 = tpu.memref_squeeze %dma_start3A_687 : memref<1x16x1024xf32, #tpu.memory_space<vmem>> -> memref<16x1024xf32, #tpu.memory_space<vmem>>
    %dma_start3A_689 = arith.constant 0 : i32
    %dma_start3A_690 = tpu.memref_slice %arg9[%dma_start3A_682, %dma_start3A_689] : memref<8x16xi32, #tpu.memory_space<vmem>> -> memref<1x16xi32, #tpu.memory_space<vmem>>
    %dma_start3A_691 = tpu.memref_squeeze %dma_start3A_690 : memref<1x16xi32, #tpu.memory_space<vmem>> -> memref<16xi32, #tpu.memory_space<vmem>>
    %dma_start3A_692 = arith.constant 0 : i32
    %dma_start3A_693 = arith.constant 0 : i32
    %dma_start3A_694 = tpu.memref_slice %arg2[%dma_start3A_692, %dma_start3A_693] : memref<8192x1024xf32, #tpu.memory_space<hbm>> -> memref<8192x1024xf32, #tpu.memory_space<hbm>>
    %dma_start3A_695 = tpu.memref_slice %arg13[%dma_start3A_684] : memref<2x!tpu.dma_semaphore, #tpu.memory_space<semaphore_mem>> -> memref<1x!tpu.dma_semaphore, #tpu.memory_space<semaphore_mem>>
    %dma_start3A_696 = tpu.memref_squeeze %dma_start3A_695 : memref<1x!tpu.dma_semaphore, #tpu.memory_space<semaphore_mem>> -> memref<!tpu.dma_semaphore, #tpu.memory_space<semaphore_mem>>
    tpu.enqueue_indirect_dma source(%dma_start3A_694 : memref<8192x1024xf32, #tpu.memory_space<hbm>>) target(%dma_start3A_688 : memref<16x1024xf32, #tpu.memory_space<vmem>>) offsets(%dma_start3A_691 : memref<16xi32, #tpu.memory_space<vmem>>) semaphore(%dma_start3A_696 : memref<!tpu.dma_semaphore, #tpu.memory_space<semaphore_mem>>)
    %dma_wait3A_697 = arith.constant 5 : i32
    %dma_wait3A_698 = arith.constant 1 : i32
    %dma_wait3A_699 = arith.constant 1 : i32
    %dma_wait3A_700 = arith.constant 0 : i32
    %dma_wait3A_701 = arith.constant 0 : i32
    %dma_wait3A_702 = tpu.memref_slice %arg10[%dma_wait3A_698, %dma_wait3A_700, %dma_wait3A_701] : memref<2x16x1024xf32, #tpu.memory_space<vmem>> -> memref<1x16x1024xf32, #tpu.memory_space<vmem>>
    %dma_wait3A_703 = tpu.memref_squeeze %dma_wait3A_702 : memref<1x16x1024xf32, #tpu.memory_space<vmem>> -> memref<16x1024xf32, #tpu.memory_space<vmem>>
    %dma_wait3A_704 = arith.constant 0 : i32
    %dma_wait3A_705 = tpu.memref_slice %arg8[%dma_wait3A_697, %dma_wait3A_704] : memref<8x16xi32, #tpu.memory_space<vmem>> -> memref<1x16xi32, #tpu.memory_space<vmem>>
    %dma_wait3A_706 = tpu.memref_squeeze %dma_wait3A_705 : memref<1x16xi32, #tpu.memory_space<vmem>> -> memref<16xi32, #tpu.memory_space<vmem>>
    %dma_wait3A_707 = arith.constant 0 : i32
    %dma_wait3A_708 = arith.constant 0 : i32
    %dma_wait3A_709 = tpu.memref_slice %arg2[%dma_wait3A_707, %dma_wait3A_708] : memref<8192x1024xf32, #tpu.memory_space<hbm>> -> memref<8192x1024xf32, #tpu.memory_space<hbm>>
    %dma_wait3A_710 = tpu.memref_slice %arg12[%dma_wait3A_699] : memref<2x!tpu.dma_semaphore, #tpu.memory_space<semaphore_mem>> -> memref<1x!tpu.dma_semaphore, #tpu.memory_space<semaphore_mem>>
    %dma_wait3A_711 = tpu.memref_squeeze %dma_wait3A_710 : memref<1x!tpu.dma_semaphore, #tpu.memory_space<semaphore_mem>> -> memref<!tpu.dma_semaphore, #tpu.memory_space<semaphore_mem>>
    tpu.wait_indirect_dma semaphore(%dma_wait3A_711 : memref<!tpu.dma_semaphore, #tpu.memory_space<semaphore_mem>>) src(%dma_wait3A_709 : memref<8192x1024xf32, #tpu.memory_space<hbm>>) dst(%dma_wait3A_703 : memref<16x1024xf32, #tpu.memory_space<vmem>>)
    %dma_wait3A_712 = arith.constant 5 : i32
    %dma_wait3A_713 = arith.constant 1 : i32
    %dma_wait3A_714 = arith.constant 1 : i32
    %dma_wait3A_715 = arith.constant 0 : i32
    %dma_wait3A_716 = arith.constant 0 : i32
    %dma_wait3A_717 = tpu.memref_slice %arg11[%dma_wait3A_713, %dma_wait3A_715, %dma_wait3A_716] : memref<2x16x1024xf32, #tpu.memory_space<vmem>> -> memref<1x16x1024xf32, #tpu.memory_space<vmem>>
    %dma_wait3A_718 = tpu.memref_squeeze %dma_wait3A_717 : memref<1x16x1024xf32, #tpu.memory_space<vmem>> -> memref<16x1024xf32, #tpu.memory_space<vmem>>
    %dma_wait3A_719 = arith.constant 0 : i32
    %dma_wait3A_720 = tpu.memref_slice %arg9[%dma_wait3A_712, %dma_wait3A_719] : memref<8x16xi32, #tpu.memory_space<vmem>> -> memref<1x16xi32, #tpu.memory_space<vmem>>
    %dma_wait3A_721 = tpu.memref_squeeze %dma_wait3A_720 : memref<1x16xi32, #tpu.memory_space<vmem>> -> memref<16xi32, #tpu.memory_space<vmem>>
    %dma_wait3A_722 = arith.constant 0 : i32
    %dma_wait3A_723 = arith.constant 0 : i32
    %dma_wait3A_724 = tpu.memref_slice %arg2[%dma_wait3A_722, %dma_wait3A_723] : memref<8192x1024xf32, #tpu.memory_space<hbm>> -> memref<8192x1024xf32, #tpu.memory_space<hbm>>
    %dma_wait3A_725 = tpu.memref_slice %arg13[%dma_wait3A_714] : memref<2x!tpu.dma_semaphore, #tpu.memory_space<semaphore_mem>> -> memref<1x!tpu.dma_semaphore, #tpu.memory_space<semaphore_mem>>
    %dma_wait3A_726 = tpu.memref_squeeze %dma_wait3A_725 : memref<1x!tpu.dma_semaphore, #tpu.memory_space<semaphore_mem>> -> memref<!tpu.dma_semaphore, #tpu.memory_space<semaphore_mem>>
    tpu.wait_indirect_dma semaphore(%dma_wait3A_726 : memref<!tpu.dma_semaphore, #tpu.memory_space<semaphore_mem>>) src(%dma_wait3A_724 : memref<8192x1024xf32, #tpu.memory_space<hbm>>) dst(%dma_wait3A_718 : memref<16x1024xf32, #tpu.memory_space<vmem>>)
    %scan3A_727 = arith.constant 0 : i32
    %scan3A_728 = arith.constant 16 : i32
    %scan3A_729 = arith.addi %scan3A_727, %scan3A_728 : i32
    %scan3A_730 = arith.constant 1 : i32
    scf.for %scan3A_966 = %scan3A_727 to %scan3A_729 step %scan3A_730  : i32 {
      %mul3A_967 = arith.constant 1 : i32
      %mul3A_968 = arith.muli %scan3A_966, %mul3A_967 : i32
      %add3A_969 = arith.constant 0 : i32
      %add3A_970 = arith.addi %add3A_969, %mul3A_968 : i32
      %scan3A_971 = arith.constant 0 : i32
      %scan3A_972 = arith.constant 16 : i32
      %scan3A_973 = arith.addi %scan3A_971, %scan3A_972 : i32
      %scan3A_974 = arith.constant 1 : i32
      scf.for %scan3A_976 = %scan3A_971 to %scan3A_973 step %scan3A_974  : i32 {
        %mul3A_977 = arith.constant 64 : i32
        %mul3A_978 = arith.muli %scan3A_976, %mul3A_977 : i32
        %add3A_979 = arith.constant 0 : i32
        %add3A_980 = arith.addi %add3A_979, %mul3A_978 : i32
        %add3A_981 = arith.constant 0 : i32
        %add3A_982 = arith.addi %add3A_980, %add3A_981 : i32
        %get3A_983 = arith.constant 1 : i32
        %get3A_984 = arith.index_cast %get3A_983 : i32 to index
        %get3A_985 = arith.index_cast %add3A_970 : i32 to index
        %get3A_986 = arith.index_cast %add3A_982 : i32 to index
        %get3A_987 = tpu.vector_load %arg10[%get3A_984, %get3A_985, %get3A_986] {strides = array<i32>} : memref<2x16x1024xf32, #tpu.memory_space<vmem>>, vector<1x1x16xf32>,
        %get3A_988 = vector.shape_cast %get3A_987 : vector<1x1x16xf32> to vector<16xf32>
        %get3A_989 = arith.constant 1 : i32
        %get3A_990 = arith.index_cast %get3A_989 : i32 to index
        %get3A_991 = arith.index_cast %add3A_970 : i32 to index
        %get3A_992 = arith.index_cast %add3A_982 : i32 to index
        %get3A_993 = tpu.vector_load %arg11[%get3A_990, %get3A_991, %get3A_992] {strides = array<i32>} : memref<2x16x1024xf32, #tpu.memory_space<vmem>>, vector<1x1x16xf32>,
        %get3A_994 = vector.shape_cast %get3A_993 : vector<1x1x16xf32> to vector<16xf32>
        %add3A_995 = arith.addf %get3A_988, %get3A_994 : vector<16xf32>
        %swap3A_996 = arith.constant 1 : i32
        %swap3A_997 = arith.index_cast %swap3A_996 : i32 to index
        %swap3A_998 = arith.index_cast %add3A_970 : i32 to index
        %swap3A_999 = arith.index_cast %add3A_982 : i32 to index
        %swap3A_1000 = tpu.vector_load %arg10[%swap3A_997, %swap3A_998, %swap3A_999] {strides = array<i32>} : memref<2x16x1024xf32, #tpu.memory_space<vmem>>, vector<1x1x16xf32>,
        %swap3A_1001 = vector.shape_cast %swap3A_1000 : vector<1x1x16xf32> to vector<16xf32>
        %swap3A_1002 = vector.shape_cast %add3A_995 : vector<16xf32> to vector<1x1x16xf32>
        tpu.vector_store %arg10[%swap3A_997, %swap3A_998, %swap3A_999], %swap3A_1002 {strides = array<i32>} : memref<2x16x1024xf32, #tpu.memory_space<vmem>>, vector<1x1x16xf32>,
        %add3A_1003 = arith.constant 16 : i32
        %add3A_1004 = arith.addi %add3A_980, %add3A_1003 : i32
        %get3A_1005 = arith.constant 1 : i32
        %get3A_1006 = arith.index_cast %get3A_1005 : i32 to index
        %get3A_1007 = arith.index_cast %add3A_970 : i32 to index
        %get3A_1008 = arith.index_cast %add3A_1004 : i32 to index
        %get3A_1009 = tpu.vector_load %arg10[%get3A_1006, %get3A_1007, %get3A_1008] {strides = array<i32>} : memref<2x16x1024xf32, #tpu.memory_space<vmem>>, vector<1x1x16xf32>,
        %get3A_1010 = vector.shape_cast %get3A_1009 : vector<1x1x16xf32> to vector<16xf32>
        %get3A_1011 = arith.constant 1 : i32
        %get3A_1012 = arith.index_cast %get3A_1011 : i32 to index
        %get3A_1013 = arith.index_cast %add3A_970 : i32 to index
        %get3A_1014 = arith.index_cast %add3A_1004 : i32 to index
        %get3A_1015 = tpu.vector_load %arg11[%get3A_1012, %get3A_1013, %get3A_1014] {strides = array<i32>} : memref<2x16x1024xf32, #tpu.memory_space<vmem>>, vector<1x1x16xf32>,
        %get3A_1016 = vector.shape_cast %get3A_1015 : vector<1x1x16xf32> to vector<16xf32>
        %add3A_1017 = arith.addf %get3A_1010, %get3A_1016 : vector<16xf32>
        %swap3A_1018 = arith.constant 1 : i32
        %swap3A_1019 = arith.index_cast %swap3A_1018 : i32 to index
        %swap3A_1020 = arith.index_cast %add3A_970 : i32 to index
        %swap3A_1021 = arith.index_cast %add3A_1004 : i32 to index
        %swap3A_1022 = tpu.vector_load %arg10[%swap3A_1019, %swap3A_1020, %swap3A_1021] {strides = array<i32>} : memref<2x16x1024xf32, #tpu.memory_space<vmem>>, vector<1x1x16xf32>,
        %swap3A_1023 = vector.shape_cast %swap3A_1022 : vector<1x1x16xf32> to vector<16xf32>
        %swap3A_1024 = vector.shape_cast %add3A_1017 : vector<16xf32> to vector<1x1x16xf32>
        tpu.vector_store %arg10[%swap3A_1019, %swap3A_1020, %swap3A_1021], %swap3A_1024 {strides = array<i32>} : memref<2x16x1024xf32, #tpu.memory_space<vmem>>, vector<1x1x16xf32>,
        %add3A_1025 = arith.constant 32 : i32
        %add3A_1026 = arith.addi %add3A_980, %add3A_1025 : i32
        %get3A_1027 = arith.constant 1 : i32
        %get3A_1028 = arith.index_cast %get3A_1027 : i32 to index
        %get3A_1029 = arith.index_cast %add3A_970 : i32 to index
        %get3A_1030 = arith.index_cast %add3A_1026 : i32 to index
        %get3A_1031 = tpu.vector_load %arg10[%get3A_1028, %get3A_1029, %get3A_1030] {strides = array<i32>} : memref<2x16x1024xf32, #tpu.memory_space<vmem>>, vector<1x1x16xf32>,
        %get3A_1032 = vector.shape_cast %get3A_1031 : vector<1x1x16xf32> to vector<16xf32>
        %get3A_1033 = arith.constant 1 : i32
        %get3A_1034 = arith.index_cast %get3A_1033 : i32 to index
        %get3A_1035 = arith.index_cast %add3A_970 : i32 to index
        %get3A_1036 = arith.index_cast %add3A_1026 : i32 to index
        %get3A_1037 = tpu.vector_load %arg11[%get3A_1034, %get3A_1035, %get3A_1036] {strides = array<i32>} : memref<2x16x1024xf32, #tpu.memory_space<vmem>>, vector<1x1x16xf32>,
        %get3A_1038 = vector.shape_cast %get3A_1037 : vector<1x1x16xf32> to vector<16xf32>
        %add3A_1039 = arith.addf %get3A_1032, %get3A_1038 : vector<16xf32>
        %swap3A_1040 = arith.constant 1 : i32
        %swap3A_1041 = arith.index_cast %swap3A_1040 : i32 to index
        %swap3A_1042 = arith.index_cast %add3A_970 : i32 to index
        %swap3A_1043 = arith.index_cast %add3A_1026 : i32 to index
        %swap3A_1044 = tpu.vector_load %arg10[%swap3A_1041, %swap3A_1042, %swap3A_1043] {strides = array<i32>} : memref<2x16x1024xf32, #tpu.memory_space<vmem>>, vector<1x1x16xf32>,
        %swap3A_1045 = vector.shape_cast %swap3A_1044 : vector<1x1x16xf32> to vector<16xf32>
        %swap3A_1046 = vector.shape_cast %add3A_1039 : vector<16xf32> to vector<1x1x16xf32>
        tpu.vector_store %arg10[%swap3A_1041, %swap3A_1042, %swap3A_1043], %swap3A_1046 {strides = array<i32>} : memref<2x16x1024xf32, #tpu.memory_space<vmem>>, vector<1x1x16xf32>,
        %add3A_1047 = arith.constant 48 : i32
        %add3A_1048 = arith.addi %add3A_980, %add3A_1047 : i32
        %get3A_1049 = arith.constant 1 : i32
        %get3A_1050 = arith.index_cast %get3A_1049 : i32 to index
        %get3A_1051 = arith.index_cast %add3A_970 : i32 to index
        %get3A_1052 = arith.index_cast %add3A_1048 : i32 to index
        %get3A_1053 = tpu.vector_load %arg10[%get3A_1050, %get3A_1051, %get3A_1052] {strides = array<i32>} : memref<2x16x1024xf32, #tpu.memory_space<vmem>>, vector<1x1x16xf32>,
        %get3A_1054 = vector.shape_cast %get3A_1053 : vector<1x1x16xf32> to vector<16xf32>
        %get3A_1055 = arith.constant 1 : i32
        %get3A_1056 = arith.index_cast %get3A_1055 : i32 to index
        %get3A_1057 = arith.index_cast %add3A_970 : i32 to index
        %get3A_1058 = arith.index_cast %add3A_1048 : i32 to index
        %get3A_1059 = tpu.vector_load %arg11[%get3A_1056, %get3A_1057, %get3A_1058] {strides = array<i32>} : memref<2x16x1024xf32, #tpu.memory_space<vmem>>, vector<1x1x16xf32>,
        %get3A_1060 = vector.shape_cast %get3A_1059 : vector<1x1x16xf32> to vector<16xf32>
        %add3A_1061 = arith.addf %get3A_1054, %get3A_1060 : vector<16xf32>
        %swap3A_1062 = arith.constant 1 : i32
        %swap3A_1063 = arith.index_cast %swap3A_1062 : i32 to index
        %swap3A_1064 = arith.index_cast %add3A_970 : i32 to index
        %swap3A_1065 = arith.index_cast %add3A_1048 : i32 to index
        %swap3A_1066 = tpu.vector_load %arg10[%swap3A_1063, %swap3A_1064, %swap3A_1065] {strides = array<i32>} : memref<2x16x1024xf32, #tpu.memory_space<vmem>>, vector<1x1x16xf32>,
        %swap3A_1067 = vector.shape_cast %swap3A_1066 : vector<1x1x16xf32> to vector<16xf32>
        %swap3A_1068 = vector.shape_cast %add3A_1061 : vector<16xf32> to vector<1x1x16xf32>
        tpu.vector_store %arg10[%swap3A_1063, %swap3A_1064, %swap3A_1065], %swap3A_1068 {strides = array<i32>} : memref<2x16x1024xf32, #tpu.memory_space<vmem>>, vector<1x1x16xf32>,
      }
      %scan3A_975 = arith.constant 16 : i32
    }
    %scan3A_731 = arith.constant 16 : i32
    %dma_wait3A_732 = arith.constant 1 : i32
    %dma_wait3A_733 = arith.constant 1 : i32
    %dma_wait3A_734 = arith.constant 0 : i32
    %dma_wait3A_735 = arith.constant 0 : i32
    %dma_wait3A_736 = tpu.memref_slice %arg10[%dma_wait3A_732, %dma_wait3A_734, %dma_wait3A_735] : memref<2x16x1024xf32, #tpu.memory_space<vmem>> -> memref<1x16x1024xf32, #tpu.memory_space<vmem>>
    %dma_wait3A_737 = tpu.memref_squeeze %dma_wait3A_736 : memref<1x16x1024xf32, #tpu.memory_space<vmem>> -> memref<16x1024xf32, #tpu.memory_space<vmem>>
    %dma_wait3A_738 = arith.constant 0 : i32
    %dma_wait3A_739 = tpu.memref_slice %arg5[%add3A_551, %dma_wait3A_738] : memref<4096x1024xf32, #tpu.memory_space<hbm>> -> memref<16x1024xf32, #tpu.memory_space<hbm>>
    %dma_wait3A_740 = tpu.memref_slice %arg14[%dma_wait3A_733] : memref<2x!tpu.dma_semaphore, #tpu.memory_space<semaphore_mem>> -> memref<1x!tpu.dma_semaphore, #tpu.memory_space<semaphore_mem>>
    %dma_wait3A_741 = tpu.memref_squeeze %dma_wait3A_740 : memref<1x!tpu.dma_semaphore, #tpu.memory_space<semaphore_mem>> -> memref<!tpu.dma_semaphore, #tpu.memory_space<semaphore_mem>>
    %dma_wait3A_742 = arith.constant 0 : i32
    %dma_wait3A_743 = tpu.memref_slice %arg5[%add3A_551, %dma_wait3A_742] : memref<4096x1024xf32, #tpu.memory_space<hbm>> -> memref<16x1024xf32, #tpu.memory_space<hbm>>
    %dma_wait3A_744 = arith.constant 0 : i32
    %dma_wait3A_745 = arith.constant 0 : i32
    %dma_wait3A_746 = tpu.memref_slice %arg10[%dma_wait3A_732, %dma_wait3A_744, %dma_wait3A_745] : memref<2x16x1024xf32, #tpu.memory_space<vmem>> -> memref<1x16x1024xf32, #tpu.memory_space<vmem>>
    %dma_wait3A_747 = tpu.memref_squeeze %dma_wait3A_746 : memref<1x16x1024xf32, #tpu.memory_space<vmem>> -> memref<16x1024xf32, #tpu.memory_space<vmem>>
    tpu.wait_dma2 semaphore(%dma_wait3A_741 : memref<!tpu.dma_semaphore, #tpu.memory_space<semaphore_mem>>) src(%dma_wait3A_747 : memref<16x1024xf32, #tpu.memory_space<vmem>>) dst(%dma_wait3A_743 : memref<16x1024xf32, #tpu.memory_space<hbm>>)
    %add3A_748 = arith.constant 80 : i32
    %add3A_749 = arith.addi %mul3A_2, %add3A_748 : i32
    %dma_start3A_750 = arith.constant 1 : i32
    %dma_start3A_751 = arith.constant 1 : i32
    %dma_start3A_752 = arith.constant 0 : i32
    %dma_start3A_753 = arith.constant 0 : i32
    %dma_start3A_754 = tpu.memref_slice %arg10[%dma_start3A_750, %dma_start3A_752, %dma_start3A_753] : memref<2x16x1024xf32, #tpu.memory_space<vmem>> -> memref<1x16x1024xf32, #tpu.memory_space<vmem>>
    %dma_start3A_755 = tpu.memref_squeeze %dma_start3A_754 : memref<1x16x1024xf32, #tpu.memory_space<vmem>> -> memref<16x1024xf32, #tpu.memory_space<vmem>>
    %dma_start3A_756 = arith.constant 0 : i32
    %dma_start3A_757 = tpu.memref_slice %arg5[%add3A_749, %dma_start3A_756] : memref<4096x1024xf32, #tpu.memory_space<hbm>> -> memref<16x1024xf32, #tpu.memory_space<hbm>>
    %dma_start3A_758 = tpu.memref_slice %arg14[%dma_start3A_751] : memref<2x!tpu.dma_semaphore, #tpu.memory_space<semaphore_mem>> -> memref<1x!tpu.dma_semaphore, #tpu.memory_space<semaphore_mem>>
    %dma_start3A_759 = tpu.memref_squeeze %dma_start3A_758 : memref<1x!tpu.dma_semaphore, #tpu.memory_space<semaphore_mem>> -> memref<!tpu.dma_semaphore, #tpu.memory_space<semaphore_mem>>
    %dma_start3A_760 = arith.constant 0 : i32
    %dma_start3A_761 = tpu.memref_slice %arg5[%add3A_749, %dma_start3A_760] : memref<4096x1024xf32, #tpu.memory_space<hbm>> -> memref<16x1024xf32, #tpu.memory_space<hbm>>
    %dma_start3A_762 = arith.constant 0 : i32
    %dma_start3A_763 = arith.constant 0 : i32
    %dma_start3A_764 = tpu.memref_slice %arg10[%dma_start3A_750, %dma_start3A_762, %dma_start3A_763] : memref<2x16x1024xf32, #tpu.memory_space<vmem>> -> memref<1x16x1024xf32, #tpu.memory_space<vmem>>
    %dma_start3A_765 = tpu.memref_squeeze %dma_start3A_764 : memref<1x16x1024xf32, #tpu.memory_space<vmem>> -> memref<16x1024xf32, #tpu.memory_space<vmem>>
    tpu.enqueue_dma source(%dma_start3A_765 : memref<16x1024xf32, #tpu.memory_space<vmem>>) target(%dma_start3A_761 : memref<16x1024xf32, #tpu.memory_space<hbm>>) target_semaphore(%dma_start3A_759 : memref<!tpu.dma_semaphore, #tpu.memory_space<semaphore_mem>>)
    %dma_start3A_766 = arith.constant 7 : i32
    %dma_start3A_767 = arith.constant 1 : i32
    %dma_start3A_768 = arith.constant 1 : i32
    %dma_start3A_769 = arith.constant 0 : i32
    %dma_start3A_770 = arith.constant 0 : i32
    %dma_start3A_771 = tpu.memref_slice %arg10[%dma_start3A_767, %dma_start3A_769, %dma_start3A_770] : memref<2x16x1024xf32, #tpu.memory_space<vmem>> -> memref<1x16x1024xf32, #tpu.memory_space<vmem>>
    %dma_start3A_772 = tpu.memref_squeeze %dma_start3A_771 : memref<1x16x1024xf32, #tpu.memory_space<vmem>> -> memref<16x1024xf32, #tpu.memory_space<vmem>>
    %dma_start3A_773 = arith.constant 0 : i32
    %dma_start3A_774 = tpu.memref_slice %arg8[%dma_start3A_766, %dma_start3A_773] : memref<8x16xi32, #tpu.memory_space<vmem>> -> memref<1x16xi32, #tpu.memory_space<vmem>>
    %dma_start3A_775 = tpu.memref_squeeze %dma_start3A_774 : memref<1x16xi32, #tpu.memory_space<vmem>> -> memref<16xi32, #tpu.memory_space<vmem>>
    %dma_start3A_776 = arith.constant 0 : i32
    %dma_start3A_777 = arith.constant 0 : i32
    %dma_start3A_778 = tpu.memref_slice %arg2[%dma_start3A_776, %dma_start3A_777] : memref<8192x1024xf32, #tpu.memory_space<hbm>> -> memref<8192x1024xf32, #tpu.memory_space<hbm>>
    %dma_start3A_779 = tpu.memref_slice %arg12[%dma_start3A_768] : memref<2x!tpu.dma_semaphore, #tpu.memory_space<semaphore_mem>> -> memref<1x!tpu.dma_semaphore, #tpu.memory_space<semaphore_mem>>
    %dma_start3A_780 = tpu.memref_squeeze %dma_start3A_779 : memref<1x!tpu.dma_semaphore, #tpu.memory_space<semaphore_mem>> -> memref<!tpu.dma_semaphore, #tpu.memory_space<semaphore_mem>>
    tpu.enqueue_indirect_dma source(%dma_start3A_778 : memref<8192x1024xf32, #tpu.memory_space<hbm>>) target(%dma_start3A_772 : memref<16x1024xf32, #tpu.memory_space<vmem>>) offsets(%dma_start3A_775 : memref<16xi32, #tpu.memory_space<vmem>>) semaphore(%dma_start3A_780 : memref<!tpu.dma_semaphore, #tpu.memory_space<semaphore_mem>>)
    %dma_start3A_781 = arith.constant 7 : i32
    %dma_start3A_782 = arith.constant 1 : i32
    %dma_start3A_783 = arith.constant 1 : i32
    %dma_start3A_784 = arith.constant 0 : i32
    %dma_start3A_785 = arith.constant 0 : i32
    %dma_start3A_786 = tpu.memref_slice %arg11[%dma_start3A_782, %dma_start3A_784, %dma_start3A_785] : memref<2x16x1024xf32, #tpu.memory_space<vmem>> -> memref<1x16x1024xf32, #tpu.memory_space<vmem>>
    %dma_start3A_787 = tpu.memref_squeeze %dma_start3A_786 : memref<1x16x1024xf32, #tpu.memory_space<vmem>> -> memref<16x1024xf32, #tpu.memory_space<vmem>>
    %dma_start3A_788 = arith.constant 0 : i32
    %dma_start3A_789 = tpu.memref_slice %arg9[%dma_start3A_781, %dma_start3A_788] : memref<8x16xi32, #tpu.memory_space<vmem>> -> memref<1x16xi32, #tpu.memory_space<vmem>>
    %dma_start3A_790 = tpu.memref_squeeze %dma_start3A_789 : memref<1x16xi32, #tpu.memory_space<vmem>> -> memref<16xi32, #tpu.memory_space<vmem>>
    %dma_start3A_791 = arith.constant 0 : i32
    %dma_start3A_792 = arith.constant 0 : i32
    %dma_start3A_793 = tpu.memref_slice %arg2[%dma_start3A_791, %dma_start3A_792] : memref<8192x1024xf32, #tpu.memory_space<hbm>> -> memref<8192x1024xf32, #tpu.memory_space<hbm>>
    %dma_start3A_794 = tpu.memref_slice %arg13[%dma_start3A_783] : memref<2x!tpu.dma_semaphore, #tpu.memory_space<semaphore_mem>> -> memref<1x!tpu.dma_semaphore, #tpu.memory_space<semaphore_mem>>
    %dma_start3A_795 = tpu.memref_squeeze %dma_start3A_794 : memref<1x!tpu.dma_semaphore, #tpu.memory_space<semaphore_mem>> -> memref<!tpu.dma_semaphore, #tpu.memory_space<semaphore_mem>>
    tpu.enqueue_indirect_dma source(%dma_start3A_793 : memref<8192x1024xf32, #tpu.memory_space<hbm>>) target(%dma_start3A_787 : memref<16x1024xf32, #tpu.memory_space<vmem>>) offsets(%dma_start3A_790 : memref<16xi32, #tpu.memory_space<vmem>>) semaphore(%dma_start3A_795 : memref<!tpu.dma_semaphore, #tpu.memory_space<semaphore_mem>>)
    %dma_wait3A_796 = arith.constant 6 : i32
    %dma_wait3A_797 = arith.constant 0 : i32
    %dma_wait3A_798 = arith.constant 0 : i32
    %dma_wait3A_799 = arith.constant 0 : i32
    %dma_wait3A_800 = arith.constant 0 : i32
    %dma_wait3A_801 = tpu.memref_slice %arg10[%dma_wait3A_797, %dma_wait3A_799, %dma_wait3A_800] : memref<2x16x1024xf32, #tpu.memory_space<vmem>> -> memref<1x16x1024xf32, #tpu.memory_space<vmem>>
    %dma_wait3A_802 = tpu.memref_squeeze %dma_wait3A_801 : memref<1x16x1024xf32, #tpu.memory_space<vmem>> -> memref<16x1024xf32, #tpu.memory_space<vmem>>
    %dma_wait3A_803 = arith.constant 0 : i32
    %dma_wait3A_804 = tpu.memref_slice %arg8[%dma_wait3A_796, %dma_wait3A_803] : memref<8x16xi32, #tpu.memory_space<vmem>> -> memref<1x16xi32, #tpu.memory_space<vmem>>
    %dma_wait3A_805 = tpu.memref_squeeze %dma_wait3A_804 : memref<1x16xi32, #tpu.memory_space<vmem>> -> memref<16xi32, #tpu.memory_space<vmem>>
    %dma_wait3A_806 = arith.constant 0 : i32
    %dma_wait3A_807 = arith.constant 0 : i32
    %dma_wait3A_808 = tpu.memref_slice %arg2[%dma_wait3A_806, %dma_wait3A_807] : memref<8192x1024xf32, #tpu.memory_space<hbm>> -> memref<8192x1024xf32, #tpu.memory_space<hbm>>
    %dma_wait3A_809 = tpu.memref_slice %arg12[%dma_wait3A_798] : memref<2x!tpu.dma_semaphore, #tpu.memory_space<semaphore_mem>> -> memref<1x!tpu.dma_semaphore, #tpu.memory_space<semaphore_mem>>
    %dma_wait3A_810 = tpu.memref_squeeze %dma_wait3A_809 : memref<1x!tpu.dma_semaphore, #tpu.memory_space<semaphore_mem>> -> memref<!tpu.dma_semaphore, #tpu.memory_space<semaphore_mem>>
    tpu.wait_indirect_dma semaphore(%dma_wait3A_810 : memref<!tpu.dma_semaphore, #tpu.memory_space<semaphore_mem>>) src(%dma_wait3A_808 : memref<8192x1024xf32, #tpu.memory_space<hbm>>) dst(%dma_wait3A_802 : memref<16x1024xf32, #tpu.memory_space<vmem>>)
    %dma_wait3A_811 = arith.constant 6 : i32
    %dma_wait3A_812 = arith.constant 0 : i32
    %dma_wait3A_813 = arith.constant 0 : i32
    %dma_wait3A_814 = arith.constant 0 : i32
    %dma_wait3A_815 = arith.constant 0 : i32
    %dma_wait3A_816 = tpu.memref_slice %arg11[%dma_wait3A_812, %dma_wait3A_814, %dma_wait3A_815] : memref<2x16x1024xf32, #tpu.memory_space<vmem>> -> memref<1x16x1024xf32, #tpu.memory_space<vmem>>
    %dma_wait3A_817 = tpu.memref_squeeze %dma_wait3A_816 : memref<1x16x1024xf32, #tpu.memory_space<vmem>> -> memref<16x1024xf32, #tpu.memory_space<vmem>>
    %dma_wait3A_818 = arith.constant 0 : i32
    %dma_wait3A_819 = tpu.memref_slice %arg9[%dma_wait3A_811, %dma_wait3A_818] : memref<8x16xi32, #tpu.memory_space<vmem>> -> memref<1x16xi32, #tpu.memory_space<vmem>>
    %dma_wait3A_820 = tpu.memref_squeeze %dma_wait3A_819 : memref<1x16xi32, #tpu.memory_space<vmem>> -> memref<16xi32, #tpu.memory_space<vmem>>
    %dma_wait3A_821 = arith.constant 0 : i32
    %dma_wait3A_822 = arith.constant 0 : i32
    %dma_wait3A_823 = tpu.memref_slice %arg2[%dma_wait3A_821, %dma_wait3A_822] : memref<8192x1024xf32, #tpu.memory_space<hbm>> -> memref<8192x1024xf32, #tpu.memory_space<hbm>>
    %dma_wait3A_824 = tpu.memref_slice %arg13[%dma_wait3A_813] : memref<2x!tpu.dma_semaphore, #tpu.memory_space<semaphore_mem>> -> memref<1x!tpu.dma_semaphore, #tpu.memory_space<semaphore_mem>>
    %dma_wait3A_825 = tpu.memref_squeeze %dma_wait3A_824 : memref<1x!tpu.dma_semaphore, #tpu.memory_space<semaphore_mem>> -> memref<!tpu.dma_semaphore, #tpu.memory_space<semaphore_mem>>
    tpu.wait_indirect_dma semaphore(%dma_wait3A_825 : memref<!tpu.dma_semaphore, #tpu.memory_space<semaphore_mem>>) src(%dma_wait3A_823 : memref<8192x1024xf32, #tpu.memory_space<hbm>>) dst(%dma_wait3A_817 : memref<16x1024xf32, #tpu.memory_space<vmem>>)
    %scan3A_826 = arith.constant 0 : i32
    %scan3A_827 = arith.constant 16 : i32
    %scan3A_828 = arith.addi %scan3A_826, %scan3A_827 : i32
    %scan3A_829 = arith.constant 1 : i32
    scf.for %scan3A_966 = %scan3A_826 to %scan3A_828 step %scan3A_829  : i32 {
      %mul3A_967 = arith.constant 1 : i32
      %mul3A_968 = arith.muli %scan3A_966, %mul3A_967 : i32
      %add3A_969 = arith.constant 0 : i32
      %add3A_970 = arith.addi %add3A_969, %mul3A_968 : i32
      %scan3A_971 = arith.constant 0 : i32
      %scan3A_972 = arith.constant 16 : i32
      %scan3A_973 = arith.addi %scan3A_971, %scan3A_972 : i32
      %scan3A_974 = arith.constant 1 : i32
      scf.for %scan3A_976 = %scan3A_971 to %scan3A_973 step %scan3A_974  : i32 {
        %mul3A_977 = arith.constant 64 : i32
        %mul3A_978 = arith.muli %scan3A_976, %mul3A_977 : i32
        %add3A_979 = arith.constant 0 : i32
        %add3A_980 = arith.addi %add3A_979, %mul3A_978 : i32
        %add3A_981 = arith.constant 0 : i32
        %add3A_982 = arith.addi %add3A_980, %add3A_981 : i32
        %get3A_983 = arith.constant 0 : i32
        %get3A_984 = arith.index_cast %get3A_983 : i32 to index
        %get3A_985 = arith.index_cast %add3A_970 : i32 to index
        %get3A_986 = arith.index_cast %add3A_982 : i32 to index
        %get3A_987 = tpu.vector_load %arg10[%get3A_984, %get3A_985, %get3A_986] {strides = array<i32>} : memref<2x16x1024xf32, #tpu.memory_space<vmem>>, vector<1x1x16xf32>,
        %get3A_988 = vector.shape_cast %get3A_987 : vector<1x1x16xf32> to vector<16xf32>
        %get3A_989 = arith.constant 0 : i32
        %get3A_990 = arith.index_cast %get3A_989 : i32 to index
        %get3A_991 = arith.index_cast %add3A_970 : i32 to index
        %get3A_992 = arith.index_cast %add3A_982 : i32 to index
        %get3A_993 = tpu.vector_load %arg11[%get3A_990, %get3A_991, %get3A_992] {strides = array<i32>} : memref<2x16x1024xf32, #tpu.memory_space<vmem>>, vector<1x1x16xf32>,
        %get3A_994 = vector.shape_cast %get3A_993 : vector<1x1x16xf32> to vector<16xf32>
        %add3A_995 = arith.addf %get3A_988, %get3A_994 : vector<16xf32>
        %swap3A_996 = arith.constant 0 : i32
        %swap3A_997 = arith.index_cast %swap3A_996 : i32 to index
        %swap3A_998 = arith.index_cast %add3A_970 : i32 to index
        %swap3A_999 = arith.index_cast %add3A_982 : i32 to index
        %swap3A_1000 = tpu.vector_load %arg10[%swap3A_997, %swap3A_998, %swap3A_999] {strides = array<i32>} : memref<2x16x1024xf32, #tpu.memory_space<vmem>>, vector<1x1x16xf32>,
        %swap3A_1001 = vector.shape_cast %swap3A_1000 : vector<1x1x16xf32> to vector<16xf32>
        %swap3A_1002 = vector.shape_cast %add3A_995 : vector<16xf32> to vector<1x1x16xf32>
        tpu.vector_store %arg10[%swap3A_997, %swap3A_998, %swap3A_999], %swap3A_1002 {strides = array<i32>} : memref<2x16x1024xf32, #tpu.memory_space<vmem>>, vector<1x1x16xf32>,
        %add3A_1003 = arith.constant 16 : i32
        %add3A_1004 = arith.addi %add3A_980, %add3A_1003 : i32
        %get3A_1005 = arith.constant 0 : i32
        %get3A_1006 = arith.index_cast %get3A_1005 : i32 to index
        %get3A_1007 = arith.index_cast %add3A_970 : i32 to index
        %get3A_1008 = arith.index_cast %add3A_1004 : i32 to index
        %get3A_1009 = tpu.vector_load %arg10[%get3A_1006, %get3A_1007, %get3A_1008] {strides = array<i32>} : memref<2x16x1024xf32, #tpu.memory_space<vmem>>, vector<1x1x16xf32>,
        %get3A_1010 = vector.shape_cast %get3A_1009 : vector<1x1x16xf32> to vector<16xf32>
        %get3A_1011 = arith.constant 0 : i32
        %get3A_1012 = arith.index_cast %get3A_1011 : i32 to index
        %get3A_1013 = arith.index_cast %add3A_970 : i32 to index
        %get3A_1014 = arith.index_cast %add3A_1004 : i32 to index
        %get3A_1015 = tpu.vector_load %arg11[%get3A_1012, %get3A_1013, %get3A_1014] {strides = array<i32>} : memref<2x16x1024xf32, #tpu.memory_space<vmem>>, vector<1x1x16xf32>,
        %get3A_1016 = vector.shape_cast %get3A_1015 : vector<1x1x16xf32> to vector<16xf32>
        %add3A_1017 = arith.addf %get3A_1010, %get3A_1016 : vector<16xf32>
        %swap3A_1018 = arith.constant 0 : i32
        %swap3A_1019 = arith.index_cast %swap3A_1018 : i32 to index
        %swap3A_1020 = arith.index_cast %add3A_970 : i32 to index
        %swap3A_1021 = arith.index_cast %add3A_1004 : i32 to index
        %swap3A_1022 = tpu.vector_load %arg10[%swap3A_1019, %swap3A_1020, %swap3A_1021] {strides = array<i32>} : memref<2x16x1024xf32, #tpu.memory_space<vmem>>, vector<1x1x16xf32>,
        %swap3A_1023 = vector.shape_cast %swap3A_1022 : vector<1x1x16xf32> to vector<16xf32>
        %swap3A_1024 = vector.shape_cast %add3A_1017 : vector<16xf32> to vector<1x1x16xf32>
        tpu.vector_store %arg10[%swap3A_1019, %swap3A_1020, %swap3A_1021], %swap3A_1024 {strides = array<i32>} : memref<2x16x1024xf32, #tpu.memory_space<vmem>>, vector<1x1x16xf32>,
        %add3A_1025 = arith.constant 32 : i32
        %add3A_1026 = arith.addi %add3A_980, %add3A_1025 : i32
        %get3A_1027 = arith.constant 0 : i32
        %get3A_1028 = arith.index_cast %get3A_1027 : i32 to index
        %get3A_1029 = arith.index_cast %add3A_970 : i32 to index
        %get3A_1030 = arith.index_cast %add3A_1026 : i32 to index
        %get3A_1031 = tpu.vector_load %arg10[%get3A_1028, %get3A_1029, %get3A_1030] {strides = array<i32>} : memref<2x16x1024xf32, #tpu.memory_space<vmem>>, vector<1x1x16xf32>,
        %get3A_1032 = vector.shape_cast %get3A_1031 : vector<1x1x16xf32> to vector<16xf32>
        %get3A_1033 = arith.constant 0 : i32
        %get3A_1034 = arith.index_cast %get3A_1033 : i32 to index
        %get3A_1035 = arith.index_cast %add3A_970 : i32 to index
        %get3A_1036 = arith.index_cast %add3A_1026 : i32 to index
        %get3A_1037 = tpu.vector_load %arg11[%get3A_1034, %get3A_1035, %get3A_1036] {strides = array<i32>} : memref<2x16x1024xf32, #tpu.memory_space<vmem>>, vector<1x1x16xf32>,
        %get3A_1038 = vector.shape_cast %get3A_1037 : vector<1x1x16xf32> to vector<16xf32>
        %add3A_1039 = arith.addf %get3A_1032, %get3A_1038 : vector<16xf32>
        %swap3A_1040 = arith.constant 0 : i32
        %swap3A_1041 = arith.index_cast %swap3A_1040 : i32 to index
        %swap3A_1042 = arith.index_cast %add3A_970 : i32 to index
        %swap3A_1043 = arith.index_cast %add3A_1026 : i32 to index
        %swap3A_1044 = tpu.vector_load %arg10[%swap3A_1041, %swap3A_1042, %swap3A_1043] {strides = array<i32>} : memref<2x16x1024xf32, #tpu.memory_space<vmem>>, vector<1x1x16xf32>,
        %swap3A_1045 = vector.shape_cast %swap3A_1044 : vector<1x1x16xf32> to vector<16xf32>
        %swap3A_1046 = vector.shape_cast %add3A_1039 : vector<16xf32> to vector<1x1x16xf32>
        tpu.vector_store %arg10[%swap3A_1041, %swap3A_1042, %swap3A_1043], %swap3A_1046 {strides = array<i32>} : memref<2x16x1024xf32, #tpu.memory_space<vmem>>, vector<1x1x16xf32>,
        %add3A_1047 = arith.constant 48 : i32
        %add3A_1048 = arith.addi %add3A_980, %add3A_1047 : i32
        %get3A_1049 = arith.constant 0 : i32
        %get3A_1050 = arith.index_cast %get3A_1049 : i32 to index
        %get3A_1051 = arith.index_cast %add3A_970 : i32 to index
        %get3A_1052 = arith.index_cast %add3A_1048 : i32 to index
        %get3A_1053 = tpu.vector_load %arg10[%get3A_1050, %get3A_1051, %get3A_1052] {strides = array<i32>} : memref<2x16x1024xf32, #tpu.memory_space<vmem>>, vector<1x1x16xf32>,
        %get3A_1054 = vector.shape_cast %get3A_1053 : vector<1x1x16xf32> to vector<16xf32>
        %get3A_1055 = arith.constant 0 : i32
        %get3A_1056 = arith.index_cast %get3A_1055 : i32 to index
        %get3A_1057 = arith.index_cast %add3A_970 : i32 to index
        %get3A_1058 = arith.index_cast %add3A_1048 : i32 to index
        %get3A_1059 = tpu.vector_load %arg11[%get3A_1056, %get3A_1057, %get3A_1058] {strides = array<i32>} : memref<2x16x1024xf32, #tpu.memory_space<vmem>>, vector<1x1x16xf32>,
        %get3A_1060 = vector.shape_cast %get3A_1059 : vector<1x1x16xf32> to vector<16xf32>
        %add3A_1061 = arith.addf %get3A_1054, %get3A_1060 : vector<16xf32>
        %swap3A_1062 = arith.constant 0 : i32
        %swap3A_1063 = arith.index_cast %swap3A_1062 : i32 to index
        %swap3A_1064 = arith.index_cast %add3A_970 : i32 to index
        %swap3A_1065 = arith.index_cast %add3A_1048 : i32 to index
        %swap3A_1066 = tpu.vector_load %arg10[%swap3A_1063, %swap3A_1064, %swap3A_1065] {strides = array<i32>} : memref<2x16x1024xf32, #tpu.memory_space<vmem>>, vector<1x1x16xf32>,
        %swap3A_1067 = vector.shape_cast %swap3A_1066 : vector<1x1x16xf32> to vector<16xf32>
        %swap3A_1068 = vector.shape_cast %add3A_1061 : vector<16xf32> to vector<1x1x16xf32>
        tpu.vector_store %arg10[%swap3A_1063, %swap3A_1064, %swap3A_1065], %swap3A_1068 {strides = array<i32>} : memref<2x16x1024xf32, #tpu.memory_space<vmem>>, vector<1x1x16xf32>,
      }
      %scan3A_975 = arith.constant 16 : i32
    }
    %scan3A_830 = arith.constant 16 : i32
    %dma_wait3A_831 = arith.constant 0 : i32
    %dma_wait3A_832 = arith.constant 0 : i32
    %dma_wait3A_833 = arith.constant 0 : i32
    %dma_wait3A_834 = arith.constant 0 : i32
    %dma_wait3A_835 = tpu.memref_slice %arg10[%dma_wait3A_831, %dma_wait3A_833, %dma_wait3A_834] : memref<2x16x1024xf32, #tpu.memory_space<vmem>> -> memref<1x16x1024xf32, #tpu.memory_space<vmem>>
    %dma_wait3A_836 = tpu.memref_squeeze %dma_wait3A_835 : memref<1x16x1024xf32, #tpu.memory_space<vmem>> -> memref<16x1024xf32, #tpu.memory_space<vmem>>
    %dma_wait3A_837 = arith.constant 0 : i32
    %dma_wait3A_838 = tpu.memref_slice %arg5[%add3A_650, %dma_wait3A_837] : memref<4096x1024xf32, #tpu.memory_space<hbm>> -> memref<16x1024xf32, #tpu.memory_space<hbm>>
    %dma_wait3A_839 = tpu.memref_slice %arg14[%dma_wait3A_832] : memref<2x!tpu.dma_semaphore, #tpu.memory_space<semaphore_mem>> -> memref<1x!tpu.dma_semaphore, #tpu.memory_space<semaphore_mem>>
    %dma_wait3A_840 = tpu.memref_squeeze %dma_wait3A_839 : memref<1x!tpu.dma_semaphore, #tpu.memory_space<semaphore_mem>> -> memref<!tpu.dma_semaphore, #tpu.memory_space<semaphore_mem>>
    %dma_wait3A_841 = arith.constant 0 : i32
    %dma_wait3A_842 = tpu.memref_slice %arg5[%add3A_650, %dma_wait3A_841] : memref<4096x1024xf32, #tpu.memory_space<hbm>> -> memref<16x1024xf32, #tpu.memory_space<hbm>>
    %dma_wait3A_843 = arith.constant 0 : i32
    %dma_wait3A_844 = arith.constant 0 : i32
    %dma_wait3A_845 = tpu.memref_slice %arg10[%dma_wait3A_831, %dma_wait3A_843, %dma_wait3A_844] : memref<2x16x1024xf32, #tpu.memory_space<vmem>> -> memref<1x16x1024xf32, #tpu.memory_space<vmem>>
    %dma_wait3A_846 = tpu.memref_squeeze %dma_wait3A_845 : memref<1x16x1024xf32, #tpu.memory_space<vmem>> -> memref<16x1024xf32, #tpu.memory_space<vmem>>
    tpu.wait_dma2 semaphore(%dma_wait3A_840 : memref<!tpu.dma_semaphore, #tpu.memory_space<semaphore_mem>>) src(%dma_wait3A_846 : memref<16x1024xf32, #tpu.memory_space<vmem>>) dst(%dma_wait3A_842 : memref<16x1024xf32, #tpu.memory_space<hbm>>)
    %add3A_847 = arith.constant 96 : i32
    %add3A_848 = arith.addi %mul3A_2, %add3A_847 : i32
    %dma_start3A_849 = arith.constant 0 : i32
    %dma_start3A_850 = arith.constant 0 : i32
    %dma_start3A_851 = arith.constant 0 : i32
    %dma_start3A_852 = arith.constant 0 : i32
    %dma_start3A_853 = tpu.memref_slice %arg10[%dma_start3A_849, %dma_start3A_851, %dma_start3A_852] : memref<2x16x1024xf32, #tpu.memory_space<vmem>> -> memref<1x16x1024xf32, #tpu.memory_space<vmem>>
    %dma_start3A_854 = tpu.memref_squeeze %dma_start3A_853 : memref<1x16x1024xf32, #tpu.memory_space<vmem>> -> memref<16x1024xf32, #tpu.memory_space<vmem>>
    %dma_start3A_855 = arith.constant 0 : i32
    %dma_start3A_856 = tpu.memref_slice %arg5[%add3A_848, %dma_start3A_855] : memref<4096x1024xf32, #tpu.memory_space<hbm>> -> memref<16x1024xf32, #tpu.memory_space<hbm>>
    %dma_start3A_857 = tpu.memref_slice %arg14[%dma_start3A_850] : memref<2x!tpu.dma_semaphore, #tpu.memory_space<semaphore_mem>> -> memref<1x!tpu.dma_semaphore, #tpu.memory_space<semaphore_mem>>
    %dma_start3A_858 = tpu.memref_squeeze %dma_start3A_857 : memref<1x!tpu.dma_semaphore, #tpu.memory_space<semaphore_mem>> -> memref<!tpu.dma_semaphore, #tpu.memory_space<semaphore_mem>>
    %dma_start3A_859 = arith.constant 0 : i32
    %dma_start3A_860 = tpu.memref_slice %arg5[%add3A_848, %dma_start3A_859] : memref<4096x1024xf32, #tpu.memory_space<hbm>> -> memref<16x1024xf32, #tpu.memory_space<hbm>>
    %dma_start3A_861 = arith.constant 0 : i32
    %dma_start3A_862 = arith.constant 0 : i32
    %dma_start3A_863 = tpu.memref_slice %arg10[%dma_start3A_849, %dma_start3A_861, %dma_start3A_862] : memref<2x16x1024xf32, #tpu.memory_space<vmem>> -> memref<1x16x1024xf32, #tpu.memory_space<vmem>>
    %dma_start3A_864 = tpu.memref_squeeze %dma_start3A_863 : memref<1x16x1024xf32, #tpu.memory_space<vmem>> -> memref<16x1024xf32, #tpu.memory_space<vmem>>
    tpu.enqueue_dma source(%dma_start3A_864 : memref<16x1024xf32, #tpu.memory_space<vmem>>) target(%dma_start3A_860 : memref<16x1024xf32, #tpu.memory_space<hbm>>) target_semaphore(%dma_start3A_858 : memref<!tpu.dma_semaphore, #tpu.memory_space<semaphore_mem>>)
    %dma_wait3A_865 = arith.constant 7 : i32
    %dma_wait3A_866 = arith.constant 1 : i32
    %dma_wait3A_867 = arith.constant 1 : i32
    %dma_wait3A_868 = arith.constant 0 : i32
    %dma_wait3A_869 = arith.constant 0 : i32
    %dma_wait3A_870 = tpu.memref_slice %arg10[%dma_wait3A_866, %dma_wait3A_868, %dma_wait3A_869] : memref<2x16x1024xf32, #tpu.memory_space<vmem>> -> memref<1x16x1024xf32, #tpu.memory_space<vmem>>
    %dma_wait3A_871 = tpu.memref_squeeze %dma_wait3A_870 : memref<1x16x1024xf32, #tpu.memory_space<vmem>> -> memref<16x1024xf32, #tpu.memory_space<vmem>>
    %dma_wait3A_872 = arith.constant 0 : i32
    %dma_wait3A_873 = tpu.memref_slice %arg8[%dma_wait3A_865, %dma_wait3A_872] : memref<8x16xi32, #tpu.memory_space<vmem>> -> memref<1x16xi32, #tpu.memory_space<vmem>>
    %dma_wait3A_874 = tpu.memref_squeeze %dma_wait3A_873 : memref<1x16xi32, #tpu.memory_space<vmem>> -> memref<16xi32, #tpu.memory_space<vmem>>
    %dma_wait3A_875 = arith.constant 0 : i32
    %dma_wait3A_876 = arith.constant 0 : i32
    %dma_wait3A_877 = tpu.memref_slice %arg2[%dma_wait3A_875, %dma_wait3A_876] : memref<8192x1024xf32, #tpu.memory_space<hbm>> -> memref<8192x1024xf32, #tpu.memory_space<hbm>>
    %dma_wait3A_878 = tpu.memref_slice %arg12[%dma_wait3A_867] : memref<2x!tpu.dma_semaphore, #tpu.memory_space<semaphore_mem>> -> memref<1x!tpu.dma_semaphore, #tpu.memory_space<semaphore_mem>>
    %dma_wait3A_879 = tpu.memref_squeeze %dma_wait3A_878 : memref<1x!tpu.dma_semaphore, #tpu.memory_space<semaphore_mem>> -> memref<!tpu.dma_semaphore, #tpu.memory_space<semaphore_mem>>
    tpu.wait_indirect_dma semaphore(%dma_wait3A_879 : memref<!tpu.dma_semaphore, #tpu.memory_space<semaphore_mem>>) src(%dma_wait3A_877 : memref<8192x1024xf32, #tpu.memory_space<hbm>>) dst(%dma_wait3A_871 : memref<16x1024xf32, #tpu.memory_space<vmem>>)
    %dma_wait3A_880 = arith.constant 7 : i32
    %dma_wait3A_881 = arith.constant 1 : i32
    %dma_wait3A_882 = arith.constant 1 : i32
    %dma_wait3A_883 = arith.constant 0 : i32
    %dma_wait3A_884 = arith.constant 0 : i32
    %dma_wait3A_885 = tpu.memref_slice %arg11[%dma_wait3A_881, %dma_wait3A_883, %dma_wait3A_884] : memref<2x16x1024xf32, #tpu.memory_space<vmem>> -> memref<1x16x1024xf32, #tpu.memory_space<vmem>>
    %dma_wait3A_886 = tpu.memref_squeeze %dma_wait3A_885 : memref<1x16x1024xf32, #tpu.memory_space<vmem>> -> memref<16x1024xf32, #tpu.memory_space<vmem>>
    %dma_wait3A_887 = arith.constant 0 : i32
    %dma_wait3A_888 = tpu.memref_slice %arg9[%dma_wait3A_880, %dma_wait3A_887] : memref<8x16xi32, #tpu.memory_space<vmem>> -> memref<1x16xi32, #tpu.memory_space<vmem>>
    %dma_wait3A_889 = tpu.memref_squeeze %dma_wait3A_888 : memref<1x16xi32, #tpu.memory_space<vmem>> -> memref<16xi32, #tpu.memory_space<vmem>>
    %dma_wait3A_890 = arith.constant 0 : i32
    %dma_wait3A_891 = arith.constant 0 : i32
    %dma_wait3A_892 = tpu.memref_slice %arg2[%dma_wait3A_890, %dma_wait3A_891] : memref<8192x1024xf32, #tpu.memory_space<hbm>> -> memref<8192x1024xf32, #tpu.memory_space<hbm>>
    %dma_wait3A_893 = tpu.memref_slice %arg13[%dma_wait3A_882] : memref<2x!tpu.dma_semaphore, #tpu.memory_space<semaphore_mem>> -> memref<1x!tpu.dma_semaphore, #tpu.memory_space<semaphore_mem>>
    %dma_wait3A_894 = tpu.memref_squeeze %dma_wait3A_893 : memref<1x!tpu.dma_semaphore, #tpu.memory_space<semaphore_mem>> -> memref<!tpu.dma_semaphore, #tpu.memory_space<semaphore_mem>>
    tpu.wait_indirect_dma semaphore(%dma_wait3A_894 : memref<!tpu.dma_semaphore, #tpu.memory_space<semaphore_mem>>) src(%dma_wait3A_892 : memref<8192x1024xf32, #tpu.memory_space<hbm>>) dst(%dma_wait3A_886 : memref<16x1024xf32, #tpu.memory_space<vmem>>)
    %scan3A_895 = arith.constant 0 : i32
    %scan3A_896 = arith.constant 16 : i32
    %scan3A_897 = arith.addi %scan3A_895, %scan3A_896 : i32
    %scan3A_898 = arith.constant 1 : i32
    scf.for %scan3A_966 = %scan3A_895 to %scan3A_897 step %scan3A_898  : i32 {
      %mul3A_967 = arith.constant 1 : i32
      %mul3A_968 = arith.muli %scan3A_966, %mul3A_967 : i32
      %add3A_969 = arith.constant 0 : i32
      %add3A_970 = arith.addi %add3A_969, %mul3A_968 : i32
      %scan3A_971 = arith.constant 0 : i32
      %scan3A_972 = arith.constant 16 : i32
      %scan3A_973 = arith.addi %scan3A_971, %scan3A_972 : i32
      %scan3A_974 = arith.constant 1 : i32
      scf.for %scan3A_976 = %scan3A_971 to %scan3A_973 step %scan3A_974  : i32 {
        %mul3A_977 = arith.constant 64 : i32
        %mul3A_978 = arith.muli %scan3A_976, %mul3A_977 : i32
        %add3A_979 = arith.constant 0 : i32
        %add3A_980 = arith.addi %add3A_979, %mul3A_978 : i32
        %add3A_981 = arith.constant 0 : i32
        %add3A_982 = arith.addi %add3A_980, %add3A_981 : i32
        %get3A_983 = arith.constant 1 : i32
        %get3A_984 = arith.index_cast %get3A_983 : i32 to index
        %get3A_985 = arith.index_cast %add3A_970 : i32 to index
        %get3A_986 = arith.index_cast %add3A_982 : i32 to index
        %get3A_987 = tpu.vector_load %arg10[%get3A_984, %get3A_985, %get3A_986] {strides = array<i32>} : memref<2x16x1024xf32, #tpu.memory_space<vmem>>, vector<1x1x16xf32>,
        %get3A_988 = vector.shape_cast %get3A_987 : vector<1x1x16xf32> to vector<16xf32>
        %get3A_989 = arith.constant 1 : i32
        %get3A_990 = arith.index_cast %get3A_989 : i32 to index
        %get3A_991 = arith.index_cast %add3A_970 : i32 to index
        %get3A_992 = arith.index_cast %add3A_982 : i32 to index
        %get3A_993 = tpu.vector_load %arg11[%get3A_990, %get3A_991, %get3A_992] {strides = array<i32>} : memref<2x16x1024xf32, #tpu.memory_space<vmem>>, vector<1x1x16xf32>,
        %get3A_994 = vector.shape_cast %get3A_993 : vector<1x1x16xf32> to vector<16xf32>
        %add3A_995 = arith.addf %get3A_988, %get3A_994 : vector<16xf32>
        %swap3A_996 = arith.constant 1 : i32
        %swap3A_997 = arith.index_cast %swap3A_996 : i32 to index
        %swap3A_998 = arith.index_cast %add3A_970 : i32 to index
        %swap3A_999 = arith.index_cast %add3A_982 : i32 to index
        %swap3A_1000 = tpu.vector_load %arg10[%swap3A_997, %swap3A_998, %swap3A_999] {strides = array<i32>} : memref<2x16x1024xf32, #tpu.memory_space<vmem>>, vector<1x1x16xf32>,
        %swap3A_1001 = vector.shape_cast %swap3A_1000 : vector<1x1x16xf32> to vector<16xf32>
        %swap3A_1002 = vector.shape_cast %add3A_995 : vector<16xf32> to vector<1x1x16xf32>
        tpu.vector_store %arg10[%swap3A_997, %swap3A_998, %swap3A_999], %swap3A_1002 {strides = array<i32>} : memref<2x16x1024xf32, #tpu.memory_space<vmem>>, vector<1x1x16xf32>,
        %add3A_1003 = arith.constant 16 : i32
        %add3A_1004 = arith.addi %add3A_980, %add3A_1003 : i32
        %get3A_1005 = arith.constant 1 : i32
        %get3A_1006 = arith.index_cast %get3A_1005 : i32 to index
        %get3A_1007 = arith.index_cast %add3A_970 : i32 to index
        %get3A_1008 = arith.index_cast %add3A_1004 : i32 to index
        %get3A_1009 = tpu.vector_load %arg10[%get3A_1006, %get3A_1007, %get3A_1008] {strides = array<i32>} : memref<2x16x1024xf32, #tpu.memory_space<vmem>>, vector<1x1x16xf32>,
        %get3A_1010 = vector.shape_cast %get3A_1009 : vector<1x1x16xf32> to vector<16xf32>
        %get3A_1011 = arith.constant 1 : i32
        %get3A_1012 = arith.index_cast %get3A_1011 : i32 to index
        %get3A_1013 = arith.index_cast %add3A_970 : i32 to index
        %get3A_1014 = arith.index_cast %add3A_1004 : i32 to index
        %get3A_1015 = tpu.vector_load %arg11[%get3A_1012, %get3A_1013, %get3A_1014] {strides = array<i32>} : memref<2x16x1024xf32, #tpu.memory_space<vmem>>, vector<1x1x16xf32>,
        %get3A_1016 = vector.shape_cast %get3A_1015 : vector<1x1x16xf32> to vector<16xf32>
        %add3A_1017 = arith.addf %get3A_1010, %get3A_1016 : vector<16xf32>
        %swap3A_1018 = arith.constant 1 : i32
        %swap3A_1019 = arith.index_cast %swap3A_1018 : i32 to index
        %swap3A_1020 = arith.index_cast %add3A_970 : i32 to index
        %swap3A_1021 = arith.index_cast %add3A_1004 : i32 to index
        %swap3A_1022 = tpu.vector_load %arg10[%swap3A_1019, %swap3A_1020, %swap3A_1021] {strides = array<i32>} : memref<2x16x1024xf32, #tpu.memory_space<vmem>>, vector<1x1x16xf32>,
        %swap3A_1023 = vector.shape_cast %swap3A_1022 : vector<1x1x16xf32> to vector<16xf32>
        %swap3A_1024 = vector.shape_cast %add3A_1017 : vector<16xf32> to vector<1x1x16xf32>
        tpu.vector_store %arg10[%swap3A_1019, %swap3A_1020, %swap3A_1021], %swap3A_1024 {strides = array<i32>} : memref<2x16x1024xf32, #tpu.memory_space<vmem>>, vector<1x1x16xf32>,
        %add3A_1025 = arith.constant 32 : i32
        %add3A_1026 = arith.addi %add3A_980, %add3A_1025 : i32
        %get3A_1027 = arith.constant 1 : i32
        %get3A_1028 = arith.index_cast %get3A_1027 : i32 to index
        %get3A_1029 = arith.index_cast %add3A_970 : i32 to index
        %get3A_1030 = arith.index_cast %add3A_1026 : i32 to index
        %get3A_1031 = tpu.vector_load %arg10[%get3A_1028, %get3A_1029, %get3A_1030] {strides = array<i32>} : memref<2x16x1024xf32, #tpu.memory_space<vmem>>, vector<1x1x16xf32>,
        %get3A_1032 = vector.shape_cast %get3A_1031 : vector<1x1x16xf32> to vector<16xf32>
        %get3A_1033 = arith.constant 1 : i32
        %get3A_1034 = arith.index_cast %get3A_1033 : i32 to index
        %get3A_1035 = arith.index_cast %add3A_970 : i32 to index
        %get3A_1036 = arith.index_cast %add3A_1026 : i32 to index
        %get3A_1037 = tpu.vector_load %arg11[%get3A_1034, %get3A_1035, %get3A_1036] {strides = array<i32>} : memref<2x16x1024xf32, #tpu.memory_space<vmem>>, vector<1x1x16xf32>,
        %get3A_1038 = vector.shape_cast %get3A_1037 : vector<1x1x16xf32> to vector<16xf32>
        %add3A_1039 = arith.addf %get3A_1032, %get3A_1038 : vector<16xf32>
        %swap3A_1040 = arith.constant 1 : i32
        %swap3A_1041 = arith.index_cast %swap3A_1040 : i32 to index
        %swap3A_1042 = arith.index_cast %add3A_970 : i32 to index
        %swap3A_1043 = arith.index_cast %add3A_1026 : i32 to index
        %swap3A_1044 = tpu.vector_load %arg10[%swap3A_1041, %swap3A_1042, %swap3A_1043] {strides = array<i32>} : memref<2x16x1024xf32, #tpu.memory_space<vmem>>, vector<1x1x16xf32>,
        %swap3A_1045 = vector.shape_cast %swap3A_1044 : vector<1x1x16xf32> to vector<16xf32>
        %swap3A_1046 = vector.shape_cast %add3A_1039 : vector<16xf32> to vector<1x1x16xf32>
        tpu.vector_store %arg10[%swap3A_1041, %swap3A_1042, %swap3A_1043], %swap3A_1046 {strides = array<i32>} : memref<2x16x1024xf32, #tpu.memory_space<vmem>>, vector<1x1x16xf32>,
        %add3A_1047 = arith.constant 48 : i32
        %add3A_1048 = arith.addi %add3A_980, %add3A_1047 : i32
        %get3A_1049 = arith.constant 1 : i32
        %get3A_1050 = arith.index_cast %get3A_1049 : i32 to index
        %get3A_1051 = arith.index_cast %add3A_970 : i32 to index
        %get3A_1052 = arith.index_cast %add3A_1048 : i32 to index
        %get3A_1053 = tpu.vector_load %arg10[%get3A_1050, %get3A_1051, %get3A_1052] {strides = array<i32>} : memref<2x16x1024xf32, #tpu.memory_space<vmem>>, vector<1x1x16xf32>,
        %get3A_1054 = vector.shape_cast %get3A_1053 : vector<1x1x16xf32> to vector<16xf32>
        %get3A_1055 = arith.constant 1 : i32
        %get3A_1056 = arith.index_cast %get3A_1055 : i32 to index
        %get3A_1057 = arith.index_cast %add3A_970 : i32 to index
        %get3A_1058 = arith.index_cast %add3A_1048 : i32 to index
        %get3A_1059 = tpu.vector_load %arg11[%get3A_1056, %get3A_1057, %get3A_1058] {strides = array<i32>} : memref<2x16x1024xf32, #tpu.memory_space<vmem>>, vector<1x1x16xf32>,
        %get3A_1060 = vector.shape_cast %get3A_1059 : vector<1x1x16xf32> to vector<16xf32>
        %add3A_1061 = arith.addf %get3A_1054, %get3A_1060 : vector<16xf32>
        %swap3A_1062 = arith.constant 1 : i32
        %swap3A_1063 = arith.index_cast %swap3A_1062 : i32 to index
        %swap3A_1064 = arith.index_cast %add3A_970 : i32 to index
        %swap3A_1065 = arith.index_cast %add3A_1048 : i32 to index
        %swap3A_1066 = tpu.vector_load %arg10[%swap3A_1063, %swap3A_1064, %swap3A_1065] {strides = array<i32>} : memref<2x16x1024xf32, #tpu.memory_space<vmem>>, vector<1x1x16xf32>,
        %swap3A_1067 = vector.shape_cast %swap3A_1066 : vector<1x1x16xf32> to vector<16xf32>
        %swap3A_1068 = vector.shape_cast %add3A_1061 : vector<16xf32> to vector<1x1x16xf32>
        tpu.vector_store %arg10[%swap3A_1063, %swap3A_1064, %swap3A_1065], %swap3A_1068 {strides = array<i32>} : memref<2x16x1024xf32, #tpu.memory_space<vmem>>, vector<1x1x16xf32>,
      }
      %scan3A_975 = arith.constant 16 : i32
    }
    %scan3A_899 = arith.constant 16 : i32
    %dma_wait3A_900 = arith.constant 1 : i32
    %dma_wait3A_901 = arith.constant 1 : i32
    %dma_wait3A_902 = arith.constant 0 : i32
    %dma_wait3A_903 = arith.constant 0 : i32
    %dma_wait3A_904 = tpu.memref_slice %arg10[%dma_wait3A_900, %dma_wait3A_902, %dma_wait3A_903] : memref<2x16x1024xf32, #tpu.memory_space<vmem>> -> memref<1x16x1024xf32, #tpu.memory_space<vmem>>
    %dma_wait3A_905 = tpu.memref_squeeze %dma_wait3A_904 : memref<1x16x1024xf32, #tpu.memory_space<vmem>> -> memref<16x1024xf32, #tpu.memory_space<vmem>>
    %dma_wait3A_906 = arith.constant 0 : i32
    %dma_wait3A_907 = tpu.memref_slice %arg5[%add3A_749, %dma_wait3A_906] : memref<4096x1024xf32, #tpu.memory_space<hbm>> -> memref<16x1024xf32, #tpu.memory_space<hbm>>
    %dma_wait3A_908 = tpu.memref_slice %arg14[%dma_wait3A_901] : memref<2x!tpu.dma_semaphore, #tpu.memory_space<semaphore_mem>> -> memref<1x!tpu.dma_semaphore, #tpu.memory_space<semaphore_mem>>
    %dma_wait3A_909 = tpu.memref_squeeze %dma_wait3A_908 : memref<1x!tpu.dma_semaphore, #tpu.memory_space<semaphore_mem>> -> memref<!tpu.dma_semaphore, #tpu.memory_space<semaphore_mem>>
    %dma_wait3A_910 = arith.constant 0 : i32
    %dma_wait3A_911 = tpu.memref_slice %arg5[%add3A_749, %dma_wait3A_910] : memref<4096x1024xf32, #tpu.memory_space<hbm>> -> memref<16x1024xf32, #tpu.memory_space<hbm>>
    %dma_wait3A_912 = arith.constant 0 : i32
    %dma_wait3A_913 = arith.constant 0 : i32
    %dma_wait3A_914 = tpu.memref_slice %arg10[%dma_wait3A_900, %dma_wait3A_912, %dma_wait3A_913] : memref<2x16x1024xf32, #tpu.memory_space<vmem>> -> memref<1x16x1024xf32, #tpu.memory_space<vmem>>
    %dma_wait3A_915 = tpu.memref_squeeze %dma_wait3A_914 : memref<1x16x1024xf32, #tpu.memory_space<vmem>> -> memref<16x1024xf32, #tpu.memory_space<vmem>>
    tpu.wait_dma2 semaphore(%dma_wait3A_909 : memref<!tpu.dma_semaphore, #tpu.memory_space<semaphore_mem>>) src(%dma_wait3A_915 : memref<16x1024xf32, #tpu.memory_space<vmem>>) dst(%dma_wait3A_911 : memref<16x1024xf32, #tpu.memory_space<hbm>>)
    %add3A_916 = arith.constant 112 : i32
    %add3A_917 = arith.addi %mul3A_2, %add3A_916 : i32
    %dma_start3A_918 = arith.constant 1 : i32
    %dma_start3A_919 = arith.constant 1 : i32
    %dma_start3A_920 = arith.constant 0 : i32
    %dma_start3A_921 = arith.constant 0 : i32
    %dma_start3A_922 = tpu.memref_slice %arg10[%dma_start3A_918, %dma_start3A_920, %dma_start3A_921] : memref<2x16x1024xf32, #tpu.memory_space<vmem>> -> memref<1x16x1024xf32, #tpu.memory_space<vmem>>
    %dma_start3A_923 = tpu.memref_squeeze %dma_start3A_922 : memref<1x16x1024xf32, #tpu.memory_space<vmem>> -> memref<16x1024xf32, #tpu.memory_space<vmem>>
    %dma_start3A_924 = arith.constant 0 : i32
    %dma_start3A_925 = tpu.memref_slice %arg5[%add3A_917, %dma_start3A_924] : memref<4096x1024xf32, #tpu.memory_space<hbm>> -> memref<16x1024xf32, #tpu.memory_space<hbm>>
    %dma_start3A_926 = tpu.memref_slice %arg14[%dma_start3A_919] : memref<2x!tpu.dma_semaphore, #tpu.memory_space<semaphore_mem>> -> memref<1x!tpu.dma_semaphore, #tpu.memory_space<semaphore_mem>>
    %dma_start3A_927 = tpu.memref_squeeze %dma_start3A_926 : memref<1x!tpu.dma_semaphore, #tpu.memory_space<semaphore_mem>> -> memref<!tpu.dma_semaphore, #tpu.memory_space<semaphore_mem>>
    %dma_start3A_928 = arith.constant 0 : i32
    %dma_start3A_929 = tpu.memref_slice %arg5[%add3A_917, %dma_start3A_928] : memref<4096x1024xf32, #tpu.memory_space<hbm>> -> memref<16x1024xf32, #tpu.memory_space<hbm>>
    %dma_start3A_930 = arith.constant 0 : i32
    %dma_start3A_931 = arith.constant 0 : i32
    %dma_start3A_932 = tpu.memref_slice %arg10[%dma_start3A_918, %dma_start3A_930, %dma_start3A_931] : memref<2x16x1024xf32, #tpu.memory_space<vmem>> -> memref<1x16x1024xf32, #tpu.memory_space<vmem>>
    %dma_start3A_933 = tpu.memref_squeeze %dma_start3A_932 : memref<1x16x1024xf32, #tpu.memory_space<vmem>> -> memref<16x1024xf32, #tpu.memory_space<vmem>>
    tpu.enqueue_dma source(%dma_start3A_933 : memref<16x1024xf32, #tpu.memory_space<vmem>>) target(%dma_start3A_929 : memref<16x1024xf32, #tpu.memory_space<hbm>>) target_semaphore(%dma_start3A_927 : memref<!tpu.dma_semaphore, #tpu.memory_space<semaphore_mem>>)
    %dma_wait3A_934 = arith.constant 0 : i32
    %dma_wait3A_935 = arith.constant 0 : i32
    %dma_wait3A_936 = arith.constant 0 : i32
    %dma_wait3A_937 = arith.constant 0 : i32
    %dma_wait3A_938 = tpu.memref_slice %arg10[%dma_wait3A_934, %dma_wait3A_936, %dma_wait3A_937] : memref<2x16x1024xf32, #tpu.memory_space<vmem>> -> memref<1x16x1024xf32, #tpu.memory_space<vmem>>
    %dma_wait3A_939 = tpu.memref_squeeze %dma_wait3A_938 : memref<1x16x1024xf32, #tpu.memory_space<vmem>> -> memref<16x1024xf32, #tpu.memory_space<vmem>>
    %dma_wait3A_940 = arith.constant 0 : i32
    %dma_wait3A_941 = tpu.memref_slice %arg5[%add3A_848, %dma_wait3A_940] : memref<4096x1024xf32, #tpu.memory_space<hbm>> -> memref<16x1024xf32, #tpu.memory_space<hbm>>
    %dma_wait3A_942 = tpu.memref_slice %arg14[%dma_wait3A_935] : memref<2x!tpu.dma_semaphore, #tpu.memory_space<semaphore_mem>> -> memref<1x!tpu.dma_semaphore, #tpu.memory_space<semaphore_mem>>
    %dma_wait3A_943 = tpu.memref_squeeze %dma_wait3A_942 : memref<1x!tpu.dma_semaphore, #tpu.memory_space<semaphore_mem>> -> memref<!tpu.dma_semaphore, #tpu.memory_space<semaphore_mem>>
    %dma_wait3A_944 = arith.constant 0 : i32
    %dma_wait3A_945 = tpu.memref_slice %arg5[%add3A_848, %dma_wait3A_944] : memref<4096x1024xf32, #tpu.memory_space<hbm>> -> memref<16x1024xf32, #tpu.memory_space<hbm>>
    %dma_wait3A_946 = arith.constant 0 : i32
    %dma_wait3A_947 = arith.constant 0 : i32
    %dma_wait3A_948 = tpu.memref_slice %arg10[%dma_wait3A_934, %dma_wait3A_946, %dma_wait3A_947] : memref<2x16x1024xf32, #tpu.memory_space<vmem>> -> memref<1x16x1024xf32, #tpu.memory_space<vmem>>
    %dma_wait3A_949 = tpu.memref_squeeze %dma_wait3A_948 : memref<1x16x1024xf32, #tpu.memory_space<vmem>> -> memref<16x1024xf32, #tpu.memory_space<vmem>>
    tpu.wait_dma2 semaphore(%dma_wait3A_943 : memref<!tpu.dma_semaphore, #tpu.memory_space<semaphore_mem>>) src(%dma_wait3A_949 : memref<16x1024xf32, #tpu.memory_space<vmem>>) dst(%dma_wait3A_945 : memref<16x1024xf32, #tpu.memory_space<hbm>>)
    %dma_wait3A_950 = arith.constant 1 : i32
    %dma_wait3A_951 = arith.constant 1 : i32
    %dma_wait3A_952 = arith.constant 0 : i32
    %dma_wait3A_953 = arith.constant 0 : i32
    %dma_wait3A_954 = tpu.memref_slice %arg10[%dma_wait3A_950, %dma_wait3A_952, %dma_wait3A_953] : memref<2x16x1024xf32, #tpu.memory_space<vmem>> -> memref<1x16x1024xf32, #tpu.memory_space<vmem>>
    %dma_wait3A_955 = tpu.memref_squeeze %dma_wait3A_954 : memref<1x16x1024xf32, #tpu.memory_space<vmem>> -> memref<16x1024xf32, #tpu.memory_space<vmem>>
    %dma_wait3A_956 = arith.constant 0 : i32
    %dma_wait3A_957 = tpu.memref_slice %arg5[%add3A_917, %dma_wait3A_956] : memref<4096x1024xf32, #tpu.memory_space<hbm>> -> memref<16x1024xf32, #tpu.memory_space<hbm>>
    %dma_wait3A_958 = tpu.memref_slice %arg14[%dma_wait3A_951] : memref<2x!tpu.dma_semaphore, #tpu.memory_space<semaphore_mem>> -> memref<1x!tpu.dma_semaphore, #tpu.memory_space<semaphore_mem>>
    %dma_wait3A_959 = tpu.memref_squeeze %dma_wait3A_958 : memref<1x!tpu.dma_semaphore, #tpu.memory_space<semaphore_mem>> -> memref<!tpu.dma_semaphore, #tpu.memory_space<semaphore_mem>>
    %dma_wait3A_960 = arith.constant 0 : i32
    %dma_wait3A_961 = tpu.memref_slice %arg5[%add3A_917, %dma_wait3A_960] : memref<4096x1024xf32, #tpu.memory_space<hbm>> -> memref<16x1024xf32, #tpu.memory_space<hbm>>
    %dma_wait3A_962 = arith.constant 0 : i32
    %dma_wait3A_963 = arith.constant 0 : i32
    %dma_wait3A_964 = tpu.memref_slice %arg10[%dma_wait3A_950, %dma_wait3A_962, %dma_wait3A_963] : memref<2x16x1024xf32, #tpu.memory_space<vmem>> -> memref<1x16x1024xf32, #tpu.memory_space<vmem>>
    %dma_wait3A_965 = tpu.memref_squeeze %dma_wait3A_964 : memref<1x16x1024xf32, #tpu.memory_space<vmem>> -> memref<16x1024xf32, #tpu.memory_space<vmem>>
    tpu.wait_dma2 semaphore(%dma_wait3A_959 : memref<!tpu.dma_semaphore, #tpu.memory_space<semaphore_mem>>) src(%dma_wait3A_965 : memref<16x1024xf32, #tpu.memory_space<vmem>>) dst(%dma_wait3A_961 : memref<16x1024xf32, #tpu.memory_space<hbm>>)
    return
  }
}

#map = affine_map<(d0, d1) -> (0, 0)>
module attributes {stable_mosaic.version = 14 : i64} {
  func.func @k(%arg0: i32, %arg1: i32, %arg2: memref<4096x1024xf32, #tpu.memory_space<hbm>>, %arg3: memref<32x128xi32, #tpu.memory_space<hbm>>, %arg4: memref<32x128xi32, #tpu.memory_space<hbm>>, %arg5: memref<4096x128xf32, #tpu.memory_space<hbm>>, %arg6: memref<4096x128xf32, #tpu.memory_space<hbm>>, %arg7: memref<8192x1024xf32, #tpu.memory_space<hbm>>, %arg8: memref<8192x128xf32, #tpu.memory_space<hbm>>, %arg9: memref<1x128xi32, #tpu.memory_space<vmem>>, %arg10: memref<1x128xi32, #tpu.memory_space<vmem>>, %arg11: memref<4x32xi32, #tpu.memory_space<vmem>>, %arg12: memref<4x32xi32, #tpu.memory_space<vmem>>, %arg13: memref<128x128xf32, #tpu.memory_space<vmem>>, %arg14: memref<128x128xf32, #tpu.memory_space<vmem>>, %arg15: memref<32x1024xf32, #tpu.memory_space<vmem>>) attributes {dimension_semantics = [#tpu.dimension_semantics<core_parallel>, #tpu.dimension_semantics<subcore_parallel>], iteration_bounds = array<i64: 2, 16>, scalar_prefetch = 0 : i64, scratch_operands = 7 : i64, tpu.core_type = #tpu.core_type<sc_vector_subcore>, window_params = [{transform_indices = #map}, {transform_indices = #map}, {transform_indices = #map}, {transform_indices = #map}, {transform_indices = #map}, {transform_indices = #map}, {transform_indices = #map}]} {
    %mul3A = arith.constant 2 : i32
    %mul3A_0 = arith.muli %arg1, %mul3A : i32
    %add3A = arith.addi %mul3A_0, %arg0 : i32
    %mul3A_1 = arith.constant 128 : i32
    %mul3A_2 = arith.muli %add3A, %mul3A_1 : i32
    "tpu.region"() ({
      %run_scoped3A_200 = tpu.sem_alloc : memref<!tpu.dma_semaphore, #tpu.memory_space<semaphore_mem>>
      %dma_start3A = arith.constant 0 : i32
      %dma_start3A_201 = tpu.memref_slice %arg3[%add3A, %dma_start3A] : memref<32x128xi32, #tpu.memory_space<hbm>> -> memref<1x128xi32, #tpu.memory_space<hbm>>
      %dma_start3A_202 = arith.constant 0 : i32
      %dma_start3A_203 = tpu.memref_slice %arg3[%add3A, %dma_start3A_202] : memref<32x128xi32, #tpu.memory_space<hbm>> -> memref<1x128xi32, #tpu.memory_space<hbm>>
      tpu.enqueue_dma source(%dma_start3A_203 : memref<1x128xi32, #tpu.memory_space<hbm>>) target(%arg9 : memref<1x128xi32, #tpu.memory_space<vmem>>) target_semaphore(%run_scoped3A_200 : memref<!tpu.dma_semaphore, #tpu.memory_space<semaphore_mem>>)
      %dma_wait3A = arith.constant 0 : i32
      %dma_wait3A_204 = tpu.memref_slice %arg3[%add3A, %dma_wait3A] : memref<32x128xi32, #tpu.memory_space<hbm>> -> memref<1x128xi32, #tpu.memory_space<hbm>>
      %dma_wait3A_205 = arith.constant 0 : i32
      %dma_wait3A_206 = tpu.memref_slice %arg3[%add3A, %dma_wait3A_205] : memref<32x128xi32, #tpu.memory_space<hbm>> -> memref<1x128xi32, #tpu.memory_space<hbm>>
      tpu.wait_dma2 semaphore(%run_scoped3A_200 : memref<!tpu.dma_semaphore, #tpu.memory_space<semaphore_mem>>) src(%dma_wait3A_206 : memref<1x128xi32, #tpu.memory_space<hbm>>) dst(%arg9 : memref<1x128xi32, #tpu.memory_space<vmem>>)
      tpu.yield
    }) : () -> ()
    "tpu.region"() ({
      %run_scoped3A_200 = tpu.sem_alloc : memref<!tpu.dma_semaphore, #tpu.memory_space<semaphore_mem>>
      %dma_start3A = arith.constant 0 : i32
      %dma_start3A_201 = tpu.memref_slice %arg4[%add3A, %dma_start3A] : memref<32x128xi32, #tpu.memory_space<hbm>> -> memref<1x128xi32, #tpu.memory_space<hbm>>
      %dma_start3A_202 = arith.constant 0 : i32
      %dma_start3A_203 = tpu.memref_slice %arg4[%add3A, %dma_start3A_202] : memref<32x128xi32, #tpu.memory_space<hbm>> -> memref<1x128xi32, #tpu.memory_space<hbm>>
      tpu.enqueue_dma source(%dma_start3A_203 : memref<1x128xi32, #tpu.memory_space<hbm>>) target(%arg10 : memref<1x128xi32, #tpu.memory_space<vmem>>) target_semaphore(%run_scoped3A_200 : memref<!tpu.dma_semaphore, #tpu.memory_space<semaphore_mem>>)
      %dma_wait3A = arith.constant 0 : i32
      %dma_wait3A_204 = tpu.memref_slice %arg4[%add3A, %dma_wait3A] : memref<32x128xi32, #tpu.memory_space<hbm>> -> memref<1x128xi32, #tpu.memory_space<hbm>>
      %dma_wait3A_205 = arith.constant 0 : i32
      %dma_wait3A_206 = tpu.memref_slice %arg4[%add3A, %dma_wait3A_205] : memref<32x128xi32, #tpu.memory_space<hbm>> -> memref<1x128xi32, #tpu.memory_space<hbm>>
      tpu.wait_dma2 semaphore(%run_scoped3A_200 : memref<!tpu.dma_semaphore, #tpu.memory_space<semaphore_mem>>) src(%dma_wait3A_206 : memref<1x128xi32, #tpu.memory_space<hbm>>) dst(%arg10 : memref<1x128xi32, #tpu.memory_space<vmem>>)
      tpu.yield
    }) : () -> ()
    "tpu.region"() ({
      %run_scoped3A_200 = tpu.sem_alloc : memref<!tpu.dma_semaphore, #tpu.memory_space<semaphore_mem>>
      %dma_start3A = arith.constant 0 : i32
      %dma_start3A_201 = tpu.memref_slice %arg5[%mul3A_2, %dma_start3A] : memref<4096x128xf32, #tpu.memory_space<hbm>> -> memref<128x128xf32, #tpu.memory_space<hbm>>
      %dma_start3A_202 = arith.constant 0 : i32
      %dma_start3A_203 = tpu.memref_slice %arg5[%mul3A_2, %dma_start3A_202] : memref<4096x128xf32, #tpu.memory_space<hbm>> -> memref<128x128xf32, #tpu.memory_space<hbm>>
      tpu.enqueue_dma source(%dma_start3A_203 : memref<128x128xf32, #tpu.memory_space<hbm>>) target(%arg13 : memref<128x128xf32, #tpu.memory_space<vmem>>) target_semaphore(%run_scoped3A_200 : memref<!tpu.dma_semaphore, #tpu.memory_space<semaphore_mem>>)
      %dma_wait3A = arith.constant 0 : i32
      %dma_wait3A_204 = tpu.memref_slice %arg5[%mul3A_2, %dma_wait3A] : memref<4096x128xf32, #tpu.memory_space<hbm>> -> memref<128x128xf32, #tpu.memory_space<hbm>>
      %dma_wait3A_205 = arith.constant 0 : i32
      %dma_wait3A_206 = tpu.memref_slice %arg5[%mul3A_2, %dma_wait3A_205] : memref<4096x128xf32, #tpu.memory_space<hbm>> -> memref<128x128xf32, #tpu.memory_space<hbm>>
      tpu.wait_dma2 semaphore(%run_scoped3A_200 : memref<!tpu.dma_semaphore, #tpu.memory_space<semaphore_mem>>) src(%dma_wait3A_206 : memref<128x128xf32, #tpu.memory_space<hbm>>) dst(%arg13 : memref<128x128xf32, #tpu.memory_space<vmem>>)
      tpu.yield
    }) : () -> ()
    "tpu.region"() ({
      %run_scoped3A_200 = tpu.sem_alloc : memref<!tpu.dma_semaphore, #tpu.memory_space<semaphore_mem>>
      %dma_start3A = arith.constant 0 : i32
      %dma_start3A_201 = tpu.memref_slice %arg6[%mul3A_2, %dma_start3A] : memref<4096x128xf32, #tpu.memory_space<hbm>> -> memref<128x128xf32, #tpu.memory_space<hbm>>
      %dma_start3A_202 = arith.constant 0 : i32
      %dma_start3A_203 = tpu.memref_slice %arg6[%mul3A_2, %dma_start3A_202] : memref<4096x128xf32, #tpu.memory_space<hbm>> -> memref<128x128xf32, #tpu.memory_space<hbm>>
      tpu.enqueue_dma source(%dma_start3A_203 : memref<128x128xf32, #tpu.memory_space<hbm>>) target(%arg14 : memref<128x128xf32, #tpu.memory_space<vmem>>) target_semaphore(%run_scoped3A_200 : memref<!tpu.dma_semaphore, #tpu.memory_space<semaphore_mem>>)
      %dma_wait3A = arith.constant 0 : i32
      %dma_wait3A_204 = tpu.memref_slice %arg6[%mul3A_2, %dma_wait3A] : memref<4096x128xf32, #tpu.memory_space<hbm>> -> memref<128x128xf32, #tpu.memory_space<hbm>>
      %dma_wait3A_205 = arith.constant 0 : i32
      %dma_wait3A_206 = tpu.memref_slice %arg6[%mul3A_2, %dma_wait3A_205] : memref<4096x128xf32, #tpu.memory_space<hbm>> -> memref<128x128xf32, #tpu.memory_space<hbm>>
      tpu.wait_dma2 semaphore(%run_scoped3A_200 : memref<!tpu.dma_semaphore, #tpu.memory_space<semaphore_mem>>) src(%dma_wait3A_206 : memref<128x128xf32, #tpu.memory_space<hbm>>) dst(%arg14 : memref<128x128xf32, #tpu.memory_space<vmem>>)
      tpu.yield
    }) : () -> ()
    %get3A = arith.constant 0 : i32
    %get3A_3 = arith.index_cast %get3A : i32 to index
    %get3A_4 = arith.constant 0 : index
    %get3A_5 = tpu.vector_load %arg9[%get3A_3, %get3A_4] {strides = array<i32>} : memref<1x128xi32, #tpu.memory_space<vmem>>, vector<1x16xi32>,
    %get3A_6 = vector.shape_cast %get3A_5 : vector<1x16xi32> to vector<16xi32>
    %swap3A = arith.constant 0 : i32
    %swap3A_7 = arith.index_cast %swap3A : i32 to index
    %swap3A_8 = arith.constant 0 : index
    %swap3A_9 = tpu.vector_load %arg11[%swap3A_7, %swap3A_8] {strides = array<i32>} : memref<4x32xi32, #tpu.memory_space<vmem>>, vector<1x16xi32>,
    %swap3A_10 = vector.shape_cast %swap3A_9 : vector<1x16xi32> to vector<16xi32>
    %swap3A_11 = vector.shape_cast %get3A_6 : vector<16xi32> to vector<1x16xi32>
    tpu.vector_store %arg11[%swap3A_7, %swap3A_8], %swap3A_11 {strides = array<i32>} : memref<4x32xi32, #tpu.memory_space<vmem>>, vector<1x16xi32>,
    %get3A_12 = arith.constant 0 : i32
    %get3A_13 = arith.index_cast %get3A_12 : i32 to index
    %get3A_14 = arith.constant 16 : index
    %get3A_15 = tpu.vector_load %arg9[%get3A_13, %get3A_14] {strides = array<i32>} : memref<1x128xi32, #tpu.memory_space<vmem>>, vector<1x16xi32>,
    %get3A_16 = vector.shape_cast %get3A_15 : vector<1x16xi32> to vector<16xi32>
    %swap3A_17 = arith.constant 0 : i32
    %swap3A_18 = arith.index_cast %swap3A_17 : i32 to index
    %swap3A_19 = arith.constant 16 : index
    %swap3A_20 = tpu.vector_load %arg11[%swap3A_18, %swap3A_19] {strides = array<i32>} : memref<4x32xi32, #tpu.memory_space<vmem>>, vector<1x16xi32>,
    %swap3A_21 = vector.shape_cast %swap3A_20 : vector<1x16xi32> to vector<16xi32>
    %swap3A_22 = vector.shape_cast %get3A_16 : vector<16xi32> to vector<1x16xi32>
    tpu.vector_store %arg11[%swap3A_18, %swap3A_19], %swap3A_22 {strides = array<i32>} : memref<4x32xi32, #tpu.memory_space<vmem>>, vector<1x16xi32>,
    %get3A_23 = arith.constant 0 : i32
    %get3A_24 = arith.index_cast %get3A_23 : i32 to index
    %get3A_25 = arith.constant 32 : index
    %get3A_26 = tpu.vector_load %arg9[%get3A_24, %get3A_25] {strides = array<i32>} : memref<1x128xi32, #tpu.memory_space<vmem>>, vector<1x16xi32>,
    %get3A_27 = vector.shape_cast %get3A_26 : vector<1x16xi32> to vector<16xi32>
    %swap3A_28 = arith.constant 1 : i32
    %swap3A_29 = arith.index_cast %swap3A_28 : i32 to index
    %swap3A_30 = arith.constant 0 : index
    %swap3A_31 = tpu.vector_load %arg11[%swap3A_29, %swap3A_30] {strides = array<i32>} : memref<4x32xi32, #tpu.memory_space<vmem>>, vector<1x16xi32>,
    %swap3A_32 = vector.shape_cast %swap3A_31 : vector<1x16xi32> to vector<16xi32>
    %swap3A_33 = vector.shape_cast %get3A_27 : vector<16xi32> to vector<1x16xi32>
    tpu.vector_store %arg11[%swap3A_29, %swap3A_30], %swap3A_33 {strides = array<i32>} : memref<4x32xi32, #tpu.memory_space<vmem>>, vector<1x16xi32>,
    %get3A_34 = arith.constant 0 : i32
    %get3A_35 = arith.index_cast %get3A_34 : i32 to index
    %get3A_36 = arith.constant 48 : index
    %get3A_37 = tpu.vector_load %arg9[%get3A_35, %get3A_36] {strides = array<i32>} : memref<1x128xi32, #tpu.memory_space<vmem>>, vector<1x16xi32>,
    %get3A_38 = vector.shape_cast %get3A_37 : vector<1x16xi32> to vector<16xi32>
    %swap3A_39 = arith.constant 1 : i32
    %swap3A_40 = arith.index_cast %swap3A_39 : i32 to index
    %swap3A_41 = arith.constant 16 : index
    %swap3A_42 = tpu.vector_load %arg11[%swap3A_40, %swap3A_41] {strides = array<i32>} : memref<4x32xi32, #tpu.memory_space<vmem>>, vector<1x16xi32>,
    %swap3A_43 = vector.shape_cast %swap3A_42 : vector<1x16xi32> to vector<16xi32>
    %swap3A_44 = vector.shape_cast %get3A_38 : vector<16xi32> to vector<1x16xi32>
    tpu.vector_store %arg11[%swap3A_40, %swap3A_41], %swap3A_44 {strides = array<i32>} : memref<4x32xi32, #tpu.memory_space<vmem>>, vector<1x16xi32>,
    %get3A_45 = arith.constant 0 : i32
    %get3A_46 = arith.index_cast %get3A_45 : i32 to index
    %get3A_47 = arith.constant 64 : index
    %get3A_48 = tpu.vector_load %arg9[%get3A_46, %get3A_47] {strides = array<i32>} : memref<1x128xi32, #tpu.memory_space<vmem>>, vector<1x16xi32>,
    %get3A_49 = vector.shape_cast %get3A_48 : vector<1x16xi32> to vector<16xi32>
    %swap3A_50 = arith.constant 2 : i32
    %swap3A_51 = arith.index_cast %swap3A_50 : i32 to index
    %swap3A_52 = arith.constant 0 : index
    %swap3A_53 = tpu.vector_load %arg11[%swap3A_51, %swap3A_52] {strides = array<i32>} : memref<4x32xi32, #tpu.memory_space<vmem>>, vector<1x16xi32>,
    %swap3A_54 = vector.shape_cast %swap3A_53 : vector<1x16xi32> to vector<16xi32>
    %swap3A_55 = vector.shape_cast %get3A_49 : vector<16xi32> to vector<1x16xi32>
    tpu.vector_store %arg11[%swap3A_51, %swap3A_52], %swap3A_55 {strides = array<i32>} : memref<4x32xi32, #tpu.memory_space<vmem>>, vector<1x16xi32>,
    %get3A_56 = arith.constant 0 : i32
    %get3A_57 = arith.index_cast %get3A_56 : i32 to index
    %get3A_58 = arith.constant 80 : index
    %get3A_59 = tpu.vector_load %arg9[%get3A_57, %get3A_58] {strides = array<i32>} : memref<1x128xi32, #tpu.memory_space<vmem>>, vector<1x16xi32>,
    %get3A_60 = vector.shape_cast %get3A_59 : vector<1x16xi32> to vector<16xi32>
    %swap3A_61 = arith.constant 2 : i32
    %swap3A_62 = arith.index_cast %swap3A_61 : i32 to index
    %swap3A_63 = arith.constant 16 : index
    %swap3A_64 = tpu.vector_load %arg11[%swap3A_62, %swap3A_63] {strides = array<i32>} : memref<4x32xi32, #tpu.memory_space<vmem>>, vector<1x16xi32>,
    %swap3A_65 = vector.shape_cast %swap3A_64 : vector<1x16xi32> to vector<16xi32>
    %swap3A_66 = vector.shape_cast %get3A_60 : vector<16xi32> to vector<1x16xi32>
    tpu.vector_store %arg11[%swap3A_62, %swap3A_63], %swap3A_66 {strides = array<i32>} : memref<4x32xi32, #tpu.memory_space<vmem>>, vector<1x16xi32>,
    %get3A_67 = arith.constant 0 : i32
    %get3A_68 = arith.index_cast %get3A_67 : i32 to index
    %get3A_69 = arith.constant 96 : index
    %get3A_70 = tpu.vector_load %arg9[%get3A_68, %get3A_69] {strides = array<i32>} : memref<1x128xi32, #tpu.memory_space<vmem>>, vector<1x16xi32>,
    %get3A_71 = vector.shape_cast %get3A_70 : vector<1x16xi32> to vector<16xi32>
    %swap3A_72 = arith.constant 3 : i32
    %swap3A_73 = arith.index_cast %swap3A_72 : i32 to index
    %swap3A_74 = arith.constant 0 : index
    %swap3A_75 = tpu.vector_load %arg11[%swap3A_73, %swap3A_74] {strides = array<i32>} : memref<4x32xi32, #tpu.memory_space<vmem>>, vector<1x16xi32>,
    %swap3A_76 = vector.shape_cast %swap3A_75 : vector<1x16xi32> to vector<16xi32>
    %swap3A_77 = vector.shape_cast %get3A_71 : vector<16xi32> to vector<1x16xi32>
    tpu.vector_store %arg11[%swap3A_73, %swap3A_74], %swap3A_77 {strides = array<i32>} : memref<4x32xi32, #tpu.memory_space<vmem>>, vector<1x16xi32>,
    %get3A_78 = arith.constant 0 : i32
    %get3A_79 = arith.index_cast %get3A_78 : i32 to index
    %get3A_80 = arith.constant 112 : index
    %get3A_81 = tpu.vector_load %arg9[%get3A_79, %get3A_80] {strides = array<i32>} : memref<1x128xi32, #tpu.memory_space<vmem>>, vector<1x16xi32>,
    %get3A_82 = vector.shape_cast %get3A_81 : vector<1x16xi32> to vector<16xi32>
    %swap3A_83 = arith.constant 3 : i32
    %swap3A_84 = arith.index_cast %swap3A_83 : i32 to index
    %swap3A_85 = arith.constant 16 : index
    %swap3A_86 = tpu.vector_load %arg11[%swap3A_84, %swap3A_85] {strides = array<i32>} : memref<4x32xi32, #tpu.memory_space<vmem>>, vector<1x16xi32>,
    %swap3A_87 = vector.shape_cast %swap3A_86 : vector<1x16xi32> to vector<16xi32>
    %swap3A_88 = vector.shape_cast %get3A_82 : vector<16xi32> to vector<1x16xi32>
    tpu.vector_store %arg11[%swap3A_84, %swap3A_85], %swap3A_88 {strides = array<i32>} : memref<4x32xi32, #tpu.memory_space<vmem>>, vector<1x16xi32>,
    %get3A_89 = arith.constant 0 : i32
    %get3A_90 = arith.index_cast %get3A_89 : i32 to index
    %get3A_91 = arith.constant 0 : index
    %get3A_92 = tpu.vector_load %arg10[%get3A_90, %get3A_91] {strides = array<i32>} : memref<1x128xi32, #tpu.memory_space<vmem>>, vector<1x16xi32>,
    %get3A_93 = vector.shape_cast %get3A_92 : vector<1x16xi32> to vector<16xi32>
    %swap3A_94 = arith.constant 0 : i32
    %swap3A_95 = arith.index_cast %swap3A_94 : i32 to index
    %swap3A_96 = arith.constant 0 : index
    %swap3A_97 = tpu.vector_load %arg12[%swap3A_95, %swap3A_96] {strides = array<i32>} : memref<4x32xi32, #tpu.memory_space<vmem>>, vector<1x16xi32>,
    %swap3A_98 = vector.shape_cast %swap3A_97 : vector<1x16xi32> to vector<16xi32>
    %swap3A_99 = vector.shape_cast %get3A_93 : vector<16xi32> to vector<1x16xi32>
    tpu.vector_store %arg12[%swap3A_95, %swap3A_96], %swap3A_99 {strides = array<i32>} : memref<4x32xi32, #tpu.memory_space<vmem>>, vector<1x16xi32>,
    %get3A_100 = arith.constant 0 : i32
    %get3A_101 = arith.index_cast %get3A_100 : i32 to index
    %get3A_102 = arith.constant 16 : index
    %get3A_103 = tpu.vector_load %arg10[%get3A_101, %get3A_102] {strides = array<i32>} : memref<1x128xi32, #tpu.memory_space<vmem>>, vector<1x16xi32>,
    %get3A_104 = vector.shape_cast %get3A_103 : vector<1x16xi32> to vector<16xi32>
    %swap3A_105 = arith.constant 0 : i32
    %swap3A_106 = arith.index_cast %swap3A_105 : i32 to index
    %swap3A_107 = arith.constant 16 : index
    %swap3A_108 = tpu.vector_load %arg12[%swap3A_106, %swap3A_107] {strides = array<i32>} : memref<4x32xi32, #tpu.memory_space<vmem>>, vector<1x16xi32>,
    %swap3A_109 = vector.shape_cast %swap3A_108 : vector<1x16xi32> to vector<16xi32>
    %swap3A_110 = vector.shape_cast %get3A_104 : vector<16xi32> to vector<1x16xi32>
    tpu.vector_store %arg12[%swap3A_106, %swap3A_107], %swap3A_110 {strides = array<i32>} : memref<4x32xi32, #tpu.memory_space<vmem>>, vector<1x16xi32>,
    %get3A_111 = arith.constant 0 : i32
    %get3A_112 = arith.index_cast %get3A_111 : i32 to index
    %get3A_113 = arith.constant 32 : index
    %get3A_114 = tpu.vector_load %arg10[%get3A_112, %get3A_113] {strides = array<i32>} : memref<1x128xi32, #tpu.memory_space<vmem>>, vector<1x16xi32>,
    %get3A_115 = vector.shape_cast %get3A_114 : vector<1x16xi32> to vector<16xi32>
    %swap3A_116 = arith.constant 1 : i32
    %swap3A_117 = arith.index_cast %swap3A_116 : i32 to index
    %swap3A_118 = arith.constant 0 : index
    %swap3A_119 = tpu.vector_load %arg12[%swap3A_117, %swap3A_118] {strides = array<i32>} : memref<4x32xi32, #tpu.memory_space<vmem>>, vector<1x16xi32>,
    %swap3A_120 = vector.shape_cast %swap3A_119 : vector<1x16xi32> to vector<16xi32>
    %swap3A_121 = vector.shape_cast %get3A_115 : vector<16xi32> to vector<1x16xi32>
    tpu.vector_store %arg12[%swap3A_117, %swap3A_118], %swap3A_121 {strides = array<i32>} : memref<4x32xi32, #tpu.memory_space<vmem>>, vector<1x16xi32>,
    %get3A_122 = arith.constant 0 : i32
    %get3A_123 = arith.index_cast %get3A_122 : i32 to index
    %get3A_124 = arith.constant 48 : index
    %get3A_125 = tpu.vector_load %arg10[%get3A_123, %get3A_124] {strides = array<i32>} : memref<1x128xi32, #tpu.memory_space<vmem>>, vector<1x16xi32>,
    %get3A_126 = vector.shape_cast %get3A_125 : vector<1x16xi32> to vector<16xi32>
    %swap3A_127 = arith.constant 1 : i32
    %swap3A_128 = arith.index_cast %swap3A_127 : i32 to index
    %swap3A_129 = arith.constant 16 : index
    %swap3A_130 = tpu.vector_load %arg12[%swap3A_128, %swap3A_129] {strides = array<i32>} : memref<4x32xi32, #tpu.memory_space<vmem>>, vector<1x16xi32>,
    %swap3A_131 = vector.shape_cast %swap3A_130 : vector<1x16xi32> to vector<16xi32>
    %swap3A_132 = vector.shape_cast %get3A_126 : vector<16xi32> to vector<1x16xi32>
    tpu.vector_store %arg12[%swap3A_128, %swap3A_129], %swap3A_132 {strides = array<i32>} : memref<4x32xi32, #tpu.memory_space<vmem>>, vector<1x16xi32>,
    %get3A_133 = arith.constant 0 : i32
    %get3A_134 = arith.index_cast %get3A_133 : i32 to index
    %get3A_135 = arith.constant 64 : index
    %get3A_136 = tpu.vector_load %arg10[%get3A_134, %get3A_135] {strides = array<i32>} : memref<1x128xi32, #tpu.memory_space<vmem>>, vector<1x16xi32>,
    %get3A_137 = vector.shape_cast %get3A_136 : vector<1x16xi32> to vector<16xi32>
    %swap3A_138 = arith.constant 2 : i32
    %swap3A_139 = arith.index_cast %swap3A_138 : i32 to index
    %swap3A_140 = arith.constant 0 : index
    %swap3A_141 = tpu.vector_load %arg12[%swap3A_139, %swap3A_140] {strides = array<i32>} : memref<4x32xi32, #tpu.memory_space<vmem>>, vector<1x16xi32>,
    %swap3A_142 = vector.shape_cast %swap3A_141 : vector<1x16xi32> to vector<16xi32>
    %swap3A_143 = vector.shape_cast %get3A_137 : vector<16xi32> to vector<1x16xi32>
    tpu.vector_store %arg12[%swap3A_139, %swap3A_140], %swap3A_143 {strides = array<i32>} : memref<4x32xi32, #tpu.memory_space<vmem>>, vector<1x16xi32>,
    %get3A_144 = arith.constant 0 : i32
    %get3A_145 = arith.index_cast %get3A_144 : i32 to index
    %get3A_146 = arith.constant 80 : index
    %get3A_147 = tpu.vector_load %arg10[%get3A_145, %get3A_146] {strides = array<i32>} : memref<1x128xi32, #tpu.memory_space<vmem>>, vector<1x16xi32>,
    %get3A_148 = vector.shape_cast %get3A_147 : vector<1x16xi32> to vector<16xi32>
    %swap3A_149 = arith.constant 2 : i32
    %swap3A_150 = arith.index_cast %swap3A_149 : i32 to index
    %swap3A_151 = arith.constant 16 : index
    %swap3A_152 = tpu.vector_load %arg12[%swap3A_150, %swap3A_151] {strides = array<i32>} : memref<4x32xi32, #tpu.memory_space<vmem>>, vector<1x16xi32>,
    %swap3A_153 = vector.shape_cast %swap3A_152 : vector<1x16xi32> to vector<16xi32>
    %swap3A_154 = vector.shape_cast %get3A_148 : vector<16xi32> to vector<1x16xi32>
    tpu.vector_store %arg12[%swap3A_150, %swap3A_151], %swap3A_154 {strides = array<i32>} : memref<4x32xi32, #tpu.memory_space<vmem>>, vector<1x16xi32>,
    %get3A_155 = arith.constant 0 : i32
    %get3A_156 = arith.index_cast %get3A_155 : i32 to index
    %get3A_157 = arith.constant 96 : index
    %get3A_158 = tpu.vector_load %arg10[%get3A_156, %get3A_157] {strides = array<i32>} : memref<1x128xi32, #tpu.memory_space<vmem>>, vector<1x16xi32>,
    %get3A_159 = vector.shape_cast %get3A_158 : vector<1x16xi32> to vector<16xi32>
    %swap3A_160 = arith.constant 3 : i32
    %swap3A_161 = arith.index_cast %swap3A_160 : i32 to index
    %swap3A_162 = arith.constant 0 : index
    %swap3A_163 = tpu.vector_load %arg12[%swap3A_161, %swap3A_162] {strides = array<i32>} : memref<4x32xi32, #tpu.memory_space<vmem>>, vector<1x16xi32>,
    %swap3A_164 = vector.shape_cast %swap3A_163 : vector<1x16xi32> to vector<16xi32>
    %swap3A_165 = vector.shape_cast %get3A_159 : vector<16xi32> to vector<1x16xi32>
    tpu.vector_store %arg12[%swap3A_161, %swap3A_162], %swap3A_165 {strides = array<i32>} : memref<4x32xi32, #tpu.memory_space<vmem>>, vector<1x16xi32>,
    %get3A_166 = arith.constant 0 : i32
    %get3A_167 = arith.index_cast %get3A_166 : i32 to index
    %get3A_168 = arith.constant 112 : index
    %get3A_169 = tpu.vector_load %arg10[%get3A_167, %get3A_168] {strides = array<i32>} : memref<1x128xi32, #tpu.memory_space<vmem>>, vector<1x16xi32>,
    %get3A_170 = vector.shape_cast %get3A_169 : vector<1x16xi32> to vector<16xi32>
    %swap3A_171 = arith.constant 3 : i32
    %swap3A_172 = arith.index_cast %swap3A_171 : i32 to index
    %swap3A_173 = arith.constant 16 : index
    %swap3A_174 = tpu.vector_load %arg12[%swap3A_172, %swap3A_173] {strides = array<i32>} : memref<4x32xi32, #tpu.memory_space<vmem>>, vector<1x16xi32>,
    %swap3A_175 = vector.shape_cast %swap3A_174 : vector<1x16xi32> to vector<16xi32>
    %swap3A_176 = vector.shape_cast %get3A_170 : vector<16xi32> to vector<1x16xi32>
    tpu.vector_store %arg12[%swap3A_172, %swap3A_173], %swap3A_176 {strides = array<i32>} : memref<4x32xi32, #tpu.memory_space<vmem>>, vector<1x16xi32>,
    %add3A_177 = arith.constant 0 : i32
    %add3A_178 = arith.addi %mul3A_2, %add3A_177 : i32
    "tpu.region"() ({
      %run_scoped3A_200 = tpu.sem_alloc : memref<!tpu.dma_semaphore, #tpu.memory_space<semaphore_mem>>
      %dma_start3A = arith.constant 0 : i32
      %dma_start3A_201 = tpu.memref_slice %arg2[%add3A_178, %dma_start3A] : memref<4096x1024xf32, #tpu.memory_space<hbm>> -> memref<32x1024xf32, #tpu.memory_space<hbm>>
      %dma_start3A_202 = arith.constant 0 : i32
      %dma_start3A_203 = tpu.memref_slice %arg2[%add3A_178, %dma_start3A_202] : memref<4096x1024xf32, #tpu.memory_space<hbm>> -> memref<32x1024xf32, #tpu.memory_space<hbm>>
      tpu.enqueue_dma source(%dma_start3A_203 : memref<32x1024xf32, #tpu.memory_space<hbm>>) target(%arg15 : memref<32x1024xf32, #tpu.memory_space<vmem>>) target_semaphore(%run_scoped3A_200 : memref<!tpu.dma_semaphore, #tpu.memory_space<semaphore_mem>>)
      %dma_wait3A = arith.constant 0 : i32
      %dma_wait3A_204 = tpu.memref_slice %arg2[%add3A_178, %dma_wait3A] : memref<4096x1024xf32, #tpu.memory_space<hbm>> -> memref<32x1024xf32, #tpu.memory_space<hbm>>
      %dma_wait3A_205 = arith.constant 0 : i32
      %dma_wait3A_206 = tpu.memref_slice %arg2[%add3A_178, %dma_wait3A_205] : memref<4096x1024xf32, #tpu.memory_space<hbm>> -> memref<32x1024xf32, #tpu.memory_space<hbm>>
      tpu.wait_dma2 semaphore(%run_scoped3A_200 : memref<!tpu.dma_semaphore, #tpu.memory_space<semaphore_mem>>) src(%dma_wait3A_206 : memref<32x1024xf32, #tpu.memory_space<hbm>>) dst(%arg15 : memref<32x1024xf32, #tpu.memory_space<vmem>>)
      tpu.yield
    }) : () -> ()
    %run_scoped3A = arith.constant 0 : i32
    "tpu.region"() ({
      %run_scoped3A_200 = tpu.sem_alloc : memref<!tpu.dma_semaphore, #tpu.memory_space<semaphore_mem>>
      %dma_start3A = arith.constant 0 : i32
      %dma_start3A_201 = tpu.memref_slice %arg11[%run_scoped3A, %dma_start3A] : memref<4x32xi32, #tpu.memory_space<vmem>> -> memref<1x32xi32, #tpu.memory_space<vmem>>
      %dma_start3A_202 = tpu.memref_squeeze %dma_start3A_201 : memref<1x32xi32, #tpu.memory_space<vmem>> -> memref<32xi32, #tpu.memory_space<vmem>>
      %dma_start3A_203 = arith.constant 0 : i32
      %dma_start3A_204 = arith.constant 0 : i32
      %dma_start3A_205 = tpu.memref_slice %arg7[%dma_start3A_203, %dma_start3A_204] : memref<8192x1024xf32, #tpu.memory_space<hbm>> -> memref<8192x1024xf32, #tpu.memory_space<hbm>>
      tpu.enqueue_indirect_dma source(%arg15 : memref<32x1024xf32, #tpu.memory_space<vmem>>) target(%dma_start3A_205 : memref<8192x1024xf32, #tpu.memory_space<hbm>>) offsets(%dma_start3A_202 : memref<32xi32, #tpu.memory_space<vmem>>) semaphore(%run_scoped3A_200 : memref<!tpu.dma_semaphore, #tpu.memory_space<semaphore_mem>>)
      %dma_wait3A = arith.constant 0 : i32
      %dma_wait3A_206 = tpu.memref_slice %arg11[%run_scoped3A, %dma_wait3A] : memref<4x32xi32, #tpu.memory_space<vmem>> -> memref<1x32xi32, #tpu.memory_space<vmem>>
      %dma_wait3A_207 = tpu.memref_squeeze %dma_wait3A_206 : memref<1x32xi32, #tpu.memory_space<vmem>> -> memref<32xi32, #tpu.memory_space<vmem>>
      %dma_wait3A_208 = arith.constant 0 : i32
      %dma_wait3A_209 = arith.constant 0 : i32
      %dma_wait3A_210 = tpu.memref_slice %arg7[%dma_wait3A_208, %dma_wait3A_209] : memref<8192x1024xf32, #tpu.memory_space<hbm>> -> memref<8192x1024xf32, #tpu.memory_space<hbm>>
      tpu.wait_indirect_dma semaphore(%run_scoped3A_200 : memref<!tpu.dma_semaphore, #tpu.memory_space<semaphore_mem>>) src(%arg15 : memref<32x1024xf32, #tpu.memory_space<vmem>>) dst(%dma_wait3A_210 : memref<8192x1024xf32, #tpu.memory_space<hbm>>)
      tpu.yield
    }) : () -> ()
    %run_scoped3A_179 = arith.constant 0 : i32
    "tpu.region"() ({
      %run_scoped3A_200 = tpu.sem_alloc : memref<!tpu.dma_semaphore, #tpu.memory_space<semaphore_mem>>
      %dma_start3A = arith.constant 0 : i32
      %dma_start3A_201 = tpu.memref_slice %arg12[%run_scoped3A_179, %dma_start3A] : memref<4x32xi32, #tpu.memory_space<vmem>> -> memref<1x32xi32, #tpu.memory_space<vmem>>
      %dma_start3A_202 = tpu.memref_squeeze %dma_start3A_201 : memref<1x32xi32, #tpu.memory_space<vmem>> -> memref<32xi32, #tpu.memory_space<vmem>>
      %dma_start3A_203 = arith.constant 0 : i32
      %dma_start3A_204 = arith.constant 0 : i32
      %dma_start3A_205 = tpu.memref_slice %arg7[%dma_start3A_203, %dma_start3A_204] : memref<8192x1024xf32, #tpu.memory_space<hbm>> -> memref<8192x1024xf32, #tpu.memory_space<hbm>>
      tpu.enqueue_indirect_dma source(%arg15 : memref<32x1024xf32, #tpu.memory_space<vmem>>) target(%dma_start3A_205 : memref<8192x1024xf32, #tpu.memory_space<hbm>>) offsets(%dma_start3A_202 : memref<32xi32, #tpu.memory_space<vmem>>) semaphore(%run_scoped3A_200 : memref<!tpu.dma_semaphore, #tpu.memory_space<semaphore_mem>>)
      %dma_wait3A = arith.constant 0 : i32
      %dma_wait3A_206 = tpu.memref_slice %arg12[%run_scoped3A_179, %dma_wait3A] : memref<4x32xi32, #tpu.memory_space<vmem>> -> memref<1x32xi32, #tpu.memory_space<vmem>>
      %dma_wait3A_207 = tpu.memref_squeeze %dma_wait3A_206 : memref<1x32xi32, #tpu.memory_space<vmem>> -> memref<32xi32, #tpu.memory_space<vmem>>
      %dma_wait3A_208 = arith.constant 0 : i32
      %dma_wait3A_209 = arith.constant 0 : i32
      %dma_wait3A_210 = tpu.memref_slice %arg7[%dma_wait3A_208, %dma_wait3A_209] : memref<8192x1024xf32, #tpu.memory_space<hbm>> -> memref<8192x1024xf32, #tpu.memory_space<hbm>>
      tpu.wait_indirect_dma semaphore(%run_scoped3A_200 : memref<!tpu.dma_semaphore, #tpu.memory_space<semaphore_mem>>) src(%arg15 : memref<32x1024xf32, #tpu.memory_space<vmem>>) dst(%dma_wait3A_210 : memref<8192x1024xf32, #tpu.memory_space<hbm>>)
      tpu.yield
    }) : () -> ()
    %run_scoped3A_180 = arith.constant 0 : i32
    "tpu.region"() ({
      %run_scoped3A_200 = tpu.sem_alloc : memref<!tpu.dma_semaphore, #tpu.memory_space<semaphore_mem>>
      %dma_start3A = arith.constant 0 : i32
      %dma_start3A_201 = arith.constant 0 : i32
      %dma_start3A_202 = tpu.memref_slice %arg13[%dma_start3A, %dma_start3A_201] : memref<128x128xf32, #tpu.memory_space<vmem>> -> memref<32x128xf32, #tpu.memory_space<vmem>>
      %dma_start3A_203 = arith.constant 0 : i32
      %dma_start3A_204 = tpu.memref_slice %arg11[%run_scoped3A_180, %dma_start3A_203] : memref<4x32xi32, #tpu.memory_space<vmem>> -> memref<1x32xi32, #tpu.memory_space<vmem>>
      %dma_start3A_205 = tpu.memref_squeeze %dma_start3A_204 : memref<1x32xi32, #tpu.memory_space<vmem>> -> memref<32xi32, #tpu.memory_space<vmem>>
      %dma_start3A_206 = arith.constant 0 : i32
      %dma_start3A_207 = arith.constant 0 : i32
      %dma_start3A_208 = tpu.memref_slice %arg8[%dma_start3A_206, %dma_start3A_207] : memref<8192x128xf32, #tpu.memory_space<hbm>> -> memref<8192x128xf32, #tpu.memory_space<hbm>>
      tpu.enqueue_indirect_dma source(%dma_start3A_202 : memref<32x128xf32, #tpu.memory_space<vmem>>) target(%dma_start3A_208 : memref<8192x128xf32, #tpu.memory_space<hbm>>) offsets(%dma_start3A_205 : memref<32xi32, #tpu.memory_space<vmem>>) semaphore(%run_scoped3A_200 : memref<!tpu.dma_semaphore, #tpu.memory_space<semaphore_mem>>)
      %dma_wait3A = arith.constant 0 : i32
      %dma_wait3A_209 = arith.constant 0 : i32
      %dma_wait3A_210 = tpu.memref_slice %arg13[%dma_wait3A, %dma_wait3A_209] : memref<128x128xf32, #tpu.memory_space<vmem>> -> memref<32x128xf32, #tpu.memory_space<vmem>>
      %dma_wait3A_211 = arith.constant 0 : i32
      %dma_wait3A_212 = tpu.memref_slice %arg11[%run_scoped3A_180, %dma_wait3A_211] : memref<4x32xi32, #tpu.memory_space<vmem>> -> memref<1x32xi32, #tpu.memory_space<vmem>>
      %dma_wait3A_213 = tpu.memref_squeeze %dma_wait3A_212 : memref<1x32xi32, #tpu.memory_space<vmem>> -> memref<32xi32, #tpu.memory_space<vmem>>
      %dma_wait3A_214 = arith.constant 0 : i32
      %dma_wait3A_215 = arith.constant 0 : i32
      %dma_wait3A_216 = tpu.memref_slice %arg8[%dma_wait3A_214, %dma_wait3A_215] : memref<8192x128xf32, #tpu.memory_space<hbm>> -> memref<8192x128xf32, #tpu.memory_space<hbm>>
      tpu.wait_indirect_dma semaphore(%run_scoped3A_200 : memref<!tpu.dma_semaphore, #tpu.memory_space<semaphore_mem>>) src(%dma_wait3A_210 : memref<32x128xf32, #tpu.memory_space<vmem>>) dst(%dma_wait3A_216 : memref<8192x128xf32, #tpu.memory_space<hbm>>)
      tpu.yield
    }) : () -> ()
    %run_scoped3A_181 = arith.constant 0 : i32
    "tpu.region"() ({
      %run_scoped3A_200 = tpu.sem_alloc : memref<!tpu.dma_semaphore, #tpu.memory_space<semaphore_mem>>
      %dma_start3A = arith.constant 0 : i32
      %dma_start3A_201 = arith.constant 0 : i32
      %dma_start3A_202 = tpu.memref_slice %arg14[%dma_start3A, %dma_start3A_201] : memref<128x128xf32, #tpu.memory_space<vmem>> -> memref<32x128xf32, #tpu.memory_space<vmem>>
      %dma_start3A_203 = arith.constant 0 : i32
      %dma_start3A_204 = tpu.memref_slice %arg12[%run_scoped3A_181, %dma_start3A_203] : memref<4x32xi32, #tpu.memory_space<vmem>> -> memref<1x32xi32, #tpu.memory_space<vmem>>
      %dma_start3A_205 = tpu.memref_squeeze %dma_start3A_204 : memref<1x32xi32, #tpu.memory_space<vmem>> -> memref<32xi32, #tpu.memory_space<vmem>>
      %dma_start3A_206 = arith.constant 0 : i32
      %dma_start3A_207 = arith.constant 0 : i32
      %dma_start3A_208 = tpu.memref_slice %arg8[%dma_start3A_206, %dma_start3A_207] : memref<8192x128xf32, #tpu.memory_space<hbm>> -> memref<8192x128xf32, #tpu.memory_space<hbm>>
      tpu.enqueue_indirect_dma source(%dma_start3A_202 : memref<32x128xf32, #tpu.memory_space<vmem>>) target(%dma_start3A_208 : memref<8192x128xf32, #tpu.memory_space<hbm>>) offsets(%dma_start3A_205 : memref<32xi32, #tpu.memory_space<vmem>>) semaphore(%run_scoped3A_200 : memref<!tpu.dma_semaphore, #tpu.memory_space<semaphore_mem>>)
      %dma_wait3A = arith.constant 0 : i32
      %dma_wait3A_209 = arith.constant 0 : i32
      %dma_wait3A_210 = tpu.memref_slice %arg14[%dma_wait3A, %dma_wait3A_209] : memref<128x128xf32, #tpu.memory_space<vmem>> -> memref<32x128xf32, #tpu.memory_space<vmem>>
      %dma_wait3A_211 = arith.constant 0 : i32
      %dma_wait3A_212 = tpu.memref_slice %arg12[%run_scoped3A_181, %dma_wait3A_211] : memref<4x32xi32, #tpu.memory_space<vmem>> -> memref<1x32xi32, #tpu.memory_space<vmem>>
      %dma_wait3A_213 = tpu.memref_squeeze %dma_wait3A_212 : memref<1x32xi32, #tpu.memory_space<vmem>> -> memref<32xi32, #tpu.memory_space<vmem>>
      %dma_wait3A_214 = arith.constant 0 : i32
      %dma_wait3A_215 = arith.constant 0 : i32
      %dma_wait3A_216 = tpu.memref_slice %arg8[%dma_wait3A_214, %dma_wait3A_215] : memref<8192x128xf32, #tpu.memory_space<hbm>> -> memref<8192x128xf32, #tpu.memory_space<hbm>>
      tpu.wait_indirect_dma semaphore(%run_scoped3A_200 : memref<!tpu.dma_semaphore, #tpu.memory_space<semaphore_mem>>) src(%dma_wait3A_210 : memref<32x128xf32, #tpu.memory_space<vmem>>) dst(%dma_wait3A_216 : memref<8192x128xf32, #tpu.memory_space<hbm>>)
      tpu.yield
    }) : () -> ()
    %add3A_182 = arith.constant 32 : i32
    %add3A_183 = arith.addi %mul3A_2, %add3A_182 : i32
    "tpu.region"() ({
      %run_scoped3A_200 = tpu.sem_alloc : memref<!tpu.dma_semaphore, #tpu.memory_space<semaphore_mem>>
      %dma_start3A = arith.constant 0 : i32
      %dma_start3A_201 = tpu.memref_slice %arg2[%add3A_183, %dma_start3A] : memref<4096x1024xf32, #tpu.memory_space<hbm>> -> memref<32x1024xf32, #tpu.memory_space<hbm>>
      %dma_start3A_202 = arith.constant 0 : i32
      %dma_start3A_203 = tpu.memref_slice %arg2[%add3A_183, %dma_start3A_202] : memref<4096x1024xf32, #tpu.memory_space<hbm>> -> memref<32x1024xf32, #tpu.memory_space<hbm>>
      tpu.enqueue_dma source(%dma_start3A_203 : memref<32x1024xf32, #tpu.memory_space<hbm>>) target(%arg15 : memref<32x1024xf32, #tpu.memory_space<vmem>>) target_semaphore(%run_scoped3A_200 : memref<!tpu.dma_semaphore, #tpu.memory_space<semaphore_mem>>)
      %dma_wait3A = arith.constant 0 : i32
      %dma_wait3A_204 = tpu.memref_slice %arg2[%add3A_183, %dma_wait3A] : memref<4096x1024xf32, #tpu.memory_space<hbm>> -> memref<32x1024xf32, #tpu.memory_space<hbm>>
      %dma_wait3A_205 = arith.constant 0 : i32
      %dma_wait3A_206 = tpu.memref_slice %arg2[%add3A_183, %dma_wait3A_205] : memref<4096x1024xf32, #tpu.memory_space<hbm>> -> memref<32x1024xf32, #tpu.memory_space<hbm>>
      tpu.wait_dma2 semaphore(%run_scoped3A_200 : memref<!tpu.dma_semaphore, #tpu.memory_space<semaphore_mem>>) src(%dma_wait3A_206 : memref<32x1024xf32, #tpu.memory_space<hbm>>) dst(%arg15 : memref<32x1024xf32, #tpu.memory_space<vmem>>)
      tpu.yield
    }) : () -> ()
    %run_scoped3A_184 = arith.constant 1 : i32
    "tpu.region"() ({
      %run_scoped3A_200 = tpu.sem_alloc : memref<!tpu.dma_semaphore, #tpu.memory_space<semaphore_mem>>
      %dma_start3A = arith.constant 0 : i32
      %dma_start3A_201 = tpu.memref_slice %arg11[%run_scoped3A_184, %dma_start3A] : memref<4x32xi32, #tpu.memory_space<vmem>> -> memref<1x32xi32, #tpu.memory_space<vmem>>
      %dma_start3A_202 = tpu.memref_squeeze %dma_start3A_201 : memref<1x32xi32, #tpu.memory_space<vmem>> -> memref<32xi32, #tpu.memory_space<vmem>>
      %dma_start3A_203 = arith.constant 0 : i32
      %dma_start3A_204 = arith.constant 0 : i32
      %dma_start3A_205 = tpu.memref_slice %arg7[%dma_start3A_203, %dma_start3A_204] : memref<8192x1024xf32, #tpu.memory_space<hbm>> -> memref<8192x1024xf32, #tpu.memory_space<hbm>>
      tpu.enqueue_indirect_dma source(%arg15 : memref<32x1024xf32, #tpu.memory_space<vmem>>) target(%dma_start3A_205 : memref<8192x1024xf32, #tpu.memory_space<hbm>>) offsets(%dma_start3A_202 : memref<32xi32, #tpu.memory_space<vmem>>) semaphore(%run_scoped3A_200 : memref<!tpu.dma_semaphore, #tpu.memory_space<semaphore_mem>>)
      %dma_wait3A = arith.constant 0 : i32
      %dma_wait3A_206 = tpu.memref_slice %arg11[%run_scoped3A_184, %dma_wait3A] : memref<4x32xi32, #tpu.memory_space<vmem>> -> memref<1x32xi32, #tpu.memory_space<vmem>>
      %dma_wait3A_207 = tpu.memref_squeeze %dma_wait3A_206 : memref<1x32xi32, #tpu.memory_space<vmem>> -> memref<32xi32, #tpu.memory_space<vmem>>
      %dma_wait3A_208 = arith.constant 0 : i32
      %dma_wait3A_209 = arith.constant 0 : i32
      %dma_wait3A_210 = tpu.memref_slice %arg7[%dma_wait3A_208, %dma_wait3A_209] : memref<8192x1024xf32, #tpu.memory_space<hbm>> -> memref<8192x1024xf32, #tpu.memory_space<hbm>>
      tpu.wait_indirect_dma semaphore(%run_scoped3A_200 : memref<!tpu.dma_semaphore, #tpu.memory_space<semaphore_mem>>) src(%arg15 : memref<32x1024xf32, #tpu.memory_space<vmem>>) dst(%dma_wait3A_210 : memref<8192x1024xf32, #tpu.memory_space<hbm>>)
      tpu.yield
    }) : () -> ()
    %run_scoped3A_185 = arith.constant 1 : i32
    "tpu.region"() ({
      %run_scoped3A_200 = tpu.sem_alloc : memref<!tpu.dma_semaphore, #tpu.memory_space<semaphore_mem>>
      %dma_start3A = arith.constant 0 : i32
      %dma_start3A_201 = tpu.memref_slice %arg12[%run_scoped3A_185, %dma_start3A] : memref<4x32xi32, #tpu.memory_space<vmem>> -> memref<1x32xi32, #tpu.memory_space<vmem>>
      %dma_start3A_202 = tpu.memref_squeeze %dma_start3A_201 : memref<1x32xi32, #tpu.memory_space<vmem>> -> memref<32xi32, #tpu.memory_space<vmem>>
      %dma_start3A_203 = arith.constant 0 : i32
      %dma_start3A_204 = arith.constant 0 : i32
      %dma_start3A_205 = tpu.memref_slice %arg7[%dma_start3A_203, %dma_start3A_204] : memref<8192x1024xf32, #tpu.memory_space<hbm>> -> memref<8192x1024xf32, #tpu.memory_space<hbm>>
      tpu.enqueue_indirect_dma source(%arg15 : memref<32x1024xf32, #tpu.memory_space<vmem>>) target(%dma_start3A_205 : memref<8192x1024xf32, #tpu.memory_space<hbm>>) offsets(%dma_start3A_202 : memref<32xi32, #tpu.memory_space<vmem>>) semaphore(%run_scoped3A_200 : memref<!tpu.dma_semaphore, #tpu.memory_space<semaphore_mem>>)
      %dma_wait3A = arith.constant 0 : i32
      %dma_wait3A_206 = tpu.memref_slice %arg12[%run_scoped3A_185, %dma_wait3A] : memref<4x32xi32, #tpu.memory_space<vmem>> -> memref<1x32xi32, #tpu.memory_space<vmem>>
      %dma_wait3A_207 = tpu.memref_squeeze %dma_wait3A_206 : memref<1x32xi32, #tpu.memory_space<vmem>> -> memref<32xi32, #tpu.memory_space<vmem>>
      %dma_wait3A_208 = arith.constant 0 : i32
      %dma_wait3A_209 = arith.constant 0 : i32
      %dma_wait3A_210 = tpu.memref_slice %arg7[%dma_wait3A_208, %dma_wait3A_209] : memref<8192x1024xf32, #tpu.memory_space<hbm>> -> memref<8192x1024xf32, #tpu.memory_space<hbm>>
      tpu.wait_indirect_dma semaphore(%run_scoped3A_200 : memref<!tpu.dma_semaphore, #tpu.memory_space<semaphore_mem>>) src(%arg15 : memref<32x1024xf32, #tpu.memory_space<vmem>>) dst(%dma_wait3A_210 : memref<8192x1024xf32, #tpu.memory_space<hbm>>)
      tpu.yield
    }) : () -> ()
    %run_scoped3A_186 = arith.constant 1 : i32
    "tpu.region"() ({
      %run_scoped3A_200 = tpu.sem_alloc : memref<!tpu.dma_semaphore, #tpu.memory_space<semaphore_mem>>
      %dma_start3A = arith.constant 32 : i32
      %dma_start3A_201 = arith.constant 0 : i32
      %dma_start3A_202 = tpu.memref_slice %arg13[%dma_start3A, %dma_start3A_201] : memref<128x128xf32, #tpu.memory_space<vmem>> -> memref<32x128xf32, #tpu.memory_space<vmem>>
      %dma_start3A_203 = arith.constant 0 : i32
      %dma_start3A_204 = tpu.memref_slice %arg11[%run_scoped3A_186, %dma_start3A_203] : memref<4x32xi32, #tpu.memory_space<vmem>> -> memref<1x32xi32, #tpu.memory_space<vmem>>
      %dma_start3A_205 = tpu.memref_squeeze %dma_start3A_204 : memref<1x32xi32, #tpu.memory_space<vmem>> -> memref<32xi32, #tpu.memory_space<vmem>>
      %dma_start3A_206 = arith.constant 0 : i32
      %dma_start3A_207 = arith.constant 0 : i32
      %dma_start3A_208 = tpu.memref_slice %arg8[%dma_start3A_206, %dma_start3A_207] : memref<8192x128xf32, #tpu.memory_space<hbm>> -> memref<8192x128xf32, #tpu.memory_space<hbm>>
      tpu.enqueue_indirect_dma source(%dma_start3A_202 : memref<32x128xf32, #tpu.memory_space<vmem>>) target(%dma_start3A_208 : memref<8192x128xf32, #tpu.memory_space<hbm>>) offsets(%dma_start3A_205 : memref<32xi32, #tpu.memory_space<vmem>>) semaphore(%run_scoped3A_200 : memref<!tpu.dma_semaphore, #tpu.memory_space<semaphore_mem>>)
      %dma_wait3A = arith.constant 32 : i32
      %dma_wait3A_209 = arith.constant 0 : i32
      %dma_wait3A_210 = tpu.memref_slice %arg13[%dma_wait3A, %dma_wait3A_209] : memref<128x128xf32, #tpu.memory_space<vmem>> -> memref<32x128xf32, #tpu.memory_space<vmem>>
      %dma_wait3A_211 = arith.constant 0 : i32
      %dma_wait3A_212 = tpu.memref_slice %arg11[%run_scoped3A_186, %dma_wait3A_211] : memref<4x32xi32, #tpu.memory_space<vmem>> -> memref<1x32xi32, #tpu.memory_space<vmem>>
      %dma_wait3A_213 = tpu.memref_squeeze %dma_wait3A_212 : memref<1x32xi32, #tpu.memory_space<vmem>> -> memref<32xi32, #tpu.memory_space<vmem>>
      %dma_wait3A_214 = arith.constant 0 : i32
      %dma_wait3A_215 = arith.constant 0 : i32
      %dma_wait3A_216 = tpu.memref_slice %arg8[%dma_wait3A_214, %dma_wait3A_215] : memref<8192x128xf32, #tpu.memory_space<hbm>> -> memref<8192x128xf32, #tpu.memory_space<hbm>>
      tpu.wait_indirect_dma semaphore(%run_scoped3A_200 : memref<!tpu.dma_semaphore, #tpu.memory_space<semaphore_mem>>) src(%dma_wait3A_210 : memref<32x128xf32, #tpu.memory_space<vmem>>) dst(%dma_wait3A_216 : memref<8192x128xf32, #tpu.memory_space<hbm>>)
      tpu.yield
    }) : () -> ()
    %run_scoped3A_187 = arith.constant 1 : i32
    "tpu.region"() ({
      %run_scoped3A_200 = tpu.sem_alloc : memref<!tpu.dma_semaphore, #tpu.memory_space<semaphore_mem>>
      %dma_start3A = arith.constant 32 : i32
      %dma_start3A_201 = arith.constant 0 : i32
      %dma_start3A_202 = tpu.memref_slice %arg14[%dma_start3A, %dma_start3A_201] : memref<128x128xf32, #tpu.memory_space<vmem>> -> memref<32x128xf32, #tpu.memory_space<vmem>>
      %dma_start3A_203 = arith.constant 0 : i32
      %dma_start3A_204 = tpu.memref_slice %arg12[%run_scoped3A_187, %dma_start3A_203] : memref<4x32xi32, #tpu.memory_space<vmem>> -> memref<1x32xi32, #tpu.memory_space<vmem>>
      %dma_start3A_205 = tpu.memref_squeeze %dma_start3A_204 : memref<1x32xi32, #tpu.memory_space<vmem>> -> memref<32xi32, #tpu.memory_space<vmem>>
      %dma_start3A_206 = arith.constant 0 : i32
      %dma_start3A_207 = arith.constant 0 : i32
      %dma_start3A_208 = tpu.memref_slice %arg8[%dma_start3A_206, %dma_start3A_207] : memref<8192x128xf32, #tpu.memory_space<hbm>> -> memref<8192x128xf32, #tpu.memory_space<hbm>>
      tpu.enqueue_indirect_dma source(%dma_start3A_202 : memref<32x128xf32, #tpu.memory_space<vmem>>) target(%dma_start3A_208 : memref<8192x128xf32, #tpu.memory_space<hbm>>) offsets(%dma_start3A_205 : memref<32xi32, #tpu.memory_space<vmem>>) semaphore(%run_scoped3A_200 : memref<!tpu.dma_semaphore, #tpu.memory_space<semaphore_mem>>)
      %dma_wait3A = arith.constant 32 : i32
      %dma_wait3A_209 = arith.constant 0 : i32
      %dma_wait3A_210 = tpu.memref_slice %arg14[%dma_wait3A, %dma_wait3A_209] : memref<128x128xf32, #tpu.memory_space<vmem>> -> memref<32x128xf32, #tpu.memory_space<vmem>>
      %dma_wait3A_211 = arith.constant 0 : i32
      %dma_wait3A_212 = tpu.memref_slice %arg12[%run_scoped3A_187, %dma_wait3A_211] : memref<4x32xi32, #tpu.memory_space<vmem>> -> memref<1x32xi32, #tpu.memory_space<vmem>>
      %dma_wait3A_213 = tpu.memref_squeeze %dma_wait3A_212 : memref<1x32xi32, #tpu.memory_space<vmem>> -> memref<32xi32, #tpu.memory_space<vmem>>
      %dma_wait3A_214 = arith.constant 0 : i32
      %dma_wait3A_215 = arith.constant 0 : i32
      %dma_wait3A_216 = tpu.memref_slice %arg8[%dma_wait3A_214, %dma_wait3A_215] : memref<8192x128xf32, #tpu.memory_space<hbm>> -> memref<8192x128xf32, #tpu.memory_space<hbm>>
      tpu.wait_indirect_dma semaphore(%run_scoped3A_200 : memref<!tpu.dma_semaphore, #tpu.memory_space<semaphore_mem>>) src(%dma_wait3A_210 : memref<32x128xf32, #tpu.memory_space<vmem>>) dst(%dma_wait3A_216 : memref<8192x128xf32, #tpu.memory_space<hbm>>)
      tpu.yield
    }) : () -> ()
    %add3A_188 = arith.constant 64 : i32
    %add3A_189 = arith.addi %mul3A_2, %add3A_188 : i32
    "tpu.region"() ({
      %run_scoped3A_200 = tpu.sem_alloc : memref<!tpu.dma_semaphore, #tpu.memory_space<semaphore_mem>>
      %dma_start3A = arith.constant 0 : i32
      %dma_start3A_201 = tpu.memref_slice %arg2[%add3A_189, %dma_start3A] : memref<4096x1024xf32, #tpu.memory_space<hbm>> -> memref<32x1024xf32, #tpu.memory_space<hbm>>
      %dma_start3A_202 = arith.constant 0 : i32
      %dma_start3A_203 = tpu.memref_slice %arg2[%add3A_189, %dma_start3A_202] : memref<4096x1024xf32, #tpu.memory_space<hbm>> -> memref<32x1024xf32, #tpu.memory_space<hbm>>
      tpu.enqueue_dma source(%dma_start3A_203 : memref<32x1024xf32, #tpu.memory_space<hbm>>) target(%arg15 : memref<32x1024xf32, #tpu.memory_space<vmem>>) target_semaphore(%run_scoped3A_200 : memref<!tpu.dma_semaphore, #tpu.memory_space<semaphore_mem>>)
      %dma_wait3A = arith.constant 0 : i32
      %dma_wait3A_204 = tpu.memref_slice %arg2[%add3A_189, %dma_wait3A] : memref<4096x1024xf32, #tpu.memory_space<hbm>> -> memref<32x1024xf32, #tpu.memory_space<hbm>>
      %dma_wait3A_205 = arith.constant 0 : i32
      %dma_wait3A_206 = tpu.memref_slice %arg2[%add3A_189, %dma_wait3A_205] : memref<4096x1024xf32, #tpu.memory_space<hbm>> -> memref<32x1024xf32, #tpu.memory_space<hbm>>
      tpu.wait_dma2 semaphore(%run_scoped3A_200 : memref<!tpu.dma_semaphore, #tpu.memory_space<semaphore_mem>>) src(%dma_wait3A_206 : memref<32x1024xf32, #tpu.memory_space<hbm>>) dst(%arg15 : memref<32x1024xf32, #tpu.memory_space<vmem>>)
      tpu.yield
    }) : () -> ()
    %run_scoped3A_190 = arith.constant 2 : i32
    "tpu.region"() ({
      %run_scoped3A_200 = tpu.sem_alloc : memref<!tpu.dma_semaphore, #tpu.memory_space<semaphore_mem>>
      %dma_start3A = arith.constant 0 : i32
      %dma_start3A_201 = tpu.memref_slice %arg11[%run_scoped3A_190, %dma_start3A] : memref<4x32xi32, #tpu.memory_space<vmem>> -> memref<1x32xi32, #tpu.memory_space<vmem>>
      %dma_start3A_202 = tpu.memref_squeeze %dma_start3A_201 : memref<1x32xi32, #tpu.memory_space<vmem>> -> memref<32xi32, #tpu.memory_space<vmem>>
      %dma_start3A_203 = arith.constant 0 : i32
      %dma_start3A_204 = arith.constant 0 : i32
      %dma_start3A_205 = tpu.memref_slice %arg7[%dma_start3A_203, %dma_start3A_204] : memref<8192x1024xf32, #tpu.memory_space<hbm>> -> memref<8192x1024xf32, #tpu.memory_space<hbm>>
      tpu.enqueue_indirect_dma source(%arg15 : memref<32x1024xf32, #tpu.memory_space<vmem>>) target(%dma_start3A_205 : memref<8192x1024xf32, #tpu.memory_space<hbm>>) offsets(%dma_start3A_202 : memref<32xi32, #tpu.memory_space<vmem>>) semaphore(%run_scoped3A_200 : memref<!tpu.dma_semaphore, #tpu.memory_space<semaphore_mem>>)
      %dma_wait3A = arith.constant 0 : i32
      %dma_wait3A_206 = tpu.memref_slice %arg11[%run_scoped3A_190, %dma_wait3A] : memref<4x32xi32, #tpu.memory_space<vmem>> -> memref<1x32xi32, #tpu.memory_space<vmem>>
      %dma_wait3A_207 = tpu.memref_squeeze %dma_wait3A_206 : memref<1x32xi32, #tpu.memory_space<vmem>> -> memref<32xi32, #tpu.memory_space<vmem>>
      %dma_wait3A_208 = arith.constant 0 : i32
      %dma_wait3A_209 = arith.constant 0 : i32
      %dma_wait3A_210 = tpu.memref_slice %arg7[%dma_wait3A_208, %dma_wait3A_209] : memref<8192x1024xf32, #tpu.memory_space<hbm>> -> memref<8192x1024xf32, #tpu.memory_space<hbm>>
      tpu.wait_indirect_dma semaphore(%run_scoped3A_200 : memref<!tpu.dma_semaphore, #tpu.memory_space<semaphore_mem>>) src(%arg15 : memref<32x1024xf32, #tpu.memory_space<vmem>>) dst(%dma_wait3A_210 : memref<8192x1024xf32, #tpu.memory_space<hbm>>)
      tpu.yield
    }) : () -> ()
    %run_scoped3A_191 = arith.constant 2 : i32
    "tpu.region"() ({
      %run_scoped3A_200 = tpu.sem_alloc : memref<!tpu.dma_semaphore, #tpu.memory_space<semaphore_mem>>
      %dma_start3A = arith.constant 0 : i32
      %dma_start3A_201 = tpu.memref_slice %arg12[%run_scoped3A_191, %dma_start3A] : memref<4x32xi32, #tpu.memory_space<vmem>> -> memref<1x32xi32, #tpu.memory_space<vmem>>
      %dma_start3A_202 = tpu.memref_squeeze %dma_start3A_201 : memref<1x32xi32, #tpu.memory_space<vmem>> -> memref<32xi32, #tpu.memory_space<vmem>>
      %dma_start3A_203 = arith.constant 0 : i32
      %dma_start3A_204 = arith.constant 0 : i32
      %dma_start3A_205 = tpu.memref_slice %arg7[%dma_start3A_203, %dma_start3A_204] : memref<8192x1024xf32, #tpu.memory_space<hbm>> -> memref<8192x1024xf32, #tpu.memory_space<hbm>>
      tpu.enqueue_indirect_dma source(%arg15 : memref<32x1024xf32, #tpu.memory_space<vmem>>) target(%dma_start3A_205 : memref<8192x1024xf32, #tpu.memory_space<hbm>>) offsets(%dma_start3A_202 : memref<32xi32, #tpu.memory_space<vmem>>) semaphore(%run_scoped3A_200 : memref<!tpu.dma_semaphore, #tpu.memory_space<semaphore_mem>>)
      %dma_wait3A = arith.constant 0 : i32
      %dma_wait3A_206 = tpu.memref_slice %arg12[%run_scoped3A_191, %dma_wait3A] : memref<4x32xi32, #tpu.memory_space<vmem>> -> memref<1x32xi32, #tpu.memory_space<vmem>>
      %dma_wait3A_207 = tpu.memref_squeeze %dma_wait3A_206 : memref<1x32xi32, #tpu.memory_space<vmem>> -> memref<32xi32, #tpu.memory_space<vmem>>
      %dma_wait3A_208 = arith.constant 0 : i32
      %dma_wait3A_209 = arith.constant 0 : i32
      %dma_wait3A_210 = tpu.memref_slice %arg7[%dma_wait3A_208, %dma_wait3A_209] : memref<8192x1024xf32, #tpu.memory_space<hbm>> -> memref<8192x1024xf32, #tpu.memory_space<hbm>>
      tpu.wait_indirect_dma semaphore(%run_scoped3A_200 : memref<!tpu.dma_semaphore, #tpu.memory_space<semaphore_mem>>) src(%arg15 : memref<32x1024xf32, #tpu.memory_space<vmem>>) dst(%dma_wait3A_210 : memref<8192x1024xf32, #tpu.memory_space<hbm>>)
      tpu.yield
    }) : () -> ()
    %run_scoped3A_192 = arith.constant 2 : i32
    "tpu.region"() ({
      %run_scoped3A_200 = tpu.sem_alloc : memref<!tpu.dma_semaphore, #tpu.memory_space<semaphore_mem>>
      %dma_start3A = arith.constant 64 : i32
      %dma_start3A_201 = arith.constant 0 : i32
      %dma_start3A_202 = tpu.memref_slice %arg13[%dma_start3A, %dma_start3A_201] : memref<128x128xf32, #tpu.memory_space<vmem>> -> memref<32x128xf32, #tpu.memory_space<vmem>>
      %dma_start3A_203 = arith.constant 0 : i32
      %dma_start3A_204 = tpu.memref_slice %arg11[%run_scoped3A_192, %dma_start3A_203] : memref<4x32xi32, #tpu.memory_space<vmem>> -> memref<1x32xi32, #tpu.memory_space<vmem>>
      %dma_start3A_205 = tpu.memref_squeeze %dma_start3A_204 : memref<1x32xi32, #tpu.memory_space<vmem>> -> memref<32xi32, #tpu.memory_space<vmem>>
      %dma_start3A_206 = arith.constant 0 : i32
      %dma_start3A_207 = arith.constant 0 : i32
      %dma_start3A_208 = tpu.memref_slice %arg8[%dma_start3A_206, %dma_start3A_207] : memref<8192x128xf32, #tpu.memory_space<hbm>> -> memref<8192x128xf32, #tpu.memory_space<hbm>>
      tpu.enqueue_indirect_dma source(%dma_start3A_202 : memref<32x128xf32, #tpu.memory_space<vmem>>) target(%dma_start3A_208 : memref<8192x128xf32, #tpu.memory_space<hbm>>) offsets(%dma_start3A_205 : memref<32xi32, #tpu.memory_space<vmem>>) semaphore(%run_scoped3A_200 : memref<!tpu.dma_semaphore, #tpu.memory_space<semaphore_mem>>)
      %dma_wait3A = arith.constant 64 : i32
      %dma_wait3A_209 = arith.constant 0 : i32
      %dma_wait3A_210 = tpu.memref_slice %arg13[%dma_wait3A, %dma_wait3A_209] : memref<128x128xf32, #tpu.memory_space<vmem>> -> memref<32x128xf32, #tpu.memory_space<vmem>>
      %dma_wait3A_211 = arith.constant 0 : i32
      %dma_wait3A_212 = tpu.memref_slice %arg11[%run_scoped3A_192, %dma_wait3A_211] : memref<4x32xi32, #tpu.memory_space<vmem>> -> memref<1x32xi32, #tpu.memory_space<vmem>>
      %dma_wait3A_213 = tpu.memref_squeeze %dma_wait3A_212 : memref<1x32xi32, #tpu.memory_space<vmem>> -> memref<32xi32, #tpu.memory_space<vmem>>
      %dma_wait3A_214 = arith.constant 0 : i32
      %dma_wait3A_215 = arith.constant 0 : i32
      %dma_wait3A_216 = tpu.memref_slice %arg8[%dma_wait3A_214, %dma_wait3A_215] : memref<8192x128xf32, #tpu.memory_space<hbm>> -> memref<8192x128xf32, #tpu.memory_space<hbm>>
      tpu.wait_indirect_dma semaphore(%run_scoped3A_200 : memref<!tpu.dma_semaphore, #tpu.memory_space<semaphore_mem>>) src(%dma_wait3A_210 : memref<32x128xf32, #tpu.memory_space<vmem>>) dst(%dma_wait3A_216 : memref<8192x128xf32, #tpu.memory_space<hbm>>)
      tpu.yield
    }) : () -> ()
    %run_scoped3A_193 = arith.constant 2 : i32
    "tpu.region"() ({
      %run_scoped3A_200 = tpu.sem_alloc : memref<!tpu.dma_semaphore, #tpu.memory_space<semaphore_mem>>
      %dma_start3A = arith.constant 64 : i32
      %dma_start3A_201 = arith.constant 0 : i32
      %dma_start3A_202 = tpu.memref_slice %arg14[%dma_start3A, %dma_start3A_201] : memref<128x128xf32, #tpu.memory_space<vmem>> -> memref<32x128xf32, #tpu.memory_space<vmem>>
      %dma_start3A_203 = arith.constant 0 : i32
      %dma_start3A_204 = tpu.memref_slice %arg12[%run_scoped3A_193, %dma_start3A_203] : memref<4x32xi32, #tpu.memory_space<vmem>> -> memref<1x32xi32, #tpu.memory_space<vmem>>
      %dma_start3A_205 = tpu.memref_squeeze %dma_start3A_204 : memref<1x32xi32, #tpu.memory_space<vmem>> -> memref<32xi32, #tpu.memory_space<vmem>>
      %dma_start3A_206 = arith.constant 0 : i32
      %dma_start3A_207 = arith.constant 0 : i32
      %dma_start3A_208 = tpu.memref_slice %arg8[%dma_start3A_206, %dma_start3A_207] : memref<8192x128xf32, #tpu.memory_space<hbm>> -> memref<8192x128xf32, #tpu.memory_space<hbm>>
      tpu.enqueue_indirect_dma source(%dma_start3A_202 : memref<32x128xf32, #tpu.memory_space<vmem>>) target(%dma_start3A_208 : memref<8192x128xf32, #tpu.memory_space<hbm>>) offsets(%dma_start3A_205 : memref<32xi32, #tpu.memory_space<vmem>>) semaphore(%run_scoped3A_200 : memref<!tpu.dma_semaphore, #tpu.memory_space<semaphore_mem>>)
      %dma_wait3A = arith.constant 64 : i32
      %dma_wait3A_209 = arith.constant 0 : i32
      %dma_wait3A_210 = tpu.memref_slice %arg14[%dma_wait3A, %dma_wait3A_209] : memref<128x128xf32, #tpu.memory_space<vmem>> -> memref<32x128xf32, #tpu.memory_space<vmem>>
      %dma_wait3A_211 = arith.constant 0 : i32
      %dma_wait3A_212 = tpu.memref_slice %arg12[%run_scoped3A_193, %dma_wait3A_211] : memref<4x32xi32, #tpu.memory_space<vmem>> -> memref<1x32xi32, #tpu.memory_space<vmem>>
      %dma_wait3A_213 = tpu.memref_squeeze %dma_wait3A_212 : memref<1x32xi32, #tpu.memory_space<vmem>> -> memref<32xi32, #tpu.memory_space<vmem>>
      %dma_wait3A_214 = arith.constant 0 : i32
      %dma_wait3A_215 = arith.constant 0 : i32
      %dma_wait3A_216 = tpu.memref_slice %arg8[%dma_wait3A_214, %dma_wait3A_215] : memref<8192x128xf32, #tpu.memory_space<hbm>> -> memref<8192x128xf32, #tpu.memory_space<hbm>>
      tpu.wait_indirect_dma semaphore(%run_scoped3A_200 : memref<!tpu.dma_semaphore, #tpu.memory_space<semaphore_mem>>) src(%dma_wait3A_210 : memref<32x128xf32, #tpu.memory_space<vmem>>) dst(%dma_wait3A_216 : memref<8192x128xf32, #tpu.memory_space<hbm>>)
      tpu.yield
    }) : () -> ()
    %add3A_194 = arith.constant 96 : i32
    %add3A_195 = arith.addi %mul3A_2, %add3A_194 : i32
    "tpu.region"() ({
      %run_scoped3A_200 = tpu.sem_alloc : memref<!tpu.dma_semaphore, #tpu.memory_space<semaphore_mem>>
      %dma_start3A = arith.constant 0 : i32
      %dma_start3A_201 = tpu.memref_slice %arg2[%add3A_195, %dma_start3A] : memref<4096x1024xf32, #tpu.memory_space<hbm>> -> memref<32x1024xf32, #tpu.memory_space<hbm>>
      %dma_start3A_202 = arith.constant 0 : i32
      %dma_start3A_203 = tpu.memref_slice %arg2[%add3A_195, %dma_start3A_202] : memref<4096x1024xf32, #tpu.memory_space<hbm>> -> memref<32x1024xf32, #tpu.memory_space<hbm>>
      tpu.enqueue_dma source(%dma_start3A_203 : memref<32x1024xf32, #tpu.memory_space<hbm>>) target(%arg15 : memref<32x1024xf32, #tpu.memory_space<vmem>>) target_semaphore(%run_scoped3A_200 : memref<!tpu.dma_semaphore, #tpu.memory_space<semaphore_mem>>)
      %dma_wait3A = arith.constant 0 : i32
      %dma_wait3A_204 = tpu.memref_slice %arg2[%add3A_195, %dma_wait3A] : memref<4096x1024xf32, #tpu.memory_space<hbm>> -> memref<32x1024xf32, #tpu.memory_space<hbm>>
      %dma_wait3A_205 = arith.constant 0 : i32
      %dma_wait3A_206 = tpu.memref_slice %arg2[%add3A_195, %dma_wait3A_205] : memref<4096x1024xf32, #tpu.memory_space<hbm>> -> memref<32x1024xf32, #tpu.memory_space<hbm>>
      tpu.wait_dma2 semaphore(%run_scoped3A_200 : memref<!tpu.dma_semaphore, #tpu.memory_space<semaphore_mem>>) src(%dma_wait3A_206 : memref<32x1024xf32, #tpu.memory_space<hbm>>) dst(%arg15 : memref<32x1024xf32, #tpu.memory_space<vmem>>)
      tpu.yield
    }) : () -> ()
    %run_scoped3A_196 = arith.constant 3 : i32
    "tpu.region"() ({
      %run_scoped3A_200 = tpu.sem_alloc : memref<!tpu.dma_semaphore, #tpu.memory_space<semaphore_mem>>
      %dma_start3A = arith.constant 0 : i32
      %dma_start3A_201 = tpu.memref_slice %arg11[%run_scoped3A_196, %dma_start3A] : memref<4x32xi32, #tpu.memory_space<vmem>> -> memref<1x32xi32, #tpu.memory_space<vmem>>
      %dma_start3A_202 = tpu.memref_squeeze %dma_start3A_201 : memref<1x32xi32, #tpu.memory_space<vmem>> -> memref<32xi32, #tpu.memory_space<vmem>>
      %dma_start3A_203 = arith.constant 0 : i32
      %dma_start3A_204 = arith.constant 0 : i32
      %dma_start3A_205 = tpu.memref_slice %arg7[%dma_start3A_203, %dma_start3A_204] : memref<8192x1024xf32, #tpu.memory_space<hbm>> -> memref<8192x1024xf32, #tpu.memory_space<hbm>>
      tpu.enqueue_indirect_dma source(%arg15 : memref<32x1024xf32, #tpu.memory_space<vmem>>) target(%dma_start3A_205 : memref<8192x1024xf32, #tpu.memory_space<hbm>>) offsets(%dma_start3A_202 : memref<32xi32, #tpu.memory_space<vmem>>) semaphore(%run_scoped3A_200 : memref<!tpu.dma_semaphore, #tpu.memory_space<semaphore_mem>>)
      %dma_wait3A = arith.constant 0 : i32
      %dma_wait3A_206 = tpu.memref_slice %arg11[%run_scoped3A_196, %dma_wait3A] : memref<4x32xi32, #tpu.memory_space<vmem>> -> memref<1x32xi32, #tpu.memory_space<vmem>>
      %dma_wait3A_207 = tpu.memref_squeeze %dma_wait3A_206 : memref<1x32xi32, #tpu.memory_space<vmem>> -> memref<32xi32, #tpu.memory_space<vmem>>
      %dma_wait3A_208 = arith.constant 0 : i32
      %dma_wait3A_209 = arith.constant 0 : i32
      %dma_wait3A_210 = tpu.memref_slice %arg7[%dma_wait3A_208, %dma_wait3A_209] : memref<8192x1024xf32, #tpu.memory_space<hbm>> -> memref<8192x1024xf32, #tpu.memory_space<hbm>>
      tpu.wait_indirect_dma semaphore(%run_scoped3A_200 : memref<!tpu.dma_semaphore, #tpu.memory_space<semaphore_mem>>) src(%arg15 : memref<32x1024xf32, #tpu.memory_space<vmem>>) dst(%dma_wait3A_210 : memref<8192x1024xf32, #tpu.memory_space<hbm>>)
      tpu.yield
    }) : () -> ()
    %run_scoped3A_197 = arith.constant 3 : i32
    "tpu.region"() ({
      %run_scoped3A_200 = tpu.sem_alloc : memref<!tpu.dma_semaphore, #tpu.memory_space<semaphore_mem>>
      %dma_start3A = arith.constant 0 : i32
      %dma_start3A_201 = tpu.memref_slice %arg12[%run_scoped3A_197, %dma_start3A] : memref<4x32xi32, #tpu.memory_space<vmem>> -> memref<1x32xi32, #tpu.memory_space<vmem>>
      %dma_start3A_202 = tpu.memref_squeeze %dma_start3A_201 : memref<1x32xi32, #tpu.memory_space<vmem>> -> memref<32xi32, #tpu.memory_space<vmem>>
      %dma_start3A_203 = arith.constant 0 : i32
      %dma_start3A_204 = arith.constant 0 : i32
      %dma_start3A_205 = tpu.memref_slice %arg7[%dma_start3A_203, %dma_start3A_204] : memref<8192x1024xf32, #tpu.memory_space<hbm>> -> memref<8192x1024xf32, #tpu.memory_space<hbm>>
      tpu.enqueue_indirect_dma source(%arg15 : memref<32x1024xf32, #tpu.memory_space<vmem>>) target(%dma_start3A_205 : memref<8192x1024xf32, #tpu.memory_space<hbm>>) offsets(%dma_start3A_202 : memref<32xi32, #tpu.memory_space<vmem>>) semaphore(%run_scoped3A_200 : memref<!tpu.dma_semaphore, #tpu.memory_space<semaphore_mem>>)
      %dma_wait3A = arith.constant 0 : i32
      %dma_wait3A_206 = tpu.memref_slice %arg12[%run_scoped3A_197, %dma_wait3A] : memref<4x32xi32, #tpu.memory_space<vmem>> -> memref<1x32xi32, #tpu.memory_space<vmem>>
      %dma_wait3A_207 = tpu.memref_squeeze %dma_wait3A_206 : memref<1x32xi32, #tpu.memory_space<vmem>> -> memref<32xi32, #tpu.memory_space<vmem>>
      %dma_wait3A_208 = arith.constant 0 : i32
      %dma_wait3A_209 = arith.constant 0 : i32
      %dma_wait3A_210 = tpu.memref_slice %arg7[%dma_wait3A_208, %dma_wait3A_209] : memref<8192x1024xf32, #tpu.memory_space<hbm>> -> memref<8192x1024xf32, #tpu.memory_space<hbm>>
      tpu.wait_indirect_dma semaphore(%run_scoped3A_200 : memref<!tpu.dma_semaphore, #tpu.memory_space<semaphore_mem>>) src(%arg15 : memref<32x1024xf32, #tpu.memory_space<vmem>>) dst(%dma_wait3A_210 : memref<8192x1024xf32, #tpu.memory_space<hbm>>)
      tpu.yield
    }) : () -> ()
    %run_scoped3A_198 = arith.constant 3 : i32
    "tpu.region"() ({
      %run_scoped3A_200 = tpu.sem_alloc : memref<!tpu.dma_semaphore, #tpu.memory_space<semaphore_mem>>
      %dma_start3A = arith.constant 96 : i32
      %dma_start3A_201 = arith.constant 0 : i32
      %dma_start3A_202 = tpu.memref_slice %arg13[%dma_start3A, %dma_start3A_201] : memref<128x128xf32, #tpu.memory_space<vmem>> -> memref<32x128xf32, #tpu.memory_space<vmem>>
      %dma_start3A_203 = arith.constant 0 : i32
      %dma_start3A_204 = tpu.memref_slice %arg11[%run_scoped3A_198, %dma_start3A_203] : memref<4x32xi32, #tpu.memory_space<vmem>> -> memref<1x32xi32, #tpu.memory_space<vmem>>
      %dma_start3A_205 = tpu.memref_squeeze %dma_start3A_204 : memref<1x32xi32, #tpu.memory_space<vmem>> -> memref<32xi32, #tpu.memory_space<vmem>>
      %dma_start3A_206 = arith.constant 0 : i32
      %dma_start3A_207 = arith.constant 0 : i32
      %dma_start3A_208 = tpu.memref_slice %arg8[%dma_start3A_206, %dma_start3A_207] : memref<8192x128xf32, #tpu.memory_space<hbm>> -> memref<8192x128xf32, #tpu.memory_space<hbm>>
      tpu.enqueue_indirect_dma source(%dma_start3A_202 : memref<32x128xf32, #tpu.memory_space<vmem>>) target(%dma_start3A_208 : memref<8192x128xf32, #tpu.memory_space<hbm>>) offsets(%dma_start3A_205 : memref<32xi32, #tpu.memory_space<vmem>>) semaphore(%run_scoped3A_200 : memref<!tpu.dma_semaphore, #tpu.memory_space<semaphore_mem>>)
      %dma_wait3A = arith.constant 96 : i32
      %dma_wait3A_209 = arith.constant 0 : i32
      %dma_wait3A_210 = tpu.memref_slice %arg13[%dma_wait3A, %dma_wait3A_209] : memref<128x128xf32, #tpu.memory_space<vmem>> -> memref<32x128xf32, #tpu.memory_space<vmem>>
      %dma_wait3A_211 = arith.constant 0 : i32
      %dma_wait3A_212 = tpu.memref_slice %arg11[%run_scoped3A_198, %dma_wait3A_211] : memref<4x32xi32, #tpu.memory_space<vmem>> -> memref<1x32xi32, #tpu.memory_space<vmem>>
      %dma_wait3A_213 = tpu.memref_squeeze %dma_wait3A_212 : memref<1x32xi32, #tpu.memory_space<vmem>> -> memref<32xi32, #tpu.memory_space<vmem>>
      %dma_wait3A_214 = arith.constant 0 : i32
      %dma_wait3A_215 = arith.constant 0 : i32
      %dma_wait3A_216 = tpu.memref_slice %arg8[%dma_wait3A_214, %dma_wait3A_215] : memref<8192x128xf32, #tpu.memory_space<hbm>> -> memref<8192x128xf32, #tpu.memory_space<hbm>>
      tpu.wait_indirect_dma semaphore(%run_scoped3A_200 : memref<!tpu.dma_semaphore, #tpu.memory_space<semaphore_mem>>) src(%dma_wait3A_210 : memref<32x128xf32, #tpu.memory_space<vmem>>) dst(%dma_wait3A_216 : memref<8192x128xf32, #tpu.memory_space<hbm>>)
      tpu.yield
    }) : () -> ()
    %run_scoped3A_199 = arith.constant 3 : i32
    "tpu.region"() ({
      %run_scoped3A_200 = tpu.sem_alloc : memref<!tpu.dma_semaphore, #tpu.memory_space<semaphore_mem>>
      %dma_start3A = arith.constant 96 : i32
      %dma_start3A_201 = arith.constant 0 : i32
      %dma_start3A_202 = tpu.memref_slice %arg14[%dma_start3A, %dma_start3A_201] : memref<128x128xf32, #tpu.memory_space<vmem>> -> memref<32x128xf32, #tpu.memory_space<vmem>>
      %dma_start3A_203 = arith.constant 0 : i32
      %dma_start3A_204 = tpu.memref_slice %arg12[%run_scoped3A_199, %dma_start3A_203] : memref<4x32xi32, #tpu.memory_space<vmem>> -> memref<1x32xi32, #tpu.memory_space<vmem>>
      %dma_start3A_205 = tpu.memref_squeeze %dma_start3A_204 : memref<1x32xi32, #tpu.memory_space<vmem>> -> memref<32xi32, #tpu.memory_space<vmem>>
      %dma_start3A_206 = arith.constant 0 : i32
      %dma_start3A_207 = arith.constant 0 : i32
      %dma_start3A_208 = tpu.memref_slice %arg8[%dma_start3A_206, %dma_start3A_207] : memref<8192x128xf32, #tpu.memory_space<hbm>> -> memref<8192x128xf32, #tpu.memory_space<hbm>>
      tpu.enqueue_indirect_dma source(%dma_start3A_202 : memref<32x128xf32, #tpu.memory_space<vmem>>) target(%dma_start3A_208 : memref<8192x128xf32, #tpu.memory_space<hbm>>) offsets(%dma_start3A_205 : memref<32xi32, #tpu.memory_space<vmem>>) semaphore(%run_scoped3A_200 : memref<!tpu.dma_semaphore, #tpu.memory_space<semaphore_mem>>)
      %dma_wait3A = arith.constant 96 : i32
      %dma_wait3A_209 = arith.constant 0 : i32
      %dma_wait3A_210 = tpu.memref_slice %arg14[%dma_wait3A, %dma_wait3A_209] : memref<128x128xf32, #tpu.memory_space<vmem>> -> memref<32x128xf32, #tpu.memory_space<vmem>>
      %dma_wait3A_211 = arith.constant 0 : i32
      %dma_wait3A_212 = tpu.memref_slice %arg12[%run_scoped3A_199, %dma_wait3A_211] : memref<4x32xi32, #tpu.memory_space<vmem>> -> memref<1x32xi32, #tpu.memory_space<vmem>>
      %dma_wait3A_213 = tpu.memref_squeeze %dma_wait3A_212 : memref<1x32xi32, #tpu.memory_space<vmem>> -> memref<32xi32, #tpu.memory_space<vmem>>
      %dma_wait3A_214 = arith.constant 0 : i32
      %dma_wait3A_215 = arith.constant 0 : i32
      %dma_wait3A_216 = tpu.memref_slice %arg8[%dma_wait3A_214, %dma_wait3A_215] : memref<8192x128xf32, #tpu.memory_space<hbm>> -> memref<8192x128xf32, #tpu.memory_space<hbm>>
      tpu.wait_indirect_dma semaphore(%run_scoped3A_200 : memref<!tpu.dma_semaphore, #tpu.memory_space<semaphore_mem>>) src(%dma_wait3A_210 : memref<32x128xf32, #tpu.memory_space<vmem>>) dst(%dma_wait3A_216 : memref<8192x128xf32, #tpu.memory_space<hbm>>)
      tpu.yield
    }) : () -> ()
    return
  }
}

module attributes {stable_mosaic.version = 14 : i64} {
  func.func @_route_kernel(%arg0: memref<4096x1024xf32, #tpu.memory_space<vmem>>, %arg1: memref<1024x16xf32, #tpu.memory_space<vmem>>, %arg2: memref<32x128xi32, #tpu.memory_space<vmem>>, %arg3: memref<32x128xi32, #tpu.memory_space<vmem>>, %arg4: memref<4096x128xf32, #tpu.memory_space<vmem>>, %arg5: memref<4096x128xf32, #tpu.memory_space<vmem>>, %arg6: memref<8x128xi32, #tpu.memory_space<vmem>>, %arg7: memref<16x4096xf32, #tpu.memory_space<vmem>>, %arg8: memref<16x4096xf32, #tpu.memory_space<vmem>>, %arg9: memref<16x4096xf32, #tpu.memory_space<vmem>>, %arg10: memref<1x4096xf32, #tpu.memory_space<vmem>>, %arg11: memref<1x4096xf32, #tpu.memory_space<vmem>>) attributes {dimension_semantics = [], scalar_prefetch = 0 : i64, scratch_operands = 5 : i64, tpu.core_type = #tpu.core_type<tc>} {
    %get3A = arith.constant 0 : index
    %get3A_0 = arith.constant 0 : index
    %get3A_1 = vector.load %arg0[%get3A, %get3A_0] : memref<4096x1024xf32, #tpu.memory_space<vmem>>, vector<4096x1024xf32>
    %convert_element_type3A = arith.truncf %get3A_1 : vector<4096x1024xf32> to vector<4096x1024xbf16>
    %get3A_2 = arith.constant 0 : index
    %get3A_3 = arith.constant 0 : index
    %get3A_4 = vector.load %arg1[%get3A_2, %get3A_3] : memref<1024x16xf32, #tpu.memory_space<vmem>>, vector<1024x16xf32>
    %convert_element_type3A_5 = arith.truncf %get3A_4 : vector<1024x16xf32> to vector<1024x16xbf16>
    %dot_general3A = arith.constant dense<0.000000e+00> : vector<4096x16xf32>
    %dot_general3A_6 = tpu.matmul %convert_element_type3A, %convert_element_type3A_5, %dot_general3A {dimension_numbers = #tpu.dot_dimension_numbers<[1], [0], [0], [1], [0, 0, 1, 1], [], []>, transpose_lhs_hint = false} : vector<4096x1024xbf16>, vector<1024x16xbf16>, vector<4096x16xf32> -> vector<4096x16xf32>
    %transpose3A = tpu.transpose %dot_general3A_6, [1, 0] : vector<4096x16xf32> -> vector<16x4096xf32>
    %swap3A = arith.constant 0 : index
    %swap3A_7 = arith.constant 0 : index
    %swap3A_8 = vector.load %arg7[%swap3A, %swap3A_7] : memref<16x4096xf32, #tpu.memory_space<vmem>>, vector<16x4096xf32>
    tpu.vector_store %arg7[%swap3A, %swap3A_7], %transpose3A {strides = array<i32>} : memref<16x4096xf32, #tpu.memory_space<vmem>>, vector<16x4096xf32>,
    %iota3A = tpu.iota {dimensions = array<i32: 0>} : vector<16x128xi32>
    %iota3A_9 = tpu.iota {dimensions = array<i32: 0>} : vector<128x128xi32>
    %iota3A_10 = tpu.iota {dimensions = array<i32: 1>} : vector<128x128xi32>
    %lt3A = arith.cmpi slt, %iota3A_9, %iota3A_10 : vector<128x128xi32>
    %convert_element_type3A_11 = arith.extui %lt3A : vector<128x128xi1> to vector<128x128xi32>
    %convert_element_type3A_12 = arith.sitofp %convert_element_type3A_11 : vector<128x128xi32> to vector<128x128xf32>
    %broadcast_in_dim3A = arith.constant 0.000000e+00 : f32
    %broadcast_in_dim3A_13 = vector.broadcast %broadcast_in_dim3A : f32 to vector<16x1xf32>
    %scan3A = arith.constant 0 : i32
    %scan3A_14 = arith.constant 32 : i32
    %scan3A_15 = arith.addi %scan3A, %scan3A_14 : i32
    %scan3A_16 = arith.constant 1 : i32
    %scan3A_17 = scf.for %scan3A_143 = %scan3A to %scan3A_15 step %scan3A_16 iter_args(%scan3A_144 = %broadcast_in_dim3A_13) -> (vector<16x1xf32>)  : i32 {
      %mul3A_145 = arith.constant 128 : i32
      %mul3A_146 = arith.muli %scan3A_143, %mul3A_145 : i32
      %get3A_147 = arith.constant 0 : index
      %get3A_148 = arith.index_cast %mul3A_146 : i32 to index
      %get3A_149 = vector.load %arg7[%get3A_147, %get3A_148] : memref<16x4096xf32, #tpu.memory_space<vmem>>, vector<16x128xf32>
      %reduce_max3A_150 = arith.constant dense<0xFF800000> : vector<128xf32>
      %reduce_max3A_151 = vector.multi_reduction <maximumf>, %get3A_149, %reduce_max3A_150 [0] : vector<16x128xf32> to vector<128xf32>
      %broadcast_in_dim3A_152 = vector.shape_cast %reduce_max3A_151 : vector<128xf32> to vector<1x128xf32>
      %eq3A_153 = vector.broadcast %broadcast_in_dim3A_152 : vector<1x128xf32> to vector<16x128xf32>
      %eq3A_154 = arith.cmpf oeq, %get3A_149, %eq3A_153 : vector<16x128xf32>
      %jit3A_155 = arith.constant 16 : i32
      %broadcast_in_dim3A_156 = vector.broadcast %jit3A_155 : i32 to vector<16x128xi32>
      %select_n3A_157 = arith.select %eq3A_154, %iota3A, %broadcast_in_dim3A_156 : vector<16x128xi1>, vector<16x128xi32>
      %reduce_min3A = arith.constant dense<2147483647> : vector<128xi32>
      %reduce_min3A_158 = vector.multi_reduction <minsi>, %select_n3A_157, %reduce_min3A [0] : vector<16x128xi32> to vector<128xi32>
      %broadcast_in_dim3A_159 = vector.shape_cast %reduce_min3A_158 : vector<128xi32> to vector<1x128xi32>
      %eq3A_160 = vector.broadcast %broadcast_in_dim3A_159 : vector<1x128xi32> to vector<16x128xi32>
      %eq3A_161 = arith.cmpi eq, %iota3A, %eq3A_160 : vector<16x128xi32>
      %jit3A_162 = arith.constant 0xFF800000 : f32
      %broadcast_in_dim3A_163 = vector.broadcast %jit3A_162 : f32 to vector<16x128xf32>
      %select_n3A_164 = arith.select %eq3A_161, %broadcast_in_dim3A_163, %get3A_149 : vector<16x128xi1>, vector<16x128xf32>
      %reduce_max3A_165 = arith.constant dense<0xFF800000> : vector<128xf32>
      %reduce_max3A_166 = vector.multi_reduction <maximumf>, %select_n3A_164, %reduce_max3A_165 [0] : vector<16x128xf32> to vector<128xf32>
      %broadcast_in_dim3A_167 = vector.shape_cast %reduce_max3A_166 : vector<128xf32> to vector<1x128xf32>
      %eq3A_168 = vector.broadcast %broadcast_in_dim3A_167 : vector<1x128xf32> to vector<16x128xf32>
      %eq3A_169 = arith.cmpf oeq, %select_n3A_164, %eq3A_168 : vector<16x128xf32>
      %jit3A_170 = arith.constant 16 : i32
      %broadcast_in_dim3A_171 = vector.broadcast %jit3A_170 : i32 to vector<16x128xi32>
      %select_n3A_172 = arith.select %eq3A_169, %iota3A, %broadcast_in_dim3A_171 : vector<16x128xi1>, vector<16x128xi32>
      %reduce_min3A_173 = arith.constant dense<2147483647> : vector<128xi32>
      %reduce_min3A_174 = vector.multi_reduction <minsi>, %select_n3A_172, %reduce_min3A_173 [0] : vector<16x128xi32> to vector<128xi32>
      %broadcast_in_dim3A_175 = vector.shape_cast %reduce_min3A_174 : vector<128xi32> to vector<1x128xi32>
      %eq3A_176 = vector.broadcast %broadcast_in_dim3A_159 : vector<1x128xi32> to vector<16x128xi32>
      %eq3A_177 = arith.cmpi eq, %iota3A, %eq3A_176 : vector<16x128xi32>
      %convert_element_type3A_178 = arith.extui %eq3A_177 : vector<16x128xi1> to vector<16x128xi32>
      %convert_element_type3A_179 = arith.sitofp %convert_element_type3A_178 : vector<16x128xi32> to vector<16x128xf32>
      %eq3A_180 = vector.broadcast %broadcast_in_dim3A_175 : vector<1x128xi32> to vector<16x128xi32>
      %eq3A_181 = arith.cmpi eq, %iota3A, %eq3A_180 : vector<16x128xi32>
      %convert_element_type3A_182 = arith.extui %eq3A_181 : vector<16x128xi1> to vector<16x128xi32>
      %convert_element_type3A_183 = arith.sitofp %convert_element_type3A_182 : vector<16x128xi32> to vector<16x128xf32>
      %add3A_184 = arith.addf %convert_element_type3A_179, %convert_element_type3A_183 : vector<16x128xf32>
      %dot_general3A_185 = arith.constant dense<0.000000e+00> : vector<16x128xf32>
      %dot_general3A_186 = tpu.matmul %add3A_184, %convert_element_type3A_12, %dot_general3A_185 {dimension_numbers = #tpu.dot_dimension_numbers<[1], [0], [0], [1], [0, 0, 1, 1], [], []>, transpose_lhs_hint = false} : vector<16x128xf32>, vector<128x128xf32>, vector<16x128xf32> -> vector<16x128xf32>
      %add3A_187 = vector.broadcast %scan3A_144 : vector<16x1xf32> to vector<16x128xf32>
      %add3A_188 = arith.addf %dot_general3A_186, %add3A_187 : vector<16x128xf32>
      %mul3A_189 = arith.mulf %convert_element_type3A_179, %add3A_188 : vector<16x128xf32>
      %reduce_sum3A_190 = arith.constant dense<0.000000e+00> : vector<128xf32>
      %reduce_sum3A_191 = vector.multi_reduction <add>, %mul3A_189, %reduce_sum3A_190 [0] : vector<16x128xf32> to vector<128xf32>
      %mul3A_192 = arith.constant 128 : i32
      %mul3A_193 = arith.muli %scan3A_143, %mul3A_192 : i32
      %swap3A_194 = arith.constant 0 : index
      %swap3A_195 = arith.index_cast %mul3A_193 : i32 to index
      %swap3A_196 = vector.load %arg10[%swap3A_194, %swap3A_195] : memref<1x4096xf32, #tpu.memory_space<vmem>>, vector<1x128xf32>
      %swap3A_197 = vector.shape_cast %swap3A_196 : vector<1x128xf32> to vector<128xf32>
      %swap3A_198 = vector.shape_cast %reduce_sum3A_191 : vector<128xf32> to vector<1x128xf32>
      tpu.vector_store %arg10[%swap3A_194, %swap3A_195], %swap3A_198 {strides = array<i32>} : memref<1x4096xf32, #tpu.memory_space<vmem>>, vector<1x128xf32>,
      %mul3A_199 = arith.mulf %convert_element_type3A_183, %add3A_188 : vector<16x128xf32>
      %reduce_sum3A_200 = arith.constant dense<0.000000e+00> : vector<128xf32>
      %reduce_sum3A_201 = vector.multi_reduction <add>, %mul3A_199, %reduce_sum3A_200 [0] : vector<16x128xf32> to vector<128xf32>
      %mul3A_202 = arith.constant 128 : i32
      %mul3A_203 = arith.muli %scan3A_143, %mul3A_202 : i32
      %swap3A_204 = arith.constant 0 : index
      %swap3A_205 = arith.index_cast %mul3A_203 : i32 to index
      %swap3A_206 = vector.load %arg11[%swap3A_204, %swap3A_205] : memref<1x4096xf32, #tpu.memory_space<vmem>>, vector<1x128xf32>
      %swap3A_207 = vector.shape_cast %swap3A_206 : vector<1x128xf32> to vector<128xf32>
      %swap3A_208 = vector.shape_cast %reduce_sum3A_201 : vector<128xf32> to vector<1x128xf32>
      tpu.vector_store %arg11[%swap3A_204, %swap3A_205], %swap3A_208 {strides = array<i32>} : memref<1x4096xf32, #tpu.memory_space<vmem>>, vector<1x128xf32>,
      %mul3A_209 = arith.constant 128 : i32
      %mul3A_210 = arith.muli %scan3A_143, %mul3A_209 : i32
      %swap3A_211 = arith.constant 0 : index
      %swap3A_212 = arith.index_cast %mul3A_210 : i32 to index
      %swap3A_213 = vector.load %arg8[%swap3A_211, %swap3A_212] : memref<16x4096xf32, #tpu.memory_space<vmem>>, vector<16x128xf32>
      tpu.vector_store %arg8[%swap3A_211, %swap3A_212], %convert_element_type3A_179 {strides = array<i32>} : memref<16x4096xf32, #tpu.memory_space<vmem>>, vector<16x128xf32>,
      %mul3A_214 = arith.constant 128 : i32
      %mul3A_215 = arith.muli %scan3A_143, %mul3A_214 : i32
      %swap3A_216 = arith.constant 0 : index
      %swap3A_217 = arith.index_cast %mul3A_215 : i32 to index
      %swap3A_218 = vector.load %arg9[%swap3A_216, %swap3A_217] : memref<16x4096xf32, #tpu.memory_space<vmem>>, vector<16x128xf32>
      tpu.vector_store %arg9[%swap3A_216, %swap3A_217], %convert_element_type3A_183 {strides = array<i32>} : memref<16x4096xf32, #tpu.memory_space<vmem>>, vector<16x128xf32>,
      %sub3A_219 = arith.subf %broadcast_in_dim3A_167, %broadcast_in_dim3A_152 : vector<1x128xf32>
      %exp3A = math.exp %sub3A_219 : vector<1x128xf32>
      %add3A_220 = arith.constant 1.000000e+00 : f32
      %add3A_221 = vector.broadcast %add3A_220 : f32 to vector<1x128xf32>
      %add3A_222 = arith.addf %add3A_221, %exp3A : vector<1x128xf32>
      %div3A = arith.constant 1.000000e+00 : f32
      %div3A_223 = vector.broadcast %div3A : f32 to vector<1x128xf32>
      %div3A_224 = arith.divf %div3A_223, %add3A_222 : vector<1x128xf32>
      %transpose3A_225 = tpu.transpose %div3A_224, [1, 0] : vector<1x128xf32> -> vector<128x1xf32>
      %broadcast_in_dim3A_226 = vector.shape_cast %transpose3A_225 : vector<128x1xf32> to vector<128x1xf32>
      %broadcast_in_dim3A_227 = vector.broadcast %broadcast_in_dim3A_226 : vector<128x1xf32> to vector<128x128xf32>
      %mul3A_228 = arith.constant 128 : i32
      %mul3A_229 = arith.muli %scan3A_143, %mul3A_228 : i32
      %swap3A_230 = arith.index_cast %mul3A_229 : i32 to index
      %swap3A_231 = arith.constant 0 : index
      %swap3A_232 = vector.load %arg4[%swap3A_230, %swap3A_231] : memref<4096x128xf32, #tpu.memory_space<vmem>>, vector<128x128xf32>
      tpu.vector_store %arg4[%swap3A_230, %swap3A_231], %broadcast_in_dim3A_227 {strides = array<i32>} : memref<4096x128xf32, #tpu.memory_space<vmem>>, vector<128x128xf32>,
      %sub3A_233 = arith.constant 1.000000e+00 : f32
      %sub3A_234 = vector.broadcast %sub3A_233 : f32 to vector<128x1xf32>
      %sub3A_235 = arith.subf %sub3A_234, %transpose3A_225 : vector<128x1xf32>
      %broadcast_in_dim3A_236 = vector.shape_cast %sub3A_235 : vector<128x1xf32> to vector<128x1xf32>
      %broadcast_in_dim3A_237 = vector.broadcast %broadcast_in_dim3A_236 : vector<128x1xf32> to vector<128x128xf32>
      %mul3A_238 = arith.constant 128 : i32
      %mul3A_239 = arith.muli %scan3A_143, %mul3A_238 : i32
      %swap3A_240 = arith.index_cast %mul3A_239 : i32 to index
      %swap3A_241 = arith.constant 0 : index
      %swap3A_242 = vector.load %arg5[%swap3A_240, %swap3A_241] : memref<4096x128xf32, #tpu.memory_space<vmem>>, vector<128x128xf32>
      tpu.vector_store %arg5[%swap3A_240, %swap3A_241], %broadcast_in_dim3A_237 {strides = array<i32>} : memref<4096x128xf32, #tpu.memory_space<vmem>>, vector<128x128xf32>,
      %reduce_sum3A_243 = arith.constant dense<0.000000e+00> : vector<16xf32>
      %reduce_sum3A_244 = vector.multi_reduction <add>, %add3A_184, %reduce_sum3A_243 [1] : vector<16x128xf32> to vector<16xf32>
      %broadcast_in_dim3A_245 = vector.shape_cast %reduce_sum3A_244 : vector<16xf32> to vector<16x1xf32>
      %add3A_246 = arith.addf %scan3A_144, %broadcast_in_dim3A_245 : vector<16x1xf32>
      scf.yield %add3A_246 : vector<16x1xf32>
    }
    %scan3A_18 = arith.constant 32 : i32
    %iota3A_19 = tpu.iota {dimensions = array<i32: 1>} : vector<16x16xi32>
    %iota3A_20 = tpu.iota {dimensions = array<i32: 0>} : vector<16x16xi32>
    %lt3A_21 = arith.cmpi slt, %iota3A_19, %iota3A_20 : vector<16x16xi32>
    %convert_element_type3A_22 = arith.extui %lt3A_21 : vector<16x16xi1> to vector<16x16xi32>
    %convert_element_type3A_23 = arith.sitofp %convert_element_type3A_22 : vector<16x16xi32> to vector<16x16xf32>
    %dot_general3A_24 = arith.constant dense<0.000000e+00> : vector<16x1xf32>
    %dot_general3A_25 = tpu.matmul %convert_element_type3A_23, %scan3A_17, %dot_general3A_24 {dimension_numbers = #tpu.dot_dimension_numbers<[1], [0], [0], [1], [0, 0, 1, 1], [], []>, precision = #tpu.contract_precision<fp32>, transpose_lhs_hint = false} : vector<16x16xf32>, vector<16x1xf32>, vector<16x1xf32> -> vector<16x1xf32>
    %iota3A_26 = tpu.iota {dimensions = array<i32: 1>} : vector<16x16xi32>
    %iota3A_27 = tpu.iota {dimensions = array<i32: 0>} : vector<16x16xi32>
    %le3A = arith.cmpi sle, %iota3A_26, %iota3A_27 : vector<16x16xi32>
    %convert_element_type3A_28 = arith.extui %le3A : vector<16x16xi1> to vector<16x16xi32>
    %convert_element_type3A_29 = arith.sitofp %convert_element_type3A_28 : vector<16x16xi32> to vector<16x16xf32>
    %mul3A = arith.constant 3.906250e-03 : f32
    %mul3A_30 = vector.broadcast %mul3A : f32 to vector<16x1xf32>
    %mul3A_31 = arith.mulf %dot_general3A_25, %mul3A_30 : vector<16x1xf32>
    %floor3A = math.floor %mul3A_31 : vector<16x1xf32>
    %gt3A = arith.constant 0.000000e+00 : f32
    %gt3A_32 = vector.broadcast %gt3A : f32 to vector<16x1xf32>
    %gt3A_33 = arith.cmpf ogt, %scan3A_17, %gt3A_32 : vector<16x1xf32>
    %add3A = arith.addf %dot_general3A_25, %scan3A_17 : vector<16x1xf32>
    %sub3A = arith.constant 1.000000e+00 : f32
    %sub3A_34 = vector.broadcast %sub3A : f32 to vector<16x1xf32>
    %sub3A_35 = arith.subf %add3A, %sub3A_34 : vector<16x1xf32>
    %mul3A_36 = arith.constant 3.906250e-03 : f32
    %mul3A_37 = vector.broadcast %mul3A_36 : f32 to vector<16x1xf32>
    %mul3A_38 = arith.mulf %sub3A_35, %mul3A_37 : vector<16x1xf32>
    %floor3A_39 = math.floor %mul3A_38 : vector<16x1xf32>
    %sub3A_40 = arith.constant 1.000000e+00 : f32
    %sub3A_41 = vector.broadcast %sub3A_40 : f32 to vector<16x1xf32>
    %sub3A_42 = arith.subf %floor3A, %sub3A_41 : vector<16x1xf32>
    %select_n3A = arith.select %gt3A_33, %floor3A_39, %sub3A_42 : vector<16x1xi1>, vector<16x1xf32>
    %sub3A_43 = arith.subf %select_n3A, %floor3A : vector<16x1xf32>
    %add3A_44 = arith.constant 1.000000e+00 : f32
    %add3A_45 = vector.broadcast %add3A_44 : f32 to vector<16x1xf32>
    %add3A_46 = arith.addf %sub3A_43, %add3A_45 : vector<16x1xf32>
    %dot_general3A_47 = arith.constant dense<0.000000e+00> : vector<16x1xf32>
    %dot_general3A_48 = tpu.matmul %convert_element_type3A_29, %add3A_46, %dot_general3A_47 {dimension_numbers = #tpu.dot_dimension_numbers<[1], [0], [0], [1], [0, 0, 1, 1], [], []>, precision = #tpu.contract_precision<fp32>, transpose_lhs_hint = false} : vector<16x16xf32>, vector<16x1xf32>, vector<16x1xf32> -> vector<16x1xf32>
    %sub3A_49 = arith.subf %dot_general3A_48, %add3A_46 : vector<16x1xf32>
    %slice3A = vector.extract_strided_slice %dot_general3A_48 {offsets = [15, 0], sizes = [1, 1], strides = [1, 1]} : vector<16x1xf32> to vector<1x1xf32>
    %add3A_50 = arith.addf %dot_general3A_25, %scan3A_17 : vector<16x1xf32>
    %concatenate3A = tpu.concatenate %floor3A, %sub3A_49, %dot_general3A_48, %dot_general3A_25, %add3A_50, %add3A_46 in 1 : vector<16x1xf32>, vector<16x1xf32>, vector<16x1xf32>, vector<16x1xf32>, vector<16x1xf32>, vector<16x1xf32> -> vector<16x6xf32>
    %transpose3A_51 = tpu.transpose %concatenate3A, [1, 0] : vector<16x6xf32> -> vector<6x16xf32>
    %slice3A_52 = vector.extract_strided_slice %transpose3A_51 {offsets = [0, 0], sizes = [1, 16], strides = [1, 1]} : vector<6x16xf32> to vector<1x16xf32>
    %slice3A_53 = vector.extract_strided_slice %transpose3A_51 {offsets = [1, 0], sizes = [1, 16], strides = [1, 1]} : vector<6x16xf32> to vector<1x16xf32>
    %slice3A_54 = vector.extract_strided_slice %transpose3A_51 {offsets = [2, 0], sizes = [1, 16], strides = [1, 1]} : vector<6x16xf32> to vector<1x16xf32>
    %slice3A_55 = vector.extract_strided_slice %transpose3A_51 {offsets = [3, 0], sizes = [1, 16], strides = [1, 1]} : vector<6x16xf32> to vector<1x16xf32>
    %slice3A_56 = vector.extract_strided_slice %transpose3A_51 {offsets = [4, 0], sizes = [1, 16], strides = [1, 1]} : vector<6x16xf32> to vector<1x16xf32>
    %slice3A_57 = vector.extract_strided_slice %transpose3A_51 {offsets = [5, 0], sizes = [1, 16], strides = [1, 1]} : vector<6x16xf32> to vector<1x16xf32>
    %iota3A_58 = tpu.iota {dimensions = array<i32: 0>} : vector<128x1xi32>
    %convert_element_type3A_59 = arith.sitofp %iota3A_58 : vector<128x1xi32> to vector<128x1xf32>
    %broadcast_in_dim3A_60 = vector.shape_cast %slice3A_54 : vector<1x16xf32> to vector<1x16xf32>
    %broadcast_in_dim3A_61 = vector.broadcast %broadcast_in_dim3A_60 : vector<1x16xf32> to vector<128x16xf32>
    %le3A_62 = vector.broadcast %convert_element_type3A_59 : vector<128x1xf32> to vector<128x16xf32>
    %le3A_63 = arith.cmpf ole, %broadcast_in_dim3A_61, %le3A_62 : vector<128x16xf32>
    %convert_element_type3A_64 = arith.extui %le3A_63 : vector<128x16xi1> to vector<128x16xi32>
    %convert_element_type3A_65 = arith.sitofp %convert_element_type3A_64 : vector<128x16xi32> to vector<128x16xf32>
    %reduce_sum3A = arith.constant dense<0.000000e+00> : vector<128xf32>
    %reduce_sum3A_66 = vector.multi_reduction <add>, %convert_element_type3A_65, %reduce_sum3A [1] : vector<128x16xf32> to vector<128xf32>
    %broadcast_in_dim3A_67 = vector.shape_cast %reduce_sum3A_66 : vector<128xf32> to vector<128x1xf32>
    %min3A = arith.constant 1.500000e+01 : f32
    %min3A_68 = vector.broadcast %min3A : f32 to vector<128x1xf32>
    %min3A_69 = arith.minimumf %broadcast_in_dim3A_67, %min3A_68 : vector<128x1xf32>
    %iota3A_70 = tpu.iota {dimensions = array<i32: 1>} : vector<128x16xi32>
    %convert_element_type3A_71 = arith.sitofp %iota3A_70 : vector<128x16xi32> to vector<128x16xf32>
    %eq3A = vector.broadcast %min3A_69 : vector<128x1xf32> to vector<128x16xf32>
    %eq3A_72 = arith.cmpf oeq, %convert_element_type3A_71, %eq3A : vector<128x16xf32>
    %convert_element_type3A_73 = arith.extui %eq3A_72 : vector<128x16xi1> to vector<128x16xi32>
    %convert_element_type3A_74 = arith.sitofp %convert_element_type3A_73 : vector<128x16xi32> to vector<128x16xf32>
    %mul3A_75 = vector.broadcast %slice3A_52 : vector<1x16xf32> to vector<128x16xf32>
    %mul3A_76 = arith.mulf %convert_element_type3A_74, %mul3A_75 : vector<128x16xf32>
    %reduce_sum3A_77 = arith.constant dense<0.000000e+00> : vector<128xf32>
    %reduce_sum3A_78 = vector.multi_reduction <add>, %mul3A_76, %reduce_sum3A_77 [1] : vector<128x16xf32> to vector<128xf32>
    %broadcast_in_dim3A_79 = vector.shape_cast %reduce_sum3A_78 : vector<128xf32> to vector<128x1xf32>
    %mul3A_80 = vector.broadcast %slice3A_53 : vector<1x16xf32> to vector<128x16xf32>
    %mul3A_81 = arith.mulf %convert_element_type3A_74, %mul3A_80 : vector<128x16xf32>
    %reduce_sum3A_82 = arith.constant dense<0.000000e+00> : vector<128xf32>
    %reduce_sum3A_83 = vector.multi_reduction <add>, %mul3A_81, %reduce_sum3A_82 [1] : vector<128x16xf32> to vector<128xf32>
    %broadcast_in_dim3A_84 = vector.shape_cast %reduce_sum3A_83 : vector<128xf32> to vector<128x1xf32>
    %sub3A_85 = arith.subf %convert_element_type3A_59, %broadcast_in_dim3A_84 : vector<128x1xf32>
    %add3A_86 = arith.addf %broadcast_in_dim3A_79, %sub3A_85 : vector<128x1xf32>
    %mul3A_87 = vector.broadcast %slice3A_55 : vector<1x16xf32> to vector<128x16xf32>
    %mul3A_88 = arith.mulf %convert_element_type3A_74, %mul3A_87 : vector<128x16xf32>
    %reduce_sum3A_89 = arith.constant dense<0.000000e+00> : vector<128xf32>
    %reduce_sum3A_90 = vector.multi_reduction <add>, %mul3A_88, %reduce_sum3A_89 [1] : vector<128x16xf32> to vector<128xf32>
    %broadcast_in_dim3A_91 = vector.shape_cast %reduce_sum3A_90 : vector<128xf32> to vector<128x1xf32>
    %mul3A_92 = arith.constant 2.560000e+02 : f32
    %mul3A_93 = vector.broadcast %mul3A_92 : f32 to vector<128x1xf32>
    %mul3A_94 = arith.mulf %add3A_86, %mul3A_93 : vector<128x1xf32>
    %max3A = arith.maximumf %broadcast_in_dim3A_91, %mul3A_94 : vector<128x1xf32>
    %mul3A_95 = vector.broadcast %slice3A_56 : vector<1x16xf32> to vector<128x16xf32>
    %mul3A_96 = arith.mulf %convert_element_type3A_74, %mul3A_95 : vector<128x16xf32>
    %reduce_sum3A_97 = arith.constant dense<0.000000e+00> : vector<128xf32>
    %reduce_sum3A_98 = vector.multi_reduction <add>, %mul3A_96, %reduce_sum3A_97 [1] : vector<128x16xf32> to vector<128xf32>
    %broadcast_in_dim3A_99 = vector.shape_cast %reduce_sum3A_98 : vector<128xf32> to vector<128x1xf32>
    %add3A_100 = arith.constant 1.000000e+00 : f32
    %add3A_101 = vector.broadcast %add3A_100 : f32 to vector<128x1xf32>
    %add3A_102 = arith.addf %add3A_86, %add3A_101 : vector<128x1xf32>
    %mul3A_103 = arith.constant 2.560000e+02 : f32
    %mul3A_104 = vector.broadcast %mul3A_103 : f32 to vector<128x1xf32>
    %mul3A_105 = arith.mulf %add3A_102, %mul3A_104 : vector<128x1xf32>
    %min3A_106 = arith.minimumf %broadcast_in_dim3A_99, %mul3A_105 : vector<128x1xf32>
    %iota3A_107 = tpu.iota {dimensions = array<i32: 1>} : vector<1x16xi32>
    %convert_element_type3A_108 = arith.sitofp %iota3A_107 : vector<1x16xi32> to vector<1x16xf32>
    %gt3A_109 = arith.constant 0.000000e+00 : f32
    %gt3A_110 = vector.broadcast %gt3A_109 : f32 to vector<1x16xf32>
    %gt3A_111 = arith.cmpf ogt, %slice3A_57, %gt3A_110 : vector<1x16xf32>
    %jit3A = arith.constant -1.000000e+00 : f32
    %broadcast_in_dim3A_112 = vector.broadcast %jit3A : f32 to vector<1x16xf32>
    %select_n3A_113 = arith.select %gt3A_111, %convert_element_type3A_108, %broadcast_in_dim3A_112 : vector<1x16xi1>, vector<1x16xf32>
    %reduce_max3A = vector.shape_cast %select_n3A_113 : vector<1x16xf32> to vector<1x1x16xf32>
    %reduce_max3A_114 = arith.constant dense<0xFF800000> : vector<1xf32>
    %reduce_max3A_115 = vector.multi_reduction <maximumf>, %reduce_max3A, %reduce_max3A_114 [1, 2] : vector<1x1x16xf32> to vector<1xf32>
    %reduce_max3A_116 = vector.shape_cast %reduce_max3A_115 : vector<1xf32> to vector<1x1x1xf32>
    %reduce_max3A_117 = vector.extract %reduce_max3A_116[0, 0, 0] : f32 from vector<1x1x1xf32>
    %ge3A = vector.broadcast %slice3A : vector<1x1xf32> to vector<128x1xf32>
    %ge3A_118 = arith.cmpf oge, %convert_element_type3A_59, %ge3A : vector<128x1xf32>
    %jit3A_119 = arith.constant 3.100000e+01 : f32
    %broadcast_in_dim3A_120 = vector.broadcast %jit3A_119 : f32 to vector<128x1xf32>
    %select_n3A_121 = arith.select %ge3A_118, %broadcast_in_dim3A_120, %add3A_86 : vector<128x1xi1>, vector<128x1xf32>
    %broadcast_in_dim3A_122 = vector.broadcast %reduce_max3A_117 : f32 to vector<128x1xf32>
    %select_n3A_123 = arith.select %ge3A_118, %broadcast_in_dim3A_122, %min3A_69 : vector<128x1xi1>, vector<128x1xf32>
    %jit3A_124 = arith.constant 0.000000e+00 : f32
    %broadcast_in_dim3A_125 = vector.broadcast %jit3A_124 : f32 to vector<128x1xf32>
    %select_n3A_126 = arith.select %ge3A_118, %broadcast_in_dim3A_125, %max3A : vector<128x1xi1>, vector<128x1xf32>
    %jit3A_127 = arith.constant 0.000000e+00 : f32
    %broadcast_in_dim3A_128 = vector.broadcast %jit3A_127 : f32 to vector<128x1xf32>
    %select_n3A_129 = arith.select %ge3A_118, %broadcast_in_dim3A_128, %min3A_106 : vector<128x1xi1>, vector<128x1xf32>
    %broadcast_in_dim3A_130 = arith.constant 0.000000e+00 : f32
    %broadcast_in_dim3A_131 = vector.broadcast %broadcast_in_dim3A_130 : f32 to vector<128x1xf32>
    %concatenate3A_132 = tpu.concatenate %select_n3A_121, %select_n3A_123, %select_n3A_126, %select_n3A_129, %broadcast_in_dim3A_131, %broadcast_in_dim3A_131, %broadcast_in_dim3A_131, %broadcast_in_dim3A_131 in 1 : vector<128x1xf32>, vector<128x1xf32>, vector<128x1xf32>, vector<128x1xf32>, vector<128x1xf32>, vector<128x1xf32>, vector<128x1xf32>, vector<128x1xf32> -> vector<128x8xf32>
    %transpose3A_133 = tpu.transpose %concatenate3A_132, [1, 0] : vector<128x8xf32> -> vector<8x128xf32>
    %convert_element_type3A_134 = arith.fptosi %transpose3A_133 : vector<8x128xf32> to vector<8x128xi32>
    %swap3A_135 = arith.constant 0 : index
    %swap3A_136 = arith.constant 0 : index
    %swap3A_137 = vector.load %arg6[%swap3A_135, %swap3A_136] : memref<8x128xi32, #tpu.memory_space<vmem>>, vector<8x128xi32>
    tpu.vector_store %arg6[%swap3A_135, %swap3A_136], %convert_element_type3A_134 {strides = array<i32>} : memref<8x128xi32, #tpu.memory_space<vmem>>, vector<8x128xi32>,
    %scan3A_138 = arith.constant 0 : i32
    %scan3A_139 = arith.constant 32 : i32
    %scan3A_140 = arith.addi %scan3A_138, %scan3A_139 : i32
    %scan3A_141 = arith.constant 1 : i32
    scf.for %scan3A_143 = %scan3A_138 to %scan3A_140 step %scan3A_141  : i32 {
      %mul3A_144 = arith.constant 128 : i32
      %mul3A_145 = arith.muli %scan3A_143, %mul3A_144 : i32
      %get3A_146 = arith.constant 0 : index
      %get3A_147 = arith.index_cast %mul3A_145 : i32 to index
      %get3A_148 = vector.load %arg8[%get3A_146, %get3A_147] : memref<16x4096xf32, #tpu.memory_space<vmem>>, vector<16x128xf32>
      %mul3A_149 = arith.constant 128 : i32
      %mul3A_150 = arith.muli %scan3A_143, %mul3A_149 : i32
      %get3A_151 = arith.constant 0 : index
      %get3A_152 = arith.index_cast %mul3A_150 : i32 to index
      %get3A_153 = vector.load %arg9[%get3A_151, %get3A_152] : memref<16x4096xf32, #tpu.memory_space<vmem>>, vector<16x128xf32>
      %mul3A_154 = vector.broadcast %dot_general3A_25 : vector<16x1xf32> to vector<16x128xf32>
      %mul3A_155 = arith.mulf %get3A_148, %mul3A_154 : vector<16x128xf32>
      %reduce_sum3A_156 = arith.constant dense<0.000000e+00> : vector<128xf32>
      %reduce_sum3A_157 = vector.multi_reduction <add>, %mul3A_155, %reduce_sum3A_156 [0] : vector<16x128xf32> to vector<128xf32>
      %mul3A_158 = arith.constant 128 : i32
      %mul3A_159 = arith.muli %scan3A_143, %mul3A_158 : i32
      %get3A_160 = arith.constant 0 : index
      %get3A_161 = arith.index_cast %mul3A_159 : i32 to index
      %get3A_162 = vector.load %arg10[%get3A_160, %get3A_161] : memref<1x4096xf32, #tpu.memory_space<vmem>>, vector<1x128xf32>
      %get3A_163 = vector.shape_cast %get3A_162 : vector<1x128xf32> to vector<128xf32>
      %add3A_164 = arith.addf %reduce_sum3A_157, %get3A_163 : vector<128xf32>
      %mul3A_165 = vector.broadcast %dot_general3A_25 : vector<16x1xf32> to vector<16x128xf32>
      %mul3A_166 = arith.mulf %get3A_153, %mul3A_165 : vector<16x128xf32>
      %reduce_sum3A_167 = arith.constant dense<0.000000e+00> : vector<128xf32>
      %reduce_sum3A_168 = vector.multi_reduction <add>, %mul3A_166, %reduce_sum3A_167 [0] : vector<16x128xf32> to vector<128xf32>
      %mul3A_169 = arith.constant 128 : i32
      %mul3A_170 = arith.muli %scan3A_143, %mul3A_169 : i32
      %get3A_171 = arith.constant 0 : index
      %get3A_172 = arith.index_cast %mul3A_170 : i32 to index
      %get3A_173 = vector.load %arg11[%get3A_171, %get3A_172] : memref<1x4096xf32, #tpu.memory_space<vmem>>, vector<1x128xf32>
      %get3A_174 = vector.shape_cast %get3A_173 : vector<1x128xf32> to vector<128xf32>
      %add3A_175 = arith.addf %reduce_sum3A_168, %get3A_174 : vector<128xf32>
      %convert_element_type3A_176 = arith.fptosi %add3A_164 : vector<128xf32> to vector<128xi32>
      %broadcast_in_dim3A_177 = vector.shape_cast %convert_element_type3A_176 : vector<128xi32> to vector<1x128xi32>
      %swap3A_178 = arith.index_cast %scan3A_143 : i32 to index
      %swap3A_179 = arith.constant 0 : index
      %swap3A_180 = vector.load %arg2[%swap3A_178, %swap3A_179] : memref<32x128xi32, #tpu.memory_space<vmem>>, vector<1x128xi32>
      tpu.vector_store %arg2[%swap3A_178, %swap3A_179], %broadcast_in_dim3A_177 {strides = array<i32>} : memref<32x128xi32, #tpu.memory_space<vmem>>, vector<1x128xi32>,
      %convert_element_type3A_181 = arith.fptosi %add3A_175 : vector<128xf32> to vector<128xi32>
      %broadcast_in_dim3A_182 = vector.shape_cast %convert_element_type3A_181 : vector<128xi32> to vector<1x128xi32>
      %swap3A_183 = arith.index_cast %scan3A_143 : i32 to index
      %swap3A_184 = arith.constant 0 : index
      %swap3A_185 = vector.load %arg3[%swap3A_183, %swap3A_184] : memref<32x128xi32, #tpu.memory_space<vmem>>, vector<1x128xi32>
      tpu.vector_store %arg3[%swap3A_183, %swap3A_184], %broadcast_in_dim3A_182 {strides = array<i32>} : memref<32x128xi32, #tpu.memory_space<vmem>>, vector<1x128xi32>,
    }
    %scan3A_142 = arith.constant 32 : i32
    return
  }
}

</mosaic_0001>

<sc_bundles>
// kernel: kernel.5.cloned.1.call-start
scs
__scs_entry_jumppad:
0x0: {  	(pc) =	sbr.rel $0x88, $3  }
0x1: {  	(tag) =	ssettag $0x0;
	lr =	simm.s32 $0x1  }
0x2: {  	[smem:$0x3F9F] =	sst lr;
	_ =	strace $0xD0000000  }
0x3: {  	_ = 	snop  }
0x4: {  	_ = 	snop  }
0x5: {  	_ = 	snop  }
0x6: {  	_ = 	snop  }
0x7: {  	_ = 	snop  }
__scs_overlays_trampoline_lowered:
0x8: {  	[smem:$0x3FAE] =	sst s0  }
0x9: {  	[smem:$0x3FAF] =	sst s1  }
0xa: {  	[smem:$0x3FB0] =	sst s2  }
0xb: {  	[smem:$0x3FB1] =	sst s3  }
0xc: {  	[smem:$0x3FB2] =	sst s4  }
0xd: {  	[smem:$0x3FB3] =	sst s5  }
0xe: {  	[smem:$0x3FB4] =	sst s6  }
0xf: {  	[smem:$0x3FB5] =	sst s7  }
0x10: {  	[smem:$0x3FB6] =	sst s8  }
0x11: {  	[smem:$0x3FB7] =	sst s9;
	s0 =	simm.s32 @!p0 $0x0  }
0x12: {  	s1 =	sld [smem:$0x3F9D];
	s0 =	simm.s32 @p0 $0x1  }
0x13: {  	[smem:$0x3FB8] =	sst s0;
	s0 =	simm.s32 @!p1 $0x0  }
0x14: {  	s2 =	sld [smem:$0x3F9C];
	s0 =	simm.s32 @p1 $0x1  }
0x15: {  	[smem:$0x3FB9] =	sst s0;
	s0 =	simm.s32 @!p2 $0x0  }
0x16: {  	s3 =	sld [smem:$0x3FDB];
	s0 =	simm.s32 @p2 $0x1  }
0x17: {  	s4 =	simm.s32 $0x1BF5;
	[smem:$0x3FBB] =	sst s0  }
0x18: {  	s0 =	sld [smem:$0x3F9E];
	_ =	swait.ge [sflag:s4], $0x0  }
0x19: {  	s7 =	sld [smem:$0x3F9F]  }
0x1a: {  	s8 =	sadd.s32 $0xFFFFE003, lr  }
0x1b: {  	s9 =	sadd.s32 $0xFFFFFEF7, lr;
	s5 =	simm.s32 $0xFFFFFFFF;
	p2 =	slt.u32 s8, $0xFFFFF086  }
0x1c: {  	p1 =	slt.u32 s9, $0xF7A;
	s5 =	simm.s32 @!p2 $0x0  }
0x1d: {  	s5 =	simm.s32 @p1 $0x1;
	p0 =	seq.s32 s7, s2  }
0x1e: {  	s7 =	smul.u32 @!p0 $0xF7A, s2;
	p2 =	seq.s32 @!p0 s5, $0x0  }
0x1f: {  	s9 =	smul.u32 $0xF7A, s1;
	s8 =	simm.s32 @!p0 $0x1BF5;
	p2 =	por !p2, p0  }
0x20: {  	[sflag:s8] =	ssyncset.s32 @!p0 $0xFFFFF086;
	s6 =	sadd.s32 @!p0 s3, s7;
	s7 =	simm.s32 @!p0 $0x108  }
0x21: {  	s3 =	sadd.s32 s3, s9;
	s6 =	sadd.s32 @!p0 $0x88, s6;
	s7 =	simm.s32 @p2 $0x1082  }
0x22: {  	[simem:s7], [sflag:s8] =	dma.local @!p0 [hbm:s6], $0xF7A  }
0x23: {  	s9 =	sor.u32 $0xD0000000, s2;
	s6 =	simm.s32 $0x108;
	_ =	swait.ge @!p0 [sflag:s8], $0x0  }
0x24: {  	s3 =	sadd.s32 $0x88, s3;
	s6 =	simm.s32 @!p1 $0x1082;
	[sflag:s4] =	ssyncset.s32 $0xFFFFF086  }
0x25: {  	[simem:s6], [sflag:s4] =	dma.local [hbm:s3], $0xF7A  }
0x26: {  	[smem:$0x3F9F] =	sst s1;
	(tag) =	ssettag s2;
	_ =	strace s9  }
0x27: {  	s1 =	sld [smem:$0x3FAF]  }
0x28: {  	s2 =	sld [smem:$0x3FB0]  }
0x29: {  	s4 =	sld [smem:$0x3FB2]  }
0x2a: {  	p0 =	seq.s32 s5, $0x0;
	s5 =	sld [smem:$0x3FB3]  }
0x2b: {  	s6 =	sld [smem:$0x3FB4]  }
0x2c: {  	s7 =	sld [smem:$0x3FB5]  }
0x2d: {  	s3 =	simm.s32 $0x108;
	s8 =	sld [smem:$0x3FB6]  }
0x2e: {  	s3 =	simm.s32 @!p0 $0x1082;
	s9 =	sld [smem:$0x3FB7]  }
0x2f: {  	lr =	sadd.s32 s0, s3;
	s0 =	sld [smem:$0x3FAE]  }
0x30: {  	s3 =	sld [smem:$0x3FB1]  }
0x31: {  	[smem:$0x3FBA] =	sst s10  }
0x32: {  	s10 =	sld [smem:$0x3FB8];
	_ =	sdelay $0x3  }
0x33: {  	p0 =	seq.s32 s10, $0x1;
	s10 =	sld [smem:$0x3FBA];
	_ =	sdelay $0x3  }
0x34: {  	[smem:$0x3FBA] =	sst s10  }
0x35: {  	s10 =	sld [smem:$0x3FB9];
	_ =	sdelay $0x3  }
0x36: {  	p1 =	seq.s32 s10, $0x1;
	s10 =	sld [smem:$0x3FBA];
	_ =	sdelay $0x3  }
0x37: {  	[smem:$0x3FBA] =	sst s10  }
0x38: {  	s10 =	sld [smem:$0x3FBB]  }
0x39: {  	_ = 	snop;
	(pc) =	sbr.ind lr, $3  }
0x3a: {  	_ = 	snop  }
0x3b: {  	_ = 	snop  }
0x3c: {  	p2 =	seq.s32 s10, $0x1;
	s10 =	sld [smem:$0x3FBA]  }
0x3d: {  	_ =	shalt  }
0x3e: {  	_ =	shalt  }
0x3f: {  	_ =	shalt  }
0x40: {  	_ =	shalt  }
0x41: {  	_ =	shalt  }
0x42: {  	_ =	shalt  }
0x43: {  	_ =	shalt  }
0x44: {  	_ =	shalt  }
0x45: {  	_ =	shalt  }
0x46: {  	_ =	shalt  }
0x47: {  	_ =	shalt  }
0x48: {  	_ =	shalt  }
0x49: {  	_ =	shalt  }
0x4a: {  	_ =	shalt  }
0x4b: {  	_ =	shalt  }
0x4c: {  	_ =	shalt  }
0x4d: {  	_ =	shalt  }
0x4e: {  	_ =	shalt  }
0x4f: {  	_ =	shalt  }
0x50: {  	_ =	shalt  }
0x51: {  	_ =	shalt  }
0x52: {  	_ =	shalt  }
0x53: {  	_ =	shalt  }
0x54: {  	_ =	shalt  }
0x55: {  	_ =	shalt  }
0x56: {  	_ =	shalt  }
0x57: {  	_ =	shalt  }
0x58: {  	_ =	shalt  }
0x59: {  	_ =	shalt  }
0x5a: {  	_ =	shalt  }
0x5b: {  	_ =	shalt  }
0x5c: {  	_ =	shalt  }
0x5d: {  	_ =	shalt  }
0x5e: {  	_ =	shalt  }
0x5f: {  	_ =	shalt  }
0x60: {  	_ =	shalt  }
0x61: {  	_ =	shalt  }
0x62: {  	_ =	shalt  }
0x63: {  	_ =	shalt  }
0x64: {  	_ =	shalt  }
0x65: {  	_ =	shalt  }
0x66: {  	_ =	shalt  }
0x67: {  	_ =	shalt  }
0x68: {  	_ =	shalt  }
0x69: {  	_ =	shalt  }
0x6a: {  	_ =	shalt  }
0x6b: {  	_ =	shalt  }
0x6c: {  	_ =	shalt  }
0x6d: {  	_ =	shalt  }
0x6e: {  	_ =	shalt  }
0x6f: {  	_ =	shalt  }
0x70: {  	_ =	shalt  }
0x71: {  	_ =	shalt  }
0x72: {  	_ =	shalt  }
0x73: {  	_ =	shalt  }
0x74: {  	_ =	shalt  }
0x75: {  	_ =	shalt  }
0x76: {  	_ =	shalt  }
0x77: {  	_ =	shalt  }
0x78: {  	_ =	shalt  }
0x79: {  	_ =	shalt  }
0x7a: {  	_ =	shalt  }
0x7b: {  	_ =	shalt  }
0x7c: {  	_ =	shalt  }
0x7d: {  	_ =	shalt  }
0x7e: {  	_ =	shalt  }
0x7f: {  	_ =	shalt  }
0x80: {  	_ =	shalt  }
0x81: {  	_ =	shalt  }
0x82: {  	_ =	shalt  }
0x83: {  	_ =	shalt  }
0x84: {  	_ =	shalt  }
0x85: {  	_ =	shalt  }
0x86: {  	_ =	shalt  }
0x87: {  	_ =	shalt  }
.Lfunc_end0:
.L_simem_size_0:
called_computation_lowered:
.L_overlay_start_0:
0x88: {  	s2 =	sld [smem:$0x3FD9]  }
0x89: {  	s3 =	sld [smem:$0x3FFE];
	_ =	sdelay $0x1  }
0x8a: {  	s1 =	srdreg.scid  }
0x8b: {  	s0 =	sand.u32 $0x1, s1  }
0x8c: {  	s17 =	sshll.u32 s0, $0xA;
	s2 =	sadd.s32 s3, s2  }
0x8d: {  	s2 =	sadd.s32 s2, s17  }
0x8e: {  	[smem:$0x3FC6] =	sst s2  }
0x8f: {  	_ = 	snop  }
0x90: {  	s2 =	sld [smem:$0x3FC9]  }
0x91: {  	s18 =	sld [smem:$0x3FD0];
	(tm) =	ssettm $0x1  }
0x92: {  	s4 =	sld [smem:$0x3FFB];
	_ =	sdelay $0x3  }
0x93: {  	_ =	strace s4  }
0x94: {  	s4 =	sld [smem:$0x3FFC];
	_ =	sdelay $0x3  }
0x95: {  	_ =	strace s4  }
0x96: {  	s4 =	sld [smem:$0x3FFD];
	_ =	sdelay $0x3  }
0x97: {  	_ =	strace s4  }
0x98: {  	_ =	strace $0x8FFFFFFF  }
0x99: {  	s19 =	sld [smem:$0x3FDB];
	_ =	sdelay $0x1  }
0x9a: {  	s5 =	simm.s32 $_scs_section_size  }
0x9b: {  	s6 =	simm.s32 $_size__tile_overlayer_lowered;
	s7 =	simm.s32 $_tile_overlayer_lowered  }
0x9c: {  	s22 =	simm.s32 $0x1BFF;
	s21 =	sshll.u32 s7, $0x1;
	s4 =	sadd.s32 s5, s19  }
0x9d: {  	s8 =	simm.s32 $0x0;
	s20 =	sshll.u32 s6, $0x1;
	s6 =	sadd.s32 s21, s4  }
0x9e: {  	[timem:s8], [sflag:s22] =	dma.local [hbm:s6], s20  }
0x9f: {  	_ =	swait.ge [sflag:s22], s20  }
0xa0: {  	s5 =	ssub.s32 $0x0, s20;
	[sflag:s22] =	ssyncset.done $0x0  }
0xa1: {  	[sflag:s22] =	ssyncadd.s32 s5;
	_ =	sdelay $0x1  }
0xa2: {  	s23 =	simm.s32 $0x1B8B  }
0xa3: {  	_ =	swait.ge [sflag:s23], $0x1  }
0xa4: {  	[sflag:s23] =	ssyncset.done $0x0  }
0xa5: {  	s25 =	simm.s32 $0x1B8E;
	s24 =	sld [smem:$0x3FFE];
	[sflag:s23] =	ssyncadd.s32 $0xFFFFFFFF  }
0xa6: {  	s26 =	simm.s32 $execute0_lowered;
	[smem:$0x3FD2] =	sst s25  }
0xa7: {  	s6 =	sshll.u32 s26, $0x1;
	_ =	strace $0x80000046;
	[dreg:$0x1] =	wrdreg $0xFFFFFFFF  }
0xa8: {  	s28 =	simm.s32 $_size_execute0_lowered;
	s4 =	sadd.s32 s4, s6;
	[dreg:$0x0] =	wrdreg $0x0  }
0xa9: {  	s6 =	sshll.u32 s28, $0x1;
	[dreg:$0x2] =	wrdreg s4  }
0xaa: {  	[dreg:$0x3] =	wrdreg s6  }
0xab: {  	[dreg:$0x4] =	wrdreg $0xC0  }
0xac: {  	_ =	task [dreg:s8], $0x5FFFF  }
0xad: {  	[dreg:$0x1] =	wrdreg $0xFFFFFFFF  }
0xae: {  	[dreg:$0x0] =	wrdreg $0x60  }
0xaf: {  	[dreg:$0x2] =	wrdreg s2  }
0xb0: {  	[dreg:$0x3] =	wrdreg s24  }
0xb1: {  	[dreg:$0x4] =	wrdreg s18  }
0xb2: {  	[dreg:$0x5] =	wrdreg $0x9  }
0xb3: {  	_ =	task.clear_ibuf [dreg:s8], $0x6FFFF;
	_ =	strace $0x90000046  }
0xb4: {  	s29 =	simm.s32 $0x9;
	_ =	strace $0x80000048  }
0xb5: {  	_ =	swait.ge [sflag:s29], $0x1  }
0xb6: {  	[sflag:s29] =	ssyncadd.s32 $0xFFFFFFFF  }
0xb7: {  	_ =	strace $0x90000048  }
0xb8: {  	_ =	sfence  }
0xb9: {  	s30 =	sld [smem:$0x0];
	_ =	sdelay $0x2  }
0xba: {  	s31 =	sshll.u32 s1, $0xD;
	s1 =	sshrl.u32 s1, $0x2  }
0xbb: {  	s3 =	sand.u32 $0x4000, s31;
	s1 =	sadd.s32 s1, s30  }
0xbc: {  	s0 =	sor.u32 s3, s0;
	s1 =	sshll.u32 s1, $0x11  }
0xbd: {  	s0 =	sor.u32 s1, s0  }
0xbe: {  	s0 =	sadd.s32 $0x8F2B, s0  }
0xbf: {  	[sflag:s0] =	ssyncadd.remote.s32 $0x1  }
0xc0: {  	_ =	sfence.sel $0xFFFF  }
0xc1: {  	[dreg:$0x0] =	wrdreg $0xFFFFFFFF;
	(pc) =	sbr.abs _section_cstart, $3  }
0xc2: {  	[dreg:$0x1] =	wrdreg $0xFFFFFFFF  }
0xc3: {  	_ =	task.clear_ibuf [dreg:s8], $0x2FFFF;
	_ =	strace $0x9FFFFFFF  }
0xc4: {  	(tm) =	ssettm $0x7FFFFFFF  }
0xc5: {  	_ =	shalt  }
tec
execute0_lowered:
.L_overlay_start_1:
0x0: {  	(tag) =	ssettag $0x1  }
0x1: {  	s1 =	rddreg [dreg:$0x0]  }
0x2: {  	s8 =	rddreg [dreg:$0x1];
	s3 =	srdreg.scid  }
0x3: {  	s0 =	stileid.u32;
	s2 =	rddreg [dreg:$0x2]  }
0x4: {  	s15 =	simm.s32 $0x80;
	s16 =	simm.s32 $0x100;
	s17 =	simm.s32 $0x300  }
0x5: {  	s18 =	simm.s32 $0x180;
	s19 =	simm.s32 $0x1500;
	s20 =	simm.s32 $0x380  }
0x6: {  	s21 =	simm.s32 $0x5500;
	s5 =	sand.u32 $0x1, s3;
	s3 =	simm.s32 $0x0  }
0x7: {  	s22 =	simm.s32 $0x200;
	s23 =	simm.s32 $0x2500;
	[smem:$0x7FF] =	sst s3  }
0x8: {  	s24 =	simm.s32 $0x400;
	_ =	strace $0x80000047;
	[dreg:$0xb] =	wrdreg s15  }
0x9: {  	s25 =	simm.s32 $0x6500;
	s26 =	simm.s32 $0x280;
	[dreg:$0xc] =	wrdreg s16  }
0xa: {  	s28 =	simm.s32 $0xF500;
	s29 =	simm.s32 $0xFD00;
	[dreg:$0xd] =	wrdreg s17  }
0xb: {  	s30 =	simm.s32 $0x20;
	s4 =	sshll.u32 s0, $0x1;
	[dreg:$0xe] =	wrdreg s18  }
0xc: {  	s6 =	sor.u32 s5, s4;
	s10 =	ssub.s32 $0x2, s5;
	[dreg:$0xf] =	wrdreg s19  }
0xd: {  	s4 =	sshll.u32 s6, $0x4;
	s7 =	sshll.u32 s6, $0xB;
	[dreg:$0x10] =	wrdreg s20  }
0xe: {  	s11 =	sshrl.u32 s10, $0x1;
	s6 =	sshll.u32 s6, $0xE;
	[dreg:$0x11] =	wrdreg s21  }
0xf: {  	s15 =	simm.s32 $0x9500;
	s16 =	simm.s32 $0x9D00;
	[dreg:$0x12] =	wrdreg s22  }
0x10: {  	s17 =	simm.s32 $0xA500;
	s18 =	simm.s32 $0xAD00;
	[dreg:$0x13] =	wrdreg s23  }
0x11: {  	s19 =	simm.s32 $0xB500;
	s20 =	simm.s32 $0xBD00;
	[dreg:$0x14] =	wrdreg s24  }
0x12: {  	s21 =	simm.s32 $0xC500;
	s22 =	simm.s32 $0xCD00;
	[dreg:$0x15] =	wrdreg s25  }
0x13: {  	s23 =	simm.s32 $0xD500;
	[dreg:$0x16] =	wrdreg s26;
	s24 =	simm.s32 $0xDD00  }
0x14: {  	s25 =	simm.s32 $0xE500;
	s26 =	simm.s32 $0xED00;
	s9 =	sadd.s32 s4, s8  }
0x15: {  	s7 =	sadd.s32 s7, s8;
	s4 =	sadd.s32 $0x21800, s8;
	s31 =	sadd.s32 $0x21400, s9  }
0x16: {  	s5 =	sadd.s32 s1, s6;
	s0 =	sadd.s32 $0x21600, s9;
	[dreg:$0x4] =	wrdreg s31  }
0x17: {  	s11 =	ssub.s32 s10, s11;
	s9 =	sadd.s32 $0x1400, s7;
	[dreg:$0x5] =	wrdreg s0  }
0x18: {  	s6 =	sadd.s32 $0x21900, s8;
	s7 =	sadd.s32 $0x11400, s7;
	[dreg:$0x6] =	wrdreg s9  }
0x19: {  	s10 =	simm.s32 $0x1;
	s12 =	sadd.s32 $0x1000, s5;
	[dreg:$0x7] =	wrdreg s7  }
0x1a: {  	s1 =	simm.s32 $0x7500;
	s13 =	sadd.s32 $0x2000, s5;
	[dreg:$0x8] =	wrdreg s12  }
0x1b: {  	s14 =	sadd.s32 $0x3000, s5;
	s7 =	sadd.s32 $0x21A00, s8;
	[dreg:$0x9] =	wrdreg s13  }
0x1c: {  	v2 =	vlaneseq.u32;
	s8 =	sadd.s32 $0x21B00, s8;
	[dreg:$0xa] =	wrdreg s14;
	s9 =	smax.u32 s11, $0x1  }
0x1d: {  	vm0 =	vmmov $0xffff;
	v1 =	vshrl.u32 v2, $0x3;
	s11 =	simm.s32 $0x500;
	s12 =	simm.s32 $0x4500;
	s31 =	simm.s32 $0x3500  }
0x1e: {  	v0 =	vand.u32 $0x7, v2;
	v2 =	vor.u32 $0x8, v2;
	v1 =	vmul.u32 $0x8, v1;
	s13 =	simm.s32 $0x8500;
	s14 =	simm.s32 $0x8D00;
	[dreg:$0x17] =	wrdreg s31  }
.LBB2_1:
0x1f: {  	s0 =	rddreg [dreg:$0x4]  }
0x20: {  	[tilespmem:s3], [sflag:$0x1] =	stream.linear.gather [hbm4b:s0+s3], $0x80, $0x38;
	[tilespmem:$0x10500] =	vst v63  }
0x21: {  	_ =	swait.ge [sflag:s10], $0x80  }
0x22: {  	s0 =	rddreg [dreg:$0x5];
	[sflag:s10] =	ssyncset.done $0x0  }
0x23: {  	s31 =	rddreg [dreg:$0xb];
	[sflag:s10] =	ssyncadd.s32 $0xFFFFFF80  }
0x24: {  	[tilespmem:s31], [sflag:$0x1] =	stream.linear.gather [hbm4b:s0+s3], $0x80, $0x38;
	[tilespmem:$0x10500] =	vst v63  }
0x25: {  	_ =	swait.ge [sflag:s10], $0x80  }
0x26: {  	[sflag:s10] =	ssyncset.done $0x0  }
0x27: {  	s31 =	rddreg [dreg:$0x6];
	[sflag:s10] =	ssyncadd.s32 $0xFFFFFF80  }
0x28: {  	[tilespmem:s11], [sflag:$0x1] =	stream.linear.gather [hbm4b:s31+s3], $0x4000, $0x38;
	[tilespmem:$0x10500] =	vst v63  }
0x29: {  	_ =	swait.ge [sflag:s10], $0x4000  }
0x2a: {  	[sflag:s10] =	ssyncset.done $0x0  }
0x2b: {  	s31 =	rddreg [dreg:$0x7];
	[sflag:s10] =	ssyncadd.s32 $0xFFFFC000  }
0x2c: {  	[tilespmem:s12], [sflag:$0x1] =	stream.linear.gather [hbm4b:s31+s3], $0x4000, $0x38;
	[tilespmem:$0x10500] =	vst v63  }
0x2d: {  	_ =	swait.ge [sflag:s10], $0x4000  }
0x2e: {  	[sflag:s10] =	ssyncset.done $0x0  }
0x2f: {  	[sflag:s10] =	ssyncadd.s32 $0xFFFFC000  }
0x30: {  	v3 =	vld [tilespmem:$0x0]  }
0x31: {  	v4 =	vld [tilespmem:$0x10]  }
0x32: {  	v5 =	vld [tilespmem:$0x20]  }
0x33: {  	v6 =	vld [tilespmem:$0x30]  }
0x34: {  	v7 =	vld [tilespmem:$0x40]  }
0x35: {  	[tilespmem:$0x100] =	vst v3;
	v3 =	vld [tilespmem:$0x50]  }
0x36: {  	v40 =	vld [tilespmem:$0x60];
	[tilespmem:$0x110] =	vst v4  }
0x37: {  	v41 =	vld [tilespmem:$0x70];
	[tilespmem:$0x180] =	vst v5  }
0x38: {  	v42 =	vld [tilespmem:$0x80];
	[tilespmem:$0x190] =	vst v6  }
0x39: {  	v43 =	vld [tilespmem:$0x90];
	[tilespmem:$0x200] =	vst v7  }
0x3a: {  	[tilespmem:$0x210] =	vst v3;
	v3 =	vld [tilespmem:$0xA0]  }
0x3b: {  	v44 =	vld [tilespmem:$0xB0];
	[tilespmem:$0x280] =	vst v40  }
0x3c: {  	v45 =	vld [tilespmem:$0xC0];
	[tilespmem:$0x290] =	vst v41  }
0x3d: {  	v46 =	vld [tilespmem:$0xD0];
	[tilespmem:$0x300] =	vst v42  }
0x3e: {  	v47 =	vld [tilespmem:$0xE0];
	[tilespmem:$0x310] =	vst v43  }
0x3f: {  	[tilespmem:$0x380] =	vst v3;
	v3 =	vld [tilespmem:$0xF0]  }
0x40: {  	[tilespmem:$0x390] =	vst v44  }
0x41: {  	[tilespmem:$0x400] =	vst v45  }
0x42: {  	[tilespmem:$0x410] =	vst v46  }
0x43: {  	[tilespmem:$0x480] =	vst v47  }
0x44: {  	[tilespmem:$0x490] =	vst v3  }
0x45: {  	[tilespmem:s13], [sflag:$0x1] =	stream.linear.gather [hbm4b:s5+s3], $0x8000, $0x38;
	[tilespmem:$0x10500] =	vst v63  }
0x46: {  	_ =	swait.ge [sflag:s10], $0x8000  }
0x47: {  	[sflag:s10] =	ssyncset.done $0x0  }
0x48: {  	[sflag:s10] =	ssyncadd.s32 $0xFFFF8000  }
0x49: {  	v3 =	vld [tilespmem:$0x100];
	_ =	sdelay $0x4  }
0x4a: {  	v48 =	vshll.u32 v3, $0x3  }
0x4b: {  	v3 =	vand.u32 $0x7, v3;
	v4 =	vand.u32 $0xFFFFFFC0, v48  }
0x4c: {  	v3 =	vor.u32 v3, v4  }
0x4d: {  	v4 =	vperm.xlane v3, v0;
	_ =	sdelay $0x1  }
0x4e: {  	v4 =	vadd.s32 v1, v4;
	_ =	sdelay $0x4  }
0x4f: {  	[hbm4b:s4+s3] =	stream.indirect_vreg.scatter [tilespmem:s13], [sflag:$0x1], $0x80, v4, vm0, $0xb8;
	[tilespmem:$0x10500] =	vst v63  }
0x50: {  	v3 =	vperm.xlane v3, v2  }
0x51: {  	[hbm4b:s6+s3] =	stream.indirect_vreg.scatter [tilespmem:s14], [sflag:$0x1], $0x80, v4, vm0, $0xb8;
	[tilespmem:$0x10500] =	vst v63  }
0x52: {  	v3 =	vadd.s32 v1, v3  }
0x53: {  	[hbm4b:s7+s3] =	stream.indirect_vreg.scatter [tilespmem:s15], [sflag:$0x1], $0x80, v4, vm0, $0xb8;
	[tilespmem:$0x10500] =	vst v63  }
0x54: {  	_ = 	snop  }
0x55: {  	[hbm4b:s8+s3] =	stream.indirect_vreg.scatter [tilespmem:s16], [sflag:$0x1], $0x80, v4, vm0, $0xb8;
	[tilespmem:$0x10500] =	vst v63  }
0x56: {  	_ = 	snop  }
0x57: {  	[hbm4b:s4+s3] =	stream.indirect_vreg.scatter [tilespmem:s17], [sflag:$0x1], $0x80, v3, vm0, $0xb8;
	[tilespmem:$0x10500] =	vst v63  }
0x58: {  	_ = 	snop  }
0x59: {  	[hbm4b:s6+s3] =	stream.indirect_vreg.scatter [tilespmem:s18], [sflag:$0x1], $0x80, v3, vm0, $0xb8;
	[tilespmem:$0x10500] =	vst v63  }
0x5a: {  	_ = 	snop  }
0x5b: {  	[hbm4b:s7+s3] =	stream.indirect_vreg.scatter [tilespmem:s19], [sflag:$0x1], $0x80, v3, vm0, $0xb8;
	[tilespmem:$0x10500] =	vst v63  }
0x5c: {  	_ = 	snop  }
0x5d: {  	[hbm4b:s8+s3] =	stream.indirect_vreg.scatter [tilespmem:s20], [sflag:$0x1], $0x80, v3, vm0, $0xb8;
	[tilespmem:$0x10500] =	vst v63  }
0x5e: {  	v3 =	vld [tilespmem:$0x110];
	_ =	sdelay $0x4  }
0x5f: {  	v49 =	vshll.u32 v3, $0x3  }
0x60: {  	v3 =	vand.u32 $0x7, v3;
	v4 =	vand.u32 $0xFFFFFFC0, v49  }
0x61: {  	v3 =	vor.u32 v3, v4  }
0x62: {  	v4 =	vperm.xlane v3, v0;
	_ =	sdelay $0x1  }
0x63: {  	v4 =	vadd.s32 v1, v4;
	_ =	sdelay $0x4  }
0x64: {  	[hbm4b:s4+s3] =	stream.indirect_vreg.scatter [tilespmem:s21], [sflag:$0x1], $0x80, v4, vm0, $0xb8;
	[tilespmem:$0x10500] =	vst v63  }
0x65: {  	v3 =	vperm.xlane v3, v2  }
0x66: {  	[hbm4b:s6+s3] =	stream.indirect_vreg.scatter [tilespmem:s22], [sflag:$0x1], $0x80, v4, vm0, $0xb8;
	[tilespmem:$0x10500] =	vst v63  }
0x67: {  	v3 =	vadd.s32 v1, v3  }
0x68: {  	[hbm4b:s7+s3] =	stream.indirect_vreg.scatter [tilespmem:s23], [sflag:$0x1], $0x80, v4, vm0, $0xb8;
	[tilespmem:$0x10500] =	vst v63  }
0x69: {  	_ = 	snop  }
0x6a: {  	[hbm4b:s8+s3] =	stream.indirect_vreg.scatter [tilespmem:s24], [sflag:$0x1], $0x80, v4, vm0, $0xb8;
	[tilespmem:$0x10500] =	vst v63  }
0x6b: {  	_ = 	snop  }
0x6c: {  	[hbm4b:s4+s3] =	stream.indirect_vreg.scatter [tilespmem:s25], [sflag:$0x1], $0x80, v3, vm0, $0xb8;
	[tilespmem:$0x10500] =	vst v63  }
0x6d: {  	_ = 	snop  }
0x6e: {  	[hbm4b:s6+s3] =	stream.indirect_vreg.scatter [tilespmem:s26], [sflag:$0x1], $0x80, v3, vm0, $0xb8;
	[tilespmem:$0x10500] =	vst v63  }
0x6f: {  	_ = 	snop  }
0x70: {  	[hbm4b:s7+s3] =	stream.indirect_vreg.scatter [tilespmem:s28], [sflag:$0x1], $0x80, v3, vm0, $0xb8;
	[tilespmem:$0x10500] =	vst v63  }
0x71: {  	_ = 	snop  }
0x72: {  	[hbm4b:s8+s3] =	stream.indirect_vreg.scatter [tilespmem:s29], [sflag:$0x1], $0x80, v3, vm0, $0xb8;
	[tilespmem:$0x10500] =	vst v63  }
0x73: {  	_ =	swait.ge [sflag:s10], $0x8000  }
0x74: {  	[sflag:s10] =	ssyncset.done $0x0  }
0x75: {  	[sflag:s10] =	ssyncadd.s32 $0xFFFF8000  }
0x76: {  	v3 =	vld [tilespmem:$0x300];
	_ =	sdelay $0x4  }
0x77: {  	v50 =	vshll.u32 v3, $0x3  }
0x78: {  	v3 =	vand.u32 $0x7, v3;
	v4 =	vand.u32 $0xFFFFFFC0, v50  }
0x79: {  	v3 =	vor.u32 v3, v4  }
0x7a: {  	v4 =	vperm.xlane v3, v0;
	_ =	sdelay $0x1  }
0x7b: {  	v4 =	vadd.s32 v1, v4;
	_ =	sdelay $0x4  }
0x7c: {  	[hbm4b:s4+s3] =	stream.indirect_vreg.scatter [tilespmem:s13], [sflag:$0x1], $0x80, v4, vm0, $0xb8;
	[tilespmem:$0x10500] =	vst v63  }
0x7d: {  	v3 =	vperm.xlane v3, v2  }
0x7e: {  	[hbm4b:s6+s3] =	stream.indirect_vreg.scatter [tilespmem:s14], [sflag:$0x1], $0x80, v4, vm0, $0xb8;
	[tilespmem:$0x10500] =	vst v63  }
0x7f: {  	v3 =	vadd.s32 v1, v3  }
0x80: {  	[hbm4b:s7+s3] =	stream.indirect_vreg.scatter [tilespmem:s15], [sflag:$0x1], $0x80, v4, vm0, $0xb8;
	[tilespmem:$0x10500] =	vst v63  }
0x81: {  	_ = 	snop  }
0x82: {  	[hbm4b:s8+s3] =	stream.indirect_vreg.scatter [tilespmem:s16], [sflag:$0x1], $0x80, v4, vm0, $0xb8;
	[tilespmem:$0x10500] =	vst v63  }
0x83: {  	_ = 	snop  }
0x84: {  	[hbm4b:s4+s3] =	stream.indirect_vreg.scatter [tilespmem:s17], [sflag:$0x1], $0x80, v3, vm0, $0xb8;
	[tilespmem:$0x10500] =	vst v63  }
0x85: {  	_ = 	snop  }
0x86: {  	[hbm4b:s6+s3] =	stream.indirect_vreg.scatter [tilespmem:s18], [sflag:$0x1], $0x80, v3, vm0, $0xb8;
	[tilespmem:$0x10500] =	vst v63  }
0x87: {  	_ = 	snop  }
0x88: {  	[hbm4b:s7+s3] =	stream.indirect_vreg.scatter [tilespmem:s19], [sflag:$0x1], $0x80, v3, vm0, $0xb8;
	[tilespmem:$0x10500] =	vst v63  }
0x89: {  	_ = 	snop  }
0x8a: {  	[hbm4b:s8+s3] =	stream.indirect_vreg.scatter [tilespmem:s20], [sflag:$0x1], $0x80, v3, vm0, $0xb8;
	[tilespmem:$0x10500] =	vst v63  }
0x8b: {  	v3 =	vld [tilespmem:$0x310];
	_ =	sdelay $0x4  }
0x8c: {  	v51 =	vshll.u32 v3, $0x3  }
0x8d: {  	v3 =	vand.u32 $0x7, v3;
	v4 =	vand.u32 $0xFFFFFFC0, v51  }
0x8e: {  	v3 =	vor.u32 v3, v4  }
0x8f: {  	v4 =	vperm.xlane v3, v0;
	_ =	sdelay $0x1  }
0x90: {  	v4 =	vadd.s32 v1, v4;
	_ =	sdelay $0x4  }
0x91: {  	[hbm4b:s4+s3] =	stream.indirect_vreg.scatter [tilespmem:s21], [sflag:$0x1], $0x80, v4, vm0, $0xb8;
	[tilespmem:$0x10500] =	vst v63  }
0x92: {  	v3 =	vperm.xlane v3, v2  }
0x93: {  	[hbm4b:s6+s3] =	stream.indirect_vreg.scatter [tilespmem:s22], [sflag:$0x1], $0x80, v4, vm0, $0xb8;
	[tilespmem:$0x10500] =	vst v63  }
0x94: {  	v3 =	vadd.s32 v1, v3  }
0x95: {  	[hbm4b:s7+s3] =	stream.indirect_vreg.scatter [tilespmem:s23], [sflag:$0x1], $0x80, v4, vm0, $0xb8;
	[tilespmem:$0x10500] =	vst v63  }
0x96: {  	_ = 	snop  }
0x97: {  	[hbm4b:s8+s3] =	stream.indirect_vreg.scatter [tilespmem:s24], [sflag:$0x1], $0x80, v4, vm0, $0xb8;
	[tilespmem:$0x10500] =	vst v63  }
0x98: {  	_ = 	snop  }
0x99: {  	[hbm4b:s4+s3] =	stream.indirect_vreg.scatter [tilespmem:s25], [sflag:$0x1], $0x80, v3, vm0, $0xb8;
	[tilespmem:$0x10500] =	vst v63  }
0x9a: {  	_ = 	snop  }
0x9b: {  	[hbm4b:s6+s3] =	stream.indirect_vreg.scatter [tilespmem:s26], [sflag:$0x1], $0x80, v3, vm0, $0xb8;
	[tilespmem:$0x10500] =	vst v63  }
0x9c: {  	_ = 	snop  }
0x9d: {  	[hbm4b:s7+s3] =	stream.indirect_vreg.scatter [tilespmem:s28], [sflag:$0x1], $0x80, v3, vm0, $0xb8;
	[tilespmem:$0x10500] =	vst v63  }
0x9e: {  	_ = 	snop  }
0x9f: {  	[hbm4b:s8+s3] =	stream.indirect_vreg.scatter [tilespmem:s29], [sflag:$0x1], $0x80, v3, vm0, $0xb8;
	[tilespmem:$0x10500] =	vst v63  }
0xa0: {  	_ =	swait.ge [sflag:s10], $0x8000  }
0xa1: {  	[sflag:s10] =	ssyncset.done $0x0  }
0xa2: {  	s31 =	rddreg [dreg:$0xc];
	[sflag:s10] =	ssyncadd.s32 $0xFFFF8000  }
0xa3: {  	[hbm4b:s2+s30] =	stream.indirect.scatter [tilespmem:s11], [sflag:$0x1], $0x80, s31, s30, $0xb8;
	[tilespmem:$0x10500] =	vst v63  }
0xa4: {  	_ =	swait.ge [sflag:s10], $0x1000  }
0xa5: {  	[sflag:s10] =	ssyncset.done $0x0  }
0xa6: {  	s31 =	rddreg [dreg:$0xd];
	[sflag:s10] =	ssyncadd.s32 $0xFFFFF000  }
0xa7: {  	[hbm4b:s2+s30] =	stream.indirect.scatter [tilespmem:s12], [sflag:$0x1], $0x80, s31, s30, $0xb8;
	[tilespmem:$0x10500] =	vst v63  }
0xa8: {  	_ =	swait.ge [sflag:s10], $0x1000  }
0xa9: {  	[sflag:s10] =	ssyncset.done $0x0  }
0xaa: {  	s31 =	rddreg [dreg:$0x8];
	[sflag:s10] =	ssyncadd.s32 $0xFFFFF000  }
0xab: {  	[tilespmem:s13], [sflag:$0x1] =	stream.linear.gather [hbm4b:s31+s3], $0x8000, $0x38;
	[tilespmem:$0x10500] =	vst v63  }
0xac: {  	_ =	swait.ge [sflag:s10], $0x8000  }
0xad: {  	[sflag:s10] =	ssyncset.done $0x0  }
0xae: {  	[sflag:s10] =	ssyncadd.s32 $0xFFFF8000  }
0xaf: {  	v3 =	vld [tilespmem:$0x180];
	_ =	sdelay $0x4  }
0xb0: {  	v52 =	vshll.u32 v3, $0x3  }
0xb1: {  	v3 =	vand.u32 $0x7, v3;
	v4 =	vand.u32 $0xFFFFFFC0, v52  }
0xb2: {  	v3 =	vor.u32 v3, v4  }
0xb3: {  	v4 =	vperm.xlane v3, v0;
	_ =	sdelay $0x1  }
0xb4: {  	v4 =	vadd.s32 v1, v4;
	_ =	sdelay $0x4  }
0xb5: {  	[hbm4b:s4+s3] =	stream.indirect_vreg.scatter [tilespmem:s13], [sflag:$0x1], $0x80, v4, vm0, $0xb8;
	[tilespmem:$0x10500] =	vst v63  }
0xb6: {  	v3 =	vperm.xlane v3, v2  }
0xb7: {  	[hbm4b:s6+s3] =	stream.indirect_vreg.scatter [tilespmem:s14], [sflag:$0x1], $0x80, v4, vm0, $0xb8;
	[tilespmem:$0x10500] =	vst v63  }
0xb8: {  	v3 =	vadd.s32 v1, v3  }
0xb9: {  	[hbm4b:s7+s3] =	stream.indirect_vreg.scatter [tilespmem:s15], [sflag:$0x1], $0x80, v4, vm0, $0xb8;
	[tilespmem:$0x10500] =	vst v63  }
0xba: {  	_ = 	snop  }
0xbb: {  	[hbm4b:s8+s3] =	stream.indirect_vreg.scatter [tilespmem:s16], [sflag:$0x1], $0x80, v4, vm0, $0xb8;
	[tilespmem:$0x10500] =	vst v63  }
0xbc: {  	_ = 	snop  }
0xbd: {  	[hbm4b:s4+s3] =	stream.indirect_vreg.scatter [tilespmem:s17], [sflag:$0x1], $0x80, v3, vm0, $0xb8;
	[tilespmem:$0x10500] =	vst v63  }
0xbe: {  	_ = 	snop  }
0xbf: {  	[hbm4b:s6+s3] =	stream.indirect_vreg.scatter [tilespmem:s18], [sflag:$0x1], $0x80, v3, vm0, $0xb8;
	[tilespmem:$0x10500] =	vst v63  }
0xc0: {  	_ = 	snop  }
0xc1: {  	[hbm4b:s7+s3] =	stream.indirect_vreg.scatter [tilespmem:s19], [sflag:$0x1], $0x80, v3, vm0, $0xb8;
	[tilespmem:$0x10500] =	vst v63  }
0xc2: {  	_ = 	snop  }
0xc3: {  	[hbm4b:s8+s3] =	stream.indirect_vreg.scatter [tilespmem:s20], [sflag:$0x1], $0x80, v3, vm0, $0xb8;
	[tilespmem:$0x10500] =	vst v63  }
0xc4: {  	v3 =	vld [tilespmem:$0x190];
	_ =	sdelay $0x4  }
0xc5: {  	v53 =	vshll.u32 v3, $0x3  }
0xc6: {  	v3 =	vand.u32 $0x7, v3;
	v4 =	vand.u32 $0xFFFFFFC0, v53  }
0xc7: {  	v3 =	vor.u32 v3, v4  }
0xc8: {  	v4 =	vperm.xlane v3, v0;
	_ =	sdelay $0x1  }
0xc9: {  	v4 =	vadd.s32 v1, v4;
	_ =	sdelay $0x4  }
0xca: {  	[hbm4b:s4+s3] =	stream.indirect_vreg.scatter [tilespmem:s21], [sflag:$0x1], $0x80, v4, vm0, $0xb8;
	[tilespmem:$0x10500] =	vst v63  }
0xcb: {  	v3 =	vperm.xlane v3, v2  }
0xcc: {  	[hbm4b:s6+s3] =	stream.indirect_vreg.scatter [tilespmem:s22], [sflag:$0x1], $0x80, v4, vm0, $0xb8;
	[tilespmem:$0x10500] =	vst v63  }
0xcd: {  	v3 =	vadd.s32 v1, v3  }
0xce: {  	[hbm4b:s7+s3] =	stream.indirect_vreg.scatter [tilespmem:s23], [sflag:$0x1], $0x80, v4, vm0, $0xb8;
	[tilespmem:$0x10500] =	vst v63  }
0xcf: {  	_ = 	snop  }
0xd0: {  	[hbm4b:s8+s3] =	stream.indirect_vreg.scatter [tilespmem:s24], [sflag:$0x1], $0x80, v4, vm0, $0xb8;
	[tilespmem:$0x10500] =	vst v63  }
0xd1: {  	_ = 	snop  }
0xd2: {  	[hbm4b:s4+s3] =	stream.indirect_vreg.scatter [tilespmem:s25], [sflag:$0x1], $0x80, v3, vm0, $0xb8;
	[tilespmem:$0x10500] =	vst v63  }
0xd3: {  	_ = 	snop  }
0xd4: {  	[hbm4b:s6+s3] =	stream.indirect_vreg.scatter [tilespmem:s26], [sflag:$0x1], $0x80, v3, vm0, $0xb8;
	[tilespmem:$0x10500] =	vst v63  }
0xd5: {  	_ = 	snop  }
0xd6: {  	[hbm4b:s7+s3] =	stream.indirect_vreg.scatter [tilespmem:s28], [sflag:$0x1], $0x80, v3, vm0, $0xb8;
	[tilespmem:$0x10500] =	vst v63  }
0xd7: {  	_ = 	snop  }
0xd8: {  	[hbm4b:s8+s3] =	stream.indirect_vreg.scatter [tilespmem:s29], [sflag:$0x1], $0x80, v3, vm0, $0xb8;
	[tilespmem:$0x10500] =	vst v63  }
0xd9: {  	_ =	swait.ge [sflag:s10], $0x8000  }
0xda: {  	[sflag:s10] =	ssyncset.done $0x0  }
0xdb: {  	[sflag:s10] =	ssyncadd.s32 $0xFFFF8000  }
0xdc: {  	v3 =	vld [tilespmem:$0x380];
	_ =	sdelay $0x4  }
0xdd: {  	v54 =	vshll.u32 v3, $0x3  }
0xde: {  	v3 =	vand.u32 $0x7, v3;
	v4 =	vand.u32 $0xFFFFFFC0, v54  }
0xdf: {  	v3 =	vor.u32 v3, v4  }
0xe0: {  	v4 =	vperm.xlane v3, v0;
	_ =	sdelay $0x1  }
0xe1: {  	v4 =	vadd.s32 v1, v4;
	_ =	sdelay $0x4  }
0xe2: {  	[hbm4b:s4+s3] =	stream.indirect_vreg.scatter [tilespmem:s13], [sflag:$0x1], $0x80, v4, vm0, $0xb8;
	[tilespmem:$0x10500] =	vst v63  }
0xe3: {  	v3 =	vperm.xlane v3, v2  }
0xe4: {  	[hbm4b:s6+s3] =	stream.indirect_vreg.scatter [tilespmem:s14], [sflag:$0x1], $0x80, v4, vm0, $0xb8;
	[tilespmem:$0x10500] =	vst v63  }
0xe5: {  	v3 =	vadd.s32 v1, v3  }
0xe6: {  	[hbm4b:s7+s3] =	stream.indirect_vreg.scatter [tilespmem:s15], [sflag:$0x1], $0x80, v4, vm0, $0xb8;
	[tilespmem:$0x10500] =	vst v63  }
0xe7: {  	_ = 	snop  }
0xe8: {  	[hbm4b:s8+s3] =	stream.indirect_vreg.scatter [tilespmem:s16], [sflag:$0x1], $0x80, v4, vm0, $0xb8;
	[tilespmem:$0x10500] =	vst v63  }
0xe9: {  	_ = 	snop  }
0xea: {  	[hbm4b:s4+s3] =	stream.indirect_vreg.scatter [tilespmem:s17], [sflag:$0x1], $0x80, v3, vm0, $0xb8;
	[tilespmem:$0x10500] =	vst v63  }
0xeb: {  	_ = 	snop  }
0xec: {  	[hbm4b:s6+s3] =	stream.indirect_vreg.scatter [tilespmem:s18], [sflag:$0x1], $0x80, v3, vm0, $0xb8;
	[tilespmem:$0x10500] =	vst v63  }
0xed: {  	_ = 	snop  }
0xee: {  	[hbm4b:s7+s3] =	stream.indirect_vreg.scatter [tilespmem:s19], [sflag:$0x1], $0x80, v3, vm0, $0xb8;
	[tilespmem:$0x10500] =	vst v63  }
0xef: {  	_ = 	snop  }
0xf0: {  	[hbm4b:s8+s3] =	stream.indirect_vreg.scatter [tilespmem:s20], [sflag:$0x1], $0x80, v3, vm0, $0xb8;
	[tilespmem:$0x10500] =	vst v63  }
0xf1: {  	v3 =	vld [tilespmem:$0x390];
	_ =	sdelay $0x4  }
0xf2: {  	v55 =	vshll.u32 v3, $0x3  }
0xf3: {  	v3 =	vand.u32 $0x7, v3;
	v4 =	vand.u32 $0xFFFFFFC0, v55  }
0xf4: {  	v3 =	vor.u32 v3, v4  }
0xf5: {  	v4 =	vperm.xlane v3, v0;
	_ =	sdelay $0x1  }
0xf6: {  	v4 =	vadd.s32 v1, v4;
	_ =	sdelay $0x4  }
0xf7: {  	[hbm4b:s4+s3] =	stream.indirect_vreg.scatter [tilespmem:s21], [sflag:$0x1], $0x80, v4, vm0, $0xb8;
	[tilespmem:$0x10500] =	vst v63  }
0xf8: {  	v3 =	vperm.xlane v3, v2  }
0xf9: {  	[hbm4b:s6+s3] =	stream.indirect_vreg.scatter [tilespmem:s22], [sflag:$0x1], $0x80, v4, vm0, $0xb8;
	[tilespmem:$0x10500] =	vst v63  }
0xfa: {  	v3 =	vadd.s32 v1, v3  }
0xfb: {  	[hbm4b:s7+s3] =	stream.indirect_vreg.scatter [tilespmem:s23], [sflag:$0x1], $0x80, v4, vm0, $0xb8;
	[tilespmem:$0x10500] =	vst v63  }
0xfc: {  	_ = 	snop  }
0xfd: {  	[hbm4b:s8+s3] =	stream.indirect_vreg.scatter [tilespmem:s24], [sflag:$0x1], $0x80, v4, vm0, $0xb8;
	[tilespmem:$0x10500] =	vst v63  }
0xfe: {  	_ = 	snop  }
0xff: {  	[hbm4b:s4+s3] =	stream.indirect_vreg.scatter [tilespmem:s25], [sflag:$0x1], $0x80, v3, vm0, $0xb8;
	[tilespmem:$0x10500] =	vst v63  }
0x100: {  	_ = 	snop  }
0x101: {  	[hbm4b:s6+s3] =	stream.indirect_vreg.scatter [tilespmem:s26], [sflag:$0x1], $0x80, v3, vm0, $0xb8;
	[tilespmem:$0x10500] =	vst v63  }
0x102: {  	_ = 	snop  }
0x103: {  	[hbm4b:s7+s3] =	stream.indirect_vreg.scatter [tilespmem:s28], [sflag:$0x1], $0x80, v3, vm0, $0xb8;
	[tilespmem:$0x10500] =	vst v63  }
0x104: {  	_ = 	snop  }
0x105: {  	[hbm4b:s8+s3] =	stream.indirect_vreg.scatter [tilespmem:s29], [sflag:$0x1], $0x80, v3, vm0, $0xb8;
	[tilespmem:$0x10500] =	vst v63  }
0x106: {  	_ =	swait.ge [sflag:s10], $0x8000  }
0x107: {  	s0 =	rddreg [dreg:$0xe];
	[sflag:s10] =	ssyncset.done $0x0  }
0x108: {  	s31 =	rddreg [dreg:$0xf];
	[sflag:s10] =	ssyncadd.s32 $0xFFFF8000  }
0x109: {  	[hbm4b:s2+s30] =	stream.indirect.scatter [tilespmem:s31], [sflag:$0x1], $0x80, s0, s30, $0xb8;
	[tilespmem:$0x10500] =	vst v63  }
0x10a: {  	_ =	swait.ge [sflag:s10], $0x1000  }
0x10b: {  	s0 =	rddreg [dreg:$0x10];
	[sflag:s10] =	ssyncset.done $0x0  }
0x10c: {  	s31 =	rddreg [dreg:$0x11];
	[sflag:s10] =	ssyncadd.s32 $0xFFFFF000  }
0x10d: {  	[hbm4b:s2+s30] =	stream.indirect.scatter [tilespmem:s31], [sflag:$0x1], $0x80, s0, s30, $0xb8;
	[tilespmem:$0x10500] =	vst v63  }
0x10e: {  	_ =	swait.ge [sflag:s10], $0x1000  }
0x10f: {  	[sflag:s10] =	ssyncset.done $0x0  }
0x110: {  	s31 =	rddreg [dreg:$0x9];
	[sflag:s10] =	ssyncadd.s32 $0xFFFFF000  }
0x111: {  	[tilespmem:s13], [sflag:$0x1] =	stream.linear.gather [hbm4b:s31+s3], $0x8000, $0x38;
	[tilespmem:$0x10500] =	vst v63  }
0x112: {  	_ =	swait.ge [sflag:s10], $0x8000  }
0x113: {  	[sflag:s10] =	ssyncset.done $0x0  }
0x114: {  	[sflag:s10] =	ssyncadd.s32 $0xFFFF8000  }
0x115: {  	v3 =	vld [tilespmem:$0x200];
	_ =	sdelay $0x4  }
0x116: {  	v56 =	vshll.u32 v3, $0x3  }
0x117: {  	v3 =	vand.u32 $0x7, v3;
	v4 =	vand.u32 $0xFFFFFFC0, v56  }
0x118: {  	v3 =	vor.u32 v3, v4  }
0x119: {  	v4 =	vperm.xlane v3, v0;
	_ =	sdelay $0x1  }
0x11a: {  	v4 =	vadd.s32 v1, v4;
	_ =	sdelay $0x4  }
0x11b: {  	[hbm4b:s4+s3] =	stream.indirect_vreg.scatter [tilespmem:s13], [sflag:$0x1], $0x80, v4, vm0, $0xb8;
	[tilespmem:$0x10500] =	vst v63  }
0x11c: {  	v3 =	vperm.xlane v3, v2  }
0x11d: {  	[hbm4b:s6+s3] =	stream.indirect_vreg.scatter [tilespmem:s14], [sflag:$0x1], $0x80, v4, vm0, $0xb8;
	[tilespmem:$0x10500] =	vst v63  }
0x11e: {  	v3 =	vadd.s32 v1, v3  }
0x11f: {  	[hbm4b:s7+s3] =	stream.indirect_vreg.scatter [tilespmem:s15], [sflag:$0x1], $0x80, v4, vm0, $0xb8;
	[tilespmem:$0x10500] =	vst v63  }
0x120: {  	_ = 	snop  }
0x121: {  	[hbm4b:s8+s3] =	stream.indirect_vreg.scatter [tilespmem:s16], [sflag:$0x1], $0x80, v4, vm0, $0xb8;
	[tilespmem:$0x10500] =	vst v63  }
0x122: {  	_ = 	snop  }
0x123: {  	[hbm4b:s4+s3] =	stream.indirect_vreg.scatter [tilespmem:s17], [sflag:$0x1], $0x80, v3, vm0, $0xb8;
	[tilespmem:$0x10500] =	vst v63  }
0x124: {  	_ = 	snop  }
0x125: {  	[hbm4b:s6+s3] =	stream.indirect_vreg.scatter [tilespmem:s18], [sflag:$0x1], $0x80, v3, vm0, $0xb8;
	[tilespmem:$0x10500] =	vst v63  }
0x126: {  	_ = 	snop  }
0x127: {  	[hbm4b:s7+s3] =	stream.indirect_vreg.scatter [tilespmem:s19], [sflag:$0x1], $0x80, v3, vm0, $0xb8;
	[tilespmem:$0x10500] =	vst v63  }
0x128: {  	_ = 	snop  }
0x129: {  	[hbm4b:s8+s3] =	stream.indirect_vreg.scatter [tilespmem:s20], [sflag:$0x1], $0x80, v3, vm0, $0xb8;
	[tilespmem:$0x10500] =	vst v63  }
0x12a: {  	v3 =	vld [tilespmem:$0x210];
	_ =	sdelay $0x4  }
0x12b: {  	v57 =	vshll.u32 v3, $0x3  }
0x12c: {  	v3 =	vand.u32 $0x7, v3;
	v4 =	vand.u32 $0xFFFFFFC0, v57  }
0x12d: {  	v3 =	vor.u32 v3, v4  }
0x12e: {  	v4 =	vperm.xlane v3, v0;
	_ =	sdelay $0x1  }
0x12f: {  	v4 =	vadd.s32 v1, v4;
	_ =	sdelay $0x4  }
0x130: {  	[hbm4b:s4+s3] =	stream.indirect_vreg.scatter [tilespmem:s21], [sflag:$0x1], $0x80, v4, vm0, $0xb8;
	[tilespmem:$0x10500] =	vst v63  }
0x131: {  	v3 =	vperm.xlane v3, v2  }
0x132: {  	[hbm4b:s6+s3] =	stream.indirect_vreg.scatter [tilespmem:s22], [sflag:$0x1], $0x80, v4, vm0, $0xb8;
	[tilespmem:$0x10500] =	vst v63  }
0x133: {  	v3 =	vadd.s32 v1, v3  }
0x134: {  	[hbm4b:s7+s3] =	stream.indirect_vreg.scatter [tilespmem:s23], [sflag:$0x1], $0x80, v4, vm0, $0xb8;
	[tilespmem:$0x10500] =	vst v63  }
0x135: {  	_ = 	snop  }
0x136: {  	[hbm4b:s8+s3] =	stream.indirect_vreg.scatter [tilespmem:s24], [sflag:$0x1], $0x80, v4, vm0, $0xb8;
	[tilespmem:$0x10500] =	vst v63  }
0x137: {  	_ = 	snop  }
0x138: {  	[hbm4b:s4+s3] =	stream.indirect_vreg.scatter [tilespmem:s25], [sflag:$0x1], $0x80, v3, vm0, $0xb8;
	[tilespmem:$0x10500] =	vst v63  }
0x139: {  	_ = 	snop  }
0x13a: {  	[hbm4b:s6+s3] =	stream.indirect_vreg.scatter [tilespmem:s26], [sflag:$0x1], $0x80, v3, vm0, $0xb8;
	[tilespmem:$0x10500] =	vst v63  }
0x13b: {  	_ = 	snop  }
0x13c: {  	[hbm4b:s7+s3] =	stream.indirect_vreg.scatter [tilespmem:s28], [sflag:$0x1], $0x80, v3, vm0, $0xb8;
	[tilespmem:$0x10500] =	vst v63  }
0x13d: {  	_ = 	snop  }
0x13e: {  	[hbm4b:s8+s3] =	stream.indirect_vreg.scatter [tilespmem:s29], [sflag:$0x1], $0x80, v3, vm0, $0xb8;
	[tilespmem:$0x10500] =	vst v63  }
0x13f: {  	_ =	swait.ge [sflag:s10], $0x8000  }
0x140: {  	[sflag:s10] =	ssyncset.done $0x0  }
0x141: {  	[sflag:s10] =	ssyncadd.s32 $0xFFFF8000  }
0x142: {  	v3 =	vld [tilespmem:$0x400];
	_ =	sdelay $0x4  }
0x143: {  	v58 =	vshll.u32 v3, $0x3  }
0x144: {  	v3 =	vand.u32 $0x7, v3;
	v4 =	vand.u32 $0xFFFFFFC0, v58  }
0x145: {  	v3 =	vor.u32 v3, v4  }
0x146: {  	v4 =	vperm.xlane v3, v0;
	_ =	sdelay $0x1  }
0x147: {  	v4 =	vadd.s32 v1, v4;
	_ =	sdelay $0x4  }
0x148: {  	[hbm4b:s4+s3] =	stream.indirect_vreg.scatter [tilespmem:s13], [sflag:$0x1], $0x80, v4, vm0, $0xb8;
	[tilespmem:$0x10500] =	vst v63  }
0x149: {  	v3 =	vperm.xlane v3, v2  }
0x14a: {  	[hbm4b:s6+s3] =	stream.indirect_vreg.scatter [tilespmem:s14], [sflag:$0x1], $0x80, v4, vm0, $0xb8;
	[tilespmem:$0x10500] =	vst v63  }
0x14b: {  	v3 =	vadd.s32 v1, v3  }
0x14c: {  	[hbm4b:s7+s3] =	stream.indirect_vreg.scatter [tilespmem:s15], [sflag:$0x1], $0x80, v4, vm0, $0xb8;
	[tilespmem:$0x10500] =	vst v63  }
0x14d: {  	_ = 	snop  }
0x14e: {  	[hbm4b:s8+s3] =	stream.indirect_vreg.scatter [tilespmem:s16], [sflag:$0x1], $0x80, v4, vm0, $0xb8;
	[tilespmem:$0x10500] =	vst v63  }
0x14f: {  	_ = 	snop  }
0x150: {  	[hbm4b:s4+s3] =	stream.indirect_vreg.scatter [tilespmem:s17], [sflag:$0x1], $0x80, v3, vm0, $0xb8;
	[tilespmem:$0x10500] =	vst v63  }
0x151: {  	_ = 	snop  }
0x152: {  	[hbm4b:s6+s3] =	stream.indirect_vreg.scatter [tilespmem:s18], [sflag:$0x1], $0x80, v3, vm0, $0xb8;
	[tilespmem:$0x10500] =	vst v63  }
0x153: {  	_ = 	snop  }
0x154: {  	[hbm4b:s7+s3] =	stream.indirect_vreg.scatter [tilespmem:s19], [sflag:$0x1], $0x80, v3, vm0, $0xb8;
	[tilespmem:$0x10500] =	vst v63  }
0x155: {  	_ = 	snop  }
0x156: {  	[hbm4b:s8+s3] =	stream.indirect_vreg.scatter [tilespmem:s20], [sflag:$0x1], $0x80, v3, vm0, $0xb8;
	[tilespmem:$0x10500] =	vst v63  }
0x157: {  	v3 =	vld [tilespmem:$0x410];
	_ =	sdelay $0x4  }
0x158: {  	v59 =	vshll.u32 v3, $0x3  }
0x159: {  	v3 =	vand.u32 $0x7, v3;
	v4 =	vand.u32 $0xFFFFFFC0, v59  }
0x15a: {  	v3 =	vor.u32 v3, v4  }
0x15b: {  	v4 =	vperm.xlane v3, v0;
	_ =	sdelay $0x1  }
0x15c: {  	v4 =	vadd.s32 v1, v4;
	_ =	sdelay $0x4  }
0x15d: {  	[hbm4b:s4+s3] =	stream.indirect_vreg.scatter [tilespmem:s21], [sflag:$0x1], $0x80, v4, vm0, $0xb8;
	[tilespmem:$0x10500] =	vst v63  }
0x15e: {  	v3 =	vperm.xlane v3, v2  }
0x15f: {  	[hbm4b:s6+s3] =	stream.indirect_vreg.scatter [tilespmem:s22], [sflag:$0x1], $0x80, v4, vm0, $0xb8;
	[tilespmem:$0x10500] =	vst v63  }
0x160: {  	v3 =	vadd.s32 v1, v3  }
0x161: {  	[hbm4b:s7+s3] =	stream.indirect_vreg.scatter [tilespmem:s23], [sflag:$0x1], $0x80, v4, vm0, $0xb8;
	[tilespmem:$0x10500] =	vst v63  }
0x162: {  	_ = 	snop  }
0x163: {  	[hbm4b:s8+s3] =	stream.indirect_vreg.scatter [tilespmem:s24], [sflag:$0x1], $0x80, v4, vm0, $0xb8;
	[tilespmem:$0x10500] =	vst v63  }
0x164: {  	_ = 	snop  }
0x165: {  	[hbm4b:s4+s3] =	stream.indirect_vreg.scatter [tilespmem:s25], [sflag:$0x1], $0x80, v3, vm0, $0xb8;
	[tilespmem:$0x10500] =	vst v63  }
0x166: {  	_ = 	snop  }
0x167: {  	[hbm4b:s6+s3] =	stream.indirect_vreg.scatter [tilespmem:s26], [sflag:$0x1], $0x80, v3, vm0, $0xb8;
	[tilespmem:$0x10500] =	vst v63  }
0x168: {  	_ = 	snop  }
0x169: {  	[hbm4b:s7+s3] =	stream.indirect_vreg.scatter [tilespmem:s28], [sflag:$0x1], $0x80, v3, vm0, $0xb8;
	[tilespmem:$0x10500] =	vst v63  }
0x16a: {  	_ = 	snop  }
0x16b: {  	[hbm4b:s8+s3] =	stream.indirect_vreg.scatter [tilespmem:s29], [sflag:$0x1], $0x80, v3, vm0, $0xb8;
	[tilespmem:$0x10500] =	vst v63  }
0x16c: {  	_ =	swait.ge [sflag:s10], $0x8000  }
0x16d: {  	s0 =	rddreg [dreg:$0x12];
	[sflag:s10] =	ssyncset.done $0x0  }
0x16e: {  	s31 =	rddreg [dreg:$0x13];
	[sflag:s10] =	ssyncadd.s32 $0xFFFF8000  }
0x16f: {  	[hbm4b:s2+s30] =	stream.indirect.scatter [tilespmem:s31], [sflag:$0x1], $0x80, s0, s30, $0xb8;
	[tilespmem:$0x10500] =	vst v63  }
0x170: {  	_ =	swait.ge [sflag:s10], $0x1000  }
0x171: {  	s0 =	rddreg [dreg:$0x14];
	[sflag:s10] =	ssyncset.done $0x0  }
0x172: {  	s31 =	rddreg [dreg:$0x15];
	[sflag:s10] =	ssyncadd.s32 $0xFFFFF000  }
0x173: {  	[hbm4b:s2+s30] =	stream.indirect.scatter [tilespmem:s31], [sflag:$0x1], $0x80, s0, s30, $0xb8;
	[tilespmem:$0x10500] =	vst v63  }
0x174: {  	_ =	swait.ge [sflag:s10], $0x1000  }
0x175: {  	[sflag:s10] =	ssyncset.done $0x0  }
0x176: {  	s31 =	rddreg [dreg:$0xa];
	[sflag:s10] =	ssyncadd.s32 $0xFFFFF000  }
0x177: {  	[tilespmem:s13], [sflag:$0x1] =	stream.linear.gather [hbm4b:s31+s3], $0x8000, $0x38;
	[tilespmem:$0x10500] =	vst v63  }
0x178: {  	_ =	swait.ge [sflag:s10], $0x8000  }
0x179: {  	[sflag:s10] =	ssyncset.done $0x0  }
0x17a: {  	[sflag:s10] =	ssyncadd.s32 $0xFFFF8000  }
0x17b: {  	v3 =	vld [tilespmem:$0x280];
	_ =	sdelay $0x4  }
0x17c: {  	v60 =	vshll.u32 v3, $0x3  }
0x17d: {  	v3 =	vand.u32 $0x7, v3;
	v4 =	vand.u32 $0xFFFFFFC0, v60  }
0x17e: {  	v3 =	vor.u32 v3, v4  }
0x17f: {  	v4 =	vperm.xlane v3, v0;
	_ =	sdelay $0x1  }
0x180: {  	v4 =	vadd.s32 v1, v4;
	_ =	sdelay $0x4  }
0x181: {  	[hbm4b:s4+s3] =	stream.indirect_vreg.scatter [tilespmem:s13], [sflag:$0x1], $0x80, v4, vm0, $0xb8;
	[tilespmem:$0x10500] =	vst v63  }
0x182: {  	v3 =	vperm.xlane v3, v2  }
0x183: {  	[hbm4b:s6+s3] =	stream.indirect_vreg.scatter [tilespmem:s14], [sflag:$0x1], $0x80, v4, vm0, $0xb8;
	[tilespmem:$0x10500] =	vst v63  }
0x184: {  	v3 =	vadd.s32 v1, v3  }
0x185: {  	[hbm4b:s7+s3] =	stream.indirect_vreg.scatter [tilespmem:s15], [sflag:$0x1], $0x80, v4, vm0, $0xb8;
	[tilespmem:$0x10500] =	vst v63  }
0x186: {  	_ = 	snop  }
0x187: {  	[hbm4b:s8+s3] =	stream.indirect_vreg.scatter [tilespmem:s16], [sflag:$0x1], $0x80, v4, vm0, $0xb8;
	[tilespmem:$0x10500] =	vst v63  }
0x188: {  	_ = 	snop  }
0x189: {  	[hbm4b:s4+s3] =	stream.indirect_vreg.scatter [tilespmem:s17], [sflag:$0x1], $0x80, v3, vm0, $0xb8;
	[tilespmem:$0x10500] =	vst v63  }
0x18a: {  	_ = 	snop  }
0x18b: {  	[hbm4b:s6+s3] =	stream.indirect_vreg.scatter [tilespmem:s18], [sflag:$0x1], $0x80, v3, vm0, $0xb8;
	[tilespmem:$0x10500] =	vst v63  }
0x18c: {  	_ = 	snop  }
0x18d: {  	[hbm4b:s7+s3] =	stream.indirect_vreg.scatter [tilespmem:s19], [sflag:$0x1], $0x80, v3, vm0, $0xb8;
	[tilespmem:$0x10500] =	vst v63  }
0x18e: {  	_ = 	snop  }
0x18f: {  	[hbm4b:s8+s3] =	stream.indirect_vreg.scatter [tilespmem:s20], [sflag:$0x1], $0x80, v3, vm0, $0xb8;
	[tilespmem:$0x10500] =	vst v63  }
0x190: {  	v3 =	vld [tilespmem:$0x290];
	_ =	sdelay $0x4  }
0x191: {  	v61 =	vshll.u32 v3, $0x3  }
0x192: {  	v3 =	vand.u32 $0x7, v3;
	v4 =	vand.u32 $0xFFFFFFC0, v61  }
0x193: {  	v3 =	vor.u32 v3, v4  }
0x194: {  	v4 =	vperm.xlane v3, v0;
	_ =	sdelay $0x1  }
0x195: {  	v4 =	vadd.s32 v1, v4;
	_ =	sdelay $0x4  }
0x196: {  	[hbm4b:s4+s3] =	stream.indirect_vreg.scatter [tilespmem:s21], [sflag:$0x1], $0x80, v4, vm0, $0xb8;
	[tilespmem:$0x10500] =	vst v63  }
0x197: {  	v3 =	vperm.xlane v3, v2  }
0x198: {  	[hbm4b:s6+s3] =	stream.indirect_vreg.scatter [tilespmem:s22], [sflag:$0x1], $0x80, v4, vm0, $0xb8;
	[tilespmem:$0x10500] =	vst v63  }
0x199: {  	v3 =	vadd.s32 v1, v3  }
0x19a: {  	[hbm4b:s7+s3] =	stream.indirect_vreg.scatter [tilespmem:s23], [sflag:$0x1], $0x80, v4, vm0, $0xb8;
	[tilespmem:$0x10500] =	vst v63  }
0x19b: {  	_ = 	snop  }
0x19c: {  	[hbm4b:s8+s3] =	stream.indirect_vreg.scatter [tilespmem:s24], [sflag:$0x1], $0x80, v4, vm0, $0xb8;
	[tilespmem:$0x10500] =	vst v63  }
0x19d: {  	_ = 	snop  }
0x19e: {  	[hbm4b:s4+s3] =	stream.indirect_vreg.scatter [tilespmem:s25], [sflag:$0x1], $0x80, v3, vm0, $0xb8;
	[tilespmem:$0x10500] =	vst v63  }
0x19f: {  	_ = 	snop  }
0x1a0: {  	[hbm4b:s6+s3] =	stream.indirect_vreg.scatter [tilespmem:s26], [sflag:$0x1], $0x80, v3, vm0, $0xb8;
	[tilespmem:$0x10500] =	vst v63  }
0x1a1: {  	_ = 	snop  }
0x1a2: {  	[hbm4b:s7+s3] =	stream.indirect_vreg.scatter [tilespmem:s28], [sflag:$0x1], $0x80, v3, vm0, $0xb8;
	[tilespmem:$0x10500] =	vst v63  }
0x1a3: {  	_ = 	snop  }
0x1a4: {  	[hbm4b:s8+s3] =	stream.indirect_vreg.scatter [tilespmem:s29], [sflag:$0x1], $0x80, v3, vm0, $0xb8;
	[tilespmem:$0x10500] =	vst v63  }
0x1a5: {  	_ =	swait.ge [sflag:s10], $0x8000  }
0x1a6: {  	[sflag:s10] =	ssyncset.done $0x0  }
0x1a7: {  	[sflag:s10] =	ssyncadd.s32 $0xFFFF8000  }
0x1a8: {  	v3 =	vld [tilespmem:$0x480];
	_ =	sdelay $0x4  }
0x1a9: {  	v62 =	vshll.u32 v3, $0x3  }
0x1aa: {  	v3 =	vand.u32 $0x7, v3;
	v4 =	vand.u32 $0xFFFFFFC0, v62  }
0x1ab: {  	v3 =	vor.u32 v3, v4  }
0x1ac: {  	v4 =	vperm.xlane v3, v0;
	_ =	sdelay $0x1  }
0x1ad: {  	v4 =	vadd.s32 v1, v4;
	_ =	sdelay $0x4  }
0x1ae: {  	[hbm4b:s4+s3] =	stream.indirect_vreg.scatter [tilespmem:s13], [sflag:$0x1], $0x80, v4, vm0, $0xb8;
	[tilespmem:$0x10500] =	vst v63  }
0x1af: {  	v3 =	vperm.xlane v3, v2  }
0x1b0: {  	[hbm4b:s6+s3] =	stream.indirect_vreg.scatter [tilespmem:s14], [sflag:$0x1], $0x80, v4, vm0, $0xb8;
	[tilespmem:$0x10500] =	vst v63  }
0x1b1: {  	v3 =	vadd.s32 v1, v3  }
0x1b2: {  	[hbm4b:s7+s3] =	stream.indirect_vreg.scatter [tilespmem:s15], [sflag:$0x1], $0x80, v4, vm0, $0xb8;
	[tilespmem:$0x10500] =	vst v63  }
0x1b3: {  	_ = 	snop  }
0x1b4: {  	[hbm4b:s8+s3] =	stream.indirect_vreg.scatter [tilespmem:s16], [sflag:$0x1], $0x80, v4, vm0, $0xb8;
	[tilespmem:$0x10500] =	vst v63  }
0x1b5: {  	_ = 	snop  }
0x1b6: {  	[hbm4b:s4+s3] =	stream.indirect_vreg.scatter [tilespmem:s17], [sflag:$0x1], $0x80, v3, vm0, $0xb8;
	[tilespmem:$0x10500] =	vst v63  }
0x1b7: {  	_ = 	snop  }
0x1b8: {  	[hbm4b:s6+s3] =	stream.indirect_vreg.scatter [tilespmem:s18], [sflag:$0x1], $0x80, v3, vm0, $0xb8;
	[tilespmem:$0x10500] =	vst v63  }
0x1b9: {  	_ = 	snop  }
0x1ba: {  	[hbm4b:s7+s3] =	stream.indirect_vreg.scatter [tilespmem:s19], [sflag:$0x1], $0x80, v3, vm0, $0xb8;
	[tilespmem:$0x10500] =	vst v63  }
0x1bb: {  	_ = 	snop  }
0x1bc: {  	[hbm4b:s8+s3] =	stream.indirect_vreg.scatter [tilespmem:s20], [sflag:$0x1], $0x80, v3, vm0, $0xb8;
	[tilespmem:$0x10500] =	vst v63  }
0x1bd: {  	v3 =	vld [tilespmem:$0x490];
	_ =	sdelay $0x4  }
0x1be: {  	v63 =	vshll.u32 v3, $0x3  }
0x1bf: {  	v3 =	vand.u32 $0x7, v3;
	v4 =	vand.u32 $0xFFFFFFC0, v63  }
0x1c0: {  	v3 =	vor.u32 v3, v4  }
0x1c1: {  	v4 =	vperm.xlane v3, v0;
	_ =	sdelay $0x1  }
0x1c2: {  	v4 =	vadd.s32 v1, v4;
	_ =	sdelay $0x4  }
0x1c3: {  	[hbm4b:s4+s3] =	stream.indirect_vreg.scatter [tilespmem:s21], [sflag:$0x1], $0x80, v4, vm0, $0xb8;
	[tilespmem:$0x10500] =	vst v63  }
0x1c4: {  	v3 =	vperm.xlane v3, v2  }
0x1c5: {  	[hbm4b:s6+s3] =	stream.indirect_vreg.scatter [tilespmem:s22], [sflag:$0x1], $0x80, v4, vm0, $0xb8;
	[tilespmem:$0x10500] =	vst v63  }
0x1c6: {  	v3 =	vadd.s32 v1, v3  }
0x1c7: {  	[hbm4b:s7+s3] =	stream.indirect_vreg.scatter [tilespmem:s23], [sflag:$0x1], $0x80, v4, vm0, $0xb8;
	[tilespmem:$0x10500] =	vst v63  }
0x1c8: {  	_ = 	snop  }
0x1c9: {  	[hbm4b:s8+s3] =	stream.indirect_vreg.scatter [tilespmem:s24], [sflag:$0x1], $0x80, v4, vm0, $0xb8;
	[tilespmem:$0x10500] =	vst v63  }
0x1ca: {  	_ = 	snop  }
0x1cb: {  	[hbm4b:s4+s3] =	stream.indirect_vreg.scatter [tilespmem:s25], [sflag:$0x1], $0x80, v3, vm0, $0xb8;
	[tilespmem:$0x10500] =	vst v63  }
0x1cc: {  	_ = 	snop  }
0x1cd: {  	[hbm4b:s6+s3] =	stream.indirect_vreg.scatter [tilespmem:s26], [sflag:$0x1], $0x80, v3, vm0, $0xb8;
	[tilespmem:$0x10500] =	vst v63  }
0x1ce: {  	_ = 	snop  }
0x1cf: {  	[hbm4b:s7+s3] =	stream.indirect_vreg.scatter [tilespmem:s28], [sflag:$0x1], $0x80, v3, vm0, $0xb8;
	[tilespmem:$0x10500] =	vst v63  }
0x1d0: {  	_ = 	snop  }
0x1d1: {  	[hbm4b:s8+s3] =	stream.indirect_vreg.scatter [tilespmem:s29], [sflag:$0x1], $0x80, v3, vm0, $0xb8;
	[tilespmem:$0x10500] =	vst v63  }
0x1d2: {  	_ =	swait.ge [sflag:s10], $0x8000  }
0x1d3: {  	s0 =	rddreg [dreg:$0x16];
	[sflag:s10] =	ssyncset.done $0x0  }
0x1d4: {  	s31 =	rddreg [dreg:$0x17];
	[sflag:s10] =	ssyncadd.s32 $0xFFFF8000  }
0x1d5: {  	[hbm4b:s2+s30] =	stream.indirect.scatter [tilespmem:s31], [sflag:$0x1], $0x80, s0, s30, $0xb8;
	[tilespmem:$0x10500] =	vst v63  }
0x1d6: {  	_ =	swait.ge [sflag:s10], $0x1000  }
0x1d7: {  	p0 =	sne.s32 s9, $0x1;
	[sflag:s10] =	ssyncset.done $0x0  }
.Ltmp0:
0x1d8: {  	s31 =	simm.s32 $0x480;
	[sflag:s10] =	ssyncadd.s32 $0xFFFFF000;
	(pc) =	sbr.rel @p0 .LBB2_1-.Ltmp0, $4  }
0x1d9: {  	[hbm4b:s2+s30] =	stream.indirect.scatter [tilespmem:s1], [sflag:$0x1], $0x80, s31, s30, $0xb8;
	[tilespmem:$0x10500] =	vst v63  }
0x1da: {  	_ =	swait.ge [sflag:s10], $0x1000  }
0x1db: {  	[sflag:s10] =	ssyncset.done $0x0  }
0x1dc: {  	s9 =	sadd.s32 $0xFFFFFFFF, s9;
	[sflag:s10] =	ssyncadd.s32 $0xFFFFF000  }
0x1dd: {  	_ =	sfence.sel $0x180000  }
0x1de: {  	[bflag:$0x0] =	sbarrier.arrive $0xFFFF  }
0x1df: {  	_ =	strace $0x90000047  }
0x1e0: {  	s0 =	stileid.u32;
	[bflag:$0x2] =	sbarrier.arrive $0xFFFF  }
0x1e1: {  	p0 =	sne.s32 s0, $0x0;
	s0 =	rddreg [dreg:$0x3]  }
0x1e2: {  	s0 =	sadd.s32 @!p0 $0x100000, s0  }
0x1e3: {  	[sflag:s0] =	ssyncadd.tile.s32 @!p0 $0x1;
	_ =	shalt  }
.Lfunc_end2:
_tile_overlayer_lowered:
.L_overlay_start_2:
0x1e4: {  	(tag) =	ssettag $0x2  }
0x1e5: {  	s0 =	rddreg [dreg:$0x0];
	s2 =	stileid.u32  }
0x1e6: {  	s1 =	rddreg [dreg:$0x1];
	p0 =	sne.s32 s2, $0x0  }
0x1e7: {  	s3 =	rddreg [dreg:$0x2];
	[bflag:$0x3] =	sbarrier.arrive $0xFFFF;
	s2 =	simm.s32 @!p0 $0x1C01  }
0x1e8: {  	[timem:s3], [sflag:s2] =	dma.local @!p0 [hbm:s0], s1  }
0x1e9: {  	s0 =	simm.s32 @!p0 $0x1  }
0x1ea: {  	_ =	swait.ge @!p0 [sflag:s0], s1  }
0x1eb: {  	s1 =	ssub.s32 @!p0 $0x0, s1;
	[sflag:s0] =	ssyncset.done @!p0 $0x0  }
0x1ec: {  	[sflag:s0] =	ssyncadd.s32 @!p0 s1  }
0x1ed: {  	[bflag:$0x3] =	sbarrier.arrive $0xFFFF  }
0x1ee: {  	_ =	shalt  }

// kernel: kernel.8.cloned.1.call-start
scs
__scs_entry_jumppad:
0x0: {  	(pc) =	sbr.rel $0x88, $3  }
0x1: {  	(tag) =	ssettag $0x0;
	lr =	simm.s32 $0x1  }
0x2: {  	[smem:$0x3F9F] =	sst lr;
	_ =	strace $0xD0000000  }
0x3: {  	_ = 	snop  }
0x4: {  	_ = 	snop  }
0x5: {  	_ = 	snop  }
0x6: {  	_ = 	snop  }
0x7: {  	_ = 	snop  }
__scs_overlays_trampoline_lowered:
0x8: {  	[smem:$0x3FAE] =	sst s0  }
0x9: {  	[smem:$0x3FAF] =	sst s1  }
0xa: {  	[smem:$0x3FB0] =	sst s2  }
0xb: {  	[smem:$0x3FB1] =	sst s3  }
0xc: {  	[smem:$0x3FB2] =	sst s4  }
0xd: {  	[smem:$0x3FB3] =	sst s5  }
0xe: {  	[smem:$0x3FB4] =	sst s6  }
0xf: {  	[smem:$0x3FB5] =	sst s7  }
0x10: {  	[smem:$0x3FB6] =	sst s8  }
0x11: {  	[smem:$0x3FB7] =	sst s9;
	s0 =	simm.s32 @!p0 $0x0  }
0x12: {  	s1 =	sld [smem:$0x3F9D];
	s0 =	simm.s32 @p0 $0x1  }
0x13: {  	[smem:$0x3FB8] =	sst s0;
	s0 =	simm.s32 @!p1 $0x0  }
0x14: {  	s2 =	sld [smem:$0x3F9C];
	s0 =	simm.s32 @p1 $0x1  }
0x15: {  	[smem:$0x3FB9] =	sst s0;
	s0 =	simm.s32 @!p2 $0x0  }
0x16: {  	s3 =	sld [smem:$0x3FDB];
	s0 =	simm.s32 @p2 $0x1  }
0x17: {  	s4 =	simm.s32 $0x1BF5;
	[smem:$0x3FBB] =	sst s0  }
0x18: {  	s0 =	sld [smem:$0x3F9E];
	_ =	swait.ge [sflag:s4], $0x0  }
0x19: {  	s7 =	sld [smem:$0x3F9F]  }
0x1a: {  	s8 =	sadd.s32 $0xFFFFE003, lr  }
0x1b: {  	s9 =	sadd.s32 $0xFFFFFEF7, lr;
	s5 =	simm.s32 $0xFFFFFFFF;
	p2 =	slt.u32 s8, $0xFFFFF086  }
0x1c: {  	p1 =	slt.u32 s9, $0xF7A;
	s5 =	simm.s32 @!p2 $0x0  }
0x1d: {  	s5 =	simm.s32 @p1 $0x1;
	p0 =	seq.s32 s7, s2  }
0x1e: {  	s7 =	smul.u32 @!p0 $0xF7A, s2;
	p2 =	seq.s32 @!p0 s5, $0x0  }
0x1f: {  	s9 =	smul.u32 $0xF7A, s1;
	s8 =	simm.s32 @!p0 $0x1BF5;
	p2 =	por !p2, p0  }
0x20: {  	[sflag:s8] =	ssyncset.s32 @!p0 $0xFFFFF086;
	s6 =	sadd.s32 @!p0 s3, s7;
	s7 =	simm.s32 @!p0 $0x108  }
0x21: {  	s3 =	sadd.s32 s3, s9;
	s6 =	sadd.s32 @!p0 $0x88, s6;
	s7 =	simm.s32 @p2 $0x1082  }
0x22: {  	[simem:s7], [sflag:s8] =	dma.local @!p0 [hbm:s6], $0xF7A  }
0x23: {  	s9 =	sor.u32 $0xD0000000, s2;
	s6 =	simm.s32 $0x108;
	_ =	swait.ge @!p0 [sflag:s8], $0x0  }
0x24: {  	s3 =	sadd.s32 $0x88, s3;
	s6 =	simm.s32 @!p1 $0x1082;
	[sflag:s4] =	ssyncset.s32 $0xFFFFF086  }
0x25: {  	[simem:s6], [sflag:s4] =	dma.local [hbm:s3], $0xF7A  }
0x26: {  	[smem:$0x3F9F] =	sst s1;
	(tag) =	ssettag s2;
	_ =	strace s9  }
0x27: {  	s1 =	sld [smem:$0x3FAF]  }
0x28: {  	s2 =	sld [smem:$0x3FB0]  }
0x29: {  	s4 =	sld [smem:$0x3FB2]  }
0x2a: {  	p0 =	seq.s32 s5, $0x0;
	s5 =	sld [smem:$0x3FB3]  }
0x2b: {  	s6 =	sld [smem:$0x3FB4]  }
0x2c: {  	s7 =	sld [smem:$0x3FB5]  }
0x2d: {  	s3 =	simm.s32 $0x108;
	s8 =	sld [smem:$0x3FB6]  }
0x2e: {  	s3 =	simm.s32 @!p0 $0x1082;
	s9 =	sld [smem:$0x3FB7]  }
0x2f: {  	lr =	sadd.s32 s0, s3;
	s0 =	sld [smem:$0x3FAE]  }
0x30: {  	s3 =	sld [smem:$0x3FB1]  }
0x31: {  	[smem:$0x3FBA] =	sst s10  }
0x32: {  	s10 =	sld [smem:$0x3FB8];
	_ =	sdelay $0x3  }
0x33: {  	p0 =	seq.s32 s10, $0x1;
	s10 =	sld [smem:$0x3FBA];
	_ =	sdelay $0x3  }
0x34: {  	[smem:$0x3FBA] =	sst s10  }
0x35: {  	s10 =	sld [smem:$0x3FB9];
	_ =	sdelay $0x3  }
0x36: {  	p1 =	seq.s32 s10, $0x1;
	s10 =	sld [smem:$0x3FBA];
	_ =	sdelay $0x3  }
0x37: {  	[smem:$0x3FBA] =	sst s10  }
0x38: {  	s10 =	sld [smem:$0x3FBB]  }
0x39: {  	_ = 	snop;
	(pc) =	sbr.ind lr, $3  }
0x3a: {  	_ = 	snop  }
0x3b: {  	_ = 	snop  }
0x3c: {  	p2 =	seq.s32 s10, $0x1;
	s10 =	sld [smem:$0x3FBA]  }
0x3d: {  	_ =	shalt  }
0x3e: {  	_ =	shalt  }
0x3f: {  	_ =	shalt  }
0x40: {  	_ =	shalt  }
0x41: {  	_ =	shalt  }
0x42: {  	_ =	shalt  }
0x43: {  	_ =	shalt  }
0x44: {  	_ =	shalt  }
0x45: {  	_ =	shalt  }
0x46: {  	_ =	shalt  }
0x47: {  	_ =	shalt  }
0x48: {  	_ =	shalt  }
0x49: {  	_ =	shalt  }
0x4a: {  	_ =	shalt  }
0x4b: {  	_ =	shalt  }
0x4c: {  	_ =	shalt  }
0x4d: {  	_ =	shalt  }
0x4e: {  	_ =	shalt  }
0x4f: {  	_ =	shalt  }
0x50: {  	_ =	shalt  }
0x51: {  	_ =	shalt  }
0x52: {  	_ =	shalt  }
0x53: {  	_ =	shalt  }
0x54: {  	_ =	shalt  }
0x55: {  	_ =	shalt  }
0x56: {  	_ =	shalt  }
0x57: {  	_ =	shalt  }
0x58: {  	_ =	shalt  }
0x59: {  	_ =	shalt  }
0x5a: {  	_ =	shalt  }
0x5b: {  	_ =	shalt  }
0x5c: {  	_ =	shalt  }
0x5d: {  	_ =	shalt  }
0x5e: {  	_ =	shalt  }
0x5f: {  	_ =	shalt  }
0x60: {  	_ =	shalt  }
0x61: {  	_ =	shalt  }
0x62: {  	_ =	shalt  }
0x63: {  	_ =	shalt  }
0x64: {  	_ =	shalt  }
0x65: {  	_ =	shalt  }
0x66: {  	_ =	shalt  }
0x67: {  	_ =	shalt  }
0x68: {  	_ =	shalt  }
0x69: {  	_ =	shalt  }
0x6a: {  	_ =	shalt  }
0x6b: {  	_ =	shalt  }
0x6c: {  	_ =	shalt  }
0x6d: {  	_ =	shalt  }
0x6e: {  	_ =	shalt  }
0x6f: {  	_ =	shalt  }
0x70: {  	_ =	shalt  }
0x71: {  	_ =	shalt  }
0x72: {  	_ =	shalt  }
0x73: {  	_ =	shalt  }
0x74: {  	_ =	shalt  }
0x75: {  	_ =	shalt  }
0x76: {  	_ =	shalt  }
0x77: {  	_ =	shalt  }
0x78: {  	_ =	shalt  }
0x79: {  	_ =	shalt  }
0x7a: {  	_ =	shalt  }
0x7b: {  	_ =	shalt  }
0x7c: {  	_ =	shalt  }
0x7d: {  	_ =	shalt  }
0x7e: {  	_ =	shalt  }
0x7f: {  	_ =	shalt  }
0x80: {  	_ =	shalt  }
0x81: {  	_ =	shalt  }
0x82: {  	_ =	shalt  }
0x83: {  	_ =	shalt  }
0x84: {  	_ =	shalt  }
0x85: {  	_ =	shalt  }
0x86: {  	_ =	shalt  }
0x87: {  	_ =	shalt  }
.Lfunc_end0:
.L_simem_size_0:
called_computation.1_lowered:
.L_overlay_start_0:
0x88: {  	s2 =	sld [smem:$0x3FD9]  }
0x89: {  	s3 =	sld [smem:$0x3FFE];
	_ =	sdelay $0x1  }
0x8a: {  	s1 =	srdreg.scid  }
0x8b: {  	s0 =	sand.u32 $0x1, s1  }
0x8c: {  	s17 =	sshll.u32 s0, $0xA;
	s2 =	sadd.s32 s3, s2  }
0x8d: {  	s2 =	sadd.s32 s2, s17  }
0x8e: {  	[smem:$0x3FC6] =	sst s2  }
0x8f: {  	_ = 	snop  }
0x90: {  	s2 =	sld [smem:$0x3FD0];
	(tm) =	ssettm $0x1  }
0x91: {  	s18 =	sld [smem:$0x3FFB];
	_ =	sdelay $0x3  }
0x92: {  	_ =	strace s18  }
0x93: {  	s3 =	sld [smem:$0x3FFC];
	_ =	sdelay $0x3  }
0x94: {  	_ =	strace s3  }
0x95: {  	s3 =	sld [smem:$0x3FFD];
	_ =	sdelay $0x3  }
0x96: {  	_ =	strace s3  }
0x97: {  	_ =	strace $0x8FFFFFFF  }
0x98: {  	s19 =	sld [smem:$0x3FDB];
	_ =	sdelay $0x1  }
0x99: {  	s4 =	simm.s32 $_scs_section_size  }
0x9a: {  	s5 =	simm.s32 $_size__tile_overlayer_lowered;
	s6 =	simm.s32 $_tile_overlayer_lowered  }
0x9b: {  	s22 =	simm.s32 $0x1BFF;
	s21 =	sshll.u32 s6, $0x1;
	s3 =	sadd.s32 s4, s19  }
0x9c: {  	s7 =	simm.s32 $0x0;
	s20 =	sshll.u32 s5, $0x1;
	s5 =	sadd.s32 s21, s3  }
0x9d: {  	[timem:s7], [sflag:s22] =	dma.local [hbm:s5], s20  }
0x9e: {  	_ =	swait.ge [sflag:s22], s20  }
0x9f: {  	s4 =	ssub.s32 $0x0, s20;
	[sflag:s22] =	ssyncset.done $0x0  }
0xa0: {  	[sflag:s22] =	ssyncadd.s32 s4;
	_ =	sdelay $0x1  }
0xa1: {  	s23 =	simm.s32 $0x1B8B  }
0xa2: {  	_ =	swait.ge [sflag:s23], $0x1  }
0xa3: {  	[sflag:s23] =	ssyncset.done $0x0  }
0xa4: {  	s25 =	simm.s32 $0x1B8E;
	s24 =	sld [smem:$0x3FFE];
	[sflag:s23] =	ssyncadd.s32 $0xFFFFFFFF  }
0xa5: {  	s26 =	simm.s32 $execute0_lowered;
	[smem:$0x3FD2] =	sst s25  }
0xa6: {  	s5 =	sshll.u32 s26, $0x1;
	_ =	strace $0x80000049;
	[dreg:$0x1] =	wrdreg $0xFFFFFFFF  }
0xa7: {  	s28 =	simm.s32 $_size_execute0_lowered;
	s3 =	sadd.s32 s3, s5;
	[dreg:$0x0] =	wrdreg $0x0  }
0xa8: {  	s5 =	sshll.u32 s28, $0x1;
	[dreg:$0x2] =	wrdreg s3  }
0xa9: {  	[dreg:$0x3] =	wrdreg s5  }
0xaa: {  	[dreg:$0x4] =	wrdreg $0xC0  }
0xab: {  	_ =	task [dreg:s7], $0x5FFFF  }
0xac: {  	[dreg:$0x1] =	wrdreg $0xFFFFFFFF  }
0xad: {  	[dreg:$0x0] =	wrdreg $0x60  }
0xae: {  	[dreg:$0x2] =	wrdreg s24  }
0xaf: {  	[dreg:$0x3] =	wrdreg s2  }
0xb0: {  	[dreg:$0x4] =	wrdreg $0x9  }
0xb1: {  	_ =	task.clear_ibuf [dreg:s7], $0x5FFFF;
	_ =	strace $0x90000049  }
0xb2: {  	s29 =	simm.s32 $0x9;
	_ =	strace $0x8000004B  }
0xb3: {  	_ =	swait.ge [sflag:s29], $0x1  }
0xb4: {  	[sflag:s29] =	ssyncadd.s32 $0xFFFFFFFF  }
0xb5: {  	_ =	strace $0x9000004B  }
0xb6: {  	_ =	sfence  }
0xb7: {  	s30 =	sld [smem:$0x0];
	_ =	sdelay $0x2  }
0xb8: {  	s31 =	sshll.u32 s1, $0xD;
	s1 =	sshrl.u32 s1, $0x2  }
0xb9: {  	s3 =	sand.u32 $0x4000, s31;
	s1 =	sadd.s32 s1, s30  }
0xba: {  	s0 =	sor.u32 s3, s0;
	s1 =	sshll.u32 s1, $0x11  }
0xbb: {  	s0 =	sor.u32 s1, s0  }
0xbc: {  	s0 =	sadd.s32 $0x8F2B, s0  }
0xbd: {  	[sflag:s0] =	ssyncadd.remote.s32 $0x1  }
0xbe: {  	_ =	sfence.sel $0xFFFF  }
0xbf: {  	[dreg:$0x0] =	wrdreg $0xFFFFFFFF;
	(pc) =	sbr.abs _section_cstart, $3  }
0xc0: {  	[dreg:$0x1] =	wrdreg $0xFFFFFFFF  }
0xc1: {  	_ =	task.clear_ibuf [dreg:s7], $0x2FFFF;
	_ =	strace $0x9FFFFFFF  }
0xc2: {  	(tm) =	ssettm $0x7FFFFFFF  }
0xc3: {  	_ =	shalt  }
tec
execute0_lowered:
.L_overlay_start_1:
0x0: {  	(tag) =	ssettag $0x1  }
0x1: {  	s0 =	rddreg [dreg:$0x0]  }
0x2: {  	s1 =	rddreg [dreg:$0x1]  }
0x3: {  	s3 =	srdreg.scid;
	s4 =	stileid.u32;
	s2 =	simm.s32 $0x0  }
0x4: {  	s10 =	simm.s32 $0x4900;
	s3 =	sand.u32 $0x1, s3;
	s4 =	sshll.u32 s4, $0x1  }
0x5: {  	s28 =	simm.s32 $0x10100;
	s29 =	simm.s32 $0x1;
	s4 =	sor.u32 s3, s4  }
0x6: {  	s30 =	simm.s32 $0x3;
	s5 =	sshll.u32 s4, $0x4;
	s4 =	sshll.u32 s4, $0xE  }
0x7: {  	[smem:$0x7FF] =	sst s2;
	s7 =	sadd.s32 s5, s0;
	s1 =	sadd.s32 s1, s4  }
0x8: {  	_ =	strace $0x8000004A;
	s17 =	sadd.s32 $0x21400, s7;
	[dreg:$0x4] =	wrdreg s1  }
0x9: {  	s31 =	simm.s32 $0x2;
	s18 =	sadd.s32 $0x21600, s7;
	[dreg:$0x3] =	wrdreg s17  }
0xa: {  	s9 =	sadd.s32 $0x121F00, s0;
	s19 =	sadd.s32 $0x800, s1;
	[dreg:$0x5] =	wrdreg s18  }
0xb: {  	s6 =	ssub.s32 $0x2, s3;
	s20 =	sadd.s32 $0x1000, s1;
	[dreg:$0x6] =	wrdreg s19  }
0xc: {  	s3 =	sadd.s32 $0x121C00, s0;
	s21 =	sadd.s32 $0x1800, s1;
	[dreg:$0x7] =	wrdreg s20  }
0xd: {  	s16 =	sshrl.u32 s6, $0x1;
	s22 =	sadd.s32 $0x2000, s1;
	[dreg:$0x8] =	wrdreg s21  }
0xe: {  	s8 =	ssub.s32 s6, s16;
	s23 =	sadd.s32 $0x2800, s1;
	[dreg:$0x9] =	wrdreg s22  }
0xf: {  	s5 =	sadd.s32 $0x121D00, s0;
	s24 =	sadd.s32 $0x3000, s1;
	[dreg:$0xa] =	wrdreg s23  }
0x10: {  	s6 =	sadd.s32 $0x121E00, s0;
	s25 =	sadd.s32 $0x3800, s1;
	[dreg:$0xb] =	wrdreg s24  }
0x11: {  	s0 =	simm.s32 $0x4;
	s26 =	smax.u32 s8, $0x1;
	[dreg:$0xc] =	wrdreg s25  }
0x12: {  	s4 =	simm.s32 $0x0;
	s1 =	simm.s32 $0x5;
	[dreg:$0xd] =	wrdreg s26  }
0x13: {  	v2 =	vlaneseq.u32;
	s18 =	simm.s32 $0x7;
	s20 =	simm.s32 $0x900;
	s21 =	simm.s32 $0xD100  }
0x14: {  	vm0 =	vmmov $0xffff;
	v1 =	vshrl.u32 v2, $0x3;
	s22 =	simm.s32 $0xD900;
	s23 =	simm.s32 $0xE100;
	s24 =	simm.s32 $0xE900  }
0x15: {  	v0 =	vand.u32 $0x7, v2;
	v2 =	vor.u32 $0x8, v2;
	v1 =	vmul.u32 $0x8, v1;
	s25 =	simm.s32 $0xF100;
	s26 =	simm.s32 $0xF900;
	s19 =	simm.s32 $0x6  }
.LBB2_1:
0x16: {  	s7 =	rddreg [dreg:$0x3]  }
0x17: {  	[tilespmem:s2], [sflag:$0x7] =	stream.linear.gather [hbm4b:s7+s2], $0x80, $0x38;
	[tilespmem:$0x10900] =	vst v63  }
0x18: {  	_ =	swait.ge [sflag:s18], $0x80  }
0x19: {  	[sflag:s18] =	ssyncset.done $0x0  }
0x1a: {  	s8 =	simm.s32 $0x80;
	s17 =	rddreg [dreg:$0x5];
	[sflag:s18] =	ssyncadd.s32 $0xFFFFFF80  }
0x1b: {  	[tilespmem:s8], [sflag:$0x7] =	stream.linear.gather [hbm4b:s17+s2], $0x80, $0x38;
	[tilespmem:$0x10900] =	vst v63  }
0x1c: {  	_ =	swait.ge [sflag:s18], $0x80  }
0x1d: {  	[sflag:s18] =	ssyncset.done $0x0  }
0x1e: {  	[sflag:s18] =	ssyncadd.s32 $0xFFFFFF80  }
0x1f: {  	v3 =	vld [tilespmem:$0x0]  }
0x20: {  	v4 =	vld [tilespmem:$0x10]  }
0x21: {  	v5 =	vld [tilespmem:$0x20]  }
0x22: {  	v6 =	vld [tilespmem:$0x30]  }
0x23: {  	v7 =	vld [tilespmem:$0x40]  }
0x24: {  	v8 =	vld [tilespmem:$0x50]  }
0x25: {  	[tilespmem:$0x100] =	vst v3;
	v3 =	vld [tilespmem:$0x60]  }
0x26: {  	[tilespmem:$0x180] =	vst v4;
	v52 =	vld [tilespmem:$0x100]  }
0x27: {  	v53 =	vld [tilespmem:$0x70];
	[tilespmem:$0x200] =	vst v5  }
0x28: {  	v54 =	vld [tilespmem:$0x80];
	[tilespmem:$0x280] =	vst v6  }
0x29: {  	v55 =	vld [tilespmem:$0x90];
	[tilespmem:$0x300] =	vst v7  }
0x2a: {  	v56 =	vld [tilespmem:$0xA0];
	[tilespmem:$0x380] =	vst v8  }
0x2b: {  	[tilespmem:$0x400] =	vst v3;
	v3 =	vld [tilespmem:$0xB0];
	v9 =	vshll.u32 v52, $0x3  }
0x2c: {  	v57 =	vld [tilespmem:$0xC0];
	[tilespmem:$0x480] =	vst v53;
	v4 =	vand.u32 $0x7, v52;
	v9 =	vand.u32 $0xFFFFFFC0, v9  }
0x2d: {  	v58 =	vld [tilespmem:$0xD0];
	[tilespmem:$0x500] =	vst v54;
	v4 =	vor.u32 v4, v9  }
0x2e: {  	v59 =	vld [tilespmem:$0xE0];
	[tilespmem:$0x580] =	vst v55;
	v9 =	vperm.xlane v4, v0  }
0x2f: {  	v60 =	vld [tilespmem:$0xF0];
	[tilespmem:$0x600] =	vst v56  }
0x30: {  	[tilespmem:$0x680] =	vst v3;
	v3 =	vadd.s32 v1, v9  }
0x31: {  	[tilespmem:$0x700] =	vst v57  }
0x32: {  	[tilespmem:$0x780] =	vst v58  }
0x33: {  	[tilespmem:$0x800] =	vst v59  }
0x34: {  	[tilespmem:$0x880] =	vst v60  }
0x35: {  	[tilespmem:s20], [sflag:$0x1] =	stream.indirect_vreg.gather [hbm4b:s3+s2], $0x80, v3, vm0, $0xb8;
	[tilespmem:$0x10900] =	vst v63  }
0x36: {  	s11 =	simm.s32 $0x1100;
	v4 =	vperm.xlane v4, v2  }
0x37: {  	[tilespmem:s11], [sflag:$0x1] =	stream.indirect_vreg.gather [hbm4b:s5+s2], $0x80, v3, vm0, $0xb8;
	[tilespmem:$0x10900] =	vst v63  }
0x38: {  	s12 =	simm.s32 $0x1900;
	v4 =	vadd.s32 v1, v4  }
0x39: {  	[tilespmem:s12], [sflag:$0x1] =	stream.indirect_vreg.gather [hbm4b:s6+s2], $0x80, v3, vm0, $0xb8;
	[tilespmem:$0x10900] =	vst v63  }
0x3a: {  	s13 =	simm.s32 $0x2100  }
0x3b: {  	[tilespmem:s13], [sflag:$0x1] =	stream.indirect_vreg.gather [hbm4b:s9+s2], $0x80, v3, vm0, $0xb8;
	[tilespmem:$0x10900] =	vst v63  }
0x3c: {  	s14 =	simm.s32 $0x2900  }
0x3d: {  	[tilespmem:s14], [sflag:$0x1] =	stream.indirect_vreg.gather [hbm4b:s3+s2], $0x80, v4, vm0, $0xb8;
	[tilespmem:$0x10900] =	vst v63  }
0x3e: {  	s15 =	simm.s32 $0x3100  }
0x3f: {  	[tilespmem:s15], [sflag:$0x1] =	stream.indirect_vreg.gather [hbm4b:s5+s2], $0x80, v4, vm0, $0xb8;
	[tilespmem:$0x10900] =	vst v63  }
0x40: {  	s16 =	simm.s32 $0x3900  }
0x41: {  	[tilespmem:s16], [sflag:$0x1] =	stream.indirect_vreg.gather [hbm4b:s6+s2], $0x80, v4, vm0, $0xb8;
	[tilespmem:$0x10900] =	vst v63  }
0x42: {  	s17 =	simm.s32 $0x4100  }
0x43: {  	[tilespmem:s17], [sflag:$0x1] =	stream.indirect_vreg.gather [hbm4b:s9+s2], $0x80, v4, vm0, $0xb8;
	[tilespmem:$0x10900] =	vst v63  }
0x44: {  	v3 =	vld [tilespmem:$0x500];
	_ =	sdelay $0x4  }
0x45: {  	v61 =	vshll.u32 v3, $0x3  }
0x46: {  	v3 =	vand.u32 $0x7, v3;
	v4 =	vand.u32 $0xFFFFFFC0, v61  }
0x47: {  	v3 =	vor.u32 v3, v4  }
0x48: {  	v4 =	vperm.xlane v3, v0;
	_ =	sdelay $0x1  }
0x49: {  	v4 =	vadd.s32 v1, v4;
	_ =	sdelay $0x3  }
0x4a: {  	s8 =	simm.s32 $0x8900  }
0x4b: {  	[tilespmem:s8], [sflag:$0x3] =	stream.indirect_vreg.gather [hbm4b:s3+s2], $0x80, v4, vm0, $0xb8;
	[tilespmem:$0x10900] =	vst v63  }
0x4c: {  	s11 =	simm.s32 $0x9100;
	v3 =	vperm.xlane v3, v2  }
0x4d: {  	[tilespmem:s11], [sflag:$0x3] =	stream.indirect_vreg.gather [hbm4b:s5+s2], $0x80, v4, vm0, $0xb8;
	[tilespmem:$0x10900] =	vst v63  }
0x4e: {  	s12 =	simm.s32 $0x9900;
	v3 =	vadd.s32 v1, v3  }
0x4f: {  	[tilespmem:s12], [sflag:$0x3] =	stream.indirect_vreg.gather [hbm4b:s6+s2], $0x80, v4, vm0, $0xb8;
	[tilespmem:$0x10900] =	vst v63  }
0x50: {  	s13 =	simm.s32 $0xA100  }
0x51: {  	[tilespmem:s13], [sflag:$0x3] =	stream.indirect_vreg.gather [hbm4b:s9+s2], $0x80, v4, vm0, $0xb8;
	[tilespmem:$0x10900] =	vst v63  }
0x52: {  	s14 =	simm.s32 $0xA900  }
0x53: {  	[tilespmem:s14], [sflag:$0x3] =	stream.indirect_vreg.gather [hbm4b:s3+s2], $0x80, v3, vm0, $0xb8;
	[tilespmem:$0x10900] =	vst v63  }
0x54: {  	s15 =	simm.s32 $0xB100  }
0x55: {  	[tilespmem:s15], [sflag:$0x3] =	stream.indirect_vreg.gather [hbm4b:s5+s2], $0x80, v3, vm0, $0xb8;
	[tilespmem:$0x10900] =	vst v63  }
0x56: {  	s16 =	simm.s32 $0xB900  }
0x57: {  	[tilespmem:s16], [sflag:$0x3] =	stream.indirect_vreg.gather [hbm4b:s6+s2], $0x80, v3, vm0, $0xb8;
	[tilespmem:$0x10900] =	vst v63  }
0x58: {  	s17 =	simm.s32 $0xC100  }
0x59: {  	[tilespmem:s17], [sflag:$0x3] =	stream.indirect_vreg.gather [hbm4b:s9+s2], $0x80, v3, vm0, $0xb8;
	[tilespmem:$0x10900] =	vst v63  }
0x5a: {  	v3 =	vld [tilespmem:$0x180];
	_ =	sdelay $0x4  }
0x5b: {  	v62 =	vshll.u32 v3, $0x3  }
0x5c: {  	v3 =	vand.u32 $0x7, v3;
	v4 =	vand.u32 $0xFFFFFFC0, v62  }
0x5d: {  	v3 =	vor.u32 v3, v4  }
0x5e: {  	v4 =	vperm.xlane v3, v0;
	_ =	sdelay $0x1  }
0x5f: {  	v4 =	vadd.s32 v1, v4;
	_ =	sdelay $0x4  }
0x60: {  	[tilespmem:s10], [sflag:$0x2] =	stream.indirect_vreg.gather [hbm4b:s3+s2], $0x80, v4, vm0, $0xb8;
	[tilespmem:$0x10900] =	vst v63  }
0x61: {  	s8 =	simm.s32 $0x5100;
	v3 =	vperm.xlane v3, v2  }
0x62: {  	[tilespmem:s8], [sflag:$0x2] =	stream.indirect_vreg.gather [hbm4b:s5+s2], $0x80, v4, vm0, $0xb8;
	[tilespmem:$0x10900] =	vst v63  }
0x63: {  	s11 =	simm.s32 $0x5900;
	v3 =	vadd.s32 v1, v3  }
0x64: {  	[tilespmem:s11], [sflag:$0x2] =	stream.indirect_vreg.gather [hbm4b:s6+s2], $0x80, v4, vm0, $0xb8;
	[tilespmem:$0x10900] =	vst v63  }
0x65: {  	s12 =	simm.s32 $0x6100  }
0x66: {  	[tilespmem:s12], [sflag:$0x2] =	stream.indirect_vreg.gather [hbm4b:s9+s2], $0x80, v4, vm0, $0xb8;
	[tilespmem:$0x10900] =	vst v63  }
0x67: {  	s13 =	simm.s32 $0x6900  }
0x68: {  	[tilespmem:s13], [sflag:$0x2] =	stream.indirect_vreg.gather [hbm4b:s3+s2], $0x80, v3, vm0, $0xb8;
	[tilespmem:$0x10900] =	vst v63  }
0x69: {  	s14 =	simm.s32 $0x7100  }
0x6a: {  	[tilespmem:s14], [sflag:$0x2] =	stream.indirect_vreg.gather [hbm4b:s5+s2], $0x80, v3, vm0, $0xb8;
	[tilespmem:$0x10900] =	vst v63  }
0x6b: {  	s15 =	simm.s32 $0x7900  }
0x6c: {  	[tilespmem:s15], [sflag:$0x2] =	stream.indirect_vreg.gather [hbm4b:s6+s2], $0x80, v3, vm0, $0xb8;
	[tilespmem:$0x10900] =	vst v63  }
0x6d: {  	s16 =	simm.s32 $0x8100  }
0x6e: {  	[tilespmem:s16], [sflag:$0x2] =	stream.indirect_vreg.gather [hbm4b:s9+s2], $0x80, v3, vm0, $0xb8;
	[tilespmem:$0x10900] =	vst v63  }
0x6f: {  	v3 =	vld [tilespmem:$0x580];
	_ =	sdelay $0x4  }
0x70: {  	v63 =	vshll.u32 v3, $0x3  }
0x71: {  	v3 =	vand.u32 $0x7, v3;
	v4 =	vand.u32 $0xFFFFFFC0, v63  }
0x72: {  	v3 =	vor.u32 v3, v4  }
0x73: {  	v4 =	vperm.xlane v3, v0;
	_ =	sdelay $0x1  }
0x74: {  	v4 =	vadd.s32 v1, v4;
	_ =	sdelay $0x3  }
0x75: {  	s17 =	simm.s32 $0xC900  }
0x76: {  	[tilespmem:s17], [sflag:$0x4] =	stream.indirect_vreg.gather [hbm4b:s3+s2], $0x80, v4, vm0, $0xb8;
	[tilespmem:$0x10900] =	vst v63  }
0x77: {  	v3 =	vperm.xlane v3, v2  }
0x78: {  	[tilespmem:s21], [sflag:$0x4] =	stream.indirect_vreg.gather [hbm4b:s5+s2], $0x80, v4, vm0, $0xb8;
	[tilespmem:$0x10900] =	vst v63  }
0x79: {  	v3 =	vadd.s32 v1, v3  }
0x7a: {  	[tilespmem:s22], [sflag:$0x4] =	stream.indirect_vreg.gather [hbm4b:s6+s2], $0x80, v4, vm0, $0xb8;
	[tilespmem:$0x10900] =	vst v63  }
0x7b: {  	_ = 	snop  }
0x7c: {  	[tilespmem:s23], [sflag:$0x4] =	stream.indirect_vreg.gather [hbm4b:s9+s2], $0x80, v4, vm0, $0xb8;
	[tilespmem:$0x10900] =	vst v63  }
0x7d: {  	_ = 	snop  }
0x7e: {  	[tilespmem:s24], [sflag:$0x4] =	stream.indirect_vreg.gather [hbm4b:s3+s2], $0x80, v3, vm0, $0xb8;
	[tilespmem:$0x10900] =	vst v63  }
0x7f: {  	_ = 	snop  }
0x80: {  	[tilespmem:s25], [sflag:$0x4] =	stream.indirect_vreg.gather [hbm4b:s5+s2], $0x80, v3, vm0, $0xb8;
	[tilespmem:$0x10900] =	vst v63  }
0x81: {  	_ = 	snop  }
0x82: {  	[tilespmem:s26], [sflag:$0x4] =	stream.indirect_vreg.gather [hbm4b:s6+s2], $0x80, v3, vm0, $0xb8;
	[tilespmem:$0x10900] =	vst v63  }
0x83: {  	_ = 	snop  }
0x84: {  	[tilespmem:s28], [sflag:$0x4] =	stream.indirect_vreg.gather [hbm4b:s9+s2], $0x80, v3, vm0, $0xb8;
	[tilespmem:$0x10900] =	vst v63  }
0x85: {  	_ =	swait.ge [sflag:s29], $0x4000  }
0x86: {  	[sflag:s29] =	ssyncset.done $0x0  }
0x87: {  	[sflag:s29] =	ssyncadd.s32 $0xFFFFC000  }
0x88: {  	_ =	swait.ge [sflag:s30], $0x4000  }
0x89: {  	[sflag:s30] =	ssyncset.done $0x0  }
0x8a: {  	s8 =	simm.s32 $0x0;
	[sflag:s30] =	ssyncadd.s32 $0xFFFFC000  }
.LBB2_2:
0x8b: {  	s11 =	sshll.u32 s8, $0xA;
	s12 =	sshll.u32 s8, $0x7  }
0x8c: {  	s13 =	simm.s32 $0x0;
	s11 =	sand.u32 $0x2000, s11;
	s12 =	sand.u32 $0x380, s12  }
0x8d: {  	s16 =	sand.u32 $0x40, s13;
	s11 =	sor.u32 s11, s12  }
0x8e: {  	s13 =	sand.u32 $0x1C00, s13;
	s12 =	sor.u32 s16, s11  }
0x8f: {  	s12 =	sor.u32 s13, s12  }
0x90: {  	v3 =	vld [tilespmem:s12+$0x8900]  }
0x91: {  	v7 =	vld [tilespmem:s12+$0x8910]  }
0x92: {  	v8 =	vld [tilespmem:s12+$0x8920]  }
0x93: {  	v9 =	vld [tilespmem:s12+$0x8930]  }
0x94: {  	s17 =	simm.s32 $0x40;
	v4 =	vld [tilespmem:s12+$0x900]  }
0x95: {  	s14 =	simm.s32 $0x200;
	s13 =	sand.u32 $0x40, s17;
	v10 =	vld [tilespmem:s12+$0x910]  }
0x96: {  	s15 =	sand.u32 $0x1C00, s14;
	s13 =	sor.u32 s13, s11;
	v11 =	vld [tilespmem:s12+$0x920]  }
0x97: {  	v12 =	vld [tilespmem:s12+$0x930];
	s13 =	sor.u32 s15, s13  }
0x98: {  	v6 =	vld [tilespmem:s13+$0x8900]  }
0x99: {  	v5 =	vld [tilespmem:s13+$0x8910];
	v13 =	vadd.f32 v3, v4  }
0x9a: {  	v4 =	vld [tilespmem:s13+$0x8920];
	v10 =	vadd.f32 v7, v10  }
0x9b: {  	v3 =	vld [tilespmem:s13+$0x8930];
	v8 =	vadd.f32 v8, v11;
	[tilespmem:s12+$0x900] =	vst v13  }
0x9c: {  	s15 =	simm.s32 $0x80;
	v9 =	vadd.f32 v9, v12;
	v7 =	vld [tilespmem:s13+$0x900];
	[tilespmem:s12+$0x910] =	vst v10  }
.LBB2_3:
0x9d: {  	s16 =	sand.u32 $0x40, s15;
	p0 =	sne.s32 s15, $0x3C0;
	v10 =	vld [tilespmem:s13+$0x910];
	s14 =	sadd.s32 $0x200, s14;
	[tilespmem:s12+$0x920] =	vst v8;
	v8 =	vmov v6  }
0x9e: {  	s17 =	sand.u32 $0x1C00, s14;
	s16 =	sor.u32 s16, s11;
	v11 =	vld [tilespmem:s13+$0x920];
	[tilespmem:s12+$0x930] =	vst v9;
	v9 =	vmov v5;
	s12 =	smov.u32 s13  }
0x9f: {  	s13 =	sor.u32 s17, s16;
	v12 =	vld [tilespmem:s12+$0x930];
	v13 =	vmov v4  }
.Ltmp0:
0xa0: {  	v6 =	vld [tilespmem:s13+$0x8900];
	v14 =	vmov v3;
	(pc) =	sbr.rel @p0 .LBB2_3-.Ltmp0, $4  }
0xa1: {  	v5 =	vld [tilespmem:s13+$0x8910];
	v7 =	vadd.f32 v8, v7  }
0xa2: {  	v4 =	vld [tilespmem:s13+$0x8920];
	v9 =	vadd.f32 v9, v10  }
0xa3: {  	v3 =	vld [tilespmem:s13+$0x8930];
	[tilespmem:s12+$0x900] =	vst v7;
	v8 =	vadd.f32 v13, v11  }
0xa4: {  	s15 =	sadd.s32 $0x40, s15;
	v7 =	vld [tilespmem:s13+$0x900];
	[tilespmem:s12+$0x910] =	vst v9;
	v9 =	vadd.f32 v14, v12  }
0xa5: {  	v10 =	vld [tilespmem:s13+$0x910];
	[tilespmem:s12+$0x920] =	vst v8  }
0xa6: {  	v8 =	vld [tilespmem:s13+$0x920];
	[tilespmem:s12+$0x930] =	vst v9  }
0xa7: {  	v9 =	vld [tilespmem:s13+$0x930]  }
0xa8: {  	s8 =	sadd.s32 $0x1, s8  }
0xa9: {  	p0 =	sne.s32 s8, $0x10;
	v6 =	vadd.f32 v6, v7  }
.Ltmp1:
0xaa: {  	v5 =	vadd.f32 v5, v10;
	(pc) =	sbr.rel @p0 .LBB2_2-.Ltmp1, $4  }
0xab: {  	[tilespmem:s13+$0x900] =	vst v6;
	v4 =	vadd.f32 v4, v8  }
0xac: {  	[tilespmem:s13+$0x910] =	vst v5;
	v3 =	vadd.f32 v3, v9  }
0xad: {  	[tilespmem:s13+$0x920] =	vst v4  }
0xae: {  	[tilespmem:s13+$0x930] =	vst v3  }
0xaf: {  	s8 =	simm.s32 $0x0;
	s7 =	rddreg [dreg:$0x4]  }
0xb0: {  	[hbm4b:s7+s8] =	stream.linear.scatter [tilespmem:s20], [sflag:$0x5], $0x4000, $0x38;
	[tilespmem:$0x10900] =	vst v63  }
0xb1: {  	v3 =	vld [tilespmem:$0x200];
	_ =	sdelay $0x4  }
0xb2: {  	v4 =	vshll.u32 v3, $0x3  }
0xb3: {  	v3 =	vand.u32 $0x7, v3;
	v4 =	vand.u32 $0xFFFFFFC0, v4  }
0xb4: {  	v3 =	vor.u32 v3, v4  }
0xb5: {  	v4 =	vperm.xlane v3, v0;
	_ =	sdelay $0x1  }
0xb6: {  	v4 =	vadd.s32 v1, v4;
	_ =	sdelay $0x4  }
0xb7: {  	[tilespmem:s20], [sflag:$0x1] =	stream.indirect_vreg.gather [hbm4b:s3+s8], $0x80, v4, vm0, $0xb8;
	[tilespmem:$0x10900] =	vst v63  }
0xb8: {  	s17 =	simm.s32 $0x1100;
	v3 =	vperm.xlane v3, v2  }
0xb9: {  	[tilespmem:s17], [sflag:$0x1] =	stream.indirect_vreg.gather [hbm4b:s5+s8], $0x80, v4, vm0, $0xb8;
	[tilespmem:$0x10900] =	vst v63  }
0xba: {  	s11 =	simm.s32 $0x1900;
	v3 =	vadd.s32 v1, v3  }
0xbb: {  	[tilespmem:s11], [sflag:$0x1] =	stream.indirect_vreg.gather [hbm4b:s6+s8], $0x80, v4, vm0, $0xb8;
	[tilespmem:$0x10900] =	vst v63  }
0xbc: {  	s12 =	simm.s32 $0x2100  }
0xbd: {  	[tilespmem:s12], [sflag:$0x1] =	stream.indirect_vreg.gather [hbm4b:s9+s8], $0x80, v4, vm0, $0xb8;
	[tilespmem:$0x10900] =	vst v63  }
0xbe: {  	s13 =	simm.s32 $0x2900  }
0xbf: {  	[tilespmem:s13], [sflag:$0x1] =	stream.indirect_vreg.gather [hbm4b:s3+s8], $0x80, v3, vm0, $0xb8;
	[tilespmem:$0x10900] =	vst v63  }
0xc0: {  	s14 =	simm.s32 $0x3100  }
0xc1: {  	[tilespmem:s14], [sflag:$0x1] =	stream.indirect_vreg.gather [hbm4b:s5+s8], $0x80, v3, vm0, $0xb8;
	[tilespmem:$0x10900] =	vst v63  }
0xc2: {  	s15 =	simm.s32 $0x3900  }
0xc3: {  	[tilespmem:s15], [sflag:$0x1] =	stream.indirect_vreg.gather [hbm4b:s6+s8], $0x80, v3, vm0, $0xb8;
	[tilespmem:$0x10900] =	vst v63  }
0xc4: {  	s16 =	simm.s32 $0x4100  }
0xc5: {  	[tilespmem:s16], [sflag:$0x1] =	stream.indirect_vreg.gather [hbm4b:s9+s8], $0x80, v3, vm0, $0xb8;
	[tilespmem:$0x10900] =	vst v63  }
0xc6: {  	v3 =	vld [tilespmem:$0x600];
	_ =	sdelay $0x4  }
0xc7: {  	v63 =	vshll.u32 v3, $0x3  }
0xc8: {  	v3 =	vand.u32 $0x7, v3;
	v4 =	vand.u32 $0xFFFFFFC0, v63  }
0xc9: {  	v3 =	vor.u32 v3, v4  }
0xca: {  	v4 =	vperm.xlane v3, v0;
	_ =	sdelay $0x1  }
0xcb: {  	v4 =	vadd.s32 v1, v4;
	_ =	sdelay $0x3  }
0xcc: {  	s17 =	simm.s32 $0x8900  }
0xcd: {  	[tilespmem:s17], [sflag:$0x3] =	stream.indirect_vreg.gather [hbm4b:s3+s8], $0x80, v4, vm0, $0xb8;
	[tilespmem:$0x10900] =	vst v63  }
0xce: {  	s11 =	simm.s32 $0x9100;
	v3 =	vperm.xlane v3, v2  }
0xcf: {  	[tilespmem:s11], [sflag:$0x3] =	stream.indirect_vreg.gather [hbm4b:s5+s8], $0x80, v4, vm0, $0xb8;
	[tilespmem:$0x10900] =	vst v63  }
0xd0: {  	s12 =	simm.s32 $0x9900;
	v3 =	vadd.s32 v1, v3  }
0xd1: {  	[tilespmem:s12], [sflag:$0x3] =	stream.indirect_vreg.gather [hbm4b:s6+s8], $0x80, v4, vm0, $0xb8;
	[tilespmem:$0x10900] =	vst v63  }
0xd2: {  	s13 =	simm.s32 $0xA100  }
0xd3: {  	[tilespmem:s13], [sflag:$0x3] =	stream.indirect_vreg.gather [hbm4b:s9+s8], $0x80, v4, vm0, $0xb8;
	[tilespmem:$0x10900] =	vst v63  }
0xd4: {  	s14 =	simm.s32 $0xA900  }
0xd5: {  	[tilespmem:s14], [sflag:$0x3] =	stream.indirect_vreg.gather [hbm4b:s3+s8], $0x80, v3, vm0, $0xb8;
	[tilespmem:$0x10900] =	vst v63  }
0xd6: {  	s15 =	simm.s32 $0xB100  }
0xd7: {  	[tilespmem:s15], [sflag:$0x3] =	stream.indirect_vreg.gather [hbm4b:s5+s8], $0x80, v3, vm0, $0xb8;
	[tilespmem:$0x10900] =	vst v63  }
0xd8: {  	s16 =	simm.s32 $0xB900  }
0xd9: {  	[tilespmem:s16], [sflag:$0x3] =	stream.indirect_vreg.gather [hbm4b:s6+s8], $0x80, v3, vm0, $0xb8;
	[tilespmem:$0x10900] =	vst v63  }
0xda: {  	s17 =	simm.s32 $0xC100  }
0xdb: {  	[tilespmem:s17], [sflag:$0x3] =	stream.indirect_vreg.gather [hbm4b:s9+s8], $0x80, v3, vm0, $0xb8;
	[tilespmem:$0x10900] =	vst v63  }
0xdc: {  	_ =	swait.ge [sflag:s31], $0x4000  }
0xdd: {  	[sflag:s31] =	ssyncset.done $0x0  }
0xde: {  	[sflag:s31] =	ssyncadd.s32 $0xFFFFC000  }
0xdf: {  	_ =	swait.ge [sflag:s0], $0x4000  }
0xe0: {  	[sflag:s0] =	ssyncset.done $0x0  }
0xe1: {  	s11 =	simm.s32 $0x0;
	[sflag:s0] =	ssyncadd.s32 $0xFFFFC000  }
.LBB2_6:
0xe2: {  	s12 =	sshll.u32 s11, $0xA;
	s13 =	sshll.u32 s11, $0x7  }
0xe3: {  	s12 =	sand.u32 $0x2000, s12;
	s13 =	sand.u32 $0x380, s13  }
0xe4: {  	s16 =	sand.u32 $0x40, s8;
	s12 =	sor.u32 s13, s12  }
0xe5: {  	s14 =	sand.u32 $0x1C00, s8;
	s13 =	sor.u32 s16, s12  }
0xe6: {  	s13 =	sor.u32 s14, s13  }
0xe7: {  	v3 =	vld [tilespmem:s13+$0xC900]  }
0xe8: {  	v7 =	vld [tilespmem:s13+$0xC910]  }
0xe9: {  	v8 =	vld [tilespmem:s13+$0xC920]  }
0xea: {  	v9 =	vld [tilespmem:s13+$0xC930]  }
0xeb: {  	s17 =	simm.s32 $0x40;
	v4 =	vld [tilespmem:s13+$0x4900]  }
0xec: {  	s15 =	simm.s32 $0x200;
	s14 =	sand.u32 $0x40, s17;
	v10 =	vld [tilespmem:s13+$0x4910]  }
0xed: {  	s16 =	sand.u32 $0x1C00, s15;
	s14 =	sor.u32 s14, s12;
	v11 =	vld [tilespmem:s13+$0x4920]  }
0xee: {  	v12 =	vld [tilespmem:s13+$0x4930];
	s14 =	sor.u32 s16, s14  }
0xef: {  	v6 =	vld [tilespmem:s14+$0xC900]  }
0xf0: {  	v5 =	vld [tilespmem:s14+$0xC910];
	v13 =	vadd.f32 v3, v4  }
0xf1: {  	v4 =	vld [tilespmem:s14+$0xC920];
	v10 =	vadd.f32 v7, v10  }
0xf2: {  	v3 =	vld [tilespmem:s14+$0xC930];
	v8 =	vadd.f32 v8, v11;
	[tilespmem:s13+$0x4900] =	vst v13  }
0xf3: {  	s16 =	simm.s32 $0x80;
	v9 =	vadd.f32 v9, v12;
	v7 =	vld [tilespmem:s14+$0x4900];
	[tilespmem:s13+$0x4910] =	vst v10  }
.LBB2_7:
0xf4: {  	s17 =	sand.u32 $0x40, s16;
	p0 =	sne.s32 s16, $0x3C0;
	v10 =	vld [tilespmem:s14+$0x4910];
	s15 =	sadd.s32 $0x200, s15;
	[tilespmem:s13+$0x4920] =	vst v8;
	v8 =	vmov v6  }
0xf5: {  	s7 =	sand.u32 $0x1C00, s15;
	s17 =	sor.u32 s17, s12;
	v11 =	vld [tilespmem:s14+$0x4920];
	[tilespmem:s13+$0x4930] =	vst v9;
	v9 =	vmov v5;
	s13 =	smov.u32 s14  }
0xf6: {  	s14 =	sor.u32 s7, s17;
	v12 =	vld [tilespmem:s13+$0x4930];
	v13 =	vmov v4  }
.Ltmp2:
0xf7: {  	v6 =	vld [tilespmem:s14+$0xC900];
	v14 =	vmov v3;
	(pc) =	sbr.rel @p0 .LBB2_7-.Ltmp2, $4  }
0xf8: {  	v5 =	vld [tilespmem:s14+$0xC910];
	v7 =	vadd.f32 v8, v7  }
0xf9: {  	v4 =	vld [tilespmem:s14+$0xC920];
	v9 =	vadd.f32 v9, v10  }
0xfa: {  	v3 =	vld [tilespmem:s14+$0xC930];
	[tilespmem:s13+$0x4900] =	vst v7;
	v8 =	vadd.f32 v13, v11  }
0xfb: {  	s16 =	sadd.s32 $0x40, s16;
	v7 =	vld [tilespmem:s14+$0x4900];
	[tilespmem:s13+$0x4910] =	vst v9;
	v9 =	vadd.f32 v14, v12  }
0xfc: {  	v10 =	vld [tilespmem:s14+$0x4910];
	[tilespmem:s13+$0x4920] =	vst v8  }
0xfd: {  	v8 =	vld [tilespmem:s14+$0x4920];
	[tilespmem:s13+$0x4930] =	vst v9  }
0xfe: {  	v9 =	vld [tilespmem:s14+$0x4930]  }
0xff: {  	s11 =	sadd.s32 $0x1, s11  }
0x100: {  	p0 =	sne.s32 s11, $0x10;
	v6 =	vadd.f32 v6, v7  }
.Ltmp3:
0x101: {  	v5 =	vadd.f32 v5, v10;
	(pc) =	sbr.rel @p0 .LBB2_6-.Ltmp3, $4  }
0x102: {  	[tilespmem:s14+$0x4900] =	vst v6;
	v4 =	vadd.f32 v4, v8  }
0x103: {  	[tilespmem:s14+$0x4910] =	vst v5;
	v3 =	vadd.f32 v3, v9  }
0x104: {  	[tilespmem:s14+$0x4920] =	vst v4  }
0x105: {  	[tilespmem:s14+$0x4930] =	vst v3  }
0x106: {  	s8 =	simm.s32 $0x0;
	s7 =	rddreg [dreg:$0x6]  }
0x107: {  	[hbm4b:s7+s8] =	stream.linear.scatter [tilespmem:s10], [sflag:$0x6], $0x4000, $0x38;
	[tilespmem:$0x10900] =	vst v63  }
0x108: {  	v3 =	vld [tilespmem:$0x280];
	_ =	sdelay $0x4  }
0x109: {  	v4 =	vshll.u32 v3, $0x3  }
0x10a: {  	v3 =	vand.u32 $0x7, v3;
	v4 =	vand.u32 $0xFFFFFFC0, v4  }
0x10b: {  	v3 =	vor.u32 v3, v4  }
0x10c: {  	v4 =	vperm.xlane v3, v0;
	_ =	sdelay $0x1  }
0x10d: {  	v4 =	vadd.s32 v1, v4;
	_ =	sdelay $0x4  }
0x10e: {  	[tilespmem:s10], [sflag:$0x2] =	stream.indirect_vreg.gather [hbm4b:s3+s8], $0x80, v4, vm0, $0xb8;
	[tilespmem:$0x10900] =	vst v63  }
0x10f: {  	s17 =	simm.s32 $0x5100;
	v3 =	vperm.xlane v3, v2  }
0x110: {  	[tilespmem:s17], [sflag:$0x2] =	stream.indirect_vreg.gather [hbm4b:s5+s8], $0x80, v4, vm0, $0xb8;
	[tilespmem:$0x10900] =	vst v63  }
0x111: {  	s11 =	simm.s32 $0x5900;
	v3 =	vadd.s32 v1, v3  }
0x112: {  	[tilespmem:s11], [sflag:$0x2] =	stream.indirect_vreg.gather [hbm4b:s6+s8], $0x80, v4, vm0, $0xb8;
	[tilespmem:$0x10900] =	vst v63  }
0x113: {  	s12 =	simm.s32 $0x6100  }
0x114: {  	[tilespmem:s12], [sflag:$0x2] =	stream.indirect_vreg.gather [hbm4b:s9+s8], $0x80, v4, vm0, $0xb8;
	[tilespmem:$0x10900] =	vst v63  }
0x115: {  	s13 =	simm.s32 $0x6900  }
0x116: {  	[tilespmem:s13], [sflag:$0x2] =	stream.indirect_vreg.gather [hbm4b:s3+s8], $0x80, v3, vm0, $0xb8;
	[tilespmem:$0x10900] =	vst v63  }
0x117: {  	s14 =	simm.s32 $0x7100  }
0x118: {  	[tilespmem:s14], [sflag:$0x2] =	stream.indirect_vreg.gather [hbm4b:s5+s8], $0x80, v3, vm0, $0xb8;
	[tilespmem:$0x10900] =	vst v63  }
0x119: {  	s15 =	simm.s32 $0x7900  }
0x11a: {  	[tilespmem:s15], [sflag:$0x2] =	stream.indirect_vreg.gather [hbm4b:s6+s8], $0x80, v3, vm0, $0xb8;
	[tilespmem:$0x10900] =	vst v63  }
0x11b: {  	s16 =	simm.s32 $0x8100  }
0x11c: {  	[tilespmem:s16], [sflag:$0x2] =	stream.indirect_vreg.gather [hbm4b:s9+s8], $0x80, v3, vm0, $0xb8;
	[tilespmem:$0x10900] =	vst v63  }
0x11d: {  	v3 =	vld [tilespmem:$0x680];
	_ =	sdelay $0x4  }
0x11e: {  	v63 =	vshll.u32 v3, $0x3  }
0x11f: {  	v3 =	vand.u32 $0x7, v3;
	v4 =	vand.u32 $0xFFFFFFC0, v63  }
0x120: {  	v3 =	vor.u32 v3, v4  }
0x121: {  	v4 =	vperm.xlane v3, v0;
	_ =	sdelay $0x1  }
0x122: {  	v4 =	vadd.s32 v1, v4;
	_ =	sdelay $0x3  }
0x123: {  	s17 =	simm.s32 $0xC900  }
0x124: {  	[tilespmem:s17], [sflag:$0x4] =	stream.indirect_vreg.gather [hbm4b:s3+s8], $0x80, v4, vm0, $0xb8;
	[tilespmem:$0x10900] =	vst v63  }
0x125: {  	v3 =	vperm.xlane v3, v2  }
0x126: {  	[tilespmem:s21], [sflag:$0x4] =	stream.indirect_vreg.gather [hbm4b:s5+s8], $0x80, v4, vm0, $0xb8;
	[tilespmem:$0x10900] =	vst v63  }
0x127: {  	v3 =	vadd.s32 v1, v3  }
0x128: {  	[tilespmem:s22], [sflag:$0x4] =	stream.indirect_vreg.gather [hbm4b:s6+s8], $0x80, v4, vm0, $0xb8;
	[tilespmem:$0x10900] =	vst v63  }
0x129: {  	_ = 	snop  }
0x12a: {  	[tilespmem:s23], [sflag:$0x4] =	stream.indirect_vreg.gather [hbm4b:s9+s8], $0x80, v4, vm0, $0xb8;
	[tilespmem:$0x10900] =	vst v63  }
0x12b: {  	_ = 	snop  }
0x12c: {  	[tilespmem:s24], [sflag:$0x4] =	stream.indirect_vreg.gather [hbm4b:s3+s8], $0x80, v3, vm0, $0xb8;
	[tilespmem:$0x10900] =	vst v63  }
0x12d: {  	_ = 	snop  }
0x12e: {  	[tilespmem:s25], [sflag:$0x4] =	stream.indirect_vreg.gather [hbm4b:s5+s8], $0x80, v3, vm0, $0xb8;
	[tilespmem:$0x10900] =	vst v63  }
0x12f: {  	_ = 	snop  }
0x130: {  	[tilespmem:s26], [sflag:$0x4] =	stream.indirect_vreg.gather [hbm4b:s6+s8], $0x80, v3, vm0, $0xb8;
	[tilespmem:$0x10900] =	vst v63  }
0x131: {  	_ = 	snop  }
0x132: {  	[tilespmem:s28], [sflag:$0x4] =	stream.indirect_vreg.gather [hbm4b:s9+s8], $0x80, v3, vm0, $0xb8;
	[tilespmem:$0x10900] =	vst v63  }
0x133: {  	_ =	swait.ge [sflag:s29], $0x4000  }
0x134: {  	[sflag:s29] =	ssyncset.done $0x0  }
0x135: {  	[sflag:s29] =	ssyncadd.s32 $0xFFFFC000  }
0x136: {  	_ =	swait.ge [sflag:s30], $0x4000  }
0x137: {  	[sflag:s30] =	ssyncset.done $0x0  }
0x138: {  	s11 =	simm.s32 $0x0;
	[sflag:s30] =	ssyncadd.s32 $0xFFFFC000  }
.LBB2_10:
0x139: {  	s7 =	sshll.u32 s11, $0xA;
	s12 =	sshll.u32 s11, $0x7  }
0x13a: {  	s7 =	sand.u32 $0x2000, s7;
	s12 =	sand.u32 $0x380, s12  }
0x13b: {  	s16 =	sand.u32 $0x40, s8;
	s12 =	sor.u32 s7, s12  }
0x13c: {  	s13 =	sand.u32 $0x1C00, s8;
	s7 =	sor.u32 s16, s12  }
0x13d: {  	s13 =	sor.u32 s13, s7  }
0x13e: {  	v3 =	vld [tilespmem:s13+$0x8900]  }
0x13f: {  	v7 =	vld [tilespmem:s13+$0x8910]  }
0x140: {  	v8 =	vld [tilespmem:s13+$0x8920]  }
0x141: {  	v9 =	vld [tilespmem:s13+$0x8930]  }
0x142: {  	s17 =	simm.s32 $0x40;
	v4 =	vld [tilespmem:s13+$0x900]  }
0x143: {  	s15 =	simm.s32 $0x200;
	s7 =	sand.u32 $0x40, s17;
	v10 =	vld [tilespmem:s13+$0x910]  }
0x144: {  	s14 =	sand.u32 $0x1C00, s15;
	s7 =	sor.u32 s7, s12;
	v11 =	vld [tilespmem:s13+$0x920]  }
0x145: {  	v12 =	vld [tilespmem:s13+$0x930];
	s14 =	sor.u32 s14, s7  }
0x146: {  	v6 =	vld [tilespmem:s14+$0x8900]  }
0x147: {  	v5 =	vld [tilespmem:s14+$0x8910];
	v13 =	vadd.f32 v3, v4  }
0x148: {  	v4 =	vld [tilespmem:s14+$0x8920];
	v10 =	vadd.f32 v7, v10  }
0x149: {  	v3 =	vld [tilespmem:s14+$0x8930];
	v8 =	vadd.f32 v8, v11;
	[tilespmem:s13+$0x900] =	vst v13  }
0x14a: {  	s16 =	simm.s32 $0x80;
	v9 =	vadd.f32 v9, v12;
	v7 =	vld [tilespmem:s14+$0x900];
	[tilespmem:s13+$0x910] =	vst v10  }
.LBB2_11:
0x14b: {  	s7 =	sand.u32 $0x40, s16;
	p0 =	sne.s32 s16, $0x3C0;
	v10 =	vld [tilespmem:s14+$0x910];
	s15 =	sadd.s32 $0x200, s15;
	[tilespmem:s13+$0x920] =	vst v8;
	v8 =	vmov v6  }
0x14c: {  	s17 =	sand.u32 $0x1C00, s15;
	s7 =	sor.u32 s7, s12;
	v11 =	vld [tilespmem:s14+$0x920];
	[tilespmem:s13+$0x930] =	vst v9;
	v9 =	vmov v5;
	s13 =	smov.u32 s14  }
0x14d: {  	s14 =	sor.u32 s17, s7;
	v12 =	vld [tilespmem:s13+$0x930];
	v13 =	vmov v4  }
.Ltmp4:
0x14e: {  	v6 =	vld [tilespmem:s14+$0x8900];
	v14 =	vmov v3;
	(pc) =	sbr.rel @p0 .LBB2_11-.Ltmp4, $4  }
0x14f: {  	v5 =	vld [tilespmem:s14+$0x8910];
	v7 =	vadd.f32 v8, v7  }
0x150: {  	v4 =	vld [tilespmem:s14+$0x8920];
	v9 =	vadd.f32 v9, v10  }
0x151: {  	v3 =	vld [tilespmem:s14+$0x8930];
	[tilespmem:s13+$0x900] =	vst v7;
	v8 =	vadd.f32 v13, v11  }
0x152: {  	s16 =	sadd.s32 $0x40, s16;
	v7 =	vld [tilespmem:s14+$0x900];
	[tilespmem:s13+$0x910] =	vst v9;
	v9 =	vadd.f32 v14, v12  }
0x153: {  	v10 =	vld [tilespmem:s14+$0x910];
	[tilespmem:s13+$0x920] =	vst v8  }
0x154: {  	v8 =	vld [tilespmem:s14+$0x920];
	[tilespmem:s13+$0x930] =	vst v9  }
0x155: {  	v9 =	vld [tilespmem:s14+$0x930]  }
0x156: {  	s11 =	sadd.s32 $0x1, s11  }
0x157: {  	p0 =	sne.s32 s11, $0x10;
	v6 =	vadd.f32 v6, v7  }
.Ltmp5:
0x158: {  	v5 =	vadd.f32 v5, v10;
	(pc) =	sbr.rel @p0 .LBB2_10-.Ltmp5, $4  }
0x159: {  	[tilespmem:s14+$0x900] =	vst v6;
	v4 =	vadd.f32 v4, v8  }
0x15a: {  	[tilespmem:s14+$0x910] =	vst v5;
	v3 =	vadd.f32 v3, v9  }
0x15b: {  	[tilespmem:s14+$0x920] =	vst v4  }
0x15c: {  	[tilespmem:s14+$0x930] =	vst v3  }
0x15d: {  	_ =	swait.ge [sflag:s1], $0x4000  }
0x15e: {  	[sflag:s1] =	ssyncset.done $0x0  }
0x15f: {  	s8 =	simm.s32 $0x0;
	s7 =	rddreg [dreg:$0x7];
	[sflag:s1] =	ssyncadd.s32 $0xFFFFC000  }
0x160: {  	[hbm4b:s7+s8] =	stream.linear.scatter [tilespmem:s20], [sflag:$0x5], $0x4000, $0x38;
	[tilespmem:$0x10900] =	vst v63  }
0x161: {  	v3 =	vld [tilespmem:$0x300];
	_ =	sdelay $0x4  }
0x162: {  	v4 =	vshll.u32 v3, $0x3  }
0x163: {  	v3 =	vand.u32 $0x7, v3;
	v4 =	vand.u32 $0xFFFFFFC0, v4  }
0x164: {  	v3 =	vor.u32 v3, v4  }
0x165: {  	v4 =	vperm.xlane v3, v0;
	_ =	sdelay $0x1  }
0x166: {  	v4 =	vadd.s32 v1, v4;
	_ =	sdelay $0x4  }
0x167: {  	[tilespmem:s20], [sflag:$0x1] =	stream.indirect_vreg.gather [hbm4b:s3+s8], $0x80, v4, vm0, $0xb8;
	[tilespmem:$0x10900] =	vst v63  }
0x168: {  	s17 =	simm.s32 $0x1100;
	v3 =	vperm.xlane v3, v2  }
0x169: {  	[tilespmem:s17], [sflag:$0x1] =	stream.indirect_vreg.gather [hbm4b:s5+s8], $0x80, v4, vm0, $0xb8;
	[tilespmem:$0x10900] =	vst v63  }
0x16a: {  	s11 =	simm.s32 $0x1900;
	v3 =	vadd.s32 v1, v3  }
0x16b: {  	[tilespmem:s11], [sflag:$0x1] =	stream.indirect_vreg.gather [hbm4b:s6+s8], $0x80, v4, vm0, $0xb8;
	[tilespmem:$0x10900] =	vst v63  }
0x16c: {  	s12 =	simm.s32 $0x2100  }
0x16d: {  	[tilespmem:s12], [sflag:$0x1] =	stream.indirect_vreg.gather [hbm4b:s9+s8], $0x80, v4, vm0, $0xb8;
	[tilespmem:$0x10900] =	vst v63  }
0x16e: {  	s13 =	simm.s32 $0x2900  }
0x16f: {  	[tilespmem:s13], [sflag:$0x1] =	stream.indirect_vreg.gather [hbm4b:s3+s8], $0x80, v3, vm0, $0xb8;
	[tilespmem:$0x10900] =	vst v63  }
0x170: {  	s14 =	simm.s32 $0x3100  }
0x171: {  	[tilespmem:s14], [sflag:$0x1] =	stream.indirect_vreg.gather [hbm4b:s5+s8], $0x80, v3, vm0, $0xb8;
	[tilespmem:$0x10900] =	vst v63  }
0x172: {  	s15 =	simm.s32 $0x3900  }
0x173: {  	[tilespmem:s15], [sflag:$0x1] =	stream.indirect_vreg.gather [hbm4b:s6+s8], $0x80, v3, vm0, $0xb8;
	[tilespmem:$0x10900] =	vst v63  }
0x174: {  	s16 =	simm.s32 $0x4100  }
0x175: {  	[tilespmem:s16], [sflag:$0x1] =	stream.indirect_vreg.gather [hbm4b:s9+s8], $0x80, v3, vm0, $0xb8;
	[tilespmem:$0x10900] =	vst v63  }
0x176: {  	v3 =	vld [tilespmem:$0x700];
	_ =	sdelay $0x4  }
0x177: {  	v63 =	vshll.u32 v3, $0x3  }
0x178: {  	v3 =	vand.u32 $0x7, v3;
	v4 =	vand.u32 $0xFFFFFFC0, v63  }
0x179: {  	v3 =	vor.u32 v3, v4  }
0x17a: {  	v4 =	vperm.xlane v3, v0;
	_ =	sdelay $0x1  }
0x17b: {  	v4 =	vadd.s32 v1, v4;
	_ =	sdelay $0x3  }
0x17c: {  	s17 =	simm.s32 $0x8900  }
0x17d: {  	[tilespmem:s17], [sflag:$0x3] =	stream.indirect_vreg.gather [hbm4b:s3+s8], $0x80, v4, vm0, $0xb8;
	[tilespmem:$0x10900] =	vst v63  }
0x17e: {  	s11 =	simm.s32 $0x9100;
	v3 =	vperm.xlane v3, v2  }
0x17f: {  	[tilespmem:s11], [sflag:$0x3] =	stream.indirect_vreg.gather [hbm4b:s5+s8], $0x80, v4, vm0, $0xb8;
	[tilespmem:$0x10900] =	vst v63  }
0x180: {  	s12 =	simm.s32 $0x9900;
	v3 =	vadd.s32 v1, v3  }
0x181: {  	[tilespmem:s12], [sflag:$0x3] =	stream.indirect_vreg.gather [hbm4b:s6+s8], $0x80, v4, vm0, $0xb8;
	[tilespmem:$0x10900] =	vst v63  }
0x182: {  	s13 =	simm.s32 $0xA100  }
0x183: {  	[tilespmem:s13], [sflag:$0x3] =	stream.indirect_vreg.gather [hbm4b:s9+s8], $0x80, v4, vm0, $0xb8;
	[tilespmem:$0x10900] =	vst v63  }
0x184: {  	s14 =	simm.s32 $0xA900  }
0x185: {  	[tilespmem:s14], [sflag:$0x3] =	stream.indirect_vreg.gather [hbm4b:s3+s8], $0x80, v3, vm0, $0xb8;
	[tilespmem:$0x10900] =	vst v63  }
0x186: {  	s15 =	simm.s32 $0xB100  }
0x187: {  	[tilespmem:s15], [sflag:$0x3] =	stream.indirect_vreg.gather [hbm4b:s5+s8], $0x80, v3, vm0, $0xb8;
	[tilespmem:$0x10900] =	vst v63  }
0x188: {  	s16 =	simm.s32 $0xB900  }
0x189: {  	[tilespmem:s16], [sflag:$0x3] =	stream.indirect_vreg.gather [hbm4b:s6+s8], $0x80, v3, vm0, $0xb8;
	[tilespmem:$0x10900] =	vst v63  }
0x18a: {  	s17 =	simm.s32 $0xC100  }
0x18b: {  	[tilespmem:s17], [sflag:$0x3] =	stream.indirect_vreg.gather [hbm4b:s9+s8], $0x80, v3, vm0, $0xb8;
	[tilespmem:$0x10900] =	vst v63  }
0x18c: {  	_ =	swait.ge [sflag:s31], $0x4000  }
0x18d: {  	[sflag:s31] =	ssyncset.done $0x0  }
0x18e: {  	[sflag:s31] =	ssyncadd.s32 $0xFFFFC000  }
0x18f: {  	_ =	swait.ge [sflag:s0], $0x4000  }
0x190: {  	[sflag:s0] =	ssyncset.done $0x0  }
0x191: {  	s11 =	simm.s32 $0x0;
	[sflag:s0] =	ssyncadd.s32 $0xFFFFC000  }
.LBB2_14:
0x192: {  	s7 =	sshll.u32 s11, $0xA;
	s12 =	sshll.u32 s11, $0x7  }
0x193: {  	s7 =	sand.u32 $0x2000, s7;
	s12 =	sand.u32 $0x380, s12  }
0x194: {  	s16 =	sand.u32 $0x40, s8;
	s12 =	sor.u32 s12, s7  }
0x195: {  	s13 =	sand.u32 $0x1C00, s8;
	s7 =	sor.u32 s16, s12  }
0x196: {  	s13 =	sor.u32 s13, s7  }
0x197: {  	v3 =	vld [tilespmem:s13+$0xC900]  }
0x198: {  	v7 =	vld [tilespmem:s13+$0xC910]  }
0x199: {  	v8 =	vld [tilespmem:s13+$0xC920]  }
0x19a: {  	v9 =	vld [tilespmem:s13+$0xC930]  }
0x19b: {  	s17 =	simm.s32 $0x40;
	v4 =	vld [tilespmem:s13+$0x4900]  }
0x19c: {  	s15 =	simm.s32 $0x200;
	s7 =	sand.u32 $0x40, s17;
	v10 =	vld [tilespmem:s13+$0x4910]  }
0x19d: {  	s14 =	sand.u32 $0x1C00, s15;
	s7 =	sor.u32 s7, s12;
	v11 =	vld [tilespmem:s13+$0x4920]  }
0x19e: {  	v12 =	vld [tilespmem:s13+$0x4930];
	s14 =	sor.u32 s14, s7  }
0x19f: {  	v6 =	vld [tilespmem:s14+$0xC900]  }
0x1a0: {  	v5 =	vld [tilespmem:s14+$0xC910];
	v13 =	vadd.f32 v3, v4  }
0x1a1: {  	v4 =	vld [tilespmem:s14+$0xC920];
	v10 =	vadd.f32 v7, v10  }
0x1a2: {  	v3 =	vld [tilespmem:s14+$0xC930];
	v8 =	vadd.f32 v8, v11;
	[tilespmem:s13+$0x4900] =	vst v13  }
0x1a3: {  	s16 =	simm.s32 $0x80;
	v9 =	vadd.f32 v9, v12;
	v7 =	vld [tilespmem:s14+$0x4900];
	[tilespmem:s13+$0x4910] =	vst v10  }
.LBB2_15:
0x1a4: {  	s7 =	sand.u32 $0x40, s16;
	p0 =	sne.s32 s16, $0x3C0;
	v10 =	vld [tilespmem:s14+$0x4910];
	s15 =	sadd.s32 $0x200, s15;
	[tilespmem:s13+$0x4920] =	vst v8;
	v8 =	vmov v6  }
0x1a5: {  	s17 =	sand.u32 $0x1C00, s15;
	s7 =	sor.u32 s7, s12;
	v11 =	vld [tilespmem:s14+$0x4920];
	[tilespmem:s13+$0x4930] =	vst v9;
	v9 =	vmov v5;
	s13 =	smov.u32 s14  }
0x1a6: {  	s14 =	sor.u32 s17, s7;
	v12 =	vld [tilespmem:s13+$0x4930];
	v13 =	vmov v4  }
.Ltmp6:
0x1a7: {  	v6 =	vld [tilespmem:s14+$0xC900];
	v14 =	vmov v3;
	(pc) =	sbr.rel @p0 .LBB2_15-.Ltmp6, $4  }
0x1a8: {  	v5 =	vld [tilespmem:s14+$0xC910];
	v7 =	vadd.f32 v8, v7  }
0x1a9: {  	v4 =	vld [tilespmem:s14+$0xC920];
	v9 =	vadd.f32 v9, v10  }
0x1aa: {  	v3 =	vld [tilespmem:s14+$0xC930];
	[tilespmem:s13+$0x4900] =	vst v7;
	v8 =	vadd.f32 v13, v11  }
0x1ab: {  	s16 =	sadd.s32 $0x40, s16;
	v7 =	vld [tilespmem:s14+$0x4900];
	[tilespmem:s13+$0x4910] =	vst v9;
	v9 =	vadd.f32 v14, v12  }
0x1ac: {  	v10 =	vld [tilespmem:s14+$0x4910];
	[tilespmem:s13+$0x4920] =	vst v8  }
0x1ad: {  	v8 =	vld [tilespmem:s14+$0x4920];
	[tilespmem:s13+$0x4930] =	vst v9  }
0x1ae: {  	v9 =	vld [tilespmem:s14+$0x4930]  }
0x1af: {  	s11 =	sadd.s32 $0x1, s11  }
0x1b0: {  	p0 =	sne.s32 s11, $0x10;
	v6 =	vadd.f32 v6, v7  }
.Ltmp7:
0x1b1: {  	v5 =	vadd.f32 v5, v10;
	(pc) =	sbr.rel @p0 .LBB2_14-.Ltmp7, $4  }
0x1b2: {  	[tilespmem:s14+$0x4900] =	vst v6;
	v4 =	vadd.f32 v4, v8  }
0x1b3: {  	[tilespmem:s14+$0x4910] =	vst v5;
	v3 =	vadd.f32 v3, v9  }
0x1b4: {  	[tilespmem:s14+$0x4920] =	vst v4  }
0x1b5: {  	[tilespmem:s14+$0x4930] =	vst v3  }
0x1b6: {  	_ =	swait.ge [sflag:s19], $0x4000  }
0x1b7: {  	[sflag:s19] =	ssyncset.done $0x0  }
0x1b8: {  	s8 =	simm.s32 $0x0;
	s7 =	rddreg [dreg:$0x8];
	[sflag:s19] =	ssyncadd.s32 $0xFFFFC000  }
0x1b9: {  	[hbm4b:s7+s8] =	stream.linear.scatter [tilespmem:s10], [sflag:$0x6], $0x4000, $0x38;
	[tilespmem:$0x10900] =	vst v63  }
0x1ba: {  	v3 =	vld [tilespmem:$0x380];
	_ =	sdelay $0x4  }
0x1bb: {  	v4 =	vshll.u32 v3, $0x3  }
0x1bc: {  	v3 =	vand.u32 $0x7, v3;
	v4 =	vand.u32 $0xFFFFFFC0, v4  }
0x1bd: {  	v3 =	vor.u32 v3, v4  }
0x1be: {  	v4 =	vperm.xlane v3, v0;
	_ =	sdelay $0x1  }
0x1bf: {  	v4 =	vadd.s32 v1, v4;
	_ =	sdelay $0x4  }
0x1c0: {  	[tilespmem:s10], [sflag:$0x2] =	stream.indirect_vreg.gather [hbm4b:s3+s8], $0x80, v4, vm0, $0xb8;
	[tilespmem:$0x10900] =	vst v63  }
0x1c1: {  	s17 =	simm.s32 $0x5100;
	v3 =	vperm.xlane v3, v2  }
0x1c2: {  	[tilespmem:s17], [sflag:$0x2] =	stream.indirect_vreg.gather [hbm4b:s5+s8], $0x80, v4, vm0, $0xb8;
	[tilespmem:$0x10900] =	vst v63  }
0x1c3: {  	s11 =	simm.s32 $0x5900;
	v3 =	vadd.s32 v1, v3  }
0x1c4: {  	[tilespmem:s11], [sflag:$0x2] =	stream.indirect_vreg.gather [hbm4b:s6+s8], $0x80, v4, vm0, $0xb8;
	[tilespmem:$0x10900] =	vst v63  }
0x1c5: {  	s12 =	simm.s32 $0x6100  }
0x1c6: {  	[tilespmem:s12], [sflag:$0x2] =	stream.indirect_vreg.gather [hbm4b:s9+s8], $0x80, v4, vm0, $0xb8;
	[tilespmem:$0x10900] =	vst v63  }
0x1c7: {  	s13 =	simm.s32 $0x6900  }
0x1c8: {  	[tilespmem:s13], [sflag:$0x2] =	stream.indirect_vreg.gather [hbm4b:s3+s8], $0x80, v3, vm0, $0xb8;
	[tilespmem:$0x10900] =	vst v63  }
0x1c9: {  	s14 =	simm.s32 $0x7100  }
0x1ca: {  	[tilespmem:s14], [sflag:$0x2] =	stream.indirect_vreg.gather [hbm4b:s5+s8], $0x80, v3, vm0, $0xb8;
	[tilespmem:$0x10900] =	vst v63  }
0x1cb: {  	s15 =	simm.s32 $0x7900  }
0x1cc: {  	[tilespmem:s15], [sflag:$0x2] =	stream.indirect_vreg.gather [hbm4b:s6+s8], $0x80, v3, vm0, $0xb8;
	[tilespmem:$0x10900] =	vst v63  }
0x1cd: {  	s16 =	simm.s32 $0x8100  }
0x1ce: {  	[tilespmem:s16], [sflag:$0x2] =	stream.indirect_vreg.gather [hbm4b:s9+s8], $0x80, v3, vm0, $0xb8;
	[tilespmem:$0x10900] =	vst v63  }
0x1cf: {  	v3 =	vld [tilespmem:$0x780];
	_ =	sdelay $0x4  }
0x1d0: {  	v63 =	vshll.u32 v3, $0x3  }
0x1d1: {  	v3 =	vand.u32 $0x7, v3;
	v4 =	vand.u32 $0xFFFFFFC0, v63  }
0x1d2: {  	v3 =	vor.u32 v3, v4  }
0x1d3: {  	v4 =	vperm.xlane v3, v0;
	_ =	sdelay $0x1  }
0x1d4: {  	v4 =	vadd.s32 v1, v4;
	_ =	sdelay $0x3  }
0x1d5: {  	s17 =	simm.s32 $0xC900  }
0x1d6: {  	[tilespmem:s17], [sflag:$0x4] =	stream.indirect_vreg.gather [hbm4b:s3+s8], $0x80, v4, vm0, $0xb8;
	[tilespmem:$0x10900] =	vst v63  }
0x1d7: {  	v3 =	vperm.xlane v3, v2  }
0x1d8: {  	[tilespmem:s21], [sflag:$0x4] =	stream.indirect_vreg.gather [hbm4b:s5+s8], $0x80, v4, vm0, $0xb8;
	[tilespmem:$0x10900] =	vst v63  }
0x1d9: {  	v3 =	vadd.s32 v1, v3  }
0x1da: {  	[tilespmem:s22], [sflag:$0x4] =	stream.indirect_vreg.gather [hbm4b:s6+s8], $0x80, v4, vm0, $0xb8;
	[tilespmem:$0x10900] =	vst v63  }
0x1db: {  	_ = 	snop  }
0x1dc: {  	[tilespmem:s23], [sflag:$0x4] =	stream.indirect_vreg.gather [hbm4b:s9+s8], $0x80, v4, vm0, $0xb8;
	[tilespmem:$0x10900] =	vst v63  }
0x1dd: {  	_ = 	snop  }
0x1de: {  	[tilespmem:s24], [sflag:$0x4] =	stream.indirect_vreg.gather [hbm4b:s3+s8], $0x80, v3, vm0, $0xb8;
	[tilespmem:$0x10900] =	vst v63  }
0x1df: {  	_ = 	snop  }
0x1e0: {  	[tilespmem:s25], [sflag:$0x4] =	stream.indirect_vreg.gather [hbm4b:s5+s8], $0x80, v3, vm0, $0xb8;
	[tilespmem:$0x10900] =	vst v63  }
0x1e1: {  	_ = 	snop  }
0x1e2: {  	[tilespmem:s26], [sflag:$0x4] =	stream.indirect_vreg.gather [hbm4b:s6+s8], $0x80, v3, vm0, $0xb8;
	[tilespmem:$0x10900] =	vst v63  }
0x1e3: {  	_ = 	snop  }
0x1e4: {  	[tilespmem:s28], [sflag:$0x4] =	stream.indirect_vreg.gather [hbm4b:s9+s8], $0x80, v3, vm0, $0xb8;
	[tilespmem:$0x10900] =	vst v63  }
0x1e5: {  	_ =	swait.ge [sflag:s29], $0x4000  }
0x1e6: {  	[sflag:s29] =	ssyncset.done $0x0  }
0x1e7: {  	[sflag:s29] =	ssyncadd.s32 $0xFFFFC000  }
0x1e8: {  	_ =	swait.ge [sflag:s30], $0x4000  }
0x1e9: {  	[sflag:s30] =	ssyncset.done $0x0  }
0x1ea: {  	s11 =	simm.s32 $0x0;
	[sflag:s30] =	ssyncadd.s32 $0xFFFFC000  }
.LBB2_18:
0x1eb: {  	s7 =	sshll.u32 s11, $0xA;
	s12 =	sshll.u32 s11, $0x7  }
0x1ec: {  	s7 =	sand.u32 $0x2000, s7;
	s12 =	sand.u32 $0x380, s12  }
0x1ed: {  	s16 =	sand.u32 $0x40, s8;
	s12 =	sor.u32 s7, s12  }
0x1ee: {  	s13 =	sand.u32 $0x1C00, s8;
	s7 =	sor.u32 s16, s12  }
0x1ef: {  	s13 =	sor.u32 s13, s7  }
0x1f0: {  	v3 =	vld [tilespmem:s13+$0x8900]  }
0x1f1: {  	v7 =	vld [tilespmem:s13+$0x8910]  }
0x1f2: {  	v8 =	vld [tilespmem:s13+$0x8920]  }
0x1f3: {  	v9 =	vld [tilespmem:s13+$0x8930]  }
0x1f4: {  	s17 =	simm.s32 $0x40;
	v4 =	vld [tilespmem:s13+$0x900]  }
0x1f5: {  	s15 =	simm.s32 $0x200;
	s7 =	sand.u32 $0x40, s17;
	v10 =	vld [tilespmem:s13+$0x910]  }
0x1f6: {  	s14 =	sand.u32 $0x1C00, s15;
	s7 =	sor.u32 s7, s12;
	v11 =	vld [tilespmem:s13+$0x920]  }
0x1f7: {  	v12 =	vld [tilespmem:s13+$0x930];
	s14 =	sor.u32 s14, s7  }
0x1f8: {  	v6 =	vld [tilespmem:s14+$0x8900]  }
0x1f9: {  	v5 =	vld [tilespmem:s14+$0x8910];
	v13 =	vadd.f32 v3, v4  }
0x1fa: {  	v4 =	vld [tilespmem:s14+$0x8920];
	v10 =	vadd.f32 v7, v10  }
0x1fb: {  	v3 =	vld [tilespmem:s14+$0x8930];
	v8 =	vadd.f32 v8, v11;
	[tilespmem:s13+$0x900] =	vst v13  }
0x1fc: {  	s16 =	simm.s32 $0x80;
	v9 =	vadd.f32 v9, v12;
	v7 =	vld [tilespmem:s14+$0x900];
	[tilespmem:s13+$0x910] =	vst v10  }
.LBB2_19:
0x1fd: {  	s7 =	sand.u32 $0x40, s16;
	p0 =	sne.s32 s16, $0x3C0;
	v10 =	vld [tilespmem:s14+$0x910];
	s15 =	sadd.s32 $0x200, s15;
	[tilespmem:s13+$0x920] =	vst v8;
	v8 =	vmov v6  }
0x1fe: {  	s17 =	sand.u32 $0x1C00, s15;
	s7 =	sor.u32 s7, s12;
	v11 =	vld [tilespmem:s14+$0x920];
	[tilespmem:s13+$0x930] =	vst v9;
	v9 =	vmov v5;
	s13 =	smov.u32 s14  }
0x1ff: {  	s14 =	sor.u32 s17, s7;
	v12 =	vld [tilespmem:s13+$0x930];
	v13 =	vmov v4  }
.Ltmp8:
0x200: {  	v6 =	vld [tilespmem:s14+$0x8900];
	v14 =	vmov v3;
	(pc) =	sbr.rel @p0 .LBB2_19-.Ltmp8, $4  }
0x201: {  	v5 =	vld [tilespmem:s14+$0x8910];
	v7 =	vadd.f32 v8, v7  }
0x202: {  	v4 =	vld [tilespmem:s14+$0x8920];
	v9 =	vadd.f32 v9, v10  }
0x203: {  	v3 =	vld [tilespmem:s14+$0x8930];
	[tilespmem:s13+$0x900] =	vst v7;
	v8 =	vadd.f32 v13, v11  }
0x204: {  	s16 =	sadd.s32 $0x40, s16;
	v7 =	vld [tilespmem:s14+$0x900];
	[tilespmem:s13+$0x910] =	vst v9;
	v9 =	vadd.f32 v14, v12  }
0x205: {  	v10 =	vld [tilespmem:s14+$0x910];
	[tilespmem:s13+$0x920] =	vst v8  }
0x206: {  	v8 =	vld [tilespmem:s14+$0x920];
	[tilespmem:s13+$0x930] =	vst v9  }
0x207: {  	v9 =	vld [tilespmem:s14+$0x930]  }
0x208: {  	s11 =	sadd.s32 $0x1, s11  }
0x209: {  	p0 =	sne.s32 s11, $0x10;
	v6 =	vadd.f32 v6, v7  }
.Ltmp9:
0x20a: {  	v5 =	vadd.f32 v5, v10;
	(pc) =	sbr.rel @p0 .LBB2_18-.Ltmp9, $4  }
0x20b: {  	[tilespmem:s14+$0x900] =	vst v6;
	v4 =	vadd.f32 v4, v8  }
0x20c: {  	[tilespmem:s14+$0x910] =	vst v5;
	v3 =	vadd.f32 v3, v9  }
0x20d: {  	[tilespmem:s14+$0x920] =	vst v4  }
0x20e: {  	[tilespmem:s14+$0x930] =	vst v3  }
0x20f: {  	_ =	swait.ge [sflag:s1], $0x4000  }
0x210: {  	[sflag:s1] =	ssyncset.done $0x0  }
0x211: {  	s8 =	simm.s32 $0x0;
	s7 =	rddreg [dreg:$0x9];
	[sflag:s1] =	ssyncadd.s32 $0xFFFFC000  }
0x212: {  	[hbm4b:s7+s8] =	stream.linear.scatter [tilespmem:s20], [sflag:$0x5], $0x4000, $0x38;
	[tilespmem:$0x10900] =	vst v63  }
0x213: {  	v3 =	vld [tilespmem:$0x400];
	_ =	sdelay $0x4  }
0x214: {  	v4 =	vshll.u32 v3, $0x3  }
0x215: {  	v3 =	vand.u32 $0x7, v3;
	v4 =	vand.u32 $0xFFFFFFC0, v4  }
0x216: {  	v3 =	vor.u32 v3, v4  }
0x217: {  	v4 =	vperm.xlane v3, v0;
	_ =	sdelay $0x1  }
0x218: {  	v4 =	vadd.s32 v1, v4;
	_ =	sdelay $0x4  }
0x219: {  	[tilespmem:s20], [sflag:$0x1] =	stream.indirect_vreg.gather [hbm4b:s3+s8], $0x80, v4, vm0, $0xb8;
	[tilespmem:$0x10900] =	vst v63  }
0x21a: {  	s17 =	simm.s32 $0x1100;
	v3 =	vperm.xlane v3, v2  }
0x21b: {  	[tilespmem:s17], [sflag:$0x1] =	stream.indirect_vreg.gather [hbm4b:s5+s8], $0x80, v4, vm0, $0xb8;
	[tilespmem:$0x10900] =	vst v63  }
0x21c: {  	s11 =	simm.s32 $0x1900;
	v3 =	vadd.s32 v1, v3  }
0x21d: {  	[tilespmem:s11], [sflag:$0x1] =	stream.indirect_vreg.gather [hbm4b:s6+s8], $0x80, v4, vm0, $0xb8;
	[tilespmem:$0x10900] =	vst v63  }
0x21e: {  	s12 =	simm.s32 $0x2100  }
0x21f: {  	[tilespmem:s12], [sflag:$0x1] =	stream.indirect_vreg.gather [hbm4b:s9+s8], $0x80, v4, vm0, $0xb8;
	[tilespmem:$0x10900] =	vst v63  }
0x220: {  	s13 =	simm.s32 $0x2900  }
0x221: {  	[tilespmem:s13], [sflag:$0x1] =	stream.indirect_vreg.gather [hbm4b:s3+s8], $0x80, v3, vm0, $0xb8;
	[tilespmem:$0x10900] =	vst v63  }
0x222: {  	s14 =	simm.s32 $0x3100  }
0x223: {  	[tilespmem:s14], [sflag:$0x1] =	stream.indirect_vreg.gather [hbm4b:s5+s8], $0x80, v3, vm0, $0xb8;
	[tilespmem:$0x10900] =	vst v63  }
0x224: {  	s15 =	simm.s32 $0x3900  }
0x225: {  	[tilespmem:s15], [sflag:$0x1] =	stream.indirect_vreg.gather [hbm4b:s6+s8], $0x80, v3, vm0, $0xb8;
	[tilespmem:$0x10900] =	vst v63  }
0x226: {  	s16 =	simm.s32 $0x4100  }
0x227: {  	[tilespmem:s16], [sflag:$0x1] =	stream.indirect_vreg.gather [hbm4b:s9+s8], $0x80, v3, vm0, $0xb8;
	[tilespmem:$0x10900] =	vst v63  }
0x228: {  	v3 =	vld [tilespmem:$0x800];
	_ =	sdelay $0x4  }
0x229: {  	v63 =	vshll.u32 v3, $0x3  }
0x22a: {  	v3 =	vand.u32 $0x7, v3;
	v4 =	vand.u32 $0xFFFFFFC0, v63  }
0x22b: {  	v3 =	vor.u32 v3, v4  }
0x22c: {  	v4 =	vperm.xlane v3, v0;
	_ =	sdelay $0x1  }
0x22d: {  	v4 =	vadd.s32 v1, v4;
	_ =	sdelay $0x3  }
0x22e: {  	s17 =	simm.s32 $0x8900  }
0x22f: {  	[tilespmem:s17], [sflag:$0x3] =	stream.indirect_vreg.gather [hbm4b:s3+s8], $0x80, v4, vm0, $0xb8;
	[tilespmem:$0x10900] =	vst v63  }
0x230: {  	s11 =	simm.s32 $0x9100;
	v3 =	vperm.xlane v3, v2  }
0x231: {  	[tilespmem:s11], [sflag:$0x3] =	stream.indirect_vreg.gather [hbm4b:s5+s8], $0x80, v4, vm0, $0xb8;
	[tilespmem:$0x10900] =	vst v63  }
0x232: {  	s12 =	simm.s32 $0x9900;
	v3 =	vadd.s32 v1, v3  }
0x233: {  	[tilespmem:s12], [sflag:$0x3] =	stream.indirect_vreg.gather [hbm4b:s6+s8], $0x80, v4, vm0, $0xb8;
	[tilespmem:$0x10900] =	vst v63  }
0x234: {  	s13 =	simm.s32 $0xA100  }
0x235: {  	[tilespmem:s13], [sflag:$0x3] =	stream.indirect_vreg.gather [hbm4b:s9+s8], $0x80, v4, vm0, $0xb8;
	[tilespmem:$0x10900] =	vst v63  }
0x236: {  	s14 =	simm.s32 $0xA900  }
0x237: {  	[tilespmem:s14], [sflag:$0x3] =	stream.indirect_vreg.gather [hbm4b:s3+s8], $0x80, v3, vm0, $0xb8;
	[tilespmem:$0x10900] =	vst v63  }
0x238: {  	s15 =	simm.s32 $0xB100  }
0x239: {  	[tilespmem:s15], [sflag:$0x3] =	stream.indirect_vreg.gather [hbm4b:s5+s8], $0x80, v3, vm0, $0xb8;
	[tilespmem:$0x10900] =	vst v63  }
0x23a: {  	s16 =	simm.s32 $0xB900  }
0x23b: {  	[tilespmem:s16], [sflag:$0x3] =	stream.indirect_vreg.gather [hbm4b:s6+s8], $0x80, v3, vm0, $0xb8;
	[tilespmem:$0x10900] =	vst v63  }
0x23c: {  	s17 =	simm.s32 $0xC100  }
0x23d: {  	[tilespmem:s17], [sflag:$0x3] =	stream.indirect_vreg.gather [hbm4b:s9+s8], $0x80, v3, vm0, $0xb8;
	[tilespmem:$0x10900] =	vst v63  }
0x23e: {  	_ =	swait.ge [sflag:s31], $0x4000  }
0x23f: {  	[sflag:s31] =	ssyncset.done $0x0  }
0x240: {  	[sflag:s31] =	ssyncadd.s32 $0xFFFFC000  }
0x241: {  	_ =	swait.ge [sflag:s0], $0x4000  }
0x242: {  	[sflag:s0] =	ssyncset.done $0x0  }
0x243: {  	s11 =	simm.s32 $0x0;
	[sflag:s0] =	ssyncadd.s32 $0xFFFFC000  }
.LBB2_22:
0x244: {  	s7 =	sshll.u32 s11, $0xA;
	s12 =	sshll.u32 s11, $0x7  }
0x245: {  	s7 =	sand.u32 $0x2000, s7;
	s12 =	sand.u32 $0x380, s12  }
0x246: {  	s16 =	sand.u32 $0x40, s8;
	s12 =	sor.u32 s12, s7  }
0x247: {  	s13 =	sand.u32 $0x1C00, s8;
	s7 =	sor.u32 s16, s12  }
0x248: {  	s13 =	sor.u32 s13, s7  }
0x249: {  	v3 =	vld [tilespmem:s13+$0xC900]  }
0x24a: {  	v7 =	vld [tilespmem:s13+$0xC910]  }
0x24b: {  	v8 =	vld [tilespmem:s13+$0xC920]  }
0x24c: {  	v9 =	vld [tilespmem:s13+$0xC930]  }
0x24d: {  	s17 =	simm.s32 $0x40;
	v4 =	vld [tilespmem:s13+$0x4900]  }
0x24e: {  	s15 =	simm.s32 $0x200;
	s7 =	sand.u32 $0x40, s17;
	v10 =	vld [tilespmem:s13+$0x4910]  }
0x24f: {  	s14 =	sand.u32 $0x1C00, s15;
	s7 =	sor.u32 s7, s12;
	v11 =	vld [tilespmem:s13+$0x4920]  }
0x250: {  	v12 =	vld [tilespmem:s13+$0x4930];
	s14 =	sor.u32 s14, s7  }
0x251: {  	v6 =	vld [tilespmem:s14+$0xC900]  }
0x252: {  	v5 =	vld [tilespmem:s14+$0xC910];
	v13 =	vadd.f32 v3, v4  }
0x253: {  	v4 =	vld [tilespmem:s14+$0xC920];
	v10 =	vadd.f32 v7, v10  }
0x254: {  	v3 =	vld [tilespmem:s14+$0xC930];
	v8 =	vadd.f32 v8, v11;
	[tilespmem:s13+$0x4900] =	vst v13  }
0x255: {  	s16 =	simm.s32 $0x80;
	v9 =	vadd.f32 v9, v12;
	v7 =	vld [tilespmem:s14+$0x4900];
	[tilespmem:s13+$0x4910] =	vst v10  }
.LBB2_23:
0x256: {  	s7 =	sand.u32 $0x40, s16;
	p0 =	sne.s32 s16, $0x3C0;
	v10 =	vld [tilespmem:s14+$0x4910];
	s15 =	sadd.s32 $0x200, s15;
	[tilespmem:s13+$0x4920] =	vst v8;
	v8 =	vmov v6  }
0x257: {  	s17 =	sand.u32 $0x1C00, s15;
	s7 =	sor.u32 s7, s12;
	v11 =	vld [tilespmem:s14+$0x4920];
	[tilespmem:s13+$0x4930] =	vst v9;
	v9 =	vmov v5;
	s13 =	smov.u32 s14  }
0x258: {  	s14 =	sor.u32 s17, s7;
	v12 =	vld [tilespmem:s13+$0x4930];
	v13 =	vmov v4  }
.Ltmp10:
0x259: {  	v6 =	vld [tilespmem:s14+$0xC900];
	v14 =	vmov v3;
	(pc) =	sbr.rel @p0 .LBB2_23-.Ltmp10, $4  }
0x25a: {  	v5 =	vld [tilespmem:s14+$0xC910];
	v7 =	vadd.f32 v8, v7  }
0x25b: {  	v4 =	vld [tilespmem:s14+$0xC920];
	v9 =	vadd.f32 v9, v10  }
0x25c: {  	v3 =	vld [tilespmem:s14+$0xC930];
	[tilespmem:s13+$0x4900] =	vst v7;
	v8 =	vadd.f32 v13, v11  }
0x25d: {  	s16 =	sadd.s32 $0x40, s16;
	v7 =	vld [tilespmem:s14+$0x4900];
	[tilespmem:s13+$0x4910] =	vst v9;
	v9 =	vadd.f32 v14, v12  }
0x25e: {  	v10 =	vld [tilespmem:s14+$0x4910];
	[tilespmem:s13+$0x4920] =	vst v8  }
0x25f: {  	v8 =	vld [tilespmem:s14+$0x4920];
	[tilespmem:s13+$0x4930] =	vst v9  }
0x260: {  	v9 =	vld [tilespmem:s14+$0x4930]  }
0x261: {  	s11 =	sadd.s32 $0x1, s11  }
0x262: {  	p0 =	sne.s32 s11, $0x10;
	v6 =	vadd.f32 v6, v7  }
.Ltmp11:
0x263: {  	v5 =	vadd.f32 v5, v10;
	(pc) =	sbr.rel @p0 .LBB2_22-.Ltmp11, $4  }
0x264: {  	[tilespmem:s14+$0x4900] =	vst v6;
	v4 =	vadd.f32 v4, v8  }
0x265: {  	[tilespmem:s14+$0x4910] =	vst v5;
	v3 =	vadd.f32 v3, v9  }
0x266: {  	[tilespmem:s14+$0x4920] =	vst v4  }
0x267: {  	[tilespmem:s14+$0x4930] =	vst v3  }
0x268: {  	_ =	swait.ge [sflag:s19], $0x4000  }
0x269: {  	[sflag:s19] =	ssyncset.done $0x0  }
0x26a: {  	s8 =	simm.s32 $0x0;
	s7 =	rddreg [dreg:$0xa];
	[sflag:s19] =	ssyncadd.s32 $0xFFFFC000  }
0x26b: {  	[hbm4b:s7+s8] =	stream.linear.scatter [tilespmem:s10], [sflag:$0x6], $0x4000, $0x38;
	[tilespmem:$0x10900] =	vst v63  }
0x26c: {  	v3 =	vld [tilespmem:$0x480];
	_ =	sdelay $0x4  }
0x26d: {  	v4 =	vshll.u32 v3, $0x3  }
0x26e: {  	v3 =	vand.u32 $0x7, v3;
	v4 =	vand.u32 $0xFFFFFFC0, v4  }
0x26f: {  	v3 =	vor.u32 v3, v4  }
0x270: {  	v4 =	vperm.xlane v3, v0;
	_ =	sdelay $0x1  }
0x271: {  	v4 =	vadd.s32 v1, v4;
	_ =	sdelay $0x4  }
0x272: {  	[tilespmem:s10], [sflag:$0x2] =	stream.indirect_vreg.gather [hbm4b:s3+s8], $0x80, v4, vm0, $0xb8;
	[tilespmem:$0x10900] =	vst v63  }
0x273: {  	s17 =	simm.s32 $0x5100;
	v3 =	vperm.xlane v3, v2  }
0x274: {  	[tilespmem:s17], [sflag:$0x2] =	stream.indirect_vreg.gather [hbm4b:s5+s8], $0x80, v4, vm0, $0xb8;
	[tilespmem:$0x10900] =	vst v63  }
0x275: {  	s11 =	simm.s32 $0x5900;
	v3 =	vadd.s32 v1, v3  }
0x276: {  	[tilespmem:s11], [sflag:$0x2] =	stream.indirect_vreg.gather [hbm4b:s6+s8], $0x80, v4, vm0, $0xb8;
	[tilespmem:$0x10900] =	vst v63  }
0x277: {  	s12 =	simm.s32 $0x6100  }
0x278: {  	[tilespmem:s12], [sflag:$0x2] =	stream.indirect_vreg.gather [hbm4b:s9+s8], $0x80, v4, vm0, $0xb8;
	[tilespmem:$0x10900] =	vst v63  }
0x279: {  	s13 =	simm.s32 $0x6900  }
0x27a: {  	[tilespmem:s13], [sflag:$0x2] =	stream.indirect_vreg.gather [hbm4b:s3+s8], $0x80, v3, vm0, $0xb8;
	[tilespmem:$0x10900] =	vst v63  }
0x27b: {  	s14 =	simm.s32 $0x7100  }
0x27c: {  	[tilespmem:s14], [sflag:$0x2] =	stream.indirect_vreg.gather [hbm4b:s5+s8], $0x80, v3, vm0, $0xb8;
	[tilespmem:$0x10900] =	vst v63  }
0x27d: {  	s15 =	simm.s32 $0x7900  }
0x27e: {  	[tilespmem:s15], [sflag:$0x2] =	stream.indirect_vreg.gather [hbm4b:s6+s8], $0x80, v3, vm0, $0xb8;
	[tilespmem:$0x10900] =	vst v63  }
0x27f: {  	s16 =	simm.s32 $0x8100  }
0x280: {  	[tilespmem:s16], [sflag:$0x2] =	stream.indirect_vreg.gather [hbm4b:s9+s8], $0x80, v3, vm0, $0xb8;
	[tilespmem:$0x10900] =	vst v63  }
0x281: {  	v3 =	vld [tilespmem:$0x880];
	_ =	sdelay $0x4  }
0x282: {  	v63 =	vshll.u32 v3, $0x3  }
0x283: {  	v3 =	vand.u32 $0x7, v3;
	v4 =	vand.u32 $0xFFFFFFC0, v63  }
0x284: {  	v3 =	vor.u32 v3, v4  }
0x285: {  	v4 =	vperm.xlane v3, v0;
	_ =	sdelay $0x1  }
0x286: {  	v4 =	vadd.s32 v1, v4;
	_ =	sdelay $0x3  }
0x287: {  	s17 =	simm.s32 $0xC900  }
0x288: {  	[tilespmem:s17], [sflag:$0x4] =	stream.indirect_vreg.gather [hbm4b:s3+s8], $0x80, v4, vm0, $0xb8;
	[tilespmem:$0x10900] =	vst v63  }
0x289: {  	v3 =	vperm.xlane v3, v2  }
0x28a: {  	[tilespmem:s21], [sflag:$0x4] =	stream.indirect_vreg.gather [hbm4b:s5+s8], $0x80, v4, vm0, $0xb8;
	[tilespmem:$0x10900] =	vst v63  }
0x28b: {  	v3 =	vadd.s32 v1, v3  }
0x28c: {  	[tilespmem:s22], [sflag:$0x4] =	stream.indirect_vreg.gather [hbm4b:s6+s8], $0x80, v4, vm0, $0xb8;
	[tilespmem:$0x10900] =	vst v63  }
0x28d: {  	_ = 	snop  }
0x28e: {  	[tilespmem:s23], [sflag:$0x4] =	stream.indirect_vreg.gather [hbm4b:s9+s8], $0x80, v4, vm0, $0xb8;
	[tilespmem:$0x10900] =	vst v63  }
0x28f: {  	_ = 	snop  }
0x290: {  	[tilespmem:s24], [sflag:$0x4] =	stream.indirect_vreg.gather [hbm4b:s3+s8], $0x80, v3, vm0, $0xb8;
	[tilespmem:$0x10900] =	vst v63  }
0x291: {  	_ = 	snop  }
0x292: {  	[tilespmem:s25], [sflag:$0x4] =	stream.indirect_vreg.gather [hbm4b:s5+s8], $0x80, v3, vm0, $0xb8;
	[tilespmem:$0x10900] =	vst v63  }
0x293: {  	_ = 	snop  }
0x294: {  	[tilespmem:s26], [sflag:$0x4] =	stream.indirect_vreg.gather [hbm4b:s6+s8], $0x80, v3, vm0, $0xb8;
	[tilespmem:$0x10900] =	vst v63  }
0x295: {  	_ = 	snop  }
0x296: {  	[tilespmem:s28], [sflag:$0x4] =	stream.indirect_vreg.gather [hbm4b:s9+s8], $0x80, v3, vm0, $0xb8;
	[tilespmem:$0x10900] =	vst v63  }
0x297: {  	_ =	swait.ge [sflag:s29], $0x4000  }
0x298: {  	[sflag:s29] =	ssyncset.done $0x0  }
0x299: {  	[sflag:s29] =	ssyncadd.s32 $0xFFFFC000  }
0x29a: {  	_ =	swait.ge [sflag:s30], $0x4000  }
0x29b: {  	[sflag:s30] =	ssyncset.done $0x0  }
0x29c: {  	s11 =	simm.s32 $0x0;
	[sflag:s30] =	ssyncadd.s32 $0xFFFFC000  }
.LBB2_26:
0x29d: {  	s7 =	sshll.u32 s11, $0xA;
	s12 =	sshll.u32 s11, $0x7  }
0x29e: {  	s7 =	sand.u32 $0x2000, s7;
	s12 =	sand.u32 $0x380, s12  }
0x29f: {  	s16 =	sand.u32 $0x40, s8;
	s12 =	sor.u32 s7, s12  }
0x2a0: {  	s13 =	sand.u32 $0x1C00, s8;
	s7 =	sor.u32 s16, s12  }
0x2a1: {  	s13 =	sor.u32 s13, s7  }
0x2a2: {  	v3 =	vld [tilespmem:s13+$0x8900]  }
0x2a3: {  	v7 =	vld [tilespmem:s13+$0x8910]  }
0x2a4: {  	v8 =	vld [tilespmem:s13+$0x8920]  }
0x2a5: {  	v9 =	vld [tilespmem:s13+$0x8930]  }
0x2a6: {  	s17 =	simm.s32 $0x40;
	v4 =	vld [tilespmem:s13+$0x900]  }
0x2a7: {  	s15 =	simm.s32 $0x200;
	s7 =	sand.u32 $0x40, s17;
	v10 =	vld [tilespmem:s13+$0x910]  }
0x2a8: {  	s14 =	sand.u32 $0x1C00, s15;
	s7 =	sor.u32 s7, s12;
	v11 =	vld [tilespmem:s13+$0x920]  }
0x2a9: {  	v12 =	vld [tilespmem:s13+$0x930];
	s14 =	sor.u32 s14, s7  }
0x2aa: {  	v6 =	vld [tilespmem:s14+$0x8900]  }
0x2ab: {  	v5 =	vld [tilespmem:s14+$0x8910];
	v13 =	vadd.f32 v3, v4  }
0x2ac: {  	v4 =	vld [tilespmem:s14+$0x8920];
	v10 =	vadd.f32 v7, v10  }
0x2ad: {  	v3 =	vld [tilespmem:s14+$0x8930];
	v8 =	vadd.f32 v8, v11;
	[tilespmem:s13+$0x900] =	vst v13  }
0x2ae: {  	s16 =	simm.s32 $0x80;
	v9 =	vadd.f32 v9, v12;
	v7 =	vld [tilespmem:s14+$0x900];
	[tilespmem:s13+$0x910] =	vst v10  }
.LBB2_27:
0x2af: {  	s7 =	sand.u32 $0x40, s16;
	p0 =	sne.s32 s16, $0x3C0;
	v10 =	vld [tilespmem:s14+$0x910];
	s15 =	sadd.s32 $0x200, s15;
	[tilespmem:s13+$0x920] =	vst v8;
	v8 =	vmov v6  }
0x2b0: {  	s17 =	sand.u32 $0x1C00, s15;
	s7 =	sor.u32 s7, s12;
	v11 =	vld [tilespmem:s14+$0x920];
	[tilespmem:s13+$0x930] =	vst v9;
	v9 =	vmov v5;
	s13 =	smov.u32 s14  }
0x2b1: {  	s14 =	sor.u32 s17, s7;
	v12 =	vld [tilespmem:s13+$0x930];
	v13 =	vmov v4  }
.Ltmp12:
0x2b2: {  	v6 =	vld [tilespmem:s14+$0x8900];
	v14 =	vmov v3;
	(pc) =	sbr.rel @p0 .LBB2_27-.Ltmp12, $4  }
0x2b3: {  	v5 =	vld [tilespmem:s14+$0x8910];
	v7 =	vadd.f32 v8, v7  }
0x2b4: {  	v4 =	vld [tilespmem:s14+$0x8920];
	v9 =	vadd.f32 v9, v10  }
0x2b5: {  	v3 =	vld [tilespmem:s14+$0x8930];
	[tilespmem:s13+$0x900] =	vst v7;
	v8 =	vadd.f32 v13, v11  }
0x2b6: {  	s16 =	sadd.s32 $0x40, s16;
	v7 =	vld [tilespmem:s14+$0x900];
	[tilespmem:s13+$0x910] =	vst v9;
	v9 =	vadd.f32 v14, v12  }
0x2b7: {  	v10 =	vld [tilespmem:s14+$0x910];
	[tilespmem:s13+$0x920] =	vst v8  }
0x2b8: {  	v8 =	vld [tilespmem:s14+$0x920];
	[tilespmem:s13+$0x930] =	vst v9  }
0x2b9: {  	v9 =	vld [tilespmem:s14+$0x930]  }
0x2ba: {  	s11 =	sadd.s32 $0x1, s11  }
0x2bb: {  	p0 =	sne.s32 s11, $0x10;
	v6 =	vadd.f32 v6, v7  }
.Ltmp13:
0x2bc: {  	v5 =	vadd.f32 v5, v10;
	(pc) =	sbr.rel @p0 .LBB2_26-.Ltmp13, $4  }
0x2bd: {  	[tilespmem:s14+$0x900] =	vst v6;
	v4 =	vadd.f32 v4, v8  }
0x2be: {  	[tilespmem:s14+$0x910] =	vst v5;
	v3 =	vadd.f32 v3, v9  }
0x2bf: {  	[tilespmem:s14+$0x920] =	vst v4  }
0x2c0: {  	[tilespmem:s14+$0x930] =	vst v3  }
0x2c1: {  	_ =	swait.ge [sflag:s1], $0x4000  }
0x2c2: {  	[sflag:s1] =	ssyncset.done $0x0  }
0x2c3: {  	s8 =	simm.s32 $0x0;
	s7 =	rddreg [dreg:$0xb];
	[sflag:s1] =	ssyncadd.s32 $0xFFFFC000  }
0x2c4: {  	[hbm4b:s7+s8] =	stream.linear.scatter [tilespmem:s20], [sflag:$0x5], $0x4000, $0x38;
	[tilespmem:$0x10900] =	vst v63  }
0x2c5: {  	_ =	swait.ge [sflag:s31], $0x4000  }
0x2c6: {  	[sflag:s31] =	ssyncset.done $0x0  }
0x2c7: {  	[sflag:s31] =	ssyncadd.s32 $0xFFFFC000  }
0x2c8: {  	_ =	swait.ge [sflag:s0], $0x4000  }
0x2c9: {  	[sflag:s0] =	ssyncset.done $0x0  }
0x2ca: {  	s11 =	simm.s32 $0x0;
	[sflag:s0] =	ssyncadd.s32 $0xFFFFC000  }
.LBB2_30:
0x2cb: {  	s7 =	sshll.u32 s11, $0xA;
	s12 =	sshll.u32 s11, $0x7  }
0x2cc: {  	s7 =	sand.u32 $0x2000, s7;
	s12 =	sand.u32 $0x380, s12  }
0x2cd: {  	s16 =	sand.u32 $0x40, s8;
	s12 =	sor.u32 s12, s7  }
0x2ce: {  	s13 =	sand.u32 $0x1C00, s8;
	s7 =	sor.u32 s16, s12  }
0x2cf: {  	s13 =	sor.u32 s13, s7  }
0x2d0: {  	v3 =	vld [tilespmem:s13+$0xC900]  }
0x2d1: {  	v7 =	vld [tilespmem:s13+$0xC910]  }
0x2d2: {  	v8 =	vld [tilespmem:s13+$0xC920]  }
0x2d3: {  	v9 =	vld [tilespmem:s13+$0xC930]  }
0x2d4: {  	s17 =	simm.s32 $0x40;
	v4 =	vld [tilespmem:s13+$0x4900]  }
0x2d5: {  	s15 =	simm.s32 $0x200;
	s7 =	sand.u32 $0x40, s17;
	v10 =	vld [tilespmem:s13+$0x4910]  }
0x2d6: {  	s14 =	sand.u32 $0x1C00, s15;
	s7 =	sor.u32 s7, s12;
	v11 =	vld [tilespmem:s13+$0x4920]  }
0x2d7: {  	v12 =	vld [tilespmem:s13+$0x4930];
	s14 =	sor.u32 s14, s7  }
0x2d8: {  	v6 =	vld [tilespmem:s14+$0xC900]  }
0x2d9: {  	v5 =	vld [tilespmem:s14+$0xC910];
	v13 =	vadd.f32 v3, v4  }
0x2da: {  	v4 =	vld [tilespmem:s14+$0xC920];
	v10 =	vadd.f32 v7, v10  }
0x2db: {  	v3 =	vld [tilespmem:s14+$0xC930];
	v8 =	vadd.f32 v8, v11;
	[tilespmem:s13+$0x4900] =	vst v13  }
0x2dc: {  	s16 =	simm.s32 $0x80;
	v9 =	vadd.f32 v9, v12;
	v7 =	vld [tilespmem:s14+$0x4900];
	[tilespmem:s13+$0x4910] =	vst v10  }
.LBB2_31:
0x2dd: {  	s7 =	sand.u32 $0x40, s16;
	p0 =	sne.s32 s16, $0x3C0;
	v10 =	vld [tilespmem:s14+$0x4910];
	s15 =	sadd.s32 $0x200, s15;
	[tilespmem:s13+$0x4920] =	vst v8;
	v8 =	vmov v6  }
0x2de: {  	s17 =	sand.u32 $0x1C00, s15;
	s7 =	sor.u32 s7, s12;
	v11 =	vld [tilespmem:s14+$0x4920];
	[tilespmem:s13+$0x4930] =	vst v9;
	v9 =	vmov v5;
	s13 =	smov.u32 s14  }
0x2df: {  	s14 =	sor.u32 s17, s7;
	v12 =	vld [tilespmem:s13+$0x4930];
	v13 =	vmov v4  }
.Ltmp14:
0x2e0: {  	v6 =	vld [tilespmem:s14+$0xC900];
	v14 =	vmov v3;
	(pc) =	sbr.rel @p0 .LBB2_31-.Ltmp14, $4  }
0x2e1: {  	v5 =	vld [tilespmem:s14+$0xC910];
	v7 =	vadd.f32 v8, v7  }
0x2e2: {  	v4 =	vld [tilespmem:s14+$0xC920];
	v9 =	vadd.f32 v9, v10  }
0x2e3: {  	v3 =	vld [tilespmem:s14+$0xC930];
	[tilespmem:s13+$0x4900] =	vst v7;
	v8 =	vadd.f32 v13, v11  }
0x2e4: {  	s16 =	sadd.s32 $0x40, s16;
	v7 =	vld [tilespmem:s14+$0x4900];
	[tilespmem:s13+$0x4910] =	vst v9;
	v9 =	vadd.f32 v14, v12  }
0x2e5: {  	v10 =	vld [tilespmem:s14+$0x4910];
	[tilespmem:s13+$0x4920] =	vst v8  }
0x2e6: {  	v8 =	vld [tilespmem:s14+$0x4920];
	[tilespmem:s13+$0x4930] =	vst v9  }
0x2e7: {  	v9 =	vld [tilespmem:s14+$0x4930]  }
0x2e8: {  	s11 =	sadd.s32 $0x1, s11  }
0x2e9: {  	p0 =	sne.s32 s11, $0x10;
	v6 =	vadd.f32 v6, v7  }
.Ltmp15:
0x2ea: {  	v5 =	vadd.f32 v5, v10;
	(pc) =	sbr.rel @p0 .LBB2_30-.Ltmp15, $4  }
0x2eb: {  	[tilespmem:s14+$0x4900] =	vst v6;
	v4 =	vadd.f32 v4, v8  }
0x2ec: {  	[tilespmem:s14+$0x4910] =	vst v5;
	v3 =	vadd.f32 v3, v9  }
0x2ed: {  	[tilespmem:s14+$0x4920] =	vst v4  }
0x2ee: {  	[tilespmem:s14+$0x4930] =	vst v3  }
0x2ef: {  	_ =	swait.ge [sflag:s19], $0x4000  }
0x2f0: {  	[sflag:s19] =	ssyncset.done $0x0  }
0x2f1: {  	s7 =	rddreg [dreg:$0xc];
	[sflag:s19] =	ssyncadd.s32 $0xFFFFC000  }
0x2f2: {  	[hbm4b:s7+s2] =	stream.linear.scatter [tilespmem:s10], [sflag:$0x6], $0x4000, $0x38;
	[tilespmem:$0x10900] =	vst v63  }
0x2f3: {  	_ =	swait.ge [sflag:s1], $0x4000  }
0x2f4: {  	[sflag:s1] =	ssyncset.done $0x0  }
0x2f5: {  	[sflag:s1] =	ssyncadd.s32 $0xFFFFC000  }
0x2f6: {  	_ =	swait.ge [sflag:s19], $0x4000  }
0x2f7: {  	s4 =	sadd.s32 $0x1, s4;
	s17 =	rddreg [dreg:$0xd]  }
0x2f8: {  	p0 =	sne.s32 s4, s17  }
.Ltmp16:
0x2f9: {  	_ = 	snop;
	(pc) =	sbr.rel @p0 .LBB2_1-.Ltmp16, $3  }
0x2fa: {  	_ =	sdelay $0x1  }
0x2fb: {  	[sflag:s19] =	ssyncset.done $0x0  }
0x2fc: {  	[sflag:s19] =	ssyncadd.s32 $0xFFFFC000  }
0x2fd: {  	_ =	sfence.sel $0x180000  }
0x2fe: {  	[bflag:$0x0] =	sbarrier.arrive $0xFFFF  }
0x2ff: {  	_ =	strace $0x9000004A  }
0x300: {  	s0 =	stileid.u32;
	[bflag:$0x2] =	sbarrier.arrive $0xFFFF  }
0x301: {  	p0 =	sne.s32 s0, $0x0;
	s0 =	rddreg [dreg:$0x2]  }
0x302: {  	s0 =	sadd.s32 @!p0 $0x100000, s0  }
0x303: {  	[sflag:s0] =	ssyncadd.tile.s32 @!p0 $0x1;
	_ =	shalt  }
.Lfunc_end2:
_tile_overlayer_lowered:
.L_overlay_start_2:
0x304: {  	(tag) =	ssettag $0x2  }
0x305: {  	s0 =	rddreg [dreg:$0x0];
	s2 =	stileid.u32  }
0x306: {  	s1 =	rddreg [dreg:$0x1];
	p0 =	sne.s32 s2, $0x0  }
0x307: {  	s3 =	rddreg [dreg:$0x2];
	[bflag:$0x3] =	sbarrier.arrive $0xFFFF;
	s2 =	simm.s32 @!p0 $0x1C07  }
0x308: {  	[timem:s3], [sflag:s2] =	dma.local @!p0 [hbm:s0], s1  }
0x309: {  	s0 =	simm.s32 @!p0 $0x7  }
0x30a: {  	_ =	swait.ge @!p0 [sflag:s0], s1  }
0x30b: {  	s1 =	ssub.s32 @!p0 $0x0, s1;
	[sflag:s0] =	ssyncset.done @!p0 $0x0  }
0x30c: {  	[sflag:s0] =	ssyncadd.s32 @!p0 s1  }
0x30d: {  	[bflag:$0x3] =	sbarrier.arrive $0xFFFF  }
0x30e: {  	_ =	shalt  }

</sc_bundles>
